<compile_context>
chip_gen: v7x
topology: tpu7x:2x2x1
jax: 0.10.2.dev20260603
libtpu: 0.0.44.dev20260713+nightly
codegen_flags: <defaults>
</compile_context>

<pallas_src>
import jax
import jax.numpy as jnp
from jax import lax
from jax.experimental import pallas as pl
from jax.experimental.pallas import tpu as pltpu
from jax.experimental.pallas import tpu_sc as plsc

N = 10000
D = 128
G = 256
NC = 2
NS = 16
NW = NC * NS
NPAD = 10240
ECH = 128
GPAD = 272
RPT = NPAD // NW

_mesh = plsc.VectorSubcoreMesh(core_axis_name="c", subcore_axis_name="s")


def _fill(ref, nrows, value):
    vec = jnp.full((16,), value, jnp.float32)

    def body(r, carry):
        for k in range(D // 16):
            ref[r, pl.ds(k * 16, 16)] = vec
        return carry

    lax.fori_loop(0, nrows, body, 0)


def _segsum_body(h_hbm, ssrc_hbm, sdst_hbm, bnd_hbm, out_hbm,
                 idx_v, dst_v, rows_v, bnd_v, acc_v, sem):
    c = lax.axis_index("c")
    s = lax.axis_index("s")
    wid = c * NS + s
    base = wid * RPT

    _fill(acc_v, RPT, 0.0)
    pltpu.sync_copy(bnd_hbm, bnd_v)
    b_lo = bnd_v[pl.ds(wid, 16)][0]
    b_hi = bnd_v[pl.ds(wid + 1, 16)][0]
    k0 = b_lo // ECH
    k1 = jnp.maximum(k0, (b_hi + ECH - 1) // ECH)

    def chunk(k, carry):
        pltpu.sync_copy(ssrc_hbm.at[k], idx_v)
        pltpu.sync_copy(sdst_hbm.at[k], dst_v.at[pl.ds(0, ECH)])
        pltpu.async_copy(h_hbm.at[idx_v], rows_v, sem).wait()
        gbase = k * ECH

        def row(r, carry2):
            @pl.when(((gbase + r) >= b_lo) & ((gbase + r) < b_hi))
            def _():
                li = dst_v[pl.ds(r, 16)][0] - base
                for kk in range(D // 16):
                    sl = pl.ds(kk * 16, 16)
                    acc_v[li, sl] = acc_v[li, sl] + rows_v[r, sl]
            return carry2

        lax.fori_loop(0, ECH, row, 0)
        return carry

    lax.fori_loop(k0, k1, chunk, 0)
    pltpu.sync_copy(acc_v, out_hbm.at[pl.ds(base, RPT)])


def _segsum(h_pad, ssrc3, sdst3, bnd):
    f = pl.kernel(
        _segsum_body,
        out_type=jax.ShapeDtypeStruct((NPAD, D), jnp.float32),
        mesh=_mesh,
        scratch_types=[
            pltpu.VMEM((ECH,), jnp.int32),
            pltpu.VMEM((ECH + 16,), jnp.int32),
            pltpu.VMEM((ECH, D), jnp.float32),
            pltpu.VMEM((64,), jnp.int32),
            pltpu.VMEM((RPT, D), jnp.float32),
            pltpu.SemaphoreType.DMA,
        ],
    )
    return f(h_pad, ssrc3, sdst3, bnd)


def _pool_body(h_hbm, gid_hbm, sums_out, cnts_out,
               gid_v, rows_v, ones_v, zeros_v, pool_sh, cnt_sh, sem):
    c = lax.axis_index("c")
    s = lax.axis_index("s")
    wid = c * NS + s

    _fill(zeros_v, GPAD // NS, 0.0)
    _fill(ones_v, 64, 1.0)

    pltpu.sync_copy(zeros_v, pool_sh.at[pl.ds(s * (GPAD // NS), GPAD // NS)])
    pltpu.sync_copy(zeros_v, cnt_sh.at[pl.ds(s * (GPAD // NS), GPAD // NS)])
    pltpu.sync_copy(gid_hbm.at[wid], gid_v)
    plsc.subcore_barrier()

    def chunk(t, carry):
        base = wid * (NPAD // NW) + t * 64
        pltpu.sync_copy(h_hbm.at[pl.ds(base, 64)], rows_v)
        pltpu.sync_copy(rows_v, pool_sh.at[gid_v.at[t]], add=True)
        pltpu.sync_copy(ones_v, cnt_sh.at[gid_v.at[t]], add=True)
        return carry

    lax.fori_loop(0, (NPAD // NW) // 64, chunk, 0)
    plsc.subcore_barrier()

    pltpu.sync_copy(pool_sh.at[pl.ds(s * (G // NS), G // NS)],
                    sums_out.at[c, pl.ds(s * (G // NS), G // NS)])
    pltpu.sync_copy(cnt_sh.at[pl.ds(s * (G // NS), G // NS)],
                    cnts_out.at[c, pl.ds(s * (G // NS), G // NS)])


def _pool(h_pad, gids3):
    f = pl.kernel(
        _pool_body,
        out_type=[
            jax.ShapeDtypeStruct((NC, G, D), jnp.float32),
            jax.ShapeDtypeStruct((NC, G, D), jnp.float32),
        ],
        mesh=_mesh,
        scratch_types=[
            pltpu.VMEM(gids3.shape[1:], jnp.int32),
            pltpu.VMEM((64, D), jnp.float32),
            pltpu.VMEM((64, D), jnp.float32),
            pltpu.VMEM((GPAD // NS, D), jnp.float32),
            pltpu.VMEM_SHARED((GPAD, D), jnp.float32),
            pltpu.VMEM_SHARED((GPAD, D), jnp.float32),
            pltpu.SemaphoreType.DMA,
        ],
    )
    return f(h_pad, gids3)


def _gin_matmul_body(h_ref, a_ref, w_ref, b_ref, o_ref):
    t = h_ref[...] + a_ref[...]
    o_ref[...] = jnp.maximum(
        jnp.dot(t, w_ref[...], preferred_element_type=jnp.float32)
        + b_ref[...], 0.0)


def _gin_matmul(h_pad, agg, w, b):
    bm = 1024
    return pl.pallas_call(
        _gin_matmul_body,
        grid=(NPAD // bm,),
        in_specs=[
            pl.BlockSpec((bm, D), lambda i: (i, 0)),
            pl.BlockSpec((bm, D), lambda i: (i, 0)),
            pl.BlockSpec((D, D), lambda i: (0, 0)),
            pl.BlockSpec((1, D), lambda i: (0, 0)),
        ],
        out_specs=pl.BlockSpec((bm, D), lambda i: (i, 0)),
        out_shape=jax.ShapeDtypeStruct((NPAD, D), jnp.float32),
    )(h_pad, agg, w, b.reshape(1, D))


def _head_body(s0, s1, c0, c1, w1, b1, g1, bb1, w2, b2, g2, bb2, w3, b3, o):
    nm = (s0[...] + s1[...]) / jnp.maximum(c0[...] + c1[...], 1.0)
    z = jnp.dot(nm, w1[...], preferred_element_type=jnp.float32) + b1[...]
    mu = jnp.mean(z, axis=0, keepdims=True)
    var = jnp.mean((z - mu) ** 2, axis=0, keepdims=True)
    z = (z - mu) / jnp.sqrt(var + 1e-5) * g1[...] + bb1[...]
    z = jnp.where(z > 0, z, 0.01 * z)
    z = jnp.dot(z, w2[...], preferred_element_type=jnp.float32) + b2[...]
    mu = jnp.mean(z, axis=0, keepdims=True)
    var = jnp.mean((z - mu) ** 2, axis=0, keepdims=True)
    z = (z - mu) / jnp.sqrt(var + 1e-5) * g2[...] + bb2[...]
    z = jnp.where(z > 0, z, 0.01 * z)
    o[...] = jnp.sum(z * w3[...], axis=1, keepdims=True) + b3[...]


def _head(sums, cnts, w1, b1, g1, bb1, w2, b2, g2, bb2, w3, b3):
    return pl.pallas_call(
        _head_body,
        out_shape=jax.ShapeDtypeStruct((G, 1), jnp.float32),
    )(sums[0], sums[1], cnts[0], cnts[1],
      w1, b1.reshape(1, -1), g1.reshape(1, -1), bb1.reshape(1, -1),
      w2, b2.reshape(1, -1), g2.reshape(1, -1), bb2.reshape(1, -1),
      w3.reshape(1, D), b3.reshape(1, 1))


def kernel(x, edge_index, graph_ids, gin_W, gin_b,
           mlp_W1, mlp_b1, bn1_g, bn1_b,
           mlp_W2, mlp_b2, bn2_g, bn2_b,
           mlp_W3, mlp_b3):
    e = edge_index.shape[1]
    epad = ECH * (-(-e // ECH))

    x_pad = jnp.pad(x, ((0, NPAD - N), (0, 0)))

    perm = jnp.argsort(edge_index[1], stable=True)
    ssrc = jnp.pad(jnp.take(edge_index[0], perm), (0, epad - e))
    sdst = jnp.pad(jnp.take(edge_index[1], perm), (0, epad - e),
                   constant_values=NPAD - 1)
    bnd = jnp.searchsorted(sdst, jnp.arange(0, NPAD + 1, RPT)).astype(jnp.int32)
    bnd = jnp.pad(bnd, (0, 64 - bnd.shape[0]))
    ssrc3 = ssrc.reshape(epad // ECH, ECH)
    sdst3 = sdst.reshape(epad // ECH, ECH)

    gids3 = jnp.pad(graph_ids, (0, NPAD - N),
                    constant_values=G).reshape(NW, (NPAD // NW) // 64, 64)

    h = x_pad
    for i in range(gin_W.shape[0]):
        agg = _segsum(h, ssrc3, sdst3, bnd)
        h = _gin_matmul(h, agg, gin_W[i], gin_b[i])

    sums, cnts = _pool(h, gids3)
    out = _head(sums, cnts, mlp_W1, mlp_b1, bn1_g, bn1_b,
                mlp_W2, mlp_b2, bn2_g, bn2_b, mlp_W3, mlp_b3)
    return jnp.squeeze(out, axis=-1)

# --- scband reference (transcript-rebuilt; emitter-appended) ---
"""Pipeline reference for scband-solv-gnnv5-51462298141155 (READ-ONLY COPY).

The authoritative reference and input builder live on the scoring server;
editing this copy changes nothing except your own understanding.
"""

import jax, jax.numpy as jnp
import numpy as np

N = 10000
E = 320000
D = 128
G = 256
L = 3


def setup_inputs(seed: int = 0) -> dict:
    key = jax.random.key(seed)
    ks = jax.random.split(key, 16)
    x = jax.random.normal(ks[0], (N, D), dtype=jnp.float32)
    edge_index = jax.random.randint(ks[1], (2, E), 0, N, dtype=jnp.int32)
    graph_ids = jnp.sort(jax.random.randint(ks[2], (N,), 0, G, dtype=jnp.int32))
    s = 1.0 / np.sqrt(D)
    gin_W = jax.random.normal(ks[3], (L, D, D), dtype=jnp.float32) * s
    gin_b = jnp.zeros((L, D), dtype=jnp.float32)
    mlp_W1 = jax.random.normal(ks[4], (D, 256), dtype=jnp.float32) * s
    mlp_b1 = jnp.zeros((256,), dtype=jnp.float32)
    bn1_g = jnp.ones((256,), dtype=jnp.float32)
    bn1_b = jnp.zeros((256,), dtype=jnp.float32)
    mlp_W2 = jax.random.normal(ks[5], (256, 128), dtype=jnp.float32) * (1.0 / np.sqrt(256))
    mlp_b2 = jnp.zeros((128,), dtype=jnp.float32)
    bn2_g = jnp.ones((128,), dtype=jnp.float32)
    bn2_b = jnp.zeros((128,), dtype=jnp.float32)
    mlp_W3 = jax.random.normal(ks[6], (128, 1), dtype=jnp.float32) * (1.0 / np.sqrt(128))
    mlp_b3 = jnp.zeros((1,), dtype=jnp.float32)
    return {
        'x': x, 'edge_index': edge_index, 'graph_ids': graph_ids,
        'gin_W': gin_W, 'gin_b': gin_b,
        'mlp_W1': mlp_W1, 'mlp_b1': mlp_b1, 'bn1_g': bn1_g, 'bn1_b': bn1_b,
        'mlp_W2': mlp_W2, 'mlp_b2': mlp_b2, 'bn2_g': bn2_g, 'bn2_b': bn2_b,
        'mlp_W3': mlp_W3, 'mlp_b3': mlp_b3,
    }


def _bn(z, g, b):
    mu = jnp.mean(z, axis=0, keepdims=True)
    var = jnp.mean((z - mu) ** 2, axis=0, keepdims=True)
    return (z - mu) / jnp.sqrt(var + 1e-5) * g + b


def reference(x, edge_index, graph_ids, gin_W, gin_b,
              mlp_W1, mlp_b1, bn1_g, bn1_b,
              mlp_W2, mlp_b2, bn2_g, bn2_b,
              mlp_W3, mlp_b3):
    src = edge_index[0]
    dst = edge_index[1]
    h = x
    # GINConv (aggregator='sum', eps=0, activation=relu), no residual
    for i in range(L):
        msg = jnp.take(h, src, axis=0)
        agg = jax.ops.segment_sum(msg, dst, num_segments=N)
        h = jax.nn.relu(jnp.dot(h + agg, gin_W[i]) + gin_b[i])
    # dgl.mean_nodes: per-graph mean of node features
    sums = jax.ops.segment_sum(h, graph_ids, num_segments=G)
    counts = jax.ops.segment_sum(jnp.ones((h.shape[0], 1), dtype=h.dtype), graph_ids, num_segments=G)
    node_mean = sums / jnp.clip(counts, 1.0)
    # MLPBlock mode 'NAD': Linear -> BatchNorm -> LeakyReLU (-> Dropout rate 0)
    z = node_mean @ mlp_W1 + mlp_b1
    z = jax.nn.leaky_relu(_bn(z, bn1_g, bn1_b), negative_slope=0.01)
    z = z @ mlp_W2 + mlp_b2
    z = jax.nn.leaky_relu(_bn(z, bn2_g, bn2_b), negative_slope=0.01)
    out = z @ mlp_W3 + mlp_b3
    return jnp.squeeze(out, axis=-1)

if __name__ == "__main__":
    import jax
    _d = setup_inputs()
    print(jax.jit(kernel)(*tuple(_d.values())))

</pallas_src>

<mosaic_0001>
#map = affine_map<(d0, d1) -> (0, 0)>
#map1 = affine_map<(d0, d1) -> (0)>
module attributes {stable_mosaic.version = 14 : i64} {
  func.func @_segsum_body(%arg0: i32, %arg1: i32, %arg2: memref<10240x128xf32, #tpu.memory_space<hbm>>, %arg3: memref<2500x128xi32, #tpu.memory_space<hbm>>, %arg4: memref<2500x128xi32, #tpu.memory_space<hbm>>, %arg5: memref<64xi32, #tpu.memory_space<hbm>>, %arg6: memref<10240x128xf32, #tpu.memory_space<hbm>>, %arg7: memref<128xi32, #tpu.memory_space<vmem>>, %arg8: memref<144xi32, #tpu.memory_space<vmem>>, %arg9: memref<128x128xf32, #tpu.memory_space<vmem>>, %arg10: memref<64xi32, #tpu.memory_space<vmem>>, %arg11: memref<320x128xf32, #tpu.memory_space<vmem>>, %arg12: memref<!tpu.dma_semaphore, #tpu.memory_space<semaphore_mem>>) attributes {dimension_semantics = [#tpu.dimension_semantics<core_parallel>, #tpu.dimension_semantics<subcore_parallel>], iteration_bounds = array<i64: 2, 16>, scalar_prefetch = 0 : i64, scratch_operands = 6 : i64, tpu.core_type = #tpu.core_type<sc_vector_subcore>, window_params = [{transform_indices = #map}, {transform_indices = #map}, {transform_indices = #map}, {transform_indices = #map1}, {transform_indices = #map}]} {
    %mul3A = arith.constant 16 : i32
    %mul3A_0 = arith.muli %arg0, %mul3A : i32
    %add3A = arith.addi %mul3A_0, %arg1 : i32
    %mul3A_1 = arith.constant 320 : i32
    %mul3A_2 = arith.muli %add3A, %mul3A_1 : i32
    %broadcast_in_dim3A = arith.constant 0.000000e+00 : f32
    %broadcast_in_dim3A_3 = vector.broadcast %broadcast_in_dim3A : f32 to vector<16xf32>
    %scan3A = arith.constant 0 : i32
    %scan3A_4 = arith.constant 0 : i32
    %scan3A_5 = arith.constant 320 : i32
    %scan3A_6 = arith.addi %scan3A_4, %scan3A_5 : i32
    %scan3A_7 = arith.constant 1 : i32
    scf.for %scan3A_70 = %scan3A_4 to %scan3A_6 step %scan3A_7  : i32 {
      %swap3A = arith.index_cast %scan3A_70 : i32 to index
      %swap3A_71 = arith.constant 0 : index
      %swap3A_72 = tpu.vector_load %arg11[%swap3A, %swap3A_71] {strides = array<i32>} : memref<320x128xf32, #tpu.memory_space<vmem>>, vector<1x16xf32>,
      %swap3A_73 = vector.shape_cast %swap3A_72 : vector<1x16xf32> to vector<16xf32>
      %swap3A_74 = vector.shape_cast %broadcast_in_dim3A_3 : vector<16xf32> to vector<1x16xf32>
      tpu.vector_store %arg11[%swap3A, %swap3A_71], %swap3A_74 {strides = array<i32>} : memref<320x128xf32, #tpu.memory_space<vmem>>, vector<1x16xf32>,
      %swap3A_75 = arith.index_cast %scan3A_70 : i32 to index
      %swap3A_76 = arith.constant 16 : index
      %swap3A_77 = tpu.vector_load %arg11[%swap3A_75, %swap3A_76] {strides = array<i32>} : memref<320x128xf32, #tpu.memory_space<vmem>>, vector<1x16xf32>,
      %swap3A_78 = vector.shape_cast %swap3A_77 : vector<1x16xf32> to vector<16xf32>
      %swap3A_79 = vector.shape_cast %broadcast_in_dim3A_3 : vector<16xf32> to vector<1x16xf32>
      tpu.vector_store %arg11[%swap3A_75, %swap3A_76], %swap3A_79 {strides = array<i32>} : memref<320x128xf32, #tpu.memory_space<vmem>>, vector<1x16xf32>,
      %swap3A_80 = arith.index_cast %scan3A_70 : i32 to index
      %swap3A_81 = arith.constant 32 : index
      %swap3A_82 = tpu.vector_load %arg11[%swap3A_80, %swap3A_81] {strides = array<i32>} : memref<320x128xf32, #tpu.memory_space<vmem>>, vector<1x16xf32>,
      %swap3A_83 = vector.shape_cast %swap3A_82 : vector<1x16xf32> to vector<16xf32>
      %swap3A_84 = vector.shape_cast %broadcast_in_dim3A_3 : vector<16xf32> to vector<1x16xf32>
      tpu.vector_store %arg11[%swap3A_80, %swap3A_81], %swap3A_84 {strides = array<i32>} : memref<320x128xf32, #tpu.memory_space<vmem>>, vector<1x16xf32>,
      %swap3A_85 = arith.index_cast %scan3A_70 : i32 to index
      %swap3A_86 = arith.constant 48 : index
      %swap3A_87 = tpu.vector_load %arg11[%swap3A_85, %swap3A_86] {strides = array<i32>} : memref<320x128xf32, #tpu.memory_space<vmem>>, vector<1x16xf32>,
      %swap3A_88 = vector.shape_cast %swap3A_87 : vector<1x16xf32> to vector<16xf32>
      %swap3A_89 = vector.shape_cast %broadcast_in_dim3A_3 : vector<16xf32> to vector<1x16xf32>
      tpu.vector_store %arg11[%swap3A_85, %swap3A_86], %swap3A_89 {strides = array<i32>} : memref<320x128xf32, #tpu.memory_space<vmem>>, vector<1x16xf32>,
      %swap3A_90 = arith.index_cast %scan3A_70 : i32 to index
      %swap3A_91 = arith.constant 64 : index
      %swap3A_92 = tpu.vector_load %arg11[%swap3A_90, %swap3A_91] {strides = array<i32>} : memref<320x128xf32, #tpu.memory_space<vmem>>, vector<1x16xf32>,
      %swap3A_93 = vector.shape_cast %swap3A_92 : vector<1x16xf32> to vector<16xf32>
      %swap3A_94 = vector.shape_cast %broadcast_in_dim3A_3 : vector<16xf32> to vector<1x16xf32>
      tpu.vector_store %arg11[%swap3A_90, %swap3A_91], %swap3A_94 {strides = array<i32>} : memref<320x128xf32, #tpu.memory_space<vmem>>, vector<1x16xf32>,
      %swap3A_95 = arith.index_cast %scan3A_70 : i32 to index
      %swap3A_96 = arith.constant 80 : index
      %swap3A_97 = tpu.vector_load %arg11[%swap3A_95, %swap3A_96] {strides = array<i32>} : memref<320x128xf32, #tpu.memory_space<vmem>>, vector<1x16xf32>,
      %swap3A_98 = vector.shape_cast %swap3A_97 : vector<1x16xf32> to vector<16xf32>
      %swap3A_99 = vector.shape_cast %broadcast_in_dim3A_3 : vector<16xf32> to vector<1x16xf32>
      tpu.vector_store %arg11[%swap3A_95, %swap3A_96], %swap3A_99 {strides = array<i32>} : memref<320x128xf32, #tpu.memory_space<vmem>>, vector<1x16xf32>,
      %swap3A_100 = arith.index_cast %scan3A_70 : i32 to index
      %swap3A_101 = arith.constant 96 : index
      %swap3A_102 = tpu.vector_load %arg11[%swap3A_100, %swap3A_101] {strides = array<i32>} : memref<320x128xf32, #tpu.memory_space<vmem>>, vector<1x16xf32>,
      %swap3A_103 = vector.shape_cast %swap3A_102 : vector<1x16xf32> to vector<16xf32>
      %swap3A_104 = vector.shape_cast %broadcast_in_dim3A_3 : vector<16xf32> to vector<1x16xf32>
      tpu.vector_store %arg11[%swap3A_100, %swap3A_101], %swap3A_104 {strides = array<i32>} : memref<320x128xf32, #tpu.memory_space<vmem>>, vector<1x16xf32>,
      %swap3A_105 = arith.index_cast %scan3A_70 : i32 to index
      %swap3A_106 = arith.constant 112 : index
      %swap3A_107 = tpu.vector_load %arg11[%swap3A_105, %swap3A_106] {strides = array<i32>} : memref<320x128xf32, #tpu.memory_space<vmem>>, vector<1x16xf32>,
      %swap3A_108 = vector.shape_cast %swap3A_107 : vector<1x16xf32> to vector<16xf32>
      %swap3A_109 = vector.shape_cast %broadcast_in_dim3A_3 : vector<16xf32> to vector<1x16xf32>
      tpu.vector_store %arg11[%swap3A_105, %swap3A_106], %swap3A_109 {strides = array<i32>} : memref<320x128xf32, #tpu.memory_space<vmem>>, vector<1x16xf32>,
    }
    %scan3A_8 = arith.constant 320 : i32
    "tpu.region"() ({
      %run_scoped3A = tpu.sem_alloc : memref<!tpu.dma_semaphore, #tpu.memory_space<semaphore_mem>>
      tpu.enqueue_dma source(%arg5 : memref<64xi32, #tpu.memory_space<hbm>>) target(%arg10 : memref<64xi32, #tpu.memory_space<vmem>>) target_semaphore(%run_scoped3A : memref<!tpu.dma_semaphore, #tpu.memory_space<semaphore_mem>>)
      tpu.wait_dma2 semaphore(%run_scoped3A : memref<!tpu.dma_semaphore, #tpu.memory_space<semaphore_mem>>) src(%arg5 : memref<64xi32, #tpu.memory_space<hbm>>) dst(%arg10 : memref<64xi32, #tpu.memory_space<vmem>>)
      tpu.yield
    }) : () -> ()
    %get3A = arith.index_cast %add3A : i32 to index
    %get3A_9 = tpu.vector_load %arg10[%get3A] {strides = array<i32>} : memref<64xi32, #tpu.memory_space<vmem>>, vector<16xi32>,
    %get3A_10 = vector.shape_cast %get3A_9 : vector<16xi32> to vector<16xi32>
    %slice3A = vector.extract_strided_slice %get3A_10 {offsets = [0], sizes = [1], strides = [1]} : vector<16xi32> to vector<1xi32>
    %squeeze3A = vector.extract %slice3A[0] : i32 from vector<1xi32>
    %add3A_11 = arith.constant 1 : i32
    %add3A_12 = arith.addi %add3A, %add3A_11 : i32
    %get3A_13 = arith.index_cast %add3A_12 : i32 to index
    %get3A_14 = tpu.vector_load %arg10[%get3A_13] {strides = array<i32>} : memref<64xi32, #tpu.memory_space<vmem>>, vector<16xi32>,
    %get3A_15 = vector.shape_cast %get3A_14 : vector<16xi32> to vector<16xi32>
    %slice3A_16 = vector.extract_strided_slice %get3A_15 {offsets = [0], sizes = [1], strides = [1]} : vector<16xi32> to vector<1xi32>
    %squeeze3A_17 = vector.extract %slice3A_16[0] : i32 from vector<1xi32>
    %jit3A = arith.constant 128 : i32
    %div3A = arith.divsi %squeeze3A, %jit3A : i32
    %sign3A = arith.constant 0 : i32
    %sign3A_18 = arith.cmpi sgt, %squeeze3A, %sign3A : i32
    %sign3A_19 = arith.extui %sign3A_18 : i1 to i32
    %sign3A_20 = arith.constant 0 : i32
    %sign3A_21 = arith.cmpi slt, %squeeze3A, %sign3A_20 : i32
    %sign3A_22 = arith.extui %sign3A_21 : i1 to i32
    %sign3A_23 = arith.subi %sign3A_19, %sign3A_22 : i32
    %sign3A_24 = arith.constant 0 : i32
    %sign3A_25 = arith.cmpi sgt, %jit3A, %sign3A_24 : i32
    %sign3A_26 = arith.extui %sign3A_25 : i1 to i32
    %sign3A_27 = arith.constant 0 : i32
    %sign3A_28 = arith.cmpi slt, %jit3A, %sign3A_27 : i32
    %sign3A_29 = arith.extui %sign3A_28 : i1 to i32
    %sign3A_30 = arith.subi %sign3A_26, %sign3A_29 : i32
    %ne3A = arith.cmpi ne, %sign3A_23, %sign3A_30 : i32
    %rem3A = arith.remsi %squeeze3A, %jit3A : i32
    %ne3A_31 = arith.constant 0 : i32
    %ne3A_32 = arith.cmpi ne, %rem3A, %ne3A_31 : i32
    %and3A = arith.andi %ne3A, %ne3A_32 : i1
    %sub3A = arith.constant 1 : i32
    %sub3A_33 = arith.subi %div3A, %sub3A : i32
    %select_n3A = arith.select %and3A, %sub3A_33, %div3A : i32
    %add3A_34 = arith.constant 128 : i32
    %add3A_35 = arith.addi %squeeze3A_17, %add3A_34 : i32
    %sub3A_36 = arith.constant 1 : i32
    %sub3A_37 = arith.subi %add3A_35, %sub3A_36 : i32
    %jit3A_38 = arith.constant 128 : i32
    %div3A_39 = arith.divsi %sub3A_37, %jit3A_38 : i32
    %sign3A_40 = arith.constant 0 : i32
    %sign3A_41 = arith.cmpi sgt, %sub3A_37, %sign3A_40 : i32
    %sign3A_42 = arith.extui %sign3A_41 : i1 to i32
    %sign3A_43 = arith.constant 0 : i32
    %sign3A_44 = arith.cmpi slt, %sub3A_37, %sign3A_43 : i32
    %sign3A_45 = arith.extui %sign3A_44 : i1 to i32
    %sign3A_46 = arith.subi %sign3A_42, %sign3A_45 : i32
    %sign3A_47 = arith.constant 0 : i32
    %sign3A_48 = arith.cmpi sgt, %jit3A_38, %sign3A_47 : i32
    %sign3A_49 = arith.extui %sign3A_48 : i1 to i32
    %sign3A_50 = arith.constant 0 : i32
    %sign3A_51 = arith.cmpi slt, %jit3A_38, %sign3A_50 : i32
    %sign3A_52 = arith.extui %sign3A_51 : i1 to i32
    %sign3A_53 = arith.subi %sign3A_49, %sign3A_52 : i32
    %ne3A_54 = arith.cmpi ne, %sign3A_46, %sign3A_53 : i32
    %rem3A_55 = arith.remsi %sub3A_37, %jit3A_38 : i32
    %ne3A_56 = arith.constant 0 : i32
    %ne3A_57 = arith.cmpi ne, %rem3A_55, %ne3A_56 : i32
    %and3A_58 = arith.andi %ne3A_54, %ne3A_57 : i1
    %sub3A_59 = arith.constant 1 : i32
    %sub3A_60 = arith.subi %div3A_39, %sub3A_59 : i32
    %select_n3A_61 = arith.select %and3A_58, %sub3A_60, %div3A_39 : i32
    %max3A = arith.maxsi %select_n3A, %select_n3A_61 : i32
    %while3A = arith.constant 0 : i32
    %while3A_62 = arith.subi %max3A, %select_n3A : i32
    %while3A_63 = arith.addi %select_n3A, %while3A_62 : i32
    %while3A_64 = arith.constant 1 : i32
    %while3A_65 = arith.divsi %while3A_62, %while3A_64 : i32
    %while3A_66 = arith.muli %while3A_65, %while3A_64 : i32
    %while3A_67 = arith.addi %select_n3A, %while3A_66 : i32
    %while3A_68 = arith.constant 1 : i32
    scf.for %while3A_70 = %select_n3A to %while3A_67 step %while3A_68  : i32 {
      "tpu.region"() ({
        %run_scoped3A = tpu.sem_alloc : memref<!tpu.dma_semaphore, #tpu.memory_space<semaphore_mem>>
        %dma_start3A_83 = arith.constant 0 : i32
        %dma_start3A_84 = tpu.memref_slice %arg3[%while3A_70, %dma_start3A_83] : memref<2500x128xi32, #tpu.memory_space<hbm>> -> memref<1x128xi32, #tpu.memory_space<hbm>>
        %dma_start3A_85 = tpu.memref_squeeze %dma_start3A_84 : memref<1x128xi32, #tpu.memory_space<hbm>> -> memref<128xi32, #tpu.memory_space<hbm>>
        %dma_start3A_86 = arith.constant 0 : i32
        %dma_start3A_87 = tpu.memref_slice %arg3[%while3A_70, %dma_start3A_86] : memref<2500x128xi32, #tpu.memory_space<hbm>> -> memref<1x128xi32, #tpu.memory_space<hbm>>
        %dma_start3A_88 = tpu.memref_squeeze %dma_start3A_87 : memref<1x128xi32, #tpu.memory_space<hbm>> -> memref<128xi32, #tpu.memory_space<hbm>>
        tpu.enqueue_dma source(%dma_start3A_88 : memref<128xi32, #tpu.memory_space<hbm>>) target(%arg7 : memref<128xi32, #tpu.memory_space<vmem>>) target_semaphore(%run_scoped3A : memref<!tpu.dma_semaphore, #tpu.memory_space<semaphore_mem>>)
        %dma_wait3A_89 = arith.constant 0 : i32
        %dma_wait3A_90 = tpu.memref_slice %arg3[%while3A_70, %dma_wait3A_89] : memref<2500x128xi32, #tpu.memory_space<hbm>> -> memref<1x128xi32, #tpu.memory_space<hbm>>
        %dma_wait3A_91 = tpu.memref_squeeze %dma_wait3A_90 : memref<1x128xi32, #tpu.memory_space<hbm>> -> memref<128xi32, #tpu.memory_space<hbm>>
        %dma_wait3A_92 = arith.constant 0 : i32
        %dma_wait3A_93 = tpu.memref_slice %arg3[%while3A_70, %dma_wait3A_92] : memref<2500x128xi32, #tpu.memory_space<hbm>> -> memref<1x128xi32, #tpu.memory_space<hbm>>
        %dma_wait3A_94 = tpu.memref_squeeze %dma_wait3A_93 : memref<1x128xi32, #tpu.memory_space<hbm>> -> memref<128xi32, #tpu.memory_space<hbm>>
        tpu.wait_dma2 semaphore(%run_scoped3A : memref<!tpu.dma_semaphore, #tpu.memory_space<semaphore_mem>>) src(%dma_wait3A_94 : memref<128xi32, #tpu.memory_space<hbm>>) dst(%arg7 : memref<128xi32, #tpu.memory_space<vmem>>)
        tpu.yield
      }) : () -> ()
      "tpu.region"() ({
        %run_scoped3A = tpu.sem_alloc : memref<!tpu.dma_semaphore, #tpu.memory_space<semaphore_mem>>
        %dma_start3A_83 = arith.constant 0 : i32
        %dma_start3A_84 = tpu.memref_slice %arg8[%dma_start3A_83] : memref<144xi32, #tpu.memory_space<vmem>> -> memref<128xi32, #tpu.memory_space<vmem>>
        %dma_start3A_85 = arith.constant 0 : i32
        %dma_start3A_86 = tpu.memref_slice %arg4[%while3A_70, %dma_start3A_85] : memref<2500x128xi32, #tpu.memory_space<hbm>> -> memref<1x128xi32, #tpu.memory_space<hbm>>
        %dma_start3A_87 = tpu.memref_squeeze %dma_start3A_86 : memref<1x128xi32, #tpu.memory_space<hbm>> -> memref<128xi32, #tpu.memory_space<hbm>>
        %dma_start3A_88 = arith.constant 0 : i32
        %dma_start3A_89 = tpu.memref_slice %arg8[%dma_start3A_88] : memref<144xi32, #tpu.memory_space<vmem>> -> memref<128xi32, #tpu.memory_space<vmem>>
        %dma_start3A_90 = arith.constant 0 : i32
        %dma_start3A_91 = tpu.memref_slice %arg4[%while3A_70, %dma_start3A_90] : memref<2500x128xi32, #tpu.memory_space<hbm>> -> memref<1x128xi32, #tpu.memory_space<hbm>>
        %dma_start3A_92 = tpu.memref_squeeze %dma_start3A_91 : memref<1x128xi32, #tpu.memory_space<hbm>> -> memref<128xi32, #tpu.memory_space<hbm>>
        tpu.enqueue_dma source(%dma_start3A_92 : memref<128xi32, #tpu.memory_space<hbm>>) target(%dma_start3A_89 : memref<128xi32, #tpu.memory_space<vmem>>) target_semaphore(%run_scoped3A : memref<!tpu.dma_semaphore, #tpu.memory_space<semaphore_mem>>)
        %dma_wait3A_93 = arith.constant 0 : i32
        %dma_wait3A_94 = tpu.memref_slice %arg8[%dma_wait3A_93] : memref<144xi32, #tpu.memory_space<vmem>> -> memref<128xi32, #tpu.memory_space<vmem>>
        %dma_wait3A_95 = arith.constant 0 : i32
        %dma_wait3A_96 = tpu.memref_slice %arg4[%while3A_70, %dma_wait3A_95] : memref<2500x128xi32, #tpu.memory_space<hbm>> -> memref<1x128xi32, #tpu.memory_space<hbm>>
        %dma_wait3A_97 = tpu.memref_squeeze %dma_wait3A_96 : memref<1x128xi32, #tpu.memory_space<hbm>> -> memref<128xi32, #tpu.memory_space<hbm>>
        %dma_wait3A_98 = arith.constant 0 : i32
        %dma_wait3A_99 = tpu.memref_slice %arg8[%dma_wait3A_98] : memref<144xi32, #tpu.memory_space<vmem>> -> memref<128xi32, #tpu.memory_space<vmem>>
        %dma_wait3A_100 = arith.constant 0 : i32
        %dma_wait3A_101 = tpu.memref_slice %arg4[%while3A_70, %dma_wait3A_100] : memref<2500x128xi32, #tpu.memory_space<hbm>> -> memref<1x128xi32, #tpu.memory_space<hbm>>
        %dma_wait3A_102 = tpu.memref_squeeze %dma_wait3A_101 : memref<1x128xi32, #tpu.memory_space<hbm>> -> memref<128xi32, #tpu.memory_space<hbm>>
        tpu.wait_dma2 semaphore(%run_scoped3A : memref<!tpu.dma_semaphore, #tpu.memory_space<semaphore_mem>>) src(%dma_wait3A_102 : memref<128xi32, #tpu.memory_space<hbm>>) dst(%dma_wait3A_99 : memref<128xi32, #tpu.memory_space<vmem>>)
        tpu.yield
      }) : () -> ()
      %dma_start3A = arith.constant 0 : i32
      %dma_start3A_71 = arith.constant 0 : i32
      %dma_start3A_72 = tpu.memref_slice %arg2[%dma_start3A, %dma_start3A_71] : memref<10240x128xf32, #tpu.memory_space<hbm>> -> memref<10240x128xf32, #tpu.memory_space<hbm>>
      tpu.enqueue_indirect_dma source(%dma_start3A_72 : memref<10240x128xf32, #tpu.memory_space<hbm>>) target(%arg9 : memref<128x128xf32, #tpu.memory_space<vmem>>) offsets(%arg7 : memref<128xi32, #tpu.memory_space<vmem>>) semaphore(%arg12 : memref<!tpu.dma_semaphore, #tpu.memory_space<semaphore_mem>>)
      %dma_wait3A = arith.constant 0 : i32
      %dma_wait3A_73 = arith.constant 0 : i32
      %dma_wait3A_74 = tpu.memref_slice %arg2[%dma_wait3A, %dma_wait3A_73] : memref<10240x128xf32, #tpu.memory_space<hbm>> -> memref<10240x128xf32, #tpu.memory_space<hbm>>
      tpu.wait_indirect_dma semaphore(%arg12 : memref<!tpu.dma_semaphore, #tpu.memory_space<semaphore_mem>>) src(%dma_wait3A_74 : memref<10240x128xf32, #tpu.memory_space<hbm>>) dst(%arg9 : memref<128x128xf32, #tpu.memory_space<vmem>>)
      %mul3A_75 = arith.constant 128 : i32
      %mul3A_76 = arith.muli %while3A_70, %mul3A_75 : i32
      %scan3A_77 = arith.constant 0 : i32
      %scan3A_78 = arith.constant 0 : i32
      %scan3A_79 = arith.constant 128 : i32
      %scan3A_80 = arith.addi %scan3A_78, %scan3A_79 : i32
      %scan3A_81 = arith.constant 1 : i32
      scf.for %scan3A_83 = %scan3A_78 to %scan3A_80 step %scan3A_81  : i32 {
        %add3A_84 = arith.addi %mul3A_76, %scan3A_83 : i32
        %ge3A = arith.cmpi sge, %add3A_84, %squeeze3A : i32
        %add3A_85 = arith.addi %mul3A_76, %scan3A_83 : i32
        %lt3A = arith.cmpi slt, %add3A_85, %squeeze3A_17 : i32
        %and3A_86 = arith.andi %ge3A, %lt3A : i1
        %convert_element_type3A = arith.extui %and3A_86 : i1 to i32
        %cond3A = arith.constant 0 : i32
        %cond3A_87 = arith.cmpi ne, %convert_element_type3A, %cond3A : i32
        scf.if %cond3A_87 {
          %get3A_88 = arith.index_cast %scan3A_83 : i32 to index
          %get3A_89 = tpu.vector_load %arg8[%get3A_88] {strides = array<i32>} : memref<144xi32, #tpu.memory_space<vmem>>, vector<16xi32>,
          %get3A_90 = vector.shape_cast %get3A_89 : vector<16xi32> to vector<16xi32>
          %slice3A_91 = vector.extract_strided_slice %get3A_90 {offsets = [0], sizes = [1], strides = [1]} : vector<16xi32> to vector<1xi32>
          %squeeze3A_92 = vector.extract %slice3A_91[0] : i32 from vector<1xi32>
          %sub3A_93 = arith.subi %squeeze3A_92, %mul3A_2 : i32
          %get3A_94 = arith.index_cast %sub3A_93 : i32 to index
          %get3A_95 = arith.constant 0 : index
          %get3A_96 = tpu.vector_load %arg11[%get3A_94, %get3A_95] {strides = array<i32>} : memref<320x128xf32, #tpu.memory_space<vmem>>, vector<1x16xf32>,
          %get3A_97 = vector.shape_cast %get3A_96 : vector<1x16xf32> to vector<16xf32>
          %get3A_98 = arith.index_cast %scan3A_83 : i32 to index
          %get3A_99 = arith.constant 0 : index
          %get3A_100 = tpu.vector_load %arg9[%get3A_98, %get3A_99] {strides = array<i32>} : memref<128x128xf32, #tpu.memory_space<vmem>>, vector<1x16xf32>,
          %get3A_101 = vector.shape_cast %get3A_100 : vector<1x16xf32> to vector<16xf32>
          %add3A_102 = arith.addf %get3A_97, %get3A_101 : vector<16xf32>
          %swap3A = arith.index_cast %sub3A_93 : i32 to index
          %swap3A_103 = arith.constant 0 : index
          %swap3A_104 = tpu.vector_load %arg11[%swap3A, %swap3A_103] {strides = array<i32>} : memref<320x128xf32, #tpu.memory_space<vmem>>, vector<1x16xf32>,
          %swap3A_105 = vector.shape_cast %swap3A_104 : vector<1x16xf32> to vector<16xf32>
          %swap3A_106 = vector.shape_cast %add3A_102 : vector<16xf32> to vector<1x16xf32>
          tpu.vector_store %arg11[%swap3A, %swap3A_103], %swap3A_106 {strides = array<i32>} : memref<320x128xf32, #tpu.memory_space<vmem>>, vector<1x16xf32>,
          %get3A_107 = arith.index_cast %sub3A_93 : i32 to index
          %get3A_108 = arith.constant 16 : index
          %get3A_109 = tpu.vector_load %arg11[%get3A_107, %get3A_108] {strides = array<i32>} : memref<320x128xf32, #tpu.memory_space<vmem>>, vector<1x16xf32>,
          %get3A_110 = vector.shape_cast %get3A_109 : vector<1x16xf32> to vector<16xf32>
          %get3A_111 = arith.index_cast %scan3A_83 : i32 to index
          %get3A_112 = arith.constant 16 : index
          %get3A_113 = tpu.vector_load %arg9[%get3A_111, %get3A_112] {strides = array<i32>} : memref<128x128xf32, #tpu.memory_space<vmem>>, vector<1x16xf32>,
          %get3A_114 = vector.shape_cast %get3A_113 : vector<1x16xf32> to vector<16xf32>
          %add3A_115 = arith.addf %get3A_110, %get3A_114 : vector<16xf32>
          %swap3A_116 = arith.index_cast %sub3A_93 : i32 to index
          %swap3A_117 = arith.constant 16 : index
          %swap3A_118 = tpu.vector_load %arg11[%swap3A_116, %swap3A_117] {strides = array<i32>} : memref<320x128xf32, #tpu.memory_space<vmem>>, vector<1x16xf32>,
          %swap3A_119 = vector.shape_cast %swap3A_118 : vector<1x16xf32> to vector<16xf32>
          %swap3A_120 = vector.shape_cast %add3A_115 : vector<16xf32> to vector<1x16xf32>
          tpu.vector_store %arg11[%swap3A_116, %swap3A_117], %swap3A_120 {strides = array<i32>} : memref<320x128xf32, #tpu.memory_space<vmem>>, vector<1x16xf32>,
          %get3A_121 = arith.index_cast %sub3A_93 : i32 to index
          %get3A_122 = arith.constant 32 : index
          %get3A_123 = tpu.vector_load %arg11[%get3A_121, %get3A_122] {strides = array<i32>} : memref<320x128xf32, #tpu.memory_space<vmem>>, vector<1x16xf32>,
          %get3A_124 = vector.shape_cast %get3A_123 : vector<1x16xf32> to vector<16xf32>
          %get3A_125 = arith.index_cast %scan3A_83 : i32 to index
          %get3A_126 = arith.constant 32 : index
          %get3A_127 = tpu.vector_load %arg9[%get3A_125, %get3A_126] {strides = array<i32>} : memref<128x128xf32, #tpu.memory_space<vmem>>, vector<1x16xf32>,
          %get3A_128 = vector.shape_cast %get3A_127 : vector<1x16xf32> to vector<16xf32>
          %add3A_129 = arith.addf %get3A_124, %get3A_128 : vector<16xf32>
          %swap3A_130 = arith.index_cast %sub3A_93 : i32 to index
          %swap3A_131 = arith.constant 32 : index
          %swap3A_132 = tpu.vector_load %arg11[%swap3A_130, %swap3A_131] {strides = array<i32>} : memref<320x128xf32, #tpu.memory_space<vmem>>, vector<1x16xf32>,
          %swap3A_133 = vector.shape_cast %swap3A_132 : vector<1x16xf32> to vector<16xf32>
          %swap3A_134 = vector.shape_cast %add3A_129 : vector<16xf32> to vector<1x16xf32>
          tpu.vector_store %arg11[%swap3A_130, %swap3A_131], %swap3A_134 {strides = array<i32>} : memref<320x128xf32, #tpu.memory_space<vmem>>, vector<1x16xf32>,
          %get3A_135 = arith.index_cast %sub3A_93 : i32 to index
          %get3A_136 = arith.constant 48 : index
          %get3A_137 = tpu.vector_load %arg11[%get3A_135, %get3A_136] {strides = array<i32>} : memref<320x128xf32, #tpu.memory_space<vmem>>, vector<1x16xf32>,
          %get3A_138 = vector.shape_cast %get3A_137 : vector<1x16xf32> to vector<16xf32>
          %get3A_139 = arith.index_cast %scan3A_83 : i32 to index
          %get3A_140 = arith.constant 48 : index
          %get3A_141 = tpu.vector_load %arg9[%get3A_139, %get3A_140] {strides = array<i32>} : memref<128x128xf32, #tpu.memory_space<vmem>>, vector<1x16xf32>,
          %get3A_142 = vector.shape_cast %get3A_141 : vector<1x16xf32> to vector<16xf32>
          %add3A_143 = arith.addf %get3A_138, %get3A_142 : vector<16xf32>
          %swap3A_144 = arith.index_cast %sub3A_93 : i32 to index
          %swap3A_145 = arith.constant 48 : index
          %swap3A_146 = tpu.vector_load %arg11[%swap3A_144, %swap3A_145] {strides = array<i32>} : memref<320x128xf32, #tpu.memory_space<vmem>>, vector<1x16xf32>,
          %swap3A_147 = vector.shape_cast %swap3A_146 : vector<1x16xf32> to vector<16xf32>
          %swap3A_148 = vector.shape_cast %add3A_143 : vector<16xf32> to vector<1x16xf32>
          tpu.vector_store %arg11[%swap3A_144, %swap3A_145], %swap3A_148 {strides = array<i32>} : memref<320x128xf32, #tpu.memory_space<vmem>>, vector<1x16xf32>,
          %get3A_149 = arith.index_cast %sub3A_93 : i32 to index
          %get3A_150 = arith.constant 64 : index
          %get3A_151 = tpu.vector_load %arg11[%get3A_149, %get3A_150] {strides = array<i32>} : memref<320x128xf32, #tpu.memory_space<vmem>>, vector<1x16xf32>,
          %get3A_152 = vector.shape_cast %get3A_151 : vector<1x16xf32> to vector<16xf32>
          %get3A_153 = arith.index_cast %scan3A_83 : i32 to index
          %get3A_154 = arith.constant 64 : index
          %get3A_155 = tpu.vector_load %arg9[%get3A_153, %get3A_154] {strides = array<i32>} : memref<128x128xf32, #tpu.memory_space<vmem>>, vector<1x16xf32>,
          %get3A_156 = vector.shape_cast %get3A_155 : vector<1x16xf32> to vector<16xf32>
          %add3A_157 = arith.addf %get3A_152, %get3A_156 : vector<16xf32>
          %swap3A_158 = arith.index_cast %sub3A_93 : i32 to index
          %swap3A_159 = arith.constant 64 : index
          %swap3A_160 = tpu.vector_load %arg11[%swap3A_158, %swap3A_159] {strides = array<i32>} : memref<320x128xf32, #tpu.memory_space<vmem>>, vector<1x16xf32>,
          %swap3A_161 = vector.shape_cast %swap3A_160 : vector<1x16xf32> to vector<16xf32>
          %swap3A_162 = vector.shape_cast %add3A_157 : vector<16xf32> to vector<1x16xf32>
          tpu.vector_store %arg11[%swap3A_158, %swap3A_159], %swap3A_162 {strides = array<i32>} : memref<320x128xf32, #tpu.memory_space<vmem>>, vector<1x16xf32>,
          %get3A_163 = arith.index_cast %sub3A_93 : i32 to index
          %get3A_164 = arith.constant 80 : index
          %get3A_165 = tpu.vector_load %arg11[%get3A_163, %get3A_164] {strides = array<i32>} : memref<320x128xf32, #tpu.memory_space<vmem>>, vector<1x16xf32>,
          %get3A_166 = vector.shape_cast %get3A_165 : vector<1x16xf32> to vector<16xf32>
          %get3A_167 = arith.index_cast %scan3A_83 : i32 to index
          %get3A_168 = arith.constant 80 : index
          %get3A_169 = tpu.vector_load %arg9[%get3A_167, %get3A_168] {strides = array<i32>} : memref<128x128xf32, #tpu.memory_space<vmem>>, vector<1x16xf32>,
          %get3A_170 = vector.shape_cast %get3A_169 : vector<1x16xf32> to vector<16xf32>
          %add3A_171 = arith.addf %get3A_166, %get3A_170 : vector<16xf32>
          %swap3A_172 = arith.index_cast %sub3A_93 : i32 to index
          %swap3A_173 = arith.constant 80 : index
          %swap3A_174 = tpu.vector_load %arg11[%swap3A_172, %swap3A_173] {strides = array<i32>} : memref<320x128xf32, #tpu.memory_space<vmem>>, vector<1x16xf32>,
          %swap3A_175 = vector.shape_cast %swap3A_174 : vector<1x16xf32> to vector<16xf32>
          %swap3A_176 = vector.shape_cast %add3A_171 : vector<16xf32> to vector<1x16xf32>
          tpu.vector_store %arg11[%swap3A_172, %swap3A_173], %swap3A_176 {strides = array<i32>} : memref<320x128xf32, #tpu.memory_space<vmem>>, vector<1x16xf32>,
          %get3A_177 = arith.index_cast %sub3A_93 : i32 to index
          %get3A_178 = arith.constant 96 : index
          %get3A_179 = tpu.vector_load %arg11[%get3A_177, %get3A_178] {strides = array<i32>} : memref<320x128xf32, #tpu.memory_space<vmem>>, vector<1x16xf32>,
          %get3A_180 = vector.shape_cast %get3A_179 : vector<1x16xf32> to vector<16xf32>
          %get3A_181 = arith.index_cast %scan3A_83 : i32 to index
          %get3A_182 = arith.constant 96 : index
          %get3A_183 = tpu.vector_load %arg9[%get3A_181, %get3A_182] {strides = array<i32>} : memref<128x128xf32, #tpu.memory_space<vmem>>, vector<1x16xf32>,
          %get3A_184 = vector.shape_cast %get3A_183 : vector<1x16xf32> to vector<16xf32>
          %add3A_185 = arith.addf %get3A_180, %get3A_184 : vector<16xf32>
          %swap3A_186 = arith.index_cast %sub3A_93 : i32 to index
          %swap3A_187 = arith.constant 96 : index
          %swap3A_188 = tpu.vector_load %arg11[%swap3A_186, %swap3A_187] {strides = array<i32>} : memref<320x128xf32, #tpu.memory_space<vmem>>, vector<1x16xf32>,
          %swap3A_189 = vector.shape_cast %swap3A_188 : vector<1x16xf32> to vector<16xf32>
          %swap3A_190 = vector.shape_cast %add3A_185 : vector<16xf32> to vector<1x16xf32>
          tpu.vector_store %arg11[%swap3A_186, %swap3A_187], %swap3A_190 {strides = array<i32>} : memref<320x128xf32, #tpu.memory_space<vmem>>, vector<1x16xf32>,
          %get3A_191 = arith.index_cast %sub3A_93 : i32 to index
          %get3A_192 = arith.constant 112 : index
          %get3A_193 = tpu.vector_load %arg11[%get3A_191, %get3A_192] {strides = array<i32>} : memref<320x128xf32, #tpu.memory_space<vmem>>, vector<1x16xf32>,
          %get3A_194 = vector.shape_cast %get3A_193 : vector<1x16xf32> to vector<16xf32>
          %get3A_195 = arith.index_cast %scan3A_83 : i32 to index
          %get3A_196 = arith.constant 112 : index
          %get3A_197 = tpu.vector_load %arg9[%get3A_195, %get3A_196] {strides = array<i32>} : memref<128x128xf32, #tpu.memory_space<vmem>>, vector<1x16xf32>,
          %get3A_198 = vector.shape_cast %get3A_197 : vector<1x16xf32> to vector<16xf32>
          %add3A_199 = arith.addf %get3A_194, %get3A_198 : vector<16xf32>
          %swap3A_200 = arith.index_cast %sub3A_93 : i32 to index
          %swap3A_201 = arith.constant 112 : index
          %swap3A_202 = tpu.vector_load %arg11[%swap3A_200, %swap3A_201] {strides = array<i32>} : memref<320x128xf32, #tpu.memory_space<vmem>>, vector<1x16xf32>,
          %swap3A_203 = vector.shape_cast %swap3A_202 : vector<1x16xf32> to vector<16xf32>
          %swap3A_204 = vector.shape_cast %add3A_199 : vector<16xf32> to vector<1x16xf32>
          tpu.vector_store %arg11[%swap3A_200, %swap3A_201], %swap3A_204 {strides = array<i32>} : memref<320x128xf32, #tpu.memory_space<vmem>>, vector<1x16xf32>,
        } else {
        }
      }
      %scan3A_82 = arith.constant 128 : i32
    }
    %while3A_69 = arith.constant 1 : i32
    scf.for %while3A_70 = %while3A_67 to %while3A_63 step %while3A_69  : i32 {
      "tpu.region"() ({
        %run_scoped3A = tpu.sem_alloc : memref<!tpu.dma_semaphore, #tpu.memory_space<semaphore_mem>>
        %dma_start3A_83 = arith.constant 0 : i32
        %dma_start3A_84 = tpu.memref_slice %arg3[%while3A_70, %dma_start3A_83] : memref<2500x128xi32, #tpu.memory_space<hbm>> -> memref<1x128xi32, #tpu.memory_space<hbm>>
        %dma_start3A_85 = tpu.memref_squeeze %dma_start3A_84 : memref<1x128xi32, #tpu.memory_space<hbm>> -> memref<128xi32, #tpu.memory_space<hbm>>
        %dma_start3A_86 = arith.constant 0 : i32
        %dma_start3A_87 = tpu.memref_slice %arg3[%while3A_70, %dma_start3A_86] : memref<2500x128xi32, #tpu.memory_space<hbm>> -> memref<1x128xi32, #tpu.memory_space<hbm>>
        %dma_start3A_88 = tpu.memref_squeeze %dma_start3A_87 : memref<1x128xi32, #tpu.memory_space<hbm>> -> memref<128xi32, #tpu.memory_space<hbm>>
        tpu.enqueue_dma source(%dma_start3A_88 : memref<128xi32, #tpu.memory_space<hbm>>) target(%arg7 : memref<128xi32, #tpu.memory_space<vmem>>) target_semaphore(%run_scoped3A : memref<!tpu.dma_semaphore, #tpu.memory_space<semaphore_mem>>)
        %dma_wait3A_89 = arith.constant 0 : i32
        %dma_wait3A_90 = tpu.memref_slice %arg3[%while3A_70, %dma_wait3A_89] : memref<2500x128xi32, #tpu.memory_space<hbm>> -> memref<1x128xi32, #tpu.memory_space<hbm>>
        %dma_wait3A_91 = tpu.memref_squeeze %dma_wait3A_90 : memref<1x128xi32, #tpu.memory_space<hbm>> -> memref<128xi32, #tpu.memory_space<hbm>>
        %dma_wait3A_92 = arith.constant 0 : i32
        %dma_wait3A_93 = tpu.memref_slice %arg3[%while3A_70, %dma_wait3A_92] : memref<2500x128xi32, #tpu.memory_space<hbm>> -> memref<1x128xi32, #tpu.memory_space<hbm>>
        %dma_wait3A_94 = tpu.memref_squeeze %dma_wait3A_93 : memref<1x128xi32, #tpu.memory_space<hbm>> -> memref<128xi32, #tpu.memory_space<hbm>>
        tpu.wait_dma2 semaphore(%run_scoped3A : memref<!tpu.dma_semaphore, #tpu.memory_space<semaphore_mem>>) src(%dma_wait3A_94 : memref<128xi32, #tpu.memory_space<hbm>>) dst(%arg7 : memref<128xi32, #tpu.memory_space<vmem>>)
        tpu.yield
      }) : () -> ()
      "tpu.region"() ({
        %run_scoped3A = tpu.sem_alloc : memref<!tpu.dma_semaphore, #tpu.memory_space<semaphore_mem>>
        %dma_start3A_83 = arith.constant 0 : i32
        %dma_start3A_84 = tpu.memref_slice %arg8[%dma_start3A_83] : memref<144xi32, #tpu.memory_space<vmem>> -> memref<128xi32, #tpu.memory_space<vmem>>
        %dma_start3A_85 = arith.constant 0 : i32
        %dma_start3A_86 = tpu.memref_slice %arg4[%while3A_70, %dma_start3A_85] : memref<2500x128xi32, #tpu.memory_space<hbm>> -> memref<1x128xi32, #tpu.memory_space<hbm>>
        %dma_start3A_87 = tpu.memref_squeeze %dma_start3A_86 : memref<1x128xi32, #tpu.memory_space<hbm>> -> memref<128xi32, #tpu.memory_space<hbm>>
        %dma_start3A_88 = arith.constant 0 : i32
        %dma_start3A_89 = tpu.memref_slice %arg8[%dma_start3A_88] : memref<144xi32, #tpu.memory_space<vmem>> -> memref<128xi32, #tpu.memory_space<vmem>>
        %dma_start3A_90 = arith.constant 0 : i32
        %dma_start3A_91 = tpu.memref_slice %arg4[%while3A_70, %dma_start3A_90] : memref<2500x128xi32, #tpu.memory_space<hbm>> -> memref<1x128xi32, #tpu.memory_space<hbm>>
        %dma_start3A_92 = tpu.memref_squeeze %dma_start3A_91 : memref<1x128xi32, #tpu.memory_space<hbm>> -> memref<128xi32, #tpu.memory_space<hbm>>
        tpu.enqueue_dma source(%dma_start3A_92 : memref<128xi32, #tpu.memory_space<hbm>>) target(%dma_start3A_89 : memref<128xi32, #tpu.memory_space<vmem>>) target_semaphore(%run_scoped3A : memref<!tpu.dma_semaphore, #tpu.memory_space<semaphore_mem>>)
        %dma_wait3A_93 = arith.constant 0 : i32
        %dma_wait3A_94 = tpu.memref_slice %arg8[%dma_wait3A_93] : memref<144xi32, #tpu.memory_space<vmem>> -> memref<128xi32, #tpu.memory_space<vmem>>
        %dma_wait3A_95 = arith.constant 0 : i32
        %dma_wait3A_96 = tpu.memref_slice %arg4[%while3A_70, %dma_wait3A_95] : memref<2500x128xi32, #tpu.memory_space<hbm>> -> memref<1x128xi32, #tpu.memory_space<hbm>>
        %dma_wait3A_97 = tpu.memref_squeeze %dma_wait3A_96 : memref<1x128xi32, #tpu.memory_space<hbm>> -> memref<128xi32, #tpu.memory_space<hbm>>
        %dma_wait3A_98 = arith.constant 0 : i32
        %dma_wait3A_99 = tpu.memref_slice %arg8[%dma_wait3A_98] : memref<144xi32, #tpu.memory_space<vmem>> -> memref<128xi32, #tpu.memory_space<vmem>>
        %dma_wait3A_100 = arith.constant 0 : i32
        %dma_wait3A_101 = tpu.memref_slice %arg4[%while3A_70, %dma_wait3A_100] : memref<2500x128xi32, #tpu.memory_space<hbm>> -> memref<1x128xi32, #tpu.memory_space<hbm>>
        %dma_wait3A_102 = tpu.memref_squeeze %dma_wait3A_101 : memref<1x128xi32, #tpu.memory_space<hbm>> -> memref<128xi32, #tpu.memory_space<hbm>>
        tpu.wait_dma2 semaphore(%run_scoped3A : memref<!tpu.dma_semaphore, #tpu.memory_space<semaphore_mem>>) src(%dma_wait3A_102 : memref<128xi32, #tpu.memory_space<hbm>>) dst(%dma_wait3A_99 : memref<128xi32, #tpu.memory_space<vmem>>)
        tpu.yield
      }) : () -> ()
      %dma_start3A = arith.constant 0 : i32
      %dma_start3A_71 = arith.constant 0 : i32
      %dma_start3A_72 = tpu.memref_slice %arg2[%dma_start3A, %dma_start3A_71] : memref<10240x128xf32, #tpu.memory_space<hbm>> -> memref<10240x128xf32, #tpu.memory_space<hbm>>
      tpu.enqueue_indirect_dma source(%dma_start3A_72 : memref<10240x128xf32, #tpu.memory_space<hbm>>) target(%arg9 : memref<128x128xf32, #tpu.memory_space<vmem>>) offsets(%arg7 : memref<128xi32, #tpu.memory_space<vmem>>) semaphore(%arg12 : memref<!tpu.dma_semaphore, #tpu.memory_space<semaphore_mem>>)
      %dma_wait3A = arith.constant 0 : i32
      %dma_wait3A_73 = arith.constant 0 : i32
      %dma_wait3A_74 = tpu.memref_slice %arg2[%dma_wait3A, %dma_wait3A_73] : memref<10240x128xf32, #tpu.memory_space<hbm>> -> memref<10240x128xf32, #tpu.memory_space<hbm>>
      tpu.wait_indirect_dma semaphore(%arg12 : memref<!tpu.dma_semaphore, #tpu.memory_space<semaphore_mem>>) src(%dma_wait3A_74 : memref<10240x128xf32, #tpu.memory_space<hbm>>) dst(%arg9 : memref<128x128xf32, #tpu.memory_space<vmem>>)
      %mul3A_75 = arith.constant 128 : i32
      %mul3A_76 = arith.muli %while3A_70, %mul3A_75 : i32
      %scan3A_77 = arith.constant 0 : i32
      %scan3A_78 = arith.constant 0 : i32
      %scan3A_79 = arith.constant 128 : i32
      %scan3A_80 = arith.addi %scan3A_78, %scan3A_79 : i32
      %scan3A_81 = arith.constant 1 : i32
      scf.for %scan3A_83 = %scan3A_78 to %scan3A_80 step %scan3A_81  : i32 {
        %add3A_84 = arith.addi %mul3A_76, %scan3A_83 : i32
        %ge3A = arith.cmpi sge, %add3A_84, %squeeze3A : i32
        %add3A_85 = arith.addi %mul3A_76, %scan3A_83 : i32
        %lt3A = arith.cmpi slt, %add3A_85, %squeeze3A_17 : i32
        %and3A_86 = arith.andi %ge3A, %lt3A : i1
        %convert_element_type3A = arith.extui %and3A_86 : i1 to i32
        %cond3A = arith.constant 0 : i32
        %cond3A_87 = arith.cmpi ne, %convert_element_type3A, %cond3A : i32
        scf.if %cond3A_87 {
          %get3A_88 = arith.index_cast %scan3A_83 : i32 to index
          %get3A_89 = tpu.vector_load %arg8[%get3A_88] {strides = array<i32>} : memref<144xi32, #tpu.memory_space<vmem>>, vector<16xi32>,
          %get3A_90 = vector.shape_cast %get3A_89 : vector<16xi32> to vector<16xi32>
          %slice3A_91 = vector.extract_strided_slice %get3A_90 {offsets = [0], sizes = [1], strides = [1]} : vector<16xi32> to vector<1xi32>
          %squeeze3A_92 = vector.extract %slice3A_91[0] : i32 from vector<1xi32>
          %sub3A_93 = arith.subi %squeeze3A_92, %mul3A_2 : i32
          %get3A_94 = arith.index_cast %sub3A_93 : i32 to index
          %get3A_95 = arith.constant 0 : index
          %get3A_96 = tpu.vector_load %arg11[%get3A_94, %get3A_95] {strides = array<i32>} : memref<320x128xf32, #tpu.memory_space<vmem>>, vector<1x16xf32>,
          %get3A_97 = vector.shape_cast %get3A_96 : vector<1x16xf32> to vector<16xf32>
          %get3A_98 = arith.index_cast %scan3A_83 : i32 to index
          %get3A_99 = arith.constant 0 : index
          %get3A_100 = tpu.vector_load %arg9[%get3A_98, %get3A_99] {strides = array<i32>} : memref<128x128xf32, #tpu.memory_space<vmem>>, vector<1x16xf32>,
          %get3A_101 = vector.shape_cast %get3A_100 : vector<1x16xf32> to vector<16xf32>
          %add3A_102 = arith.addf %get3A_97, %get3A_101 : vector<16xf32>
          %swap3A = arith.index_cast %sub3A_93 : i32 to index
          %swap3A_103 = arith.constant 0 : index
          %swap3A_104 = tpu.vector_load %arg11[%swap3A, %swap3A_103] {strides = array<i32>} : memref<320x128xf32, #tpu.memory_space<vmem>>, vector<1x16xf32>,
          %swap3A_105 = vector.shape_cast %swap3A_104 : vector<1x16xf32> to vector<16xf32>
          %swap3A_106 = vector.shape_cast %add3A_102 : vector<16xf32> to vector<1x16xf32>
          tpu.vector_store %arg11[%swap3A, %swap3A_103], %swap3A_106 {strides = array<i32>} : memref<320x128xf32, #tpu.memory_space<vmem>>, vector<1x16xf32>,
          %get3A_107 = arith.index_cast %sub3A_93 : i32 to index
          %get3A_108 = arith.constant 16 : index
          %get3A_109 = tpu.vector_load %arg11[%get3A_107, %get3A_108] {strides = array<i32>} : memref<320x128xf32, #tpu.memory_space<vmem>>, vector<1x16xf32>,
          %get3A_110 = vector.shape_cast %get3A_109 : vector<1x16xf32> to vector<16xf32>
          %get3A_111 = arith.index_cast %scan3A_83 : i32 to index
          %get3A_112 = arith.constant 16 : index
          %get3A_113 = tpu.vector_load %arg9[%get3A_111, %get3A_112] {strides = array<i32>} : memref<128x128xf32, #tpu.memory_space<vmem>>, vector<1x16xf32>,
          %get3A_114 = vector.shape_cast %get3A_113 : vector<1x16xf32> to vector<16xf32>
          %add3A_115 = arith.addf %get3A_110, %get3A_114 : vector<16xf32>
          %swap3A_116 = arith.index_cast %sub3A_93 : i32 to index
          %swap3A_117 = arith.constant 16 : index
          %swap3A_118 = tpu.vector_load %arg11[%swap3A_116, %swap3A_117] {strides = array<i32>} : memref<320x128xf32, #tpu.memory_space<vmem>>, vector<1x16xf32>,
          %swap3A_119 = vector.shape_cast %swap3A_118 : vector<1x16xf32> to vector<16xf32>
          %swap3A_120 = vector.shape_cast %add3A_115 : vector<16xf32> to vector<1x16xf32>
          tpu.vector_store %arg11[%swap3A_116, %swap3A_117], %swap3A_120 {strides = array<i32>} : memref<320x128xf32, #tpu.memory_space<vmem>>, vector<1x16xf32>,
          %get3A_121 = arith.index_cast %sub3A_93 : i32 to index
          %get3A_122 = arith.constant 32 : index
          %get3A_123 = tpu.vector_load %arg11[%get3A_121, %get3A_122] {strides = array<i32>} : memref<320x128xf32, #tpu.memory_space<vmem>>, vector<1x16xf32>,
          %get3A_124 = vector.shape_cast %get3A_123 : vector<1x16xf32> to vector<16xf32>
          %get3A_125 = arith.index_cast %scan3A_83 : i32 to index
          %get3A_126 = arith.constant 32 : index
          %get3A_127 = tpu.vector_load %arg9[%get3A_125, %get3A_126] {strides = array<i32>} : memref<128x128xf32, #tpu.memory_space<vmem>>, vector<1x16xf32>,
          %get3A_128 = vector.shape_cast %get3A_127 : vector<1x16xf32> to vector<16xf32>
          %add3A_129 = arith.addf %get3A_124, %get3A_128 : vector<16xf32>
          %swap3A_130 = arith.index_cast %sub3A_93 : i32 to index
          %swap3A_131 = arith.constant 32 : index
          %swap3A_132 = tpu.vector_load %arg11[%swap3A_130, %swap3A_131] {strides = array<i32>} : memref<320x128xf32, #tpu.memory_space<vmem>>, vector<1x16xf32>,
          %swap3A_133 = vector.shape_cast %swap3A_132 : vector<1x16xf32> to vector<16xf32>
          %swap3A_134 = vector.shape_cast %add3A_129 : vector<16xf32> to vector<1x16xf32>
          tpu.vector_store %arg11[%swap3A_130, %swap3A_131], %swap3A_134 {strides = array<i32>} : memref<320x128xf32, #tpu.memory_space<vmem>>, vector<1x16xf32>,
          %get3A_135 = arith.index_cast %sub3A_93 : i32 to index
          %get3A_136 = arith.constant 48 : index
          %get3A_137 = tpu.vector_load %arg11[%get3A_135, %get3A_136] {strides = array<i32>} : memref<320x128xf32, #tpu.memory_space<vmem>>, vector<1x16xf32>,
          %get3A_138 = vector.shape_cast %get3A_137 : vector<1x16xf32> to vector<16xf32>
          %get3A_139 = arith.index_cast %scan3A_83 : i32 to index
          %get3A_140 = arith.constant 48 : index
          %get3A_141 = tpu.vector_load %arg9[%get3A_139, %get3A_140] {strides = array<i32>} : memref<128x128xf32, #tpu.memory_space<vmem>>, vector<1x16xf32>,
          %get3A_142 = vector.shape_cast %get3A_141 : vector<1x16xf32> to vector<16xf32>
          %add3A_143 = arith.addf %get3A_138, %get3A_142 : vector<16xf32>
          %swap3A_144 = arith.index_cast %sub3A_93 : i32 to index
          %swap3A_145 = arith.constant 48 : index
          %swap3A_146 = tpu.vector_load %arg11[%swap3A_144, %swap3A_145] {strides = array<i32>} : memref<320x128xf32, #tpu.memory_space<vmem>>, vector<1x16xf32>,
          %swap3A_147 = vector.shape_cast %swap3A_146 : vector<1x16xf32> to vector<16xf32>
          %swap3A_148 = vector.shape_cast %add3A_143 : vector<16xf32> to vector<1x16xf32>
          tpu.vector_store %arg11[%swap3A_144, %swap3A_145], %swap3A_148 {strides = array<i32>} : memref<320x128xf32, #tpu.memory_space<vmem>>, vector<1x16xf32>,
          %get3A_149 = arith.index_cast %sub3A_93 : i32 to index
          %get3A_150 = arith.constant 64 : index
          %get3A_151 = tpu.vector_load %arg11[%get3A_149, %get3A_150] {strides = array<i32>} : memref<320x128xf32, #tpu.memory_space<vmem>>, vector<1x16xf32>,
          %get3A_152 = vector.shape_cast %get3A_151 : vector<1x16xf32> to vector<16xf32>
          %get3A_153 = arith.index_cast %scan3A_83 : i32 to index
          %get3A_154 = arith.constant 64 : index
          %get3A_155 = tpu.vector_load %arg9[%get3A_153, %get3A_154] {strides = array<i32>} : memref<128x128xf32, #tpu.memory_space<vmem>>, vector<1x16xf32>,
          %get3A_156 = vector.shape_cast %get3A_155 : vector<1x16xf32> to vector<16xf32>
          %add3A_157 = arith.addf %get3A_152, %get3A_156 : vector<16xf32>
          %swap3A_158 = arith.index_cast %sub3A_93 : i32 to index
          %swap3A_159 = arith.constant 64 : index
          %swap3A_160 = tpu.vector_load %arg11[%swap3A_158, %swap3A_159] {strides = array<i32>} : memref<320x128xf32, #tpu.memory_space<vmem>>, vector<1x16xf32>,
          %swap3A_161 = vector.shape_cast %swap3A_160 : vector<1x16xf32> to vector<16xf32>
          %swap3A_162 = vector.shape_cast %add3A_157 : vector<16xf32> to vector<1x16xf32>
          tpu.vector_store %arg11[%swap3A_158, %swap3A_159], %swap3A_162 {strides = array<i32>} : memref<320x128xf32, #tpu.memory_space<vmem>>, vector<1x16xf32>,
          %get3A_163 = arith.index_cast %sub3A_93 : i32 to index
          %get3A_164 = arith.constant 80 : index
          %get3A_165 = tpu.vector_load %arg11[%get3A_163, %get3A_164] {strides = array<i32>} : memref<320x128xf32, #tpu.memory_space<vmem>>, vector<1x16xf32>,
          %get3A_166 = vector.shape_cast %get3A_165 : vector<1x16xf32> to vector<16xf32>
          %get3A_167 = arith.index_cast %scan3A_83 : i32 to index
          %get3A_168 = arith.constant 80 : index
          %get3A_169 = tpu.vector_load %arg9[%get3A_167, %get3A_168] {strides = array<i32>} : memref<128x128xf32, #tpu.memory_space<vmem>>, vector<1x16xf32>,
          %get3A_170 = vector.shape_cast %get3A_169 : vector<1x16xf32> to vector<16xf32>
          %add3A_171 = arith.addf %get3A_166, %get3A_170 : vector<16xf32>
          %swap3A_172 = arith.index_cast %sub3A_93 : i32 to index
          %swap3A_173 = arith.constant 80 : index
          %swap3A_174 = tpu.vector_load %arg11[%swap3A_172, %swap3A_173] {strides = array<i32>} : memref<320x128xf32, #tpu.memory_space<vmem>>, vector<1x16xf32>,
          %swap3A_175 = vector.shape_cast %swap3A_174 : vector<1x16xf32> to vector<16xf32>
          %swap3A_176 = vector.shape_cast %add3A_171 : vector<16xf32> to vector<1x16xf32>
          tpu.vector_store %arg11[%swap3A_172, %swap3A_173], %swap3A_176 {strides = array<i32>} : memref<320x128xf32, #tpu.memory_space<vmem>>, vector<1x16xf32>,
          %get3A_177 = arith.index_cast %sub3A_93 : i32 to index
          %get3A_178 = arith.constant 96 : index
          %get3A_179 = tpu.vector_load %arg11[%get3A_177, %get3A_178] {strides = array<i32>} : memref<320x128xf32, #tpu.memory_space<vmem>>, vector<1x16xf32>,
          %get3A_180 = vector.shape_cast %get3A_179 : vector<1x16xf32> to vector<16xf32>
          %get3A_181 = arith.index_cast %scan3A_83 : i32 to index
          %get3A_182 = arith.constant 96 : index
          %get3A_183 = tpu.vector_load %arg9[%get3A_181, %get3A_182] {strides = array<i32>} : memref<128x128xf32, #tpu.memory_space<vmem>>, vector<1x16xf32>,
          %get3A_184 = vector.shape_cast %get3A_183 : vector<1x16xf32> to vector<16xf32>
          %add3A_185 = arith.addf %get3A_180, %get3A_184 : vector<16xf32>
          %swap3A_186 = arith.index_cast %sub3A_93 : i32 to index
          %swap3A_187 = arith.constant 96 : index
          %swap3A_188 = tpu.vector_load %arg11[%swap3A_186, %swap3A_187] {strides = array<i32>} : memref<320x128xf32, #tpu.memory_space<vmem>>, vector<1x16xf32>,
          %swap3A_189 = vector.shape_cast %swap3A_188 : vector<1x16xf32> to vector<16xf32>
          %swap3A_190 = vector.shape_cast %add3A_185 : vector<16xf32> to vector<1x16xf32>
          tpu.vector_store %arg11[%swap3A_186, %swap3A_187], %swap3A_190 {strides = array<i32>} : memref<320x128xf32, #tpu.memory_space<vmem>>, vector<1x16xf32>,
          %get3A_191 = arith.index_cast %sub3A_93 : i32 to index
          %get3A_192 = arith.constant 112 : index
          %get3A_193 = tpu.vector_load %arg11[%get3A_191, %get3A_192] {strides = array<i32>} : memref<320x128xf32, #tpu.memory_space<vmem>>, vector<1x16xf32>,
          %get3A_194 = vector.shape_cast %get3A_193 : vector<1x16xf32> to vector<16xf32>
          %get3A_195 = arith.index_cast %scan3A_83 : i32 to index
          %get3A_196 = arith.constant 112 : index
          %get3A_197 = tpu.vector_load %arg9[%get3A_195, %get3A_196] {strides = array<i32>} : memref<128x128xf32, #tpu.memory_space<vmem>>, vector<1x16xf32>,
          %get3A_198 = vector.shape_cast %get3A_197 : vector<1x16xf32> to vector<16xf32>
          %add3A_199 = arith.addf %get3A_194, %get3A_198 : vector<16xf32>
          %swap3A_200 = arith.index_cast %sub3A_93 : i32 to index
          %swap3A_201 = arith.constant 112 : index
          %swap3A_202 = tpu.vector_load %arg11[%swap3A_200, %swap3A_201] {strides = array<i32>} : memref<320x128xf32, #tpu.memory_space<vmem>>, vector<1x16xf32>,
          %swap3A_203 = vector.shape_cast %swap3A_202 : vector<1x16xf32> to vector<16xf32>
          %swap3A_204 = vector.shape_cast %add3A_199 : vector<16xf32> to vector<1x16xf32>
          tpu.vector_store %arg11[%swap3A_200, %swap3A_201], %swap3A_204 {strides = array<i32>} : memref<320x128xf32, #tpu.memory_space<vmem>>, vector<1x16xf32>,
        } else {
        }
      }
      %scan3A_82 = arith.constant 128 : i32
    }
    "tpu.region"() ({
      %run_scoped3A = tpu.sem_alloc : memref<!tpu.dma_semaphore, #tpu.memory_space<semaphore_mem>>
      %dma_start3A = arith.constant 0 : i32
      %dma_start3A_70 = tpu.memref_slice %arg6[%mul3A_2, %dma_start3A] : memref<10240x128xf32, #tpu.memory_space<hbm>> -> memref<320x128xf32, #tpu.memory_space<hbm>>
      %dma_start3A_71 = arith.constant 0 : i32
      %dma_start3A_72 = tpu.memref_slice %arg6[%mul3A_2, %dma_start3A_71] : memref<10240x128xf32, #tpu.memory_space<hbm>> -> memref<320x128xf32, #tpu.memory_space<hbm>>
      tpu.enqueue_dma source(%arg11 : memref<320x128xf32, #tpu.memory_space<vmem>>) target(%dma_start3A_72 : memref<320x128xf32, #tpu.memory_space<hbm>>) target_semaphore(%run_scoped3A : memref<!tpu.dma_semaphore, #tpu.memory_space<semaphore_mem>>)
      %dma_wait3A = arith.constant 0 : i32
      %dma_wait3A_73 = tpu.memref_slice %arg6[%mul3A_2, %dma_wait3A] : memref<10240x128xf32, #tpu.memory_space<hbm>> -> memref<320x128xf32, #tpu.memory_space<hbm>>
      %dma_wait3A_74 = arith.constant 0 : i32
      %dma_wait3A_75 = tpu.memref_slice %arg6[%mul3A_2, %dma_wait3A_74] : memref<10240x128xf32, #tpu.memory_space<hbm>> -> memref<320x128xf32, #tpu.memory_space<hbm>>
      tpu.wait_dma2 semaphore(%run_scoped3A : memref<!tpu.dma_semaphore, #tpu.memory_space<semaphore_mem>>) src(%arg11 : memref<320x128xf32, #tpu.memory_space<vmem>>) dst(%dma_wait3A_75 : memref<320x128xf32, #tpu.memory_space<hbm>>)
      tpu.yield
    }) : () -> ()
    return
  }
}

#map = affine_map<(d0, d1) -> (0, 0)>
#map1 = affine_map<(d0, d1) -> (0)>
module attributes {stable_mosaic.version = 14 : i64} {
  func.func @_segsum_body(%arg0: i32, %arg1: i32, %arg2: memref<10240x128xf32, #tpu.memory_space<hbm>>, %arg3: memref<2500x128xi32, #tpu.memory_space<hbm>>, %arg4: memref<2500x128xi32, #tpu.memory_space<hbm>>, %arg5: memref<64xi32, #tpu.memory_space<hbm>>, %arg6: memref<10240x128xf32, #tpu.memory_space<hbm>>, %arg7: memref<128xi32, #tpu.memory_space<vmem>>, %arg8: memref<144xi32, #tpu.memory_space<vmem>>, %arg9: memref<128x128xf32, #tpu.memory_space<vmem>>, %arg10: memref<64xi32, #tpu.memory_space<vmem>>, %arg11: memref<320x128xf32, #tpu.memory_space<vmem>>, %arg12: memref<!tpu.dma_semaphore, #tpu.memory_space<semaphore_mem>>) attributes {dimension_semantics = [#tpu.dimension_semantics<core_parallel>, #tpu.dimension_semantics<subcore_parallel>], iteration_bounds = array<i64: 2, 16>, scalar_prefetch = 0 : i64, scratch_operands = 6 : i64, tpu.core_type = #tpu.core_type<sc_vector_subcore>, window_params = [{transform_indices = #map}, {transform_indices = #map}, {transform_indices = #map}, {transform_indices = #map1}, {transform_indices = #map}]} {
    %mul3A = arith.constant 16 : i32
    %mul3A_0 = arith.muli %arg0, %mul3A : i32
    %add3A = arith.addi %mul3A_0, %arg1 : i32
    %mul3A_1 = arith.constant 320 : i32
    %mul3A_2 = arith.muli %add3A, %mul3A_1 : i32
    %broadcast_in_dim3A = arith.constant 0.000000e+00 : f32
    %broadcast_in_dim3A_3 = vector.broadcast %broadcast_in_dim3A : f32 to vector<16xf32>
    %scan3A = arith.constant 0 : i32
    %scan3A_4 = arith.constant 0 : i32
    %scan3A_5 = arith.constant 320 : i32
    %scan3A_6 = arith.addi %scan3A_4, %scan3A_5 : i32
    %scan3A_7 = arith.constant 1 : i32
    scf.for %scan3A_70 = %scan3A_4 to %scan3A_6 step %scan3A_7  : i32 {
      %swap3A = arith.index_cast %scan3A_70 : i32 to index
      %swap3A_71 = arith.constant 0 : index
      %swap3A_72 = tpu.vector_load %arg11[%swap3A, %swap3A_71] {strides = array<i32>} : memref<320x128xf32, #tpu.memory_space<vmem>>, vector<1x16xf32>,
      %swap3A_73 = vector.shape_cast %swap3A_72 : vector<1x16xf32> to vector<16xf32>
      %swap3A_74 = vector.shape_cast %broadcast_in_dim3A_3 : vector<16xf32> to vector<1x16xf32>
      tpu.vector_store %arg11[%swap3A, %swap3A_71], %swap3A_74 {strides = array<i32>} : memref<320x128xf32, #tpu.memory_space<vmem>>, vector<1x16xf32>,
      %swap3A_75 = arith.index_cast %scan3A_70 : i32 to index
      %swap3A_76 = arith.constant 16 : index
      %swap3A_77 = tpu.vector_load %arg11[%swap3A_75, %swap3A_76] {strides = array<i32>} : memref<320x128xf32, #tpu.memory_space<vmem>>, vector<1x16xf32>,
      %swap3A_78 = vector.shape_cast %swap3A_77 : vector<1x16xf32> to vector<16xf32>
      %swap3A_79 = vector.shape_cast %broadcast_in_dim3A_3 : vector<16xf32> to vector<1x16xf32>
      tpu.vector_store %arg11[%swap3A_75, %swap3A_76], %swap3A_79 {strides = array<i32>} : memref<320x128xf32, #tpu.memory_space<vmem>>, vector<1x16xf32>,
      %swap3A_80 = arith.index_cast %scan3A_70 : i32 to index
      %swap3A_81 = arith.constant 32 : index
      %swap3A_82 = tpu.vector_load %arg11[%swap3A_80, %swap3A_81] {strides = array<i32>} : memref<320x128xf32, #tpu.memory_space<vmem>>, vector<1x16xf32>,
      %swap3A_83 = vector.shape_cast %swap3A_82 : vector<1x16xf32> to vector<16xf32>
      %swap3A_84 = vector.shape_cast %broadcast_in_dim3A_3 : vector<16xf32> to vector<1x16xf32>
      tpu.vector_store %arg11[%swap3A_80, %swap3A_81], %swap3A_84 {strides = array<i32>} : memref<320x128xf32, #tpu.memory_space<vmem>>, vector<1x16xf32>,
      %swap3A_85 = arith.index_cast %scan3A_70 : i32 to index
      %swap3A_86 = arith.constant 48 : index
      %swap3A_87 = tpu.vector_load %arg11[%swap3A_85, %swap3A_86] {strides = array<i32>} : memref<320x128xf32, #tpu.memory_space<vmem>>, vector<1x16xf32>,
      %swap3A_88 = vector.shape_cast %swap3A_87 : vector<1x16xf32> to vector<16xf32>
      %swap3A_89 = vector.shape_cast %broadcast_in_dim3A_3 : vector<16xf32> to vector<1x16xf32>
      tpu.vector_store %arg11[%swap3A_85, %swap3A_86], %swap3A_89 {strides = array<i32>} : memref<320x128xf32, #tpu.memory_space<vmem>>, vector<1x16xf32>,
      %swap3A_90 = arith.index_cast %scan3A_70 : i32 to index
      %swap3A_91 = arith.constant 64 : index
      %swap3A_92 = tpu.vector_load %arg11[%swap3A_90, %swap3A_91] {strides = array<i32>} : memref<320x128xf32, #tpu.memory_space<vmem>>, vector<1x16xf32>,
      %swap3A_93 = vector.shape_cast %swap3A_92 : vector<1x16xf32> to vector<16xf32>
      %swap3A_94 = vector.shape_cast %broadcast_in_dim3A_3 : vector<16xf32> to vector<1x16xf32>
      tpu.vector_store %arg11[%swap3A_90, %swap3A_91], %swap3A_94 {strides = array<i32>} : memref<320x128xf32, #tpu.memory_space<vmem>>, vector<1x16xf32>,
      %swap3A_95 = arith.index_cast %scan3A_70 : i32 to index
      %swap3A_96 = arith.constant 80 : index
      %swap3A_97 = tpu.vector_load %arg11[%swap3A_95, %swap3A_96] {strides = array<i32>} : memref<320x128xf32, #tpu.memory_space<vmem>>, vector<1x16xf32>,
      %swap3A_98 = vector.shape_cast %swap3A_97 : vector<1x16xf32> to vector<16xf32>
      %swap3A_99 = vector.shape_cast %broadcast_in_dim3A_3 : vector<16xf32> to vector<1x16xf32>
      tpu.vector_store %arg11[%swap3A_95, %swap3A_96], %swap3A_99 {strides = array<i32>} : memref<320x128xf32, #tpu.memory_space<vmem>>, vector<1x16xf32>,
      %swap3A_100 = arith.index_cast %scan3A_70 : i32 to index
      %swap3A_101 = arith.constant 96 : index
      %swap3A_102 = tpu.vector_load %arg11[%swap3A_100, %swap3A_101] {strides = array<i32>} : memref<320x128xf32, #tpu.memory_space<vmem>>, vector<1x16xf32>,
      %swap3A_103 = vector.shape_cast %swap3A_102 : vector<1x16xf32> to vector<16xf32>
      %swap3A_104 = vector.shape_cast %broadcast_in_dim3A_3 : vector<16xf32> to vector<1x16xf32>
      tpu.vector_store %arg11[%swap3A_100, %swap3A_101], %swap3A_104 {strides = array<i32>} : memref<320x128xf32, #tpu.memory_space<vmem>>, vector<1x16xf32>,
      %swap3A_105 = arith.index_cast %scan3A_70 : i32 to index
      %swap3A_106 = arith.constant 112 : index
      %swap3A_107 = tpu.vector_load %arg11[%swap3A_105, %swap3A_106] {strides = array<i32>} : memref<320x128xf32, #tpu.memory_space<vmem>>, vector<1x16xf32>,
      %swap3A_108 = vector.shape_cast %swap3A_107 : vector<1x16xf32> to vector<16xf32>
      %swap3A_109 = vector.shape_cast %broadcast_in_dim3A_3 : vector<16xf32> to vector<1x16xf32>
      tpu.vector_store %arg11[%swap3A_105, %swap3A_106], %swap3A_109 {strides = array<i32>} : memref<320x128xf32, #tpu.memory_space<vmem>>, vector<1x16xf32>,
    }
    %scan3A_8 = arith.constant 320 : i32
    "tpu.region"() ({
      %run_scoped3A = tpu.sem_alloc : memref<!tpu.dma_semaphore, #tpu.memory_space<semaphore_mem>>
      tpu.enqueue_dma source(%arg5 : memref<64xi32, #tpu.memory_space<hbm>>) target(%arg10 : memref<64xi32, #tpu.memory_space<vmem>>) target_semaphore(%run_scoped3A : memref<!tpu.dma_semaphore, #tpu.memory_space<semaphore_mem>>)
      tpu.wait_dma2 semaphore(%run_scoped3A : memref<!tpu.dma_semaphore, #tpu.memory_space<semaphore_mem>>) src(%arg5 : memref<64xi32, #tpu.memory_space<hbm>>) dst(%arg10 : memref<64xi32, #tpu.memory_space<vmem>>)
      tpu.yield
    }) : () -> ()
    %get3A = arith.index_cast %add3A : i32 to index
    %get3A_9 = tpu.vector_load %arg10[%get3A] {strides = array<i32>} : memref<64xi32, #tpu.memory_space<vmem>>, vector<16xi32>,
    %get3A_10 = vector.shape_cast %get3A_9 : vector<16xi32> to vector<16xi32>
    %slice3A = vector.extract_strided_slice %get3A_10 {offsets = [0], sizes = [1], strides = [1]} : vector<16xi32> to vector<1xi32>
    %squeeze3A = vector.extract %slice3A[0] : i32 from vector<1xi32>
    %add3A_11 = arith.constant 1 : i32
    %add3A_12 = arith.addi %add3A, %add3A_11 : i32
    %get3A_13 = arith.index_cast %add3A_12 : i32 to index
    %get3A_14 = tpu.vector_load %arg10[%get3A_13] {strides = array<i32>} : memref<64xi32, #tpu.memory_space<vmem>>, vector<16xi32>,
    %get3A_15 = vector.shape_cast %get3A_14 : vector<16xi32> to vector<16xi32>
    %slice3A_16 = vector.extract_strided_slice %get3A_15 {offsets = [0], sizes = [1], strides = [1]} : vector<16xi32> to vector<1xi32>
    %squeeze3A_17 = vector.extract %slice3A_16[0] : i32 from vector<1xi32>
    %jit3A = arith.constant 128 : i32
    %div3A = arith.divsi %squeeze3A, %jit3A : i32
    %sign3A = arith.constant 0 : i32
    %sign3A_18 = arith.cmpi sgt, %squeeze3A, %sign3A : i32
    %sign3A_19 = arith.extui %sign3A_18 : i1 to i32
    %sign3A_20 = arith.constant 0 : i32
    %sign3A_21 = arith.cmpi slt, %squeeze3A, %sign3A_20 : i32
    %sign3A_22 = arith.extui %sign3A_21 : i1 to i32
    %sign3A_23 = arith.subi %sign3A_19, %sign3A_22 : i32
    %sign3A_24 = arith.constant 0 : i32
    %sign3A_25 = arith.cmpi sgt, %jit3A, %sign3A_24 : i32
    %sign3A_26 = arith.extui %sign3A_25 : i1 to i32
    %sign3A_27 = arith.constant 0 : i32
    %sign3A_28 = arith.cmpi slt, %jit3A, %sign3A_27 : i32
    %sign3A_29 = arith.extui %sign3A_28 : i1 to i32
    %sign3A_30 = arith.subi %sign3A_26, %sign3A_29 : i32
    %ne3A = arith.cmpi ne, %sign3A_23, %sign3A_30 : i32
    %rem3A = arith.remsi %squeeze3A, %jit3A : i32
    %ne3A_31 = arith.constant 0 : i32
    %ne3A_32 = arith.cmpi ne, %rem3A, %ne3A_31 : i32
    %and3A = arith.andi %ne3A, %ne3A_32 : i1
    %sub3A = arith.constant 1 : i32
    %sub3A_33 = arith.subi %div3A, %sub3A : i32
    %select_n3A = arith.select %and3A, %sub3A_33, %div3A : i32
    %add3A_34 = arith.constant 128 : i32
    %add3A_35 = arith.addi %squeeze3A_17, %add3A_34 : i32
    %sub3A_36 = arith.constant 1 : i32
    %sub3A_37 = arith.subi %add3A_35, %sub3A_36 : i32
    %jit3A_38 = arith.constant 128 : i32
    %div3A_39 = arith.divsi %sub3A_37, %jit3A_38 : i32
    %sign3A_40 = arith.constant 0 : i32
    %sign3A_41 = arith.cmpi sgt, %sub3A_37, %sign3A_40 : i32
    %sign3A_42 = arith.extui %sign3A_41 : i1 to i32
    %sign3A_43 = arith.constant 0 : i32
    %sign3A_44 = arith.cmpi slt, %sub3A_37, %sign3A_43 : i32
    %sign3A_45 = arith.extui %sign3A_44 : i1 to i32
    %sign3A_46 = arith.subi %sign3A_42, %sign3A_45 : i32
    %sign3A_47 = arith.constant 0 : i32
    %sign3A_48 = arith.cmpi sgt, %jit3A_38, %sign3A_47 : i32
    %sign3A_49 = arith.extui %sign3A_48 : i1 to i32
    %sign3A_50 = arith.constant 0 : i32
    %sign3A_51 = arith.cmpi slt, %jit3A_38, %sign3A_50 : i32
    %sign3A_52 = arith.extui %sign3A_51 : i1 to i32
    %sign3A_53 = arith.subi %sign3A_49, %sign3A_52 : i32
    %ne3A_54 = arith.cmpi ne, %sign3A_46, %sign3A_53 : i32
    %rem3A_55 = arith.remsi %sub3A_37, %jit3A_38 : i32
    %ne3A_56 = arith.constant 0 : i32
    %ne3A_57 = arith.cmpi ne, %rem3A_55, %ne3A_56 : i32
    %and3A_58 = arith.andi %ne3A_54, %ne3A_57 : i1
    %sub3A_59 = arith.constant 1 : i32
    %sub3A_60 = arith.subi %div3A_39, %sub3A_59 : i32
    %select_n3A_61 = arith.select %and3A_58, %sub3A_60, %div3A_39 : i32
    %max3A = arith.maxsi %select_n3A, %select_n3A_61 : i32
    %while3A = arith.constant 0 : i32
    %while3A_62 = arith.subi %max3A, %select_n3A : i32
    %while3A_63 = arith.addi %select_n3A, %while3A_62 : i32
    %while3A_64 = arith.constant 1 : i32
    %while3A_65 = arith.divsi %while3A_62, %while3A_64 : i32
    %while3A_66 = arith.muli %while3A_65, %while3A_64 : i32
    %while3A_67 = arith.addi %select_n3A, %while3A_66 : i32
    %while3A_68 = arith.constant 1 : i32
    scf.for %while3A_70 = %select_n3A to %while3A_67 step %while3A_68  : i32 {
      "tpu.region"() ({
        %run_scoped3A = tpu.sem_alloc : memref<!tpu.dma_semaphore, #tpu.memory_space<semaphore_mem>>
        %dma_start3A_83 = arith.constant 0 : i32
        %dma_start3A_84 = tpu.memref_slice %arg3[%while3A_70, %dma_start3A_83] : memref<2500x128xi32, #tpu.memory_space<hbm>> -> memref<1x128xi32, #tpu.memory_space<hbm>>
        %dma_start3A_85 = tpu.memref_squeeze %dma_start3A_84 : memref<1x128xi32, #tpu.memory_space<hbm>> -> memref<128xi32, #tpu.memory_space<hbm>>
        %dma_start3A_86 = arith.constant 0 : i32
        %dma_start3A_87 = tpu.memref_slice %arg3[%while3A_70, %dma_start3A_86] : memref<2500x128xi32, #tpu.memory_space<hbm>> -> memref<1x128xi32, #tpu.memory_space<hbm>>
        %dma_start3A_88 = tpu.memref_squeeze %dma_start3A_87 : memref<1x128xi32, #tpu.memory_space<hbm>> -> memref<128xi32, #tpu.memory_space<hbm>>
        tpu.enqueue_dma source(%dma_start3A_88 : memref<128xi32, #tpu.memory_space<hbm>>) target(%arg7 : memref<128xi32, #tpu.memory_space<vmem>>) target_semaphore(%run_scoped3A : memref<!tpu.dma_semaphore, #tpu.memory_space<semaphore_mem>>)
        %dma_wait3A_89 = arith.constant 0 : i32
        %dma_wait3A_90 = tpu.memref_slice %arg3[%while3A_70, %dma_wait3A_89] : memref<2500x128xi32, #tpu.memory_space<hbm>> -> memref<1x128xi32, #tpu.memory_space<hbm>>
        %dma_wait3A_91 = tpu.memref_squeeze %dma_wait3A_90 : memref<1x128xi32, #tpu.memory_space<hbm>> -> memref<128xi32, #tpu.memory_space<hbm>>
        %dma_wait3A_92 = arith.constant 0 : i32
        %dma_wait3A_93 = tpu.memref_slice %arg3[%while3A_70, %dma_wait3A_92] : memref<2500x128xi32, #tpu.memory_space<hbm>> -> memref<1x128xi32, #tpu.memory_space<hbm>>
        %dma_wait3A_94 = tpu.memref_squeeze %dma_wait3A_93 : memref<1x128xi32, #tpu.memory_space<hbm>> -> memref<128xi32, #tpu.memory_space<hbm>>
        tpu.wait_dma2 semaphore(%run_scoped3A : memref<!tpu.dma_semaphore, #tpu.memory_space<semaphore_mem>>) src(%dma_wait3A_94 : memref<128xi32, #tpu.memory_space<hbm>>) dst(%arg7 : memref<128xi32, #tpu.memory_space<vmem>>)
        tpu.yield
      }) : () -> ()
      "tpu.region"() ({
        %run_scoped3A = tpu.sem_alloc : memref<!tpu.dma_semaphore, #tpu.memory_space<semaphore_mem>>
        %dma_start3A_83 = arith.constant 0 : i32
        %dma_start3A_84 = tpu.memref_slice %arg8[%dma_start3A_83] : memref<144xi32, #tpu.memory_space<vmem>> -> memref<128xi32, #tpu.memory_space<vmem>>
        %dma_start3A_85 = arith.constant 0 : i32
        %dma_start3A_86 = tpu.memref_slice %arg4[%while3A_70, %dma_start3A_85] : memref<2500x128xi32, #tpu.memory_space<hbm>> -> memref<1x128xi32, #tpu.memory_space<hbm>>
        %dma_start3A_87 = tpu.memref_squeeze %dma_start3A_86 : memref<1x128xi32, #tpu.memory_space<hbm>> -> memref<128xi32, #tpu.memory_space<hbm>>
        %dma_start3A_88 = arith.constant 0 : i32
        %dma_start3A_89 = tpu.memref_slice %arg8[%dma_start3A_88] : memref<144xi32, #tpu.memory_space<vmem>> -> memref<128xi32, #tpu.memory_space<vmem>>
        %dma_start3A_90 = arith.constant 0 : i32
        %dma_start3A_91 = tpu.memref_slice %arg4[%while3A_70, %dma_start3A_90] : memref<2500x128xi32, #tpu.memory_space<hbm>> -> memref<1x128xi32, #tpu.memory_space<hbm>>
        %dma_start3A_92 = tpu.memref_squeeze %dma_start3A_91 : memref<1x128xi32, #tpu.memory_space<hbm>> -> memref<128xi32, #tpu.memory_space<hbm>>
        tpu.enqueue_dma source(%dma_start3A_92 : memref<128xi32, #tpu.memory_space<hbm>>) target(%dma_start3A_89 : memref<128xi32, #tpu.memory_space<vmem>>) target_semaphore(%run_scoped3A : memref<!tpu.dma_semaphore, #tpu.memory_space<semaphore_mem>>)
        %dma_wait3A_93 = arith.constant 0 : i32
        %dma_wait3A_94 = tpu.memref_slice %arg8[%dma_wait3A_93] : memref<144xi32, #tpu.memory_space<vmem>> -> memref<128xi32, #tpu.memory_space<vmem>>
        %dma_wait3A_95 = arith.constant 0 : i32
        %dma_wait3A_96 = tpu.memref_slice %arg4[%while3A_70, %dma_wait3A_95] : memref<2500x128xi32, #tpu.memory_space<hbm>> -> memref<1x128xi32, #tpu.memory_space<hbm>>
        %dma_wait3A_97 = tpu.memref_squeeze %dma_wait3A_96 : memref<1x128xi32, #tpu.memory_space<hbm>> -> memref<128xi32, #tpu.memory_space<hbm>>
        %dma_wait3A_98 = arith.constant 0 : i32
        %dma_wait3A_99 = tpu.memref_slice %arg8[%dma_wait3A_98] : memref<144xi32, #tpu.memory_space<vmem>> -> memref<128xi32, #tpu.memory_space<vmem>>
        %dma_wait3A_100 = arith.constant 0 : i32
        %dma_wait3A_101 = tpu.memref_slice %arg4[%while3A_70, %dma_wait3A_100] : memref<2500x128xi32, #tpu.memory_space<hbm>> -> memref<1x128xi32, #tpu.memory_space<hbm>>
        %dma_wait3A_102 = tpu.memref_squeeze %dma_wait3A_101 : memref<1x128xi32, #tpu.memory_space<hbm>> -> memref<128xi32, #tpu.memory_space<hbm>>
        tpu.wait_dma2 semaphore(%run_scoped3A : memref<!tpu.dma_semaphore, #tpu.memory_space<semaphore_mem>>) src(%dma_wait3A_102 : memref<128xi32, #tpu.memory_space<hbm>>) dst(%dma_wait3A_99 : memref<128xi32, #tpu.memory_space<vmem>>)
        tpu.yield
      }) : () -> ()
      %dma_start3A = arith.constant 0 : i32
      %dma_start3A_71 = arith.constant 0 : i32
      %dma_start3A_72 = tpu.memref_slice %arg2[%dma_start3A, %dma_start3A_71] : memref<10240x128xf32, #tpu.memory_space<hbm>> -> memref<10240x128xf32, #tpu.memory_space<hbm>>
      tpu.enqueue_indirect_dma source(%dma_start3A_72 : memref<10240x128xf32, #tpu.memory_space<hbm>>) target(%arg9 : memref<128x128xf32, #tpu.memory_space<vmem>>) offsets(%arg7 : memref<128xi32, #tpu.memory_space<vmem>>) semaphore(%arg12 : memref<!tpu.dma_semaphore, #tpu.memory_space<semaphore_mem>>)
      %dma_wait3A = arith.constant 0 : i32
      %dma_wait3A_73 = arith.constant 0 : i32
      %dma_wait3A_74 = tpu.memref_slice %arg2[%dma_wait3A, %dma_wait3A_73] : memref<10240x128xf32, #tpu.memory_space<hbm>> -> memref<10240x128xf32, #tpu.memory_space<hbm>>
      tpu.wait_indirect_dma semaphore(%arg12 : memref<!tpu.dma_semaphore, #tpu.memory_space<semaphore_mem>>) src(%dma_wait3A_74 : memref<10240x128xf32, #tpu.memory_space<hbm>>) dst(%arg9 : memref<128x128xf32, #tpu.memory_space<vmem>>)
      %mul3A_75 = arith.constant 128 : i32
      %mul3A_76 = arith.muli %while3A_70, %mul3A_75 : i32
      %scan3A_77 = arith.constant 0 : i32
      %scan3A_78 = arith.constant 0 : i32
      %scan3A_79 = arith.constant 128 : i32
      %scan3A_80 = arith.addi %scan3A_78, %scan3A_79 : i32
      %scan3A_81 = arith.constant 1 : i32
      scf.for %scan3A_83 = %scan3A_78 to %scan3A_80 step %scan3A_81  : i32 {
        %add3A_84 = arith.addi %mul3A_76, %scan3A_83 : i32
        %ge3A = arith.cmpi sge, %add3A_84, %squeeze3A : i32
        %add3A_85 = arith.addi %mul3A_76, %scan3A_83 : i32
        %lt3A = arith.cmpi slt, %add3A_85, %squeeze3A_17 : i32
        %and3A_86 = arith.andi %ge3A, %lt3A : i1
        %convert_element_type3A = arith.extui %and3A_86 : i1 to i32
        %cond3A = arith.constant 0 : i32
        %cond3A_87 = arith.cmpi ne, %convert_element_type3A, %cond3A : i32
        scf.if %cond3A_87 {
          %get3A_88 = arith.index_cast %scan3A_83 : i32 to index
          %get3A_89 = tpu.vector_load %arg8[%get3A_88] {strides = array<i32>} : memref<144xi32, #tpu.memory_space<vmem>>, vector<16xi32>,
          %get3A_90 = vector.shape_cast %get3A_89 : vector<16xi32> to vector<16xi32>
          %slice3A_91 = vector.extract_strided_slice %get3A_90 {offsets = [0], sizes = [1], strides = [1]} : vector<16xi32> to vector<1xi32>
          %squeeze3A_92 = vector.extract %slice3A_91[0] : i32 from vector<1xi32>
          %sub3A_93 = arith.subi %squeeze3A_92, %mul3A_2 : i32
          %get3A_94 = arith.index_cast %sub3A_93 : i32 to index
          %get3A_95 = arith.constant 0 : index
          %get3A_96 = tpu.vector_load %arg11[%get3A_94, %get3A_95] {strides = array<i32>} : memref<320x128xf32, #tpu.memory_space<vmem>>, vector<1x16xf32>,
          %get3A_97 = vector.shape_cast %get3A_96 : vector<1x16xf32> to vector<16xf32>
          %get3A_98 = arith.index_cast %scan3A_83 : i32 to index
          %get3A_99 = arith.constant 0 : index
          %get3A_100 = tpu.vector_load %arg9[%get3A_98, %get3A_99] {strides = array<i32>} : memref<128x128xf32, #tpu.memory_space<vmem>>, vector<1x16xf32>,
          %get3A_101 = vector.shape_cast %get3A_100 : vector<1x16xf32> to vector<16xf32>
          %add3A_102 = arith.addf %get3A_97, %get3A_101 : vector<16xf32>
          %swap3A = arith.index_cast %sub3A_93 : i32 to index
          %swap3A_103 = arith.constant 0 : index
          %swap3A_104 = tpu.vector_load %arg11[%swap3A, %swap3A_103] {strides = array<i32>} : memref<320x128xf32, #tpu.memory_space<vmem>>, vector<1x16xf32>,
          %swap3A_105 = vector.shape_cast %swap3A_104 : vector<1x16xf32> to vector<16xf32>
          %swap3A_106 = vector.shape_cast %add3A_102 : vector<16xf32> to vector<1x16xf32>
          tpu.vector_store %arg11[%swap3A, %swap3A_103], %swap3A_106 {strides = array<i32>} : memref<320x128xf32, #tpu.memory_space<vmem>>, vector<1x16xf32>,
          %get3A_107 = arith.index_cast %sub3A_93 : i32 to index
          %get3A_108 = arith.constant 16 : index
          %get3A_109 = tpu.vector_load %arg11[%get3A_107, %get3A_108] {strides = array<i32>} : memref<320x128xf32, #tpu.memory_space<vmem>>, vector<1x16xf32>,
          %get3A_110 = vector.shape_cast %get3A_109 : vector<1x16xf32> to vector<16xf32>
          %get3A_111 = arith.index_cast %scan3A_83 : i32 to index
          %get3A_112 = arith.constant 16 : index
          %get3A_113 = tpu.vector_load %arg9[%get3A_111, %get3A_112] {strides = array<i32>} : memref<128x128xf32, #tpu.memory_space<vmem>>, vector<1x16xf32>,
          %get3A_114 = vector.shape_cast %get3A_113 : vector<1x16xf32> to vector<16xf32>
          %add3A_115 = arith.addf %get3A_110, %get3A_114 : vector<16xf32>
          %swap3A_116 = arith.index_cast %sub3A_93 : i32 to index
          %swap3A_117 = arith.constant 16 : index
          %swap3A_118 = tpu.vector_load %arg11[%swap3A_116, %swap3A_117] {strides = array<i32>} : memref<320x128xf32, #tpu.memory_space<vmem>>, vector<1x16xf32>,
          %swap3A_119 = vector.shape_cast %swap3A_118 : vector<1x16xf32> to vector<16xf32>
          %swap3A_120 = vector.shape_cast %add3A_115 : vector<16xf32> to vector<1x16xf32>
          tpu.vector_store %arg11[%swap3A_116, %swap3A_117], %swap3A_120 {strides = array<i32>} : memref<320x128xf32, #tpu.memory_space<vmem>>, vector<1x16xf32>,
          %get3A_121 = arith.index_cast %sub3A_93 : i32 to index
          %get3A_122 = arith.constant 32 : index
          %get3A_123 = tpu.vector_load %arg11[%get3A_121, %get3A_122] {strides = array<i32>} : memref<320x128xf32, #tpu.memory_space<vmem>>, vector<1x16xf32>,
          %get3A_124 = vector.shape_cast %get3A_123 : vector<1x16xf32> to vector<16xf32>
          %get3A_125 = arith.index_cast %scan3A_83 : i32 to index
          %get3A_126 = arith.constant 32 : index
          %get3A_127 = tpu.vector_load %arg9[%get3A_125, %get3A_126] {strides = array<i32>} : memref<128x128xf32, #tpu.memory_space<vmem>>, vector<1x16xf32>,
          %get3A_128 = vector.shape_cast %get3A_127 : vector<1x16xf32> to vector<16xf32>
          %add3A_129 = arith.addf %get3A_124, %get3A_128 : vector<16xf32>
          %swap3A_130 = arith.index_cast %sub3A_93 : i32 to index
          %swap3A_131 = arith.constant 32 : index
          %swap3A_132 = tpu.vector_load %arg11[%swap3A_130, %swap3A_131] {strides = array<i32>} : memref<320x128xf32, #tpu.memory_space<vmem>>, vector<1x16xf32>,
          %swap3A_133 = vector.shape_cast %swap3A_132 : vector<1x16xf32> to vector<16xf32>
          %swap3A_134 = vector.shape_cast %add3A_129 : vector<16xf32> to vector<1x16xf32>
          tpu.vector_store %arg11[%swap3A_130, %swap3A_131], %swap3A_134 {strides = array<i32>} : memref<320x128xf32, #tpu.memory_space<vmem>>, vector<1x16xf32>,
          %get3A_135 = arith.index_cast %sub3A_93 : i32 to index
          %get3A_136 = arith.constant 48 : index
          %get3A_137 = tpu.vector_load %arg11[%get3A_135, %get3A_136] {strides = array<i32>} : memref<320x128xf32, #tpu.memory_space<vmem>>, vector<1x16xf32>,
          %get3A_138 = vector.shape_cast %get3A_137 : vector<1x16xf32> to vector<16xf32>
          %get3A_139 = arith.index_cast %scan3A_83 : i32 to index
          %get3A_140 = arith.constant 48 : index
          %get3A_141 = tpu.vector_load %arg9[%get3A_139, %get3A_140] {strides = array<i32>} : memref<128x128xf32, #tpu.memory_space<vmem>>, vector<1x16xf32>,
          %get3A_142 = vector.shape_cast %get3A_141 : vector<1x16xf32> to vector<16xf32>
          %add3A_143 = arith.addf %get3A_138, %get3A_142 : vector<16xf32>
          %swap3A_144 = arith.index_cast %sub3A_93 : i32 to index
          %swap3A_145 = arith.constant 48 : index
          %swap3A_146 = tpu.vector_load %arg11[%swap3A_144, %swap3A_145] {strides = array<i32>} : memref<320x128xf32, #tpu.memory_space<vmem>>, vector<1x16xf32>,
          %swap3A_147 = vector.shape_cast %swap3A_146 : vector<1x16xf32> to vector<16xf32>
          %swap3A_148 = vector.shape_cast %add3A_143 : vector<16xf32> to vector<1x16xf32>
          tpu.vector_store %arg11[%swap3A_144, %swap3A_145], %swap3A_148 {strides = array<i32>} : memref<320x128xf32, #tpu.memory_space<vmem>>, vector<1x16xf32>,
          %get3A_149 = arith.index_cast %sub3A_93 : i32 to index
          %get3A_150 = arith.constant 64 : index
          %get3A_151 = tpu.vector_load %arg11[%get3A_149, %get3A_150] {strides = array<i32>} : memref<320x128xf32, #tpu.memory_space<vmem>>, vector<1x16xf32>,
          %get3A_152 = vector.shape_cast %get3A_151 : vector<1x16xf32> to vector<16xf32>
          %get3A_153 = arith.index_cast %scan3A_83 : i32 to index
          %get3A_154 = arith.constant 64 : index
          %get3A_155 = tpu.vector_load %arg9[%get3A_153, %get3A_154] {strides = array<i32>} : memref<128x128xf32, #tpu.memory_space<vmem>>, vector<1x16xf32>,
          %get3A_156 = vector.shape_cast %get3A_155 : vector<1x16xf32> to vector<16xf32>
          %add3A_157 = arith.addf %get3A_152, %get3A_156 : vector<16xf32>
          %swap3A_158 = arith.index_cast %sub3A_93 : i32 to index
          %swap3A_159 = arith.constant 64 : index
          %swap3A_160 = tpu.vector_load %arg11[%swap3A_158, %swap3A_159] {strides = array<i32>} : memref<320x128xf32, #tpu.memory_space<vmem>>, vector<1x16xf32>,
          %swap3A_161 = vector.shape_cast %swap3A_160 : vector<1x16xf32> to vector<16xf32>
          %swap3A_162 = vector.shape_cast %add3A_157 : vector<16xf32> to vector<1x16xf32>
          tpu.vector_store %arg11[%swap3A_158, %swap3A_159], %swap3A_162 {strides = array<i32>} : memref<320x128xf32, #tpu.memory_space<vmem>>, vector<1x16xf32>,
          %get3A_163 = arith.index_cast %sub3A_93 : i32 to index
          %get3A_164 = arith.constant 80 : index
          %get3A_165 = tpu.vector_load %arg11[%get3A_163, %get3A_164] {strides = array<i32>} : memref<320x128xf32, #tpu.memory_space<vmem>>, vector<1x16xf32>,
          %get3A_166 = vector.shape_cast %get3A_165 : vector<1x16xf32> to vector<16xf32>
          %get3A_167 = arith.index_cast %scan3A_83 : i32 to index
          %get3A_168 = arith.constant 80 : index
          %get3A_169 = tpu.vector_load %arg9[%get3A_167, %get3A_168] {strides = array<i32>} : memref<128x128xf32, #tpu.memory_space<vmem>>, vector<1x16xf32>,
          %get3A_170 = vector.shape_cast %get3A_169 : vector<1x16xf32> to vector<16xf32>
          %add3A_171 = arith.addf %get3A_166, %get3A_170 : vector<16xf32>
          %swap3A_172 = arith.index_cast %sub3A_93 : i32 to index
          %swap3A_173 = arith.constant 80 : index
          %swap3A_174 = tpu.vector_load %arg11[%swap3A_172, %swap3A_173] {strides = array<i32>} : memref<320x128xf32, #tpu.memory_space<vmem>>, vector<1x16xf32>,
          %swap3A_175 = vector.shape_cast %swap3A_174 : vector<1x16xf32> to vector<16xf32>
          %swap3A_176 = vector.shape_cast %add3A_171 : vector<16xf32> to vector<1x16xf32>
          tpu.vector_store %arg11[%swap3A_172, %swap3A_173], %swap3A_176 {strides = array<i32>} : memref<320x128xf32, #tpu.memory_space<vmem>>, vector<1x16xf32>,
          %get3A_177 = arith.index_cast %sub3A_93 : i32 to index
          %get3A_178 = arith.constant 96 : index
          %get3A_179 = tpu.vector_load %arg11[%get3A_177, %get3A_178] {strides = array<i32>} : memref<320x128xf32, #tpu.memory_space<vmem>>, vector<1x16xf32>,
          %get3A_180 = vector.shape_cast %get3A_179 : vector<1x16xf32> to vector<16xf32>
          %get3A_181 = arith.index_cast %scan3A_83 : i32 to index
          %get3A_182 = arith.constant 96 : index
          %get3A_183 = tpu.vector_load %arg9[%get3A_181, %get3A_182] {strides = array<i32>} : memref<128x128xf32, #tpu.memory_space<vmem>>, vector<1x16xf32>,
          %get3A_184 = vector.shape_cast %get3A_183 : vector<1x16xf32> to vector<16xf32>
          %add3A_185 = arith.addf %get3A_180, %get3A_184 : vector<16xf32>
          %swap3A_186 = arith.index_cast %sub3A_93 : i32 to index
          %swap3A_187 = arith.constant 96 : index
          %swap3A_188 = tpu.vector_load %arg11[%swap3A_186, %swap3A_187] {strides = array<i32>} : memref<320x128xf32, #tpu.memory_space<vmem>>, vector<1x16xf32>,
          %swap3A_189 = vector.shape_cast %swap3A_188 : vector<1x16xf32> to vector<16xf32>
          %swap3A_190 = vector.shape_cast %add3A_185 : vector<16xf32> to vector<1x16xf32>
          tpu.vector_store %arg11[%swap3A_186, %swap3A_187], %swap3A_190 {strides = array<i32>} : memref<320x128xf32, #tpu.memory_space<vmem>>, vector<1x16xf32>,
          %get3A_191 = arith.index_cast %sub3A_93 : i32 to index
          %get3A_192 = arith.constant 112 : index
          %get3A_193 = tpu.vector_load %arg11[%get3A_191, %get3A_192] {strides = array<i32>} : memref<320x128xf32, #tpu.memory_space<vmem>>, vector<1x16xf32>,
          %get3A_194 = vector.shape_cast %get3A_193 : vector<1x16xf32> to vector<16xf32>
          %get3A_195 = arith.index_cast %scan3A_83 : i32 to index
          %get3A_196 = arith.constant 112 : index
          %get3A_197 = tpu.vector_load %arg9[%get3A_195, %get3A_196] {strides = array<i32>} : memref<128x128xf32, #tpu.memory_space<vmem>>, vector<1x16xf32>,
          %get3A_198 = vector.shape_cast %get3A_197 : vector<1x16xf32> to vector<16xf32>
          %add3A_199 = arith.addf %get3A_194, %get3A_198 : vector<16xf32>
          %swap3A_200 = arith.index_cast %sub3A_93 : i32 to index
          %swap3A_201 = arith.constant 112 : index
          %swap3A_202 = tpu.vector_load %arg11[%swap3A_200, %swap3A_201] {strides = array<i32>} : memref<320x128xf32, #tpu.memory_space<vmem>>, vector<1x16xf32>,
          %swap3A_203 = vector.shape_cast %swap3A_202 : vector<1x16xf32> to vector<16xf32>
          %swap3A_204 = vector.shape_cast %add3A_199 : vector<16xf32> to vector<1x16xf32>
          tpu.vector_store %arg11[%swap3A_200, %swap3A_201], %swap3A_204 {strides = array<i32>} : memref<320x128xf32, #tpu.memory_space<vmem>>, vector<1x16xf32>,
        } else {
        }
      }
      %scan3A_82 = arith.constant 128 : i32
    }
    %while3A_69 = arith.constant 1 : i32
    scf.for %while3A_70 = %while3A_67 to %while3A_63 step %while3A_69  : i32 {
      "tpu.region"() ({
        %run_scoped3A = tpu.sem_alloc : memref<!tpu.dma_semaphore, #tpu.memory_space<semaphore_mem>>
        %dma_start3A_83 = arith.constant 0 : i32
        %dma_start3A_84 = tpu.memref_slice %arg3[%while3A_70, %dma_start3A_83] : memref<2500x128xi32, #tpu.memory_space<hbm>> -> memref<1x128xi32, #tpu.memory_space<hbm>>
        %dma_start3A_85 = tpu.memref_squeeze %dma_start3A_84 : memref<1x128xi32, #tpu.memory_space<hbm>> -> memref<128xi32, #tpu.memory_space<hbm>>
        %dma_start3A_86 = arith.constant 0 : i32
        %dma_start3A_87 = tpu.memref_slice %arg3[%while3A_70, %dma_start3A_86] : memref<2500x128xi32, #tpu.memory_space<hbm>> -> memref<1x128xi32, #tpu.memory_space<hbm>>
        %dma_start3A_88 = tpu.memref_squeeze %dma_start3A_87 : memref<1x128xi32, #tpu.memory_space<hbm>> -> memref<128xi32, #tpu.memory_space<hbm>>
        tpu.enqueue_dma source(%dma_start3A_88 : memref<128xi32, #tpu.memory_space<hbm>>) target(%arg7 : memref<128xi32, #tpu.memory_space<vmem>>) target_semaphore(%run_scoped3A : memref<!tpu.dma_semaphore, #tpu.memory_space<semaphore_mem>>)
        %dma_wait3A_89 = arith.constant 0 : i32
        %dma_wait3A_90 = tpu.memref_slice %arg3[%while3A_70, %dma_wait3A_89] : memref<2500x128xi32, #tpu.memory_space<hbm>> -> memref<1x128xi32, #tpu.memory_space<hbm>>
        %dma_wait3A_91 = tpu.memref_squeeze %dma_wait3A_90 : memref<1x128xi32, #tpu.memory_space<hbm>> -> memref<128xi32, #tpu.memory_space<hbm>>
        %dma_wait3A_92 = arith.constant 0 : i32
        %dma_wait3A_93 = tpu.memref_slice %arg3[%while3A_70, %dma_wait3A_92] : memref<2500x128xi32, #tpu.memory_space<hbm>> -> memref<1x128xi32, #tpu.memory_space<hbm>>
        %dma_wait3A_94 = tpu.memref_squeeze %dma_wait3A_93 : memref<1x128xi32, #tpu.memory_space<hbm>> -> memref<128xi32, #tpu.memory_space<hbm>>
        tpu.wait_dma2 semaphore(%run_scoped3A : memref<!tpu.dma_semaphore, #tpu.memory_space<semaphore_mem>>) src(%dma_wait3A_94 : memref<128xi32, #tpu.memory_space<hbm>>) dst(%arg7 : memref<128xi32, #tpu.memory_space<vmem>>)
        tpu.yield
      }) : () -> ()
      "tpu.region"() ({
        %run_scoped3A = tpu.sem_alloc : memref<!tpu.dma_semaphore, #tpu.memory_space<semaphore_mem>>
        %dma_start3A_83 = arith.constant 0 : i32
        %dma_start3A_84 = tpu.memref_slice %arg8[%dma_start3A_83] : memref<144xi32, #tpu.memory_space<vmem>> -> memref<128xi32, #tpu.memory_space<vmem>>
        %dma_start3A_85 = arith.constant 0 : i32
        %dma_start3A_86 = tpu.memref_slice %arg4[%while3A_70, %dma_start3A_85] : memref<2500x128xi32, #tpu.memory_space<hbm>> -> memref<1x128xi32, #tpu.memory_space<hbm>>
        %dma_start3A_87 = tpu.memref_squeeze %dma_start3A_86 : memref<1x128xi32, #tpu.memory_space<hbm>> -> memref<128xi32, #tpu.memory_space<hbm>>
        %dma_start3A_88 = arith.constant 0 : i32
        %dma_start3A_89 = tpu.memref_slice %arg8[%dma_start3A_88] : memref<144xi32, #tpu.memory_space<vmem>> -> memref<128xi32, #tpu.memory_space<vmem>>
        %dma_start3A_90 = arith.constant 0 : i32
        %dma_start3A_91 = tpu.memref_slice %arg4[%while3A_70, %dma_start3A_90] : memref<2500x128xi32, #tpu.memory_space<hbm>> -> memref<1x128xi32, #tpu.memory_space<hbm>>
        %dma_start3A_92 = tpu.memref_squeeze %dma_start3A_91 : memref<1x128xi32, #tpu.memory_space<hbm>> -> memref<128xi32, #tpu.memory_space<hbm>>
        tpu.enqueue_dma source(%dma_start3A_92 : memref<128xi32, #tpu.memory_space<hbm>>) target(%dma_start3A_89 : memref<128xi32, #tpu.memory_space<vmem>>) target_semaphore(%run_scoped3A : memref<!tpu.dma_semaphore, #tpu.memory_space<semaphore_mem>>)
        %dma_wait3A_93 = arith.constant 0 : i32
        %dma_wait3A_94 = tpu.memref_slice %arg8[%dma_wait3A_93] : memref<144xi32, #tpu.memory_space<vmem>> -> memref<128xi32, #tpu.memory_space<vmem>>
        %dma_wait3A_95 = arith.constant 0 : i32
        %dma_wait3A_96 = tpu.memref_slice %arg4[%while3A_70, %dma_wait3A_95] : memref<2500x128xi32, #tpu.memory_space<hbm>> -> memref<1x128xi32, #tpu.memory_space<hbm>>
        %dma_wait3A_97 = tpu.memref_squeeze %dma_wait3A_96 : memref<1x128xi32, #tpu.memory_space<hbm>> -> memref<128xi32, #tpu.memory_space<hbm>>
        %dma_wait3A_98 = arith.constant 0 : i32
        %dma_wait3A_99 = tpu.memref_slice %arg8[%dma_wait3A_98] : memref<144xi32, #tpu.memory_space<vmem>> -> memref<128xi32, #tpu.memory_space<vmem>>
        %dma_wait3A_100 = arith.constant 0 : i32
        %dma_wait3A_101 = tpu.memref_slice %arg4[%while3A_70, %dma_wait3A_100] : memref<2500x128xi32, #tpu.memory_space<hbm>> -> memref<1x128xi32, #tpu.memory_space<hbm>>
        %dma_wait3A_102 = tpu.memref_squeeze %dma_wait3A_101 : memref<1x128xi32, #tpu.memory_space<hbm>> -> memref<128xi32, #tpu.memory_space<hbm>>
        tpu.wait_dma2 semaphore(%run_scoped3A : memref<!tpu.dma_semaphore, #tpu.memory_space<semaphore_mem>>) src(%dma_wait3A_102 : memref<128xi32, #tpu.memory_space<hbm>>) dst(%dma_wait3A_99 : memref<128xi32, #tpu.memory_space<vmem>>)
        tpu.yield
      }) : () -> ()
      %dma_start3A = arith.constant 0 : i32
      %dma_start3A_71 = arith.constant 0 : i32
      %dma_start3A_72 = tpu.memref_slice %arg2[%dma_start3A, %dma_start3A_71] : memref<10240x128xf32, #tpu.memory_space<hbm>> -> memref<10240x128xf32, #tpu.memory_space<hbm>>
      tpu.enqueue_indirect_dma source(%dma_start3A_72 : memref<10240x128xf32, #tpu.memory_space<hbm>>) target(%arg9 : memref<128x128xf32, #tpu.memory_space<vmem>>) offsets(%arg7 : memref<128xi32, #tpu.memory_space<vmem>>) semaphore(%arg12 : memref<!tpu.dma_semaphore, #tpu.memory_space<semaphore_mem>>)
      %dma_wait3A = arith.constant 0 : i32
      %dma_wait3A_73 = arith.constant 0 : i32
      %dma_wait3A_74 = tpu.memref_slice %arg2[%dma_wait3A, %dma_wait3A_73] : memref<10240x128xf32, #tpu.memory_space<hbm>> -> memref<10240x128xf32, #tpu.memory_space<hbm>>
      tpu.wait_indirect_dma semaphore(%arg12 : memref<!tpu.dma_semaphore, #tpu.memory_space<semaphore_mem>>) src(%dma_wait3A_74 : memref<10240x128xf32, #tpu.memory_space<hbm>>) dst(%arg9 : memref<128x128xf32, #tpu.memory_space<vmem>>)
      %mul3A_75 = arith.constant 128 : i32
      %mul3A_76 = arith.muli %while3A_70, %mul3A_75 : i32
      %scan3A_77 = arith.constant 0 : i32
      %scan3A_78 = arith.constant 0 : i32
      %scan3A_79 = arith.constant 128 : i32
      %scan3A_80 = arith.addi %scan3A_78, %scan3A_79 : i32
      %scan3A_81 = arith.constant 1 : i32
      scf.for %scan3A_83 = %scan3A_78 to %scan3A_80 step %scan3A_81  : i32 {
        %add3A_84 = arith.addi %mul3A_76, %scan3A_83 : i32
        %ge3A = arith.cmpi sge, %add3A_84, %squeeze3A : i32
        %add3A_85 = arith.addi %mul3A_76, %scan3A_83 : i32
        %lt3A = arith.cmpi slt, %add3A_85, %squeeze3A_17 : i32
        %and3A_86 = arith.andi %ge3A, %lt3A : i1
        %convert_element_type3A = arith.extui %and3A_86 : i1 to i32
        %cond3A = arith.constant 0 : i32
        %cond3A_87 = arith.cmpi ne, %convert_element_type3A, %cond3A : i32
        scf.if %cond3A_87 {
          %get3A_88 = arith.index_cast %scan3A_83 : i32 to index
          %get3A_89 = tpu.vector_load %arg8[%get3A_88] {strides = array<i32>} : memref<144xi32, #tpu.memory_space<vmem>>, vector<16xi32>,
          %get3A_90 = vector.shape_cast %get3A_89 : vector<16xi32> to vector<16xi32>
          %slice3A_91 = vector.extract_strided_slice %get3A_90 {offsets = [0], sizes = [1], strides = [1]} : vector<16xi32> to vector<1xi32>
          %squeeze3A_92 = vector.extract %slice3A_91[0] : i32 from vector<1xi32>
          %sub3A_93 = arith.subi %squeeze3A_92, %mul3A_2 : i32
          %get3A_94 = arith.index_cast %sub3A_93 : i32 to index
          %get3A_95 = arith.constant 0 : index
          %get3A_96 = tpu.vector_load %arg11[%get3A_94, %get3A_95] {strides = array<i32>} : memref<320x128xf32, #tpu.memory_space<vmem>>, vector<1x16xf32>,
          %get3A_97 = vector.shape_cast %get3A_96 : vector<1x16xf32> to vector<16xf32>
          %get3A_98 = arith.index_cast %scan3A_83 : i32 to index
          %get3A_99 = arith.constant 0 : index
          %get3A_100 = tpu.vector_load %arg9[%get3A_98, %get3A_99] {strides = array<i32>} : memref<128x128xf32, #tpu.memory_space<vmem>>, vector<1x16xf32>,
          %get3A_101 = vector.shape_cast %get3A_100 : vector<1x16xf32> to vector<16xf32>
          %add3A_102 = arith.addf %get3A_97, %get3A_101 : vector<16xf32>
          %swap3A = arith.index_cast %sub3A_93 : i32 to index
          %swap3A_103 = arith.constant 0 : index
          %swap3A_104 = tpu.vector_load %arg11[%swap3A, %swap3A_103] {strides = array<i32>} : memref<320x128xf32, #tpu.memory_space<vmem>>, vector<1x16xf32>,
          %swap3A_105 = vector.shape_cast %swap3A_104 : vector<1x16xf32> to vector<16xf32>
          %swap3A_106 = vector.shape_cast %add3A_102 : vector<16xf32> to vector<1x16xf32>
          tpu.vector_store %arg11[%swap3A, %swap3A_103], %swap3A_106 {strides = array<i32>} : memref<320x128xf32, #tpu.memory_space<vmem>>, vector<1x16xf32>,
          %get3A_107 = arith.index_cast %sub3A_93 : i32 to index
          %get3A_108 = arith.constant 16 : index
          %get3A_109 = tpu.vector_load %arg11[%get3A_107, %get3A_108] {strides = array<i32>} : memref<320x128xf32, #tpu.memory_space<vmem>>, vector<1x16xf32>,
          %get3A_110 = vector.shape_cast %get3A_109 : vector<1x16xf32> to vector<16xf32>
          %get3A_111 = arith.index_cast %scan3A_83 : i32 to index
          %get3A_112 = arith.constant 16 : index
          %get3A_113 = tpu.vector_load %arg9[%get3A_111, %get3A_112] {strides = array<i32>} : memref<128x128xf32, #tpu.memory_space<vmem>>, vector<1x16xf32>,
          %get3A_114 = vector.shape_cast %get3A_113 : vector<1x16xf32> to vector<16xf32>
          %add3A_115 = arith.addf %get3A_110, %get3A_114 : vector<16xf32>
          %swap3A_116 = arith.index_cast %sub3A_93 : i32 to index
          %swap3A_117 = arith.constant 16 : index
          %swap3A_118 = tpu.vector_load %arg11[%swap3A_116, %swap3A_117] {strides = array<i32>} : memref<320x128xf32, #tpu.memory_space<vmem>>, vector<1x16xf32>,
          %swap3A_119 = vector.shape_cast %swap3A_118 : vector<1x16xf32> to vector<16xf32>
          %swap3A_120 = vector.shape_cast %add3A_115 : vector<16xf32> to vector<1x16xf32>
          tpu.vector_store %arg11[%swap3A_116, %swap3A_117], %swap3A_120 {strides = array<i32>} : memref<320x128xf32, #tpu.memory_space<vmem>>, vector<1x16xf32>,
          %get3A_121 = arith.index_cast %sub3A_93 : i32 to index
          %get3A_122 = arith.constant 32 : index
          %get3A_123 = tpu.vector_load %arg11[%get3A_121, %get3A_122] {strides = array<i32>} : memref<320x128xf32, #tpu.memory_space<vmem>>, vector<1x16xf32>,
          %get3A_124 = vector.shape_cast %get3A_123 : vector<1x16xf32> to vector<16xf32>
          %get3A_125 = arith.index_cast %scan3A_83 : i32 to index
          %get3A_126 = arith.constant 32 : index
          %get3A_127 = tpu.vector_load %arg9[%get3A_125, %get3A_126] {strides = array<i32>} : memref<128x128xf32, #tpu.memory_space<vmem>>, vector<1x16xf32>,
          %get3A_128 = vector.shape_cast %get3A_127 : vector<1x16xf32> to vector<16xf32>
          %add3A_129 = arith.addf %get3A_124, %get3A_128 : vector<16xf32>
          %swap3A_130 = arith.index_cast %sub3A_93 : i32 to index
          %swap3A_131 = arith.constant 32 : index
          %swap3A_132 = tpu.vector_load %arg11[%swap3A_130, %swap3A_131] {strides = array<i32>} : memref<320x128xf32, #tpu.memory_space<vmem>>, vector<1x16xf32>,
          %swap3A_133 = vector.shape_cast %swap3A_132 : vector<1x16xf32> to vector<16xf32>
          %swap3A_134 = vector.shape_cast %add3A_129 : vector<16xf32> to vector<1x16xf32>
          tpu.vector_store %arg11[%swap3A_130, %swap3A_131], %swap3A_134 {strides = array<i32>} : memref<320x128xf32, #tpu.memory_space<vmem>>, vector<1x16xf32>,
          %get3A_135 = arith.index_cast %sub3A_93 : i32 to index
          %get3A_136 = arith.constant 48 : index
          %get3A_137 = tpu.vector_load %arg11[%get3A_135, %get3A_136] {strides = array<i32>} : memref<320x128xf32, #tpu.memory_space<vmem>>, vector<1x16xf32>,
          %get3A_138 = vector.shape_cast %get3A_137 : vector<1x16xf32> to vector<16xf32>
          %get3A_139 = arith.index_cast %scan3A_83 : i32 to index
          %get3A_140 = arith.constant 48 : index
          %get3A_141 = tpu.vector_load %arg9[%get3A_139, %get3A_140] {strides = array<i32>} : memref<128x128xf32, #tpu.memory_space<vmem>>, vector<1x16xf32>,
          %get3A_142 = vector.shape_cast %get3A_141 : vector<1x16xf32> to vector<16xf32>
          %add3A_143 = arith.addf %get3A_138, %get3A_142 : vector<16xf32>
          %swap3A_144 = arith.index_cast %sub3A_93 : i32 to index
          %swap3A_145 = arith.constant 48 : index
          %swap3A_146 = tpu.vector_load %arg11[%swap3A_144, %swap3A_145] {strides = array<i32>} : memref<320x128xf32, #tpu.memory_space<vmem>>, vector<1x16xf32>,
          %swap3A_147 = vector.shape_cast %swap3A_146 : vector<1x16xf32> to vector<16xf32>
          %swap3A_148 = vector.shape_cast %add3A_143 : vector<16xf32> to vector<1x16xf32>
          tpu.vector_store %arg11[%swap3A_144, %swap3A_145], %swap3A_148 {strides = array<i32>} : memref<320x128xf32, #tpu.memory_space<vmem>>, vector<1x16xf32>,
          %get3A_149 = arith.index_cast %sub3A_93 : i32 to index
          %get3A_150 = arith.constant 64 : index
          %get3A_151 = tpu.vector_load %arg11[%get3A_149, %get3A_150] {strides = array<i32>} : memref<320x128xf32, #tpu.memory_space<vmem>>, vector<1x16xf32>,
          %get3A_152 = vector.shape_cast %get3A_151 : vector<1x16xf32> to vector<16xf32>
          %get3A_153 = arith.index_cast %scan3A_83 : i32 to index
          %get3A_154 = arith.constant 64 : index
          %get3A_155 = tpu.vector_load %arg9[%get3A_153, %get3A_154] {strides = array<i32>} : memref<128x128xf32, #tpu.memory_space<vmem>>, vector<1x16xf32>,
          %get3A_156 = vector.shape_cast %get3A_155 : vector<1x16xf32> to vector<16xf32>
          %add3A_157 = arith.addf %get3A_152, %get3A_156 : vector<16xf32>
          %swap3A_158 = arith.index_cast %sub3A_93 : i32 to index
          %swap3A_159 = arith.constant 64 : index
          %swap3A_160 = tpu.vector_load %arg11[%swap3A_158, %swap3A_159] {strides = array<i32>} : memref<320x128xf32, #tpu.memory_space<vmem>>, vector<1x16xf32>,
          %swap3A_161 = vector.shape_cast %swap3A_160 : vector<1x16xf32> to vector<16xf32>
          %swap3A_162 = vector.shape_cast %add3A_157 : vector<16xf32> to vector<1x16xf32>
          tpu.vector_store %arg11[%swap3A_158, %swap3A_159], %swap3A_162 {strides = array<i32>} : memref<320x128xf32, #tpu.memory_space<vmem>>, vector<1x16xf32>,
          %get3A_163 = arith.index_cast %sub3A_93 : i32 to index
          %get3A_164 = arith.constant 80 : index
          %get3A_165 = tpu.vector_load %arg11[%get3A_163, %get3A_164] {strides = array<i32>} : memref<320x128xf32, #tpu.memory_space<vmem>>, vector<1x16xf32>,
          %get3A_166 = vector.shape_cast %get3A_165 : vector<1x16xf32> to vector<16xf32>
          %get3A_167 = arith.index_cast %scan3A_83 : i32 to index
          %get3A_168 = arith.constant 80 : index
          %get3A_169 = tpu.vector_load %arg9[%get3A_167, %get3A_168] {strides = array<i32>} : memref<128x128xf32, #tpu.memory_space<vmem>>, vector<1x16xf32>,
          %get3A_170 = vector.shape_cast %get3A_169 : vector<1x16xf32> to vector<16xf32>
          %add3A_171 = arith.addf %get3A_166, %get3A_170 : vector<16xf32>
          %swap3A_172 = arith.index_cast %sub3A_93 : i32 to index
          %swap3A_173 = arith.constant 80 : index
          %swap3A_174 = tpu.vector_load %arg11[%swap3A_172, %swap3A_173] {strides = array<i32>} : memref<320x128xf32, #tpu.memory_space<vmem>>, vector<1x16xf32>,
          %swap3A_175 = vector.shape_cast %swap3A_174 : vector<1x16xf32> to vector<16xf32>
          %swap3A_176 = vector.shape_cast %add3A_171 : vector<16xf32> to vector<1x16xf32>
          tpu.vector_store %arg11[%swap3A_172, %swap3A_173], %swap3A_176 {strides = array<i32>} : memref<320x128xf32, #tpu.memory_space<vmem>>, vector<1x16xf32>,
          %get3A_177 = arith.index_cast %sub3A_93 : i32 to index
          %get3A_178 = arith.constant 96 : index
          %get3A_179 = tpu.vector_load %arg11[%get3A_177, %get3A_178] {strides = array<i32>} : memref<320x128xf32, #tpu.memory_space<vmem>>, vector<1x16xf32>,
          %get3A_180 = vector.shape_cast %get3A_179 : vector<1x16xf32> to vector<16xf32>
          %get3A_181 = arith.index_cast %scan3A_83 : i32 to index
          %get3A_182 = arith.constant 96 : index
          %get3A_183 = tpu.vector_load %arg9[%get3A_181, %get3A_182] {strides = array<i32>} : memref<128x128xf32, #tpu.memory_space<vmem>>, vector<1x16xf32>,
          %get3A_184 = vector.shape_cast %get3A_183 : vector<1x16xf32> to vector<16xf32>
          %add3A_185 = arith.addf %get3A_180, %get3A_184 : vector<16xf32>
          %swap3A_186 = arith.index_cast %sub3A_93 : i32 to index
          %swap3A_187 = arith.constant 96 : index
          %swap3A_188 = tpu.vector_load %arg11[%swap3A_186, %swap3A_187] {strides = array<i32>} : memref<320x128xf32, #tpu.memory_space<vmem>>, vector<1x16xf32>,
          %swap3A_189 = vector.shape_cast %swap3A_188 : vector<1x16xf32> to vector<16xf32>
          %swap3A_190 = vector.shape_cast %add3A_185 : vector<16xf32> to vector<1x16xf32>
          tpu.vector_store %arg11[%swap3A_186, %swap3A_187], %swap3A_190 {strides = array<i32>} : memref<320x128xf32, #tpu.memory_space<vmem>>, vector<1x16xf32>,
          %get3A_191 = arith.index_cast %sub3A_93 : i32 to index
          %get3A_192 = arith.constant 112 : index
          %get3A_193 = tpu.vector_load %arg11[%get3A_191, %get3A_192] {strides = array<i32>} : memref<320x128xf32, #tpu.memory_space<vmem>>, vector<1x16xf32>,
          %get3A_194 = vector.shape_cast %get3A_193 : vector<1x16xf32> to vector<16xf32>
          %get3A_195 = arith.index_cast %scan3A_83 : i32 to index
          %get3A_196 = arith.constant 112 : index
          %get3A_197 = tpu.vector_load %arg9[%get3A_195, %get3A_196] {strides = array<i32>} : memref<128x128xf32, #tpu.memory_space<vmem>>, vector<1x16xf32>,
          %get3A_198 = vector.shape_cast %get3A_197 : vector<1x16xf32> to vector<16xf32>
          %add3A_199 = arith.addf %get3A_194, %get3A_198 : vector<16xf32>
          %swap3A_200 = arith.index_cast %sub3A_93 : i32 to index
          %swap3A_201 = arith.constant 112 : index
          %swap3A_202 = tpu.vector_load %arg11[%swap3A_200, %swap3A_201] {strides = array<i32>} : memref<320x128xf32, #tpu.memory_space<vmem>>, vector<1x16xf32>,
          %swap3A_203 = vector.shape_cast %swap3A_202 : vector<1x16xf32> to vector<16xf32>
          %swap3A_204 = vector.shape_cast %add3A_199 : vector<16xf32> to vector<1x16xf32>
          tpu.vector_store %arg11[%swap3A_200, %swap3A_201], %swap3A_204 {strides = array<i32>} : memref<320x128xf32, #tpu.memory_space<vmem>>, vector<1x16xf32>,
        } else {
        }
      }
      %scan3A_82 = arith.constant 128 : i32
    }
    "tpu.region"() ({
      %run_scoped3A = tpu.sem_alloc : memref<!tpu.dma_semaphore, #tpu.memory_space<semaphore_mem>>
      %dma_start3A = arith.constant 0 : i32
      %dma_start3A_70 = tpu.memref_slice %arg6[%mul3A_2, %dma_start3A] : memref<10240x128xf32, #tpu.memory_space<hbm>> -> memref<320x128xf32, #tpu.memory_space<hbm>>
      %dma_start3A_71 = arith.constant 0 : i32
      %dma_start3A_72 = tpu.memref_slice %arg6[%mul3A_2, %dma_start3A_71] : memref<10240x128xf32, #tpu.memory_space<hbm>> -> memref<320x128xf32, #tpu.memory_space<hbm>>
      tpu.enqueue_dma source(%arg11 : memref<320x128xf32, #tpu.memory_space<vmem>>) target(%dma_start3A_72 : memref<320x128xf32, #tpu.memory_space<hbm>>) target_semaphore(%run_scoped3A : memref<!tpu.dma_semaphore, #tpu.memory_space<semaphore_mem>>)
      %dma_wait3A = arith.constant 0 : i32
      %dma_wait3A_73 = tpu.memref_slice %arg6[%mul3A_2, %dma_wait3A] : memref<10240x128xf32, #tpu.memory_space<hbm>> -> memref<320x128xf32, #tpu.memory_space<hbm>>
      %dma_wait3A_74 = arith.constant 0 : i32
      %dma_wait3A_75 = tpu.memref_slice %arg6[%mul3A_2, %dma_wait3A_74] : memref<10240x128xf32, #tpu.memory_space<hbm>> -> memref<320x128xf32, #tpu.memory_space<hbm>>
      tpu.wait_dma2 semaphore(%run_scoped3A : memref<!tpu.dma_semaphore, #tpu.memory_space<semaphore_mem>>) src(%arg11 : memref<320x128xf32, #tpu.memory_space<vmem>>) dst(%dma_wait3A_75 : memref<320x128xf32, #tpu.memory_space<hbm>>)
      tpu.yield
    }) : () -> ()
    return
  }
}

#map = affine_map<(d0, d1) -> (0, 0)>
#map1 = affine_map<(d0, d1) -> (0)>
module attributes {stable_mosaic.version = 14 : i64} {
  func.func @_segsum_body(%arg0: i32, %arg1: i32, %arg2: memref<10240x128xf32, #tpu.memory_space<hbm>>, %arg3: memref<2500x128xi32, #tpu.memory_space<hbm>>, %arg4: memref<2500x128xi32, #tpu.memory_space<hbm>>, %arg5: memref<64xi32, #tpu.memory_space<hbm>>, %arg6: memref<10240x128xf32, #tpu.memory_space<hbm>>, %arg7: memref<128xi32, #tpu.memory_space<vmem>>, %arg8: memref<144xi32, #tpu.memory_space<vmem>>, %arg9: memref<128x128xf32, #tpu.memory_space<vmem>>, %arg10: memref<64xi32, #tpu.memory_space<vmem>>, %arg11: memref<320x128xf32, #tpu.memory_space<vmem>>, %arg12: memref<!tpu.dma_semaphore, #tpu.memory_space<semaphore_mem>>) attributes {dimension_semantics = [#tpu.dimension_semantics<core_parallel>, #tpu.dimension_semantics<subcore_parallel>], iteration_bounds = array<i64: 2, 16>, scalar_prefetch = 0 : i64, scratch_operands = 6 : i64, tpu.core_type = #tpu.core_type<sc_vector_subcore>, window_params = [{transform_indices = #map}, {transform_indices = #map}, {transform_indices = #map}, {transform_indices = #map1}, {transform_indices = #map}]} {
    %mul3A = arith.constant 16 : i32
    %mul3A_0 = arith.muli %arg0, %mul3A : i32
    %add3A = arith.addi %mul3A_0, %arg1 : i32
    %mul3A_1 = arith.constant 320 : i32
    %mul3A_2 = arith.muli %add3A, %mul3A_1 : i32
    %broadcast_in_dim3A = arith.constant 0.000000e+00 : f32
    %broadcast_in_dim3A_3 = vector.broadcast %broadcast_in_dim3A : f32 to vector<16xf32>
    %scan3A = arith.constant 0 : i32
    %scan3A_4 = arith.constant 0 : i32
    %scan3A_5 = arith.constant 320 : i32
    %scan3A_6 = arith.addi %scan3A_4, %scan3A_5 : i32
    %scan3A_7 = arith.constant 1 : i32
    scf.for %scan3A_70 = %scan3A_4 to %scan3A_6 step %scan3A_7  : i32 {
      %swap3A = arith.index_cast %scan3A_70 : i32 to index
      %swap3A_71 = arith.constant 0 : index
      %swap3A_72 = tpu.vector_load %arg11[%swap3A, %swap3A_71] {strides = array<i32>} : memref<320x128xf32, #tpu.memory_space<vmem>>, vector<1x16xf32>,
      %swap3A_73 = vector.shape_cast %swap3A_72 : vector<1x16xf32> to vector<16xf32>
      %swap3A_74 = vector.shape_cast %broadcast_in_dim3A_3 : vector<16xf32> to vector<1x16xf32>
      tpu.vector_store %arg11[%swap3A, %swap3A_71], %swap3A_74 {strides = array<i32>} : memref<320x128xf32, #tpu.memory_space<vmem>>, vector<1x16xf32>,
      %swap3A_75 = arith.index_cast %scan3A_70 : i32 to index
      %swap3A_76 = arith.constant 16 : index
      %swap3A_77 = tpu.vector_load %arg11[%swap3A_75, %swap3A_76] {strides = array<i32>} : memref<320x128xf32, #tpu.memory_space<vmem>>, vector<1x16xf32>,
      %swap3A_78 = vector.shape_cast %swap3A_77 : vector<1x16xf32> to vector<16xf32>
      %swap3A_79 = vector.shape_cast %broadcast_in_dim3A_3 : vector<16xf32> to vector<1x16xf32>
      tpu.vector_store %arg11[%swap3A_75, %swap3A_76], %swap3A_79 {strides = array<i32>} : memref<320x128xf32, #tpu.memory_space<vmem>>, vector<1x16xf32>,
      %swap3A_80 = arith.index_cast %scan3A_70 : i32 to index
      %swap3A_81 = arith.constant 32 : index
      %swap3A_82 = tpu.vector_load %arg11[%swap3A_80, %swap3A_81] {strides = array<i32>} : memref<320x128xf32, #tpu.memory_space<vmem>>, vector<1x16xf32>,
      %swap3A_83 = vector.shape_cast %swap3A_82 : vector<1x16xf32> to vector<16xf32>
      %swap3A_84 = vector.shape_cast %broadcast_in_dim3A_3 : vector<16xf32> to vector<1x16xf32>
      tpu.vector_store %arg11[%swap3A_80, %swap3A_81], %swap3A_84 {strides = array<i32>} : memref<320x128xf32, #tpu.memory_space<vmem>>, vector<1x16xf32>,
      %swap3A_85 = arith.index_cast %scan3A_70 : i32 to index
      %swap3A_86 = arith.constant 48 : index
      %swap3A_87 = tpu.vector_load %arg11[%swap3A_85, %swap3A_86] {strides = array<i32>} : memref<320x128xf32, #tpu.memory_space<vmem>>, vector<1x16xf32>,
      %swap3A_88 = vector.shape_cast %swap3A_87 : vector<1x16xf32> to vector<16xf32>
      %swap3A_89 = vector.shape_cast %broadcast_in_dim3A_3 : vector<16xf32> to vector<1x16xf32>
      tpu.vector_store %arg11[%swap3A_85, %swap3A_86], %swap3A_89 {strides = array<i32>} : memref<320x128xf32, #tpu.memory_space<vmem>>, vector<1x16xf32>,
      %swap3A_90 = arith.index_cast %scan3A_70 : i32 to index
      %swap3A_91 = arith.constant 64 : index
      %swap3A_92 = tpu.vector_load %arg11[%swap3A_90, %swap3A_91] {strides = array<i32>} : memref<320x128xf32, #tpu.memory_space<vmem>>, vector<1x16xf32>,
      %swap3A_93 = vector.shape_cast %swap3A_92 : vector<1x16xf32> to vector<16xf32>
      %swap3A_94 = vector.shape_cast %broadcast_in_dim3A_3 : vector<16xf32> to vector<1x16xf32>
      tpu.vector_store %arg11[%swap3A_90, %swap3A_91], %swap3A_94 {strides = array<i32>} : memref<320x128xf32, #tpu.memory_space<vmem>>, vector<1x16xf32>,
      %swap3A_95 = arith.index_cast %scan3A_70 : i32 to index
      %swap3A_96 = arith.constant 80 : index
      %swap3A_97 = tpu.vector_load %arg11[%swap3A_95, %swap3A_96] {strides = array<i32>} : memref<320x128xf32, #tpu.memory_space<vmem>>, vector<1x16xf32>,
      %swap3A_98 = vector.shape_cast %swap3A_97 : vector<1x16xf32> to vector<16xf32>
      %swap3A_99 = vector.shape_cast %broadcast_in_dim3A_3 : vector<16xf32> to vector<1x16xf32>
      tpu.vector_store %arg11[%swap3A_95, %swap3A_96], %swap3A_99 {strides = array<i32>} : memref<320x128xf32, #tpu.memory_space<vmem>>, vector<1x16xf32>,
      %swap3A_100 = arith.index_cast %scan3A_70 : i32 to index
      %swap3A_101 = arith.constant 96 : index
      %swap3A_102 = tpu.vector_load %arg11[%swap3A_100, %swap3A_101] {strides = array<i32>} : memref<320x128xf32, #tpu.memory_space<vmem>>, vector<1x16xf32>,
      %swap3A_103 = vector.shape_cast %swap3A_102 : vector<1x16xf32> to vector<16xf32>
      %swap3A_104 = vector.shape_cast %broadcast_in_dim3A_3 : vector<16xf32> to vector<1x16xf32>
      tpu.vector_store %arg11[%swap3A_100, %swap3A_101], %swap3A_104 {strides = array<i32>} : memref<320x128xf32, #tpu.memory_space<vmem>>, vector<1x16xf32>,
      %swap3A_105 = arith.index_cast %scan3A_70 : i32 to index
      %swap3A_106 = arith.constant 112 : index
      %swap3A_107 = tpu.vector_load %arg11[%swap3A_105, %swap3A_106] {strides = array<i32>} : memref<320x128xf32, #tpu.memory_space<vmem>>, vector<1x16xf32>,
      %swap3A_108 = vector.shape_cast %swap3A_107 : vector<1x16xf32> to vector<16xf32>
      %swap3A_109 = vector.shape_cast %broadcast_in_dim3A_3 : vector<16xf32> to vector<1x16xf32>
      tpu.vector_store %arg11[%swap3A_105, %swap3A_106], %swap3A_109 {strides = array<i32>} : memref<320x128xf32, #tpu.memory_space<vmem>>, vector<1x16xf32>,
    }
    %scan3A_8 = arith.constant 320 : i32
    "tpu.region"() ({
      %run_scoped3A = tpu.sem_alloc : memref<!tpu.dma_semaphore, #tpu.memory_space<semaphore_mem>>
      tpu.enqueue_dma source(%arg5 : memref<64xi32, #tpu.memory_space<hbm>>) target(%arg10 : memref<64xi32, #tpu.memory_space<vmem>>) target_semaphore(%run_scoped3A : memref<!tpu.dma_semaphore, #tpu.memory_space<semaphore_mem>>)
      tpu.wait_dma2 semaphore(%run_scoped3A : memref<!tpu.dma_semaphore, #tpu.memory_space<semaphore_mem>>) src(%arg5 : memref<64xi32, #tpu.memory_space<hbm>>) dst(%arg10 : memref<64xi32, #tpu.memory_space<vmem>>)
      tpu.yield
    }) : () -> ()
    %get3A = arith.index_cast %add3A : i32 to index
    %get3A_9 = tpu.vector_load %arg10[%get3A] {strides = array<i32>} : memref<64xi32, #tpu.memory_space<vmem>>, vector<16xi32>,
    %get3A_10 = vector.shape_cast %get3A_9 : vector<16xi32> to vector<16xi32>
    %slice3A = vector.extract_strided_slice %get3A_10 {offsets = [0], sizes = [1], strides = [1]} : vector<16xi32> to vector<1xi32>
    %squeeze3A = vector.extract %slice3A[0] : i32 from vector<1xi32>
    %add3A_11 = arith.constant 1 : i32
    %add3A_12 = arith.addi %add3A, %add3A_11 : i32
    %get3A_13 = arith.index_cast %add3A_12 : i32 to index
    %get3A_14 = tpu.vector_load %arg10[%get3A_13] {strides = array<i32>} : memref<64xi32, #tpu.memory_space<vmem>>, vector<16xi32>,
    %get3A_15 = vector.shape_cast %get3A_14 : vector<16xi32> to vector<16xi32>
    %slice3A_16 = vector.extract_strided_slice %get3A_15 {offsets = [0], sizes = [1], strides = [1]} : vector<16xi32> to vector<1xi32>
    %squeeze3A_17 = vector.extract %slice3A_16[0] : i32 from vector<1xi32>
    %jit3A = arith.constant 128 : i32
    %div3A = arith.divsi %squeeze3A, %jit3A : i32
    %sign3A = arith.constant 0 : i32
    %sign3A_18 = arith.cmpi sgt, %squeeze3A, %sign3A : i32
    %sign3A_19 = arith.extui %sign3A_18 : i1 to i32
    %sign3A_20 = arith.constant 0 : i32
    %sign3A_21 = arith.cmpi slt, %squeeze3A, %sign3A_20 : i32
    %sign3A_22 = arith.extui %sign3A_21 : i1 to i32
    %sign3A_23 = arith.subi %sign3A_19, %sign3A_22 : i32
    %sign3A_24 = arith.constant 0 : i32
    %sign3A_25 = arith.cmpi sgt, %jit3A, %sign3A_24 : i32
    %sign3A_26 = arith.extui %sign3A_25 : i1 to i32
    %sign3A_27 = arith.constant 0 : i32
    %sign3A_28 = arith.cmpi slt, %jit3A, %sign3A_27 : i32
    %sign3A_29 = arith.extui %sign3A_28 : i1 to i32
    %sign3A_30 = arith.subi %sign3A_26, %sign3A_29 : i32
    %ne3A = arith.cmpi ne, %sign3A_23, %sign3A_30 : i32
    %rem3A = arith.remsi %squeeze3A, %jit3A : i32
    %ne3A_31 = arith.constant 0 : i32
    %ne3A_32 = arith.cmpi ne, %rem3A, %ne3A_31 : i32
    %and3A = arith.andi %ne3A, %ne3A_32 : i1
    %sub3A = arith.constant 1 : i32
    %sub3A_33 = arith.subi %div3A, %sub3A : i32
    %select_n3A = arith.select %and3A, %sub3A_33, %div3A : i32
    %add3A_34 = arith.constant 128 : i32
    %add3A_35 = arith.addi %squeeze3A_17, %add3A_34 : i32
    %sub3A_36 = arith.constant 1 : i32
    %sub3A_37 = arith.subi %add3A_35, %sub3A_36 : i32
    %jit3A_38 = arith.constant 128 : i32
    %div3A_39 = arith.divsi %sub3A_37, %jit3A_38 : i32
    %sign3A_40 = arith.constant 0 : i32
    %sign3A_41 = arith.cmpi sgt, %sub3A_37, %sign3A_40 : i32
    %sign3A_42 = arith.extui %sign3A_41 : i1 to i32
    %sign3A_43 = arith.constant 0 : i32
    %sign3A_44 = arith.cmpi slt, %sub3A_37, %sign3A_43 : i32
    %sign3A_45 = arith.extui %sign3A_44 : i1 to i32
    %sign3A_46 = arith.subi %sign3A_42, %sign3A_45 : i32
    %sign3A_47 = arith.constant 0 : i32
    %sign3A_48 = arith.cmpi sgt, %jit3A_38, %sign3A_47 : i32
    %sign3A_49 = arith.extui %sign3A_48 : i1 to i32
    %sign3A_50 = arith.constant 0 : i32
    %sign3A_51 = arith.cmpi slt, %jit3A_38, %sign3A_50 : i32
    %sign3A_52 = arith.extui %sign3A_51 : i1 to i32
    %sign3A_53 = arith.subi %sign3A_49, %sign3A_52 : i32
    %ne3A_54 = arith.cmpi ne, %sign3A_46, %sign3A_53 : i32
    %rem3A_55 = arith.remsi %sub3A_37, %jit3A_38 : i32
    %ne3A_56 = arith.constant 0 : i32
    %ne3A_57 = arith.cmpi ne, %rem3A_55, %ne3A_56 : i32
    %and3A_58 = arith.andi %ne3A_54, %ne3A_57 : i1
    %sub3A_59 = arith.constant 1 : i32
    %sub3A_60 = arith.subi %div3A_39, %sub3A_59 : i32
    %select_n3A_61 = arith.select %and3A_58, %sub3A_60, %div3A_39 : i32
    %max3A = arith.maxsi %select_n3A, %select_n3A_61 : i32
    %while3A = arith.constant 0 : i32
    %while3A_62 = arith.subi %max3A, %select_n3A : i32
    %while3A_63 = arith.addi %select_n3A, %while3A_62 : i32
    %while3A_64 = arith.constant 1 : i32
    %while3A_65 = arith.divsi %while3A_62, %while3A_64 : i32
    %while3A_66 = arith.muli %while3A_65, %while3A_64 : i32
    %while3A_67 = arith.addi %select_n3A, %while3A_66 : i32
    %while3A_68 = arith.constant 1 : i32
    scf.for %while3A_70 = %select_n3A to %while3A_67 step %while3A_68  : i32 {
      "tpu.region"() ({
        %run_scoped3A = tpu.sem_alloc : memref<!tpu.dma_semaphore, #tpu.memory_space<semaphore_mem>>
        %dma_start3A_83 = arith.constant 0 : i32
        %dma_start3A_84 = tpu.memref_slice %arg3[%while3A_70, %dma_start3A_83] : memref<2500x128xi32, #tpu.memory_space<hbm>> -> memref<1x128xi32, #tpu.memory_space<hbm>>
        %dma_start3A_85 = tpu.memref_squeeze %dma_start3A_84 : memref<1x128xi32, #tpu.memory_space<hbm>> -> memref<128xi32, #tpu.memory_space<hbm>>
        %dma_start3A_86 = arith.constant 0 : i32
        %dma_start3A_87 = tpu.memref_slice %arg3[%while3A_70, %dma_start3A_86] : memref<2500x128xi32, #tpu.memory_space<hbm>> -> memref<1x128xi32, #tpu.memory_space<hbm>>
        %dma_start3A_88 = tpu.memref_squeeze %dma_start3A_87 : memref<1x128xi32, #tpu.memory_space<hbm>> -> memref<128xi32, #tpu.memory_space<hbm>>
        tpu.enqueue_dma source(%dma_start3A_88 : memref<128xi32, #tpu.memory_space<hbm>>) target(%arg7 : memref<128xi32, #tpu.memory_space<vmem>>) target_semaphore(%run_scoped3A : memref<!tpu.dma_semaphore, #tpu.memory_space<semaphore_mem>>)
        %dma_wait3A_89 = arith.constant 0 : i32
        %dma_wait3A_90 = tpu.memref_slice %arg3[%while3A_70, %dma_wait3A_89] : memref<2500x128xi32, #tpu.memory_space<hbm>> -> memref<1x128xi32, #tpu.memory_space<hbm>>
        %dma_wait3A_91 = tpu.memref_squeeze %dma_wait3A_90 : memref<1x128xi32, #tpu.memory_space<hbm>> -> memref<128xi32, #tpu.memory_space<hbm>>
        %dma_wait3A_92 = arith.constant 0 : i32
        %dma_wait3A_93 = tpu.memref_slice %arg3[%while3A_70, %dma_wait3A_92] : memref<2500x128xi32, #tpu.memory_space<hbm>> -> memref<1x128xi32, #tpu.memory_space<hbm>>
        %dma_wait3A_94 = tpu.memref_squeeze %dma_wait3A_93 : memref<1x128xi32, #tpu.memory_space<hbm>> -> memref<128xi32, #tpu.memory_space<hbm>>
        tpu.wait_dma2 semaphore(%run_scoped3A : memref<!tpu.dma_semaphore, #tpu.memory_space<semaphore_mem>>) src(%dma_wait3A_94 : memref<128xi32, #tpu.memory_space<hbm>>) dst(%arg7 : memref<128xi32, #tpu.memory_space<vmem>>)
        tpu.yield
      }) : () -> ()
      "tpu.region"() ({
        %run_scoped3A = tpu.sem_alloc : memref<!tpu.dma_semaphore, #tpu.memory_space<semaphore_mem>>
        %dma_start3A_83 = arith.constant 0 : i32
        %dma_start3A_84 = tpu.memref_slice %arg8[%dma_start3A_83] : memref<144xi32, #tpu.memory_space<vmem>> -> memref<128xi32, #tpu.memory_space<vmem>>
        %dma_start3A_85 = arith.constant 0 : i32
        %dma_start3A_86 = tpu.memref_slice %arg4[%while3A_70, %dma_start3A_85] : memref<2500x128xi32, #tpu.memory_space<hbm>> -> memref<1x128xi32, #tpu.memory_space<hbm>>
        %dma_start3A_87 = tpu.memref_squeeze %dma_start3A_86 : memref<1x128xi32, #tpu.memory_space<hbm>> -> memref<128xi32, #tpu.memory_space<hbm>>
        %dma_start3A_88 = arith.constant 0 : i32
        %dma_start3A_89 = tpu.memref_slice %arg8[%dma_start3A_88] : memref<144xi32, #tpu.memory_space<vmem>> -> memref<128xi32, #tpu.memory_space<vmem>>
        %dma_start3A_90 = arith.constant 0 : i32
        %dma_start3A_91 = tpu.memref_slice %arg4[%while3A_70, %dma_start3A_90] : memref<2500x128xi32, #tpu.memory_space<hbm>> -> memref<1x128xi32, #tpu.memory_space<hbm>>
        %dma_start3A_92 = tpu.memref_squeeze %dma_start3A_91 : memref<1x128xi32, #tpu.memory_space<hbm>> -> memref<128xi32, #tpu.memory_space<hbm>>
        tpu.enqueue_dma source(%dma_start3A_92 : memref<128xi32, #tpu.memory_space<hbm>>) target(%dma_start3A_89 : memref<128xi32, #tpu.memory_space<vmem>>) target_semaphore(%run_scoped3A : memref<!tpu.dma_semaphore, #tpu.memory_space<semaphore_mem>>)
        %dma_wait3A_93 = arith.constant 0 : i32
        %dma_wait3A_94 = tpu.memref_slice %arg8[%dma_wait3A_93] : memref<144xi32, #tpu.memory_space<vmem>> -> memref<128xi32, #tpu.memory_space<vmem>>
        %dma_wait3A_95 = arith.constant 0 : i32
        %dma_wait3A_96 = tpu.memref_slice %arg4[%while3A_70, %dma_wait3A_95] : memref<2500x128xi32, #tpu.memory_space<hbm>> -> memref<1x128xi32, #tpu.memory_space<hbm>>
        %dma_wait3A_97 = tpu.memref_squeeze %dma_wait3A_96 : memref<1x128xi32, #tpu.memory_space<hbm>> -> memref<128xi32, #tpu.memory_space<hbm>>
        %dma_wait3A_98 = arith.constant 0 : i32
        %dma_wait3A_99 = tpu.memref_slice %arg8[%dma_wait3A_98] : memref<144xi32, #tpu.memory_space<vmem>> -> memref<128xi32, #tpu.memory_space<vmem>>
        %dma_wait3A_100 = arith.constant 0 : i32
        %dma_wait3A_101 = tpu.memref_slice %arg4[%while3A_70, %dma_wait3A_100] : memref<2500x128xi32, #tpu.memory_space<hbm>> -> memref<1x128xi32, #tpu.memory_space<hbm>>
        %dma_wait3A_102 = tpu.memref_squeeze %dma_wait3A_101 : memref<1x128xi32, #tpu.memory_space<hbm>> -> memref<128xi32, #tpu.memory_space<hbm>>
        tpu.wait_dma2 semaphore(%run_scoped3A : memref<!tpu.dma_semaphore, #tpu.memory_space<semaphore_mem>>) src(%dma_wait3A_102 : memref<128xi32, #tpu.memory_space<hbm>>) dst(%dma_wait3A_99 : memref<128xi32, #tpu.memory_space<vmem>>)
        tpu.yield
      }) : () -> ()
      %dma_start3A = arith.constant 0 : i32
      %dma_start3A_71 = arith.constant 0 : i32
      %dma_start3A_72 = tpu.memref_slice %arg2[%dma_start3A, %dma_start3A_71] : memref<10240x128xf32, #tpu.memory_space<hbm>> -> memref<10240x128xf32, #tpu.memory_space<hbm>>
      tpu.enqueue_indirect_dma source(%dma_start3A_72 : memref<10240x128xf32, #tpu.memory_space<hbm>>) target(%arg9 : memref<128x128xf32, #tpu.memory_space<vmem>>) offsets(%arg7 : memref<128xi32, #tpu.memory_space<vmem>>) semaphore(%arg12 : memref<!tpu.dma_semaphore, #tpu.memory_space<semaphore_mem>>)
      %dma_wait3A = arith.constant 0 : i32
      %dma_wait3A_73 = arith.constant 0 : i32
      %dma_wait3A_74 = tpu.memref_slice %arg2[%dma_wait3A, %dma_wait3A_73] : memref<10240x128xf32, #tpu.memory_space<hbm>> -> memref<10240x128xf32, #tpu.memory_space<hbm>>
      tpu.wait_indirect_dma semaphore(%arg12 : memref<!tpu.dma_semaphore, #tpu.memory_space<semaphore_mem>>) src(%dma_wait3A_74 : memref<10240x128xf32, #tpu.memory_space<hbm>>) dst(%arg9 : memref<128x128xf32, #tpu.memory_space<vmem>>)
      %mul3A_75 = arith.constant 128 : i32
      %mul3A_76 = arith.muli %while3A_70, %mul3A_75 : i32
      %scan3A_77 = arith.constant 0 : i32
      %scan3A_78 = arith.constant 0 : i32
      %scan3A_79 = arith.constant 128 : i32
      %scan3A_80 = arith.addi %scan3A_78, %scan3A_79 : i32
      %scan3A_81 = arith.constant 1 : i32
      scf.for %scan3A_83 = %scan3A_78 to %scan3A_80 step %scan3A_81  : i32 {
        %add3A_84 = arith.addi %mul3A_76, %scan3A_83 : i32
        %ge3A = arith.cmpi sge, %add3A_84, %squeeze3A : i32
        %add3A_85 = arith.addi %mul3A_76, %scan3A_83 : i32
        %lt3A = arith.cmpi slt, %add3A_85, %squeeze3A_17 : i32
        %and3A_86 = arith.andi %ge3A, %lt3A : i1
        %convert_element_type3A = arith.extui %and3A_86 : i1 to i32
        %cond3A = arith.constant 0 : i32
        %cond3A_87 = arith.cmpi ne, %convert_element_type3A, %cond3A : i32
        scf.if %cond3A_87 {
          %get3A_88 = arith.index_cast %scan3A_83 : i32 to index
          %get3A_89 = tpu.vector_load %arg8[%get3A_88] {strides = array<i32>} : memref<144xi32, #tpu.memory_space<vmem>>, vector<16xi32>,
          %get3A_90 = vector.shape_cast %get3A_89 : vector<16xi32> to vector<16xi32>
          %slice3A_91 = vector.extract_strided_slice %get3A_90 {offsets = [0], sizes = [1], strides = [1]} : vector<16xi32> to vector<1xi32>
          %squeeze3A_92 = vector.extract %slice3A_91[0] : i32 from vector<1xi32>
          %sub3A_93 = arith.subi %squeeze3A_92, %mul3A_2 : i32
          %get3A_94 = arith.index_cast %sub3A_93 : i32 to index
          %get3A_95 = arith.constant 0 : index
          %get3A_96 = tpu.vector_load %arg11[%get3A_94, %get3A_95] {strides = array<i32>} : memref<320x128xf32, #tpu.memory_space<vmem>>, vector<1x16xf32>,
          %get3A_97 = vector.shape_cast %get3A_96 : vector<1x16xf32> to vector<16xf32>
          %get3A_98 = arith.index_cast %scan3A_83 : i32 to index
          %get3A_99 = arith.constant 0 : index
          %get3A_100 = tpu.vector_load %arg9[%get3A_98, %get3A_99] {strides = array<i32>} : memref<128x128xf32, #tpu.memory_space<vmem>>, vector<1x16xf32>,
          %get3A_101 = vector.shape_cast %get3A_100 : vector<1x16xf32> to vector<16xf32>
          %add3A_102 = arith.addf %get3A_97, %get3A_101 : vector<16xf32>
          %swap3A = arith.index_cast %sub3A_93 : i32 to index
          %swap3A_103 = arith.constant 0 : index
          %swap3A_104 = tpu.vector_load %arg11[%swap3A, %swap3A_103] {strides = array<i32>} : memref<320x128xf32, #tpu.memory_space<vmem>>, vector<1x16xf32>,
          %swap3A_105 = vector.shape_cast %swap3A_104 : vector<1x16xf32> to vector<16xf32>
          %swap3A_106 = vector.shape_cast %add3A_102 : vector<16xf32> to vector<1x16xf32>
          tpu.vector_store %arg11[%swap3A, %swap3A_103], %swap3A_106 {strides = array<i32>} : memref<320x128xf32, #tpu.memory_space<vmem>>, vector<1x16xf32>,
          %get3A_107 = arith.index_cast %sub3A_93 : i32 to index
          %get3A_108 = arith.constant 16 : index
          %get3A_109 = tpu.vector_load %arg11[%get3A_107, %get3A_108] {strides = array<i32>} : memref<320x128xf32, #tpu.memory_space<vmem>>, vector<1x16xf32>,
          %get3A_110 = vector.shape_cast %get3A_109 : vector<1x16xf32> to vector<16xf32>
          %get3A_111 = arith.index_cast %scan3A_83 : i32 to index
          %get3A_112 = arith.constant 16 : index
          %get3A_113 = tpu.vector_load %arg9[%get3A_111, %get3A_112] {strides = array<i32>} : memref<128x128xf32, #tpu.memory_space<vmem>>, vector<1x16xf32>,
          %get3A_114 = vector.shape_cast %get3A_113 : vector<1x16xf32> to vector<16xf32>
          %add3A_115 = arith.addf %get3A_110, %get3A_114 : vector<16xf32>
          %swap3A_116 = arith.index_cast %sub3A_93 : i32 to index
          %swap3A_117 = arith.constant 16 : index
          %swap3A_118 = tpu.vector_load %arg11[%swap3A_116, %swap3A_117] {strides = array<i32>} : memref<320x128xf32, #tpu.memory_space<vmem>>, vector<1x16xf32>,
          %swap3A_119 = vector.shape_cast %swap3A_118 : vector<1x16xf32> to vector<16xf32>
          %swap3A_120 = vector.shape_cast %add3A_115 : vector<16xf32> to vector<1x16xf32>
          tpu.vector_store %arg11[%swap3A_116, %swap3A_117], %swap3A_120 {strides = array<i32>} : memref<320x128xf32, #tpu.memory_space<vmem>>, vector<1x16xf32>,
          %get3A_121 = arith.index_cast %sub3A_93 : i32 to index
          %get3A_122 = arith.constant 32 : index
          %get3A_123 = tpu.vector_load %arg11[%get3A_121, %get3A_122] {strides = array<i32>} : memref<320x128xf32, #tpu.memory_space<vmem>>, vector<1x16xf32>,
          %get3A_124 = vector.shape_cast %get3A_123 : vector<1x16xf32> to vector<16xf32>
          %get3A_125 = arith.index_cast %scan3A_83 : i32 to index
          %get3A_126 = arith.constant 32 : index
          %get3A_127 = tpu.vector_load %arg9[%get3A_125, %get3A_126] {strides = array<i32>} : memref<128x128xf32, #tpu.memory_space<vmem>>, vector<1x16xf32>,
          %get3A_128 = vector.shape_cast %get3A_127 : vector<1x16xf32> to vector<16xf32>
          %add3A_129 = arith.addf %get3A_124, %get3A_128 : vector<16xf32>
          %swap3A_130 = arith.index_cast %sub3A_93 : i32 to index
          %swap3A_131 = arith.constant 32 : index
          %swap3A_132 = tpu.vector_load %arg11[%swap3A_130, %swap3A_131] {strides = array<i32>} : memref<320x128xf32, #tpu.memory_space<vmem>>, vector<1x16xf32>,
          %swap3A_133 = vector.shape_cast %swap3A_132 : vector<1x16xf32> to vector<16xf32>
          %swap3A_134 = vector.shape_cast %add3A_129 : vector<16xf32> to vector<1x16xf32>
          tpu.vector_store %arg11[%swap3A_130, %swap3A_131], %swap3A_134 {strides = array<i32>} : memref<320x128xf32, #tpu.memory_space<vmem>>, vector<1x16xf32>,
          %get3A_135 = arith.index_cast %sub3A_93 : i32 to index
          %get3A_136 = arith.constant 48 : index
          %get3A_137 = tpu.vector_load %arg11[%get3A_135, %get3A_136] {strides = array<i32>} : memref<320x128xf32, #tpu.memory_space<vmem>>, vector<1x16xf32>,
          %get3A_138 = vector.shape_cast %get3A_137 : vector<1x16xf32> to vector<16xf32>
          %get3A_139 = arith.index_cast %scan3A_83 : i32 to index
          %get3A_140 = arith.constant 48 : index
          %get3A_141 = tpu.vector_load %arg9[%get3A_139, %get3A_140] {strides = array<i32>} : memref<128x128xf32, #tpu.memory_space<vmem>>, vector<1x16xf32>,
          %get3A_142 = vector.shape_cast %get3A_141 : vector<1x16xf32> to vector<16xf32>
          %add3A_143 = arith.addf %get3A_138, %get3A_142 : vector<16xf32>
          %swap3A_144 = arith.index_cast %sub3A_93 : i32 to index
          %swap3A_145 = arith.constant 48 : index
          %swap3A_146 = tpu.vector_load %arg11[%swap3A_144, %swap3A_145] {strides = array<i32>} : memref<320x128xf32, #tpu.memory_space<vmem>>, vector<1x16xf32>,
          %swap3A_147 = vector.shape_cast %swap3A_146 : vector<1x16xf32> to vector<16xf32>
          %swap3A_148 = vector.shape_cast %add3A_143 : vector<16xf32> to vector<1x16xf32>
          tpu.vector_store %arg11[%swap3A_144, %swap3A_145], %swap3A_148 {strides = array<i32>} : memref<320x128xf32, #tpu.memory_space<vmem>>, vector<1x16xf32>,
          %get3A_149 = arith.index_cast %sub3A_93 : i32 to index
          %get3A_150 = arith.constant 64 : index
          %get3A_151 = tpu.vector_load %arg11[%get3A_149, %get3A_150] {strides = array<i32>} : memref<320x128xf32, #tpu.memory_space<vmem>>, vector<1x16xf32>,
          %get3A_152 = vector.shape_cast %get3A_151 : vector<1x16xf32> to vector<16xf32>
          %get3A_153 = arith.index_cast %scan3A_83 : i32 to index
          %get3A_154 = arith.constant 64 : index
          %get3A_155 = tpu.vector_load %arg9[%get3A_153, %get3A_154] {strides = array<i32>} : memref<128x128xf32, #tpu.memory_space<vmem>>, vector<1x16xf32>,
          %get3A_156 = vector.shape_cast %get3A_155 : vector<1x16xf32> to vector<16xf32>
          %add3A_157 = arith.addf %get3A_152, %get3A_156 : vector<16xf32>
          %swap3A_158 = arith.index_cast %sub3A_93 : i32 to index
          %swap3A_159 = arith.constant 64 : index
          %swap3A_160 = tpu.vector_load %arg11[%swap3A_158, %swap3A_159] {strides = array<i32>} : memref<320x128xf32, #tpu.memory_space<vmem>>, vector<1x16xf32>,
          %swap3A_161 = vector.shape_cast %swap3A_160 : vector<1x16xf32> to vector<16xf32>
          %swap3A_162 = vector.shape_cast %add3A_157 : vector<16xf32> to vector<1x16xf32>
          tpu.vector_store %arg11[%swap3A_158, %swap3A_159], %swap3A_162 {strides = array<i32>} : memref<320x128xf32, #tpu.memory_space<vmem>>, vector<1x16xf32>,
          %get3A_163 = arith.index_cast %sub3A_93 : i32 to index
          %get3A_164 = arith.constant 80 : index
          %get3A_165 = tpu.vector_load %arg11[%get3A_163, %get3A_164] {strides = array<i32>} : memref<320x128xf32, #tpu.memory_space<vmem>>, vector<1x16xf32>,
          %get3A_166 = vector.shape_cast %get3A_165 : vector<1x16xf32> to vector<16xf32>
          %get3A_167 = arith.index_cast %scan3A_83 : i32 to index
          %get3A_168 = arith.constant 80 : index
          %get3A_169 = tpu.vector_load %arg9[%get3A_167, %get3A_168] {strides = array<i32>} : memref<128x128xf32, #tpu.memory_space<vmem>>, vector<1x16xf32>,
          %get3A_170 = vector.shape_cast %get3A_169 : vector<1x16xf32> to vector<16xf32>
          %add3A_171 = arith.addf %get3A_166, %get3A_170 : vector<16xf32>
          %swap3A_172 = arith.index_cast %sub3A_93 : i32 to index
          %swap3A_173 = arith.constant 80 : index
          %swap3A_174 = tpu.vector_load %arg11[%swap3A_172, %swap3A_173] {strides = array<i32>} : memref<320x128xf32, #tpu.memory_space<vmem>>, vector<1x16xf32>,
          %swap3A_175 = vector.shape_cast %swap3A_174 : vector<1x16xf32> to vector<16xf32>
          %swap3A_176 = vector.shape_cast %add3A_171 : vector<16xf32> to vector<1x16xf32>
          tpu.vector_store %arg11[%swap3A_172, %swap3A_173], %swap3A_176 {strides = array<i32>} : memref<320x128xf32, #tpu.memory_space<vmem>>, vector<1x16xf32>,
          %get3A_177 = arith.index_cast %sub3A_93 : i32 to index
          %get3A_178 = arith.constant 96 : index
          %get3A_179 = tpu.vector_load %arg11[%get3A_177, %get3A_178] {strides = array<i32>} : memref<320x128xf32, #tpu.memory_space<vmem>>, vector<1x16xf32>,
          %get3A_180 = vector.shape_cast %get3A_179 : vector<1x16xf32> to vector<16xf32>
          %get3A_181 = arith.index_cast %scan3A_83 : i32 to index
          %get3A_182 = arith.constant 96 : index
          %get3A_183 = tpu.vector_load %arg9[%get3A_181, %get3A_182] {strides = array<i32>} : memref<128x128xf32, #tpu.memory_space<vmem>>, vector<1x16xf32>,
          %get3A_184 = vector.shape_cast %get3A_183 : vector<1x16xf32> to vector<16xf32>
          %add3A_185 = arith.addf %get3A_180, %get3A_184 : vector<16xf32>
          %swap3A_186 = arith.index_cast %sub3A_93 : i32 to index
          %swap3A_187 = arith.constant 96 : index
          %swap3A_188 = tpu.vector_load %arg11[%swap3A_186, %swap3A_187] {strides = array<i32>} : memref<320x128xf32, #tpu.memory_space<vmem>>, vector<1x16xf32>,
          %swap3A_189 = vector.shape_cast %swap3A_188 : vector<1x16xf32> to vector<16xf32>
          %swap3A_190 = vector.shape_cast %add3A_185 : vector<16xf32> to vector<1x16xf32>
          tpu.vector_store %arg11[%swap3A_186, %swap3A_187], %swap3A_190 {strides = array<i32>} : memref<320x128xf32, #tpu.memory_space<vmem>>, vector<1x16xf32>,
          %get3A_191 = arith.index_cast %sub3A_93 : i32 to index
          %get3A_192 = arith.constant 112 : index
          %get3A_193 = tpu.vector_load %arg11[%get3A_191, %get3A_192] {strides = array<i32>} : memref<320x128xf32, #tpu.memory_space<vmem>>, vector<1x16xf32>,
          %get3A_194 = vector.shape_cast %get3A_193 : vector<1x16xf32> to vector<16xf32>
          %get3A_195 = arith.index_cast %scan3A_83 : i32 to index
          %get3A_196 = arith.constant 112 : index
          %get3A_197 = tpu.vector_load %arg9[%get3A_195, %get3A_196] {strides = array<i32>} : memref<128x128xf32, #tpu.memory_space<vmem>>, vector<1x16xf32>,
          %get3A_198 = vector.shape_cast %get3A_197 : vector<1x16xf32> to vector<16xf32>
          %add3A_199 = arith.addf %get3A_194, %get3A_198 : vector<16xf32>
          %swap3A_200 = arith.index_cast %sub3A_93 : i32 to index
          %swap3A_201 = arith.constant 112 : index
          %swap3A_202 = tpu.vector_load %arg11[%swap3A_200, %swap3A_201] {strides = array<i32>} : memref<320x128xf32, #tpu.memory_space<vmem>>, vector<1x16xf32>,
          %swap3A_203 = vector.shape_cast %swap3A_202 : vector<1x16xf32> to vector<16xf32>
          %swap3A_204 = vector.shape_cast %add3A_199 : vector<16xf32> to vector<1x16xf32>
          tpu.vector_store %arg11[%swap3A_200, %swap3A_201], %swap3A_204 {strides = array<i32>} : memref<320x128xf32, #tpu.memory_space<vmem>>, vector<1x16xf32>,
        } else {
        }
      }
      %scan3A_82 = arith.constant 128 : i32
    }
    %while3A_69 = arith.constant 1 : i32
    scf.for %while3A_70 = %while3A_67 to %while3A_63 step %while3A_69  : i32 {
      "tpu.region"() ({
        %run_scoped3A = tpu.sem_alloc : memref<!tpu.dma_semaphore, #tpu.memory_space<semaphore_mem>>
        %dma_start3A_83 = arith.constant 0 : i32
        %dma_start3A_84 = tpu.memref_slice %arg3[%while3A_70, %dma_start3A_83] : memref<2500x128xi32, #tpu.memory_space<hbm>> -> memref<1x128xi32, #tpu.memory_space<hbm>>
        %dma_start3A_85 = tpu.memref_squeeze %dma_start3A_84 : memref<1x128xi32, #tpu.memory_space<hbm>> -> memref<128xi32, #tpu.memory_space<hbm>>
        %dma_start3A_86 = arith.constant 0 : i32
        %dma_start3A_87 = tpu.memref_slice %arg3[%while3A_70, %dma_start3A_86] : memref<2500x128xi32, #tpu.memory_space<hbm>> -> memref<1x128xi32, #tpu.memory_space<hbm>>
        %dma_start3A_88 = tpu.memref_squeeze %dma_start3A_87 : memref<1x128xi32, #tpu.memory_space<hbm>> -> memref<128xi32, #tpu.memory_space<hbm>>
        tpu.enqueue_dma source(%dma_start3A_88 : memref<128xi32, #tpu.memory_space<hbm>>) target(%arg7 : memref<128xi32, #tpu.memory_space<vmem>>) target_semaphore(%run_scoped3A : memref<!tpu.dma_semaphore, #tpu.memory_space<semaphore_mem>>)
        %dma_wait3A_89 = arith.constant 0 : i32
        %dma_wait3A_90 = tpu.memref_slice %arg3[%while3A_70, %dma_wait3A_89] : memref<2500x128xi32, #tpu.memory_space<hbm>> -> memref<1x128xi32, #tpu.memory_space<hbm>>
        %dma_wait3A_91 = tpu.memref_squeeze %dma_wait3A_90 : memref<1x128xi32, #tpu.memory_space<hbm>> -> memref<128xi32, #tpu.memory_space<hbm>>
        %dma_wait3A_92 = arith.constant 0 : i32
        %dma_wait3A_93 = tpu.memref_slice %arg3[%while3A_70, %dma_wait3A_92] : memref<2500x128xi32, #tpu.memory_space<hbm>> -> memref<1x128xi32, #tpu.memory_space<hbm>>
        %dma_wait3A_94 = tpu.memref_squeeze %dma_wait3A_93 : memref<1x128xi32, #tpu.memory_space<hbm>> -> memref<128xi32, #tpu.memory_space<hbm>>
        tpu.wait_dma2 semaphore(%run_scoped3A : memref<!tpu.dma_semaphore, #tpu.memory_space<semaphore_mem>>) src(%dma_wait3A_94 : memref<128xi32, #tpu.memory_space<hbm>>) dst(%arg7 : memref<128xi32, #tpu.memory_space<vmem>>)
        tpu.yield
      }) : () -> ()
      "tpu.region"() ({
        %run_scoped3A = tpu.sem_alloc : memref<!tpu.dma_semaphore, #tpu.memory_space<semaphore_mem>>
        %dma_start3A_83 = arith.constant 0 : i32
        %dma_start3A_84 = tpu.memref_slice %arg8[%dma_start3A_83] : memref<144xi32, #tpu.memory_space<vmem>> -> memref<128xi32, #tpu.memory_space<vmem>>
        %dma_start3A_85 = arith.constant 0 : i32
        %dma_start3A_86 = tpu.memref_slice %arg4[%while3A_70, %dma_start3A_85] : memref<2500x128xi32, #tpu.memory_space<hbm>> -> memref<1x128xi32, #tpu.memory_space<hbm>>
        %dma_start3A_87 = tpu.memref_squeeze %dma_start3A_86 : memref<1x128xi32, #tpu.memory_space<hbm>> -> memref<128xi32, #tpu.memory_space<hbm>>
        %dma_start3A_88 = arith.constant 0 : i32
        %dma_start3A_89 = tpu.memref_slice %arg8[%dma_start3A_88] : memref<144xi32, #tpu.memory_space<vmem>> -> memref<128xi32, #tpu.memory_space<vmem>>
        %dma_start3A_90 = arith.constant 0 : i32
        %dma_start3A_91 = tpu.memref_slice %arg4[%while3A_70, %dma_start3A_90] : memref<2500x128xi32, #tpu.memory_space<hbm>> -> memref<1x128xi32, #tpu.memory_space<hbm>>
        %dma_start3A_92 = tpu.memref_squeeze %dma_start3A_91 : memref<1x128xi32, #tpu.memory_space<hbm>> -> memref<128xi32, #tpu.memory_space<hbm>>
        tpu.enqueue_dma source(%dma_start3A_92 : memref<128xi32, #tpu.memory_space<hbm>>) target(%dma_start3A_89 : memref<128xi32, #tpu.memory_space<vmem>>) target_semaphore(%run_scoped3A : memref<!tpu.dma_semaphore, #tpu.memory_space<semaphore_mem>>)
        %dma_wait3A_93 = arith.constant 0 : i32
        %dma_wait3A_94 = tpu.memref_slice %arg8[%dma_wait3A_93] : memref<144xi32, #tpu.memory_space<vmem>> -> memref<128xi32, #tpu.memory_space<vmem>>
        %dma_wait3A_95 = arith.constant 0 : i32
        %dma_wait3A_96 = tpu.memref_slice %arg4[%while3A_70, %dma_wait3A_95] : memref<2500x128xi32, #tpu.memory_space<hbm>> -> memref<1x128xi32, #tpu.memory_space<hbm>>
        %dma_wait3A_97 = tpu.memref_squeeze %dma_wait3A_96 : memref<1x128xi32, #tpu.memory_space<hbm>> -> memref<128xi32, #tpu.memory_space<hbm>>
        %dma_wait3A_98 = arith.constant 0 : i32
        %dma_wait3A_99 = tpu.memref_slice %arg8[%dma_wait3A_98] : memref<144xi32, #tpu.memory_space<vmem>> -> memref<128xi32, #tpu.memory_space<vmem>>
        %dma_wait3A_100 = arith.constant 0 : i32
        %dma_wait3A_101 = tpu.memref_slice %arg4[%while3A_70, %dma_wait3A_100] : memref<2500x128xi32, #tpu.memory_space<hbm>> -> memref<1x128xi32, #tpu.memory_space<hbm>>
        %dma_wait3A_102 = tpu.memref_squeeze %dma_wait3A_101 : memref<1x128xi32, #tpu.memory_space<hbm>> -> memref<128xi32, #tpu.memory_space<hbm>>
        tpu.wait_dma2 semaphore(%run_scoped3A : memref<!tpu.dma_semaphore, #tpu.memory_space<semaphore_mem>>) src(%dma_wait3A_102 : memref<128xi32, #tpu.memory_space<hbm>>) dst(%dma_wait3A_99 : memref<128xi32, #tpu.memory_space<vmem>>)
        tpu.yield
      }) : () -> ()
      %dma_start3A = arith.constant 0 : i32
      %dma_start3A_71 = arith.constant 0 : i32
      %dma_start3A_72 = tpu.memref_slice %arg2[%dma_start3A, %dma_start3A_71] : memref<10240x128xf32, #tpu.memory_space<hbm>> -> memref<10240x128xf32, #tpu.memory_space<hbm>>
      tpu.enqueue_indirect_dma source(%dma_start3A_72 : memref<10240x128xf32, #tpu.memory_space<hbm>>) target(%arg9 : memref<128x128xf32, #tpu.memory_space<vmem>>) offsets(%arg7 : memref<128xi32, #tpu.memory_space<vmem>>) semaphore(%arg12 : memref<!tpu.dma_semaphore, #tpu.memory_space<semaphore_mem>>)
      %dma_wait3A = arith.constant 0 : i32
      %dma_wait3A_73 = arith.constant 0 : i32
      %dma_wait3A_74 = tpu.memref_slice %arg2[%dma_wait3A, %dma_wait3A_73] : memref<10240x128xf32, #tpu.memory_space<hbm>> -> memref<10240x128xf32, #tpu.memory_space<hbm>>
      tpu.wait_indirect_dma semaphore(%arg12 : memref<!tpu.dma_semaphore, #tpu.memory_space<semaphore_mem>>) src(%dma_wait3A_74 : memref<10240x128xf32, #tpu.memory_space<hbm>>) dst(%arg9 : memref<128x128xf32, #tpu.memory_space<vmem>>)
      %mul3A_75 = arith.constant 128 : i32
      %mul3A_76 = arith.muli %while3A_70, %mul3A_75 : i32
      %scan3A_77 = arith.constant 0 : i32
      %scan3A_78 = arith.constant 0 : i32
      %scan3A_79 = arith.constant 128 : i32
      %scan3A_80 = arith.addi %scan3A_78, %scan3A_79 : i32
      %scan3A_81 = arith.constant 1 : i32
      scf.for %scan3A_83 = %scan3A_78 to %scan3A_80 step %scan3A_81  : i32 {
        %add3A_84 = arith.addi %mul3A_76, %scan3A_83 : i32
        %ge3A = arith.cmpi sge, %add3A_84, %squeeze3A : i32
        %add3A_85 = arith.addi %mul3A_76, %scan3A_83 : i32
        %lt3A = arith.cmpi slt, %add3A_85, %squeeze3A_17 : i32
        %and3A_86 = arith.andi %ge3A, %lt3A : i1
        %convert_element_type3A = arith.extui %and3A_86 : i1 to i32
        %cond3A = arith.constant 0 : i32
        %cond3A_87 = arith.cmpi ne, %convert_element_type3A, %cond3A : i32
        scf.if %cond3A_87 {
          %get3A_88 = arith.index_cast %scan3A_83 : i32 to index
          %get3A_89 = tpu.vector_load %arg8[%get3A_88] {strides = array<i32>} : memref<144xi32, #tpu.memory_space<vmem>>, vector<16xi32>,
          %get3A_90 = vector.shape_cast %get3A_89 : vector<16xi32> to vector<16xi32>
          %slice3A_91 = vector.extract_strided_slice %get3A_90 {offsets = [0], sizes = [1], strides = [1]} : vector<16xi32> to vector<1xi32>
          %squeeze3A_92 = vector.extract %slice3A_91[0] : i32 from vector<1xi32>
          %sub3A_93 = arith.subi %squeeze3A_92, %mul3A_2 : i32
          %get3A_94 = arith.index_cast %sub3A_93 : i32 to index
          %get3A_95 = arith.constant 0 : index
          %get3A_96 = tpu.vector_load %arg11[%get3A_94, %get3A_95] {strides = array<i32>} : memref<320x128xf32, #tpu.memory_space<vmem>>, vector<1x16xf32>,
          %get3A_97 = vector.shape_cast %get3A_96 : vector<1x16xf32> to vector<16xf32>
          %get3A_98 = arith.index_cast %scan3A_83 : i32 to index
          %get3A_99 = arith.constant 0 : index
          %get3A_100 = tpu.vector_load %arg9[%get3A_98, %get3A_99] {strides = array<i32>} : memref<128x128xf32, #tpu.memory_space<vmem>>, vector<1x16xf32>,
          %get3A_101 = vector.shape_cast %get3A_100 : vector<1x16xf32> to vector<16xf32>
          %add3A_102 = arith.addf %get3A_97, %get3A_101 : vector<16xf32>
          %swap3A = arith.index_cast %sub3A_93 : i32 to index
          %swap3A_103 = arith.constant 0 : index
          %swap3A_104 = tpu.vector_load %arg11[%swap3A, %swap3A_103] {strides = array<i32>} : memref<320x128xf32, #tpu.memory_space<vmem>>, vector<1x16xf32>,
          %swap3A_105 = vector.shape_cast %swap3A_104 : vector<1x16xf32> to vector<16xf32>
          %swap3A_106 = vector.shape_cast %add3A_102 : vector<16xf32> to vector<1x16xf32>
          tpu.vector_store %arg11[%swap3A, %swap3A_103], %swap3A_106 {strides = array<i32>} : memref<320x128xf32, #tpu.memory_space<vmem>>, vector<1x16xf32>,
          %get3A_107 = arith.index_cast %sub3A_93 : i32 to index
          %get3A_108 = arith.constant 16 : index
          %get3A_109 = tpu.vector_load %arg11[%get3A_107, %get3A_108] {strides = array<i32>} : memref<320x128xf32, #tpu.memory_space<vmem>>, vector<1x16xf32>,
          %get3A_110 = vector.shape_cast %get3A_109 : vector<1x16xf32> to vector<16xf32>
          %get3A_111 = arith.index_cast %scan3A_83 : i32 to index
          %get3A_112 = arith.constant 16 : index
          %get3A_113 = tpu.vector_load %arg9[%get3A_111, %get3A_112] {strides = array<i32>} : memref<128x128xf32, #tpu.memory_space<vmem>>, vector<1x16xf32>,
          %get3A_114 = vector.shape_cast %get3A_113 : vector<1x16xf32> to vector<16xf32>
          %add3A_115 = arith.addf %get3A_110, %get3A_114 : vector<16xf32>
          %swap3A_116 = arith.index_cast %sub3A_93 : i32 to index
          %swap3A_117 = arith.constant 16 : index
          %swap3A_118 = tpu.vector_load %arg11[%swap3A_116, %swap3A_117] {strides = array<i32>} : memref<320x128xf32, #tpu.memory_space<vmem>>, vector<1x16xf32>,
          %swap3A_119 = vector.shape_cast %swap3A_118 : vector<1x16xf32> to vector<16xf32>
          %swap3A_120 = vector.shape_cast %add3A_115 : vector<16xf32> to vector<1x16xf32>
          tpu.vector_store %arg11[%swap3A_116, %swap3A_117], %swap3A_120 {strides = array<i32>} : memref<320x128xf32, #tpu.memory_space<vmem>>, vector<1x16xf32>,
          %get3A_121 = arith.index_cast %sub3A_93 : i32 to index
          %get3A_122 = arith.constant 32 : index
          %get3A_123 = tpu.vector_load %arg11[%get3A_121, %get3A_122] {strides = array<i32>} : memref<320x128xf32, #tpu.memory_space<vmem>>, vector<1x16xf32>,
          %get3A_124 = vector.shape_cast %get3A_123 : vector<1x16xf32> to vector<16xf32>
          %get3A_125 = arith.index_cast %scan3A_83 : i32 to index
          %get3A_126 = arith.constant 32 : index
          %get3A_127 = tpu.vector_load %arg9[%get3A_125, %get3A_126] {strides = array<i32>} : memref<128x128xf32, #tpu.memory_space<vmem>>, vector<1x16xf32>,
          %get3A_128 = vector.shape_cast %get3A_127 : vector<1x16xf32> to vector<16xf32>
          %add3A_129 = arith.addf %get3A_124, %get3A_128 : vector<16xf32>
          %swap3A_130 = arith.index_cast %sub3A_93 : i32 to index
          %swap3A_131 = arith.constant 32 : index
          %swap3A_132 = tpu.vector_load %arg11[%swap3A_130, %swap3A_131] {strides = array<i32>} : memref<320x128xf32, #tpu.memory_space<vmem>>, vector<1x16xf32>,
          %swap3A_133 = vector.shape_cast %swap3A_132 : vector<1x16xf32> to vector<16xf32>
          %swap3A_134 = vector.shape_cast %add3A_129 : vector<16xf32> to vector<1x16xf32>
          tpu.vector_store %arg11[%swap3A_130, %swap3A_131], %swap3A_134 {strides = array<i32>} : memref<320x128xf32, #tpu.memory_space<vmem>>, vector<1x16xf32>,
          %get3A_135 = arith.index_cast %sub3A_93 : i32 to index
          %get3A_136 = arith.constant 48 : index
          %get3A_137 = tpu.vector_load %arg11[%get3A_135, %get3A_136] {strides = array<i32>} : memref<320x128xf32, #tpu.memory_space<vmem>>, vector<1x16xf32>,
          %get3A_138 = vector.shape_cast %get3A_137 : vector<1x16xf32> to vector<16xf32>
          %get3A_139 = arith.index_cast %scan3A_83 : i32 to index
          %get3A_140 = arith.constant 48 : index
          %get3A_141 = tpu.vector_load %arg9[%get3A_139, %get3A_140] {strides = array<i32>} : memref<128x128xf32, #tpu.memory_space<vmem>>, vector<1x16xf32>,
          %get3A_142 = vector.shape_cast %get3A_141 : vector<1x16xf32> to vector<16xf32>
          %add3A_143 = arith.addf %get3A_138, %get3A_142 : vector<16xf32>
          %swap3A_144 = arith.index_cast %sub3A_93 : i32 to index
          %swap3A_145 = arith.constant 48 : index
          %swap3A_146 = tpu.vector_load %arg11[%swap3A_144, %swap3A_145] {strides = array<i32>} : memref<320x128xf32, #tpu.memory_space<vmem>>, vector<1x16xf32>,
          %swap3A_147 = vector.shape_cast %swap3A_146 : vector<1x16xf32> to vector<16xf32>
          %swap3A_148 = vector.shape_cast %add3A_143 : vector<16xf32> to vector<1x16xf32>
          tpu.vector_store %arg11[%swap3A_144, %swap3A_145], %swap3A_148 {strides = array<i32>} : memref<320x128xf32, #tpu.memory_space<vmem>>, vector<1x16xf32>,
          %get3A_149 = arith.index_cast %sub3A_93 : i32 to index
          %get3A_150 = arith.constant 64 : index
          %get3A_151 = tpu.vector_load %arg11[%get3A_149, %get3A_150] {strides = array<i32>} : memref<320x128xf32, #tpu.memory_space<vmem>>, vector<1x16xf32>,
          %get3A_152 = vector.shape_cast %get3A_151 : vector<1x16xf32> to vector<16xf32>
          %get3A_153 = arith.index_cast %scan3A_83 : i32 to index
          %get3A_154 = arith.constant 64 : index
          %get3A_155 = tpu.vector_load %arg9[%get3A_153, %get3A_154] {strides = array<i32>} : memref<128x128xf32, #tpu.memory_space<vmem>>, vector<1x16xf32>,
          %get3A_156 = vector.shape_cast %get3A_155 : vector<1x16xf32> to vector<16xf32>
          %add3A_157 = arith.addf %get3A_152, %get3A_156 : vector<16xf32>
          %swap3A_158 = arith.index_cast %sub3A_93 : i32 to index
          %swap3A_159 = arith.constant 64 : index
          %swap3A_160 = tpu.vector_load %arg11[%swap3A_158, %swap3A_159] {strides = array<i32>} : memref<320x128xf32, #tpu.memory_space<vmem>>, vector<1x16xf32>,
          %swap3A_161 = vector.shape_cast %swap3A_160 : vector<1x16xf32> to vector<16xf32>
          %swap3A_162 = vector.shape_cast %add3A_157 : vector<16xf32> to vector<1x16xf32>
          tpu.vector_store %arg11[%swap3A_158, %swap3A_159], %swap3A_162 {strides = array<i32>} : memref<320x128xf32, #tpu.memory_space<vmem>>, vector<1x16xf32>,
          %get3A_163 = arith.index_cast %sub3A_93 : i32 to index
          %get3A_164 = arith.constant 80 : index
          %get3A_165 = tpu.vector_load %arg11[%get3A_163, %get3A_164] {strides = array<i32>} : memref<320x128xf32, #tpu.memory_space<vmem>>, vector<1x16xf32>,
          %get3A_166 = vector.shape_cast %get3A_165 : vector<1x16xf32> to vector<16xf32>
          %get3A_167 = arith.index_cast %scan3A_83 : i32 to index
          %get3A_168 = arith.constant 80 : index
          %get3A_169 = tpu.vector_load %arg9[%get3A_167, %get3A_168] {strides = array<i32>} : memref<128x128xf32, #tpu.memory_space<vmem>>, vector<1x16xf32>,
          %get3A_170 = vector.shape_cast %get3A_169 : vector<1x16xf32> to vector<16xf32>
          %add3A_171 = arith.addf %get3A_166, %get3A_170 : vector<16xf32>
          %swap3A_172 = arith.index_cast %sub3A_93 : i32 to index
          %swap3A_173 = arith.constant 80 : index
          %swap3A_174 = tpu.vector_load %arg11[%swap3A_172, %swap3A_173] {strides = array<i32>} : memref<320x128xf32, #tpu.memory_space<vmem>>, vector<1x16xf32>,
          %swap3A_175 = vector.shape_cast %swap3A_174 : vector<1x16xf32> to vector<16xf32>
          %swap3A_176 = vector.shape_cast %add3A_171 : vector<16xf32> to vector<1x16xf32>
          tpu.vector_store %arg11[%swap3A_172, %swap3A_173], %swap3A_176 {strides = array<i32>} : memref<320x128xf32, #tpu.memory_space<vmem>>, vector<1x16xf32>,
          %get3A_177 = arith.index_cast %sub3A_93 : i32 to index
          %get3A_178 = arith.constant 96 : index
          %get3A_179 = tpu.vector_load %arg11[%get3A_177, %get3A_178] {strides = array<i32>} : memref<320x128xf32, #tpu.memory_space<vmem>>, vector<1x16xf32>,
          %get3A_180 = vector.shape_cast %get3A_179 : vector<1x16xf32> to vector<16xf32>
          %get3A_181 = arith.index_cast %scan3A_83 : i32 to index
          %get3A_182 = arith.constant 96 : index
          %get3A_183 = tpu.vector_load %arg9[%get3A_181, %get3A_182] {strides = array<i32>} : memref<128x128xf32, #tpu.memory_space<vmem>>, vector<1x16xf32>,
          %get3A_184 = vector.shape_cast %get3A_183 : vector<1x16xf32> to vector<16xf32>
          %add3A_185 = arith.addf %get3A_180, %get3A_184 : vector<16xf32>
          %swap3A_186 = arith.index_cast %sub3A_93 : i32 to index
          %swap3A_187 = arith.constant 96 : index
          %swap3A_188 = tpu.vector_load %arg11[%swap3A_186, %swap3A_187] {strides = array<i32>} : memref<320x128xf32, #tpu.memory_space<vmem>>, vector<1x16xf32>,
          %swap3A_189 = vector.shape_cast %swap3A_188 : vector<1x16xf32> to vector<16xf32>
          %swap3A_190 = vector.shape_cast %add3A_185 : vector<16xf32> to vector<1x16xf32>
          tpu.vector_store %arg11[%swap3A_186, %swap3A_187], %swap3A_190 {strides = array<i32>} : memref<320x128xf32, #tpu.memory_space<vmem>>, vector<1x16xf32>,
          %get3A_191 = arith.index_cast %sub3A_93 : i32 to index
          %get3A_192 = arith.constant 112 : index
          %get3A_193 = tpu.vector_load %arg11[%get3A_191, %get3A_192] {strides = array<i32>} : memref<320x128xf32, #tpu.memory_space<vmem>>, vector<1x16xf32>,
          %get3A_194 = vector.shape_cast %get3A_193 : vector<1x16xf32> to vector<16xf32>
          %get3A_195 = arith.index_cast %scan3A_83 : i32 to index
          %get3A_196 = arith.constant 112 : index
          %get3A_197 = tpu.vector_load %arg9[%get3A_195, %get3A_196] {strides = array<i32>} : memref<128x128xf32, #tpu.memory_space<vmem>>, vector<1x16xf32>,
          %get3A_198 = vector.shape_cast %get3A_197 : vector<1x16xf32> to vector<16xf32>
          %add3A_199 = arith.addf %get3A_194, %get3A_198 : vector<16xf32>
          %swap3A_200 = arith.index_cast %sub3A_93 : i32 to index
          %swap3A_201 = arith.constant 112 : index
          %swap3A_202 = tpu.vector_load %arg11[%swap3A_200, %swap3A_201] {strides = array<i32>} : memref<320x128xf32, #tpu.memory_space<vmem>>, vector<1x16xf32>,
          %swap3A_203 = vector.shape_cast %swap3A_202 : vector<1x16xf32> to vector<16xf32>
          %swap3A_204 = vector.shape_cast %add3A_199 : vector<16xf32> to vector<1x16xf32>
          tpu.vector_store %arg11[%swap3A_200, %swap3A_201], %swap3A_204 {strides = array<i32>} : memref<320x128xf32, #tpu.memory_space<vmem>>, vector<1x16xf32>,
        } else {
        }
      }
      %scan3A_82 = arith.constant 128 : i32
    }
    "tpu.region"() ({
      %run_scoped3A = tpu.sem_alloc : memref<!tpu.dma_semaphore, #tpu.memory_space<semaphore_mem>>
      %dma_start3A = arith.constant 0 : i32
      %dma_start3A_70 = tpu.memref_slice %arg6[%mul3A_2, %dma_start3A] : memref<10240x128xf32, #tpu.memory_space<hbm>> -> memref<320x128xf32, #tpu.memory_space<hbm>>
      %dma_start3A_71 = arith.constant 0 : i32
      %dma_start3A_72 = tpu.memref_slice %arg6[%mul3A_2, %dma_start3A_71] : memref<10240x128xf32, #tpu.memory_space<hbm>> -> memref<320x128xf32, #tpu.memory_space<hbm>>
      tpu.enqueue_dma source(%arg11 : memref<320x128xf32, #tpu.memory_space<vmem>>) target(%dma_start3A_72 : memref<320x128xf32, #tpu.memory_space<hbm>>) target_semaphore(%run_scoped3A : memref<!tpu.dma_semaphore, #tpu.memory_space<semaphore_mem>>)
      %dma_wait3A = arith.constant 0 : i32
      %dma_wait3A_73 = tpu.memref_slice %arg6[%mul3A_2, %dma_wait3A] : memref<10240x128xf32, #tpu.memory_space<hbm>> -> memref<320x128xf32, #tpu.memory_space<hbm>>
      %dma_wait3A_74 = arith.constant 0 : i32
      %dma_wait3A_75 = tpu.memref_slice %arg6[%mul3A_2, %dma_wait3A_74] : memref<10240x128xf32, #tpu.memory_space<hbm>> -> memref<320x128xf32, #tpu.memory_space<hbm>>
      tpu.wait_dma2 semaphore(%run_scoped3A : memref<!tpu.dma_semaphore, #tpu.memory_space<semaphore_mem>>) src(%arg11 : memref<320x128xf32, #tpu.memory_space<vmem>>) dst(%dma_wait3A_75 : memref<320x128xf32, #tpu.memory_space<hbm>>)
      tpu.yield
    }) : () -> ()
    return
  }
}

#map = affine_map<(d0, d1) -> (0, 0)>
#map1 = affine_map<(d0, d1) -> (0, 0, 0)>
module attributes {stable_mosaic.version = 14 : i64} {
  func.func @_pool_body(%arg0: i32, %arg1: i32, %arg2: memref<10240x128xf32, #tpu.memory_space<hbm>>, %arg3: memref<32x5x64xi32, #tpu.memory_space<hbm>>, %arg4: memref<2x256x128xf32, #tpu.memory_space<hbm>>, %arg5: memref<2x256x128xf32, #tpu.memory_space<hbm>>, %arg6: memref<5x64xi32, #tpu.memory_space<vmem>>, %arg7: memref<64x128xf32, #tpu.memory_space<vmem>>, %arg8: memref<64x128xf32, #tpu.memory_space<vmem>>, %arg9: memref<17x128xf32, #tpu.memory_space<vmem>>, %arg10: memref<272x128xf32, #tpu.memory_space<vmem_shared>>, %arg11: memref<272x128xf32, #tpu.memory_space<vmem_shared>>, %arg12: memref<!tpu.dma_semaphore, #tpu.memory_space<semaphore_mem>>) attributes {dimension_semantics = [#tpu.dimension_semantics<core_parallel>, #tpu.dimension_semantics<subcore_parallel>], iteration_bounds = array<i64: 2, 16>, scalar_prefetch = 0 : i64, scratch_operands = 7 : i64, tpu.core_type = #tpu.core_type<sc_vector_subcore>, window_params = [{transform_indices = #map}, {transform_indices = #map1}, {transform_indices = #map1}, {transform_indices = #map1}]} {
    %mul3A = arith.constant 16 : i32
    %mul3A_0 = arith.muli %arg0, %mul3A : i32
    %add3A = arith.addi %mul3A_0, %arg1 : i32
    %broadcast_in_dim3A = arith.constant 0.000000e+00 : f32
    %broadcast_in_dim3A_1 = vector.broadcast %broadcast_in_dim3A : f32 to vector<16xf32>
    %scan3A = arith.constant 0 : i32
    %scan3A_2 = arith.constant 0 : i32
    %scan3A_3 = arith.constant 17 : i32
    %scan3A_4 = arith.addi %scan3A_2, %scan3A_3 : i32
    %scan3A_5 = arith.constant 1 : i32
    scf.for %scan3A_34 = %scan3A_2 to %scan3A_4 step %scan3A_5  : i32 {
      %swap3A = arith.index_cast %scan3A_34 : i32 to index
      %swap3A_35 = arith.constant 0 : index
      %swap3A_36 = tpu.vector_load %arg9[%swap3A, %swap3A_35] {strides = array<i32>} : memref<17x128xf32, #tpu.memory_space<vmem>>, vector<1x16xf32>,
      %swap3A_37 = vector.shape_cast %swap3A_36 : vector<1x16xf32> to vector<16xf32>
      %swap3A_38 = vector.shape_cast %broadcast_in_dim3A_1 : vector<16xf32> to vector<1x16xf32>
      tpu.vector_store %arg9[%swap3A, %swap3A_35], %swap3A_38 {strides = array<i32>} : memref<17x128xf32, #tpu.memory_space<vmem>>, vector<1x16xf32>,
      %swap3A_39 = arith.index_cast %scan3A_34 : i32 to index
      %swap3A_40 = arith.constant 16 : index
      %swap3A_41 = tpu.vector_load %arg9[%swap3A_39, %swap3A_40] {strides = array<i32>} : memref<17x128xf32, #tpu.memory_space<vmem>>, vector<1x16xf32>,
      %swap3A_42 = vector.shape_cast %swap3A_41 : vector<1x16xf32> to vector<16xf32>
      %swap3A_43 = vector.shape_cast %broadcast_in_dim3A_1 : vector<16xf32> to vector<1x16xf32>
      tpu.vector_store %arg9[%swap3A_39, %swap3A_40], %swap3A_43 {strides = array<i32>} : memref<17x128xf32, #tpu.memory_space<vmem>>, vector<1x16xf32>,
      %swap3A_44 = arith.index_cast %scan3A_34 : i32 to index
      %swap3A_45 = arith.constant 32 : index
      %swap3A_46 = tpu.vector_load %arg9[%swap3A_44, %swap3A_45] {strides = array<i32>} : memref<17x128xf32, #tpu.memory_space<vmem>>, vector<1x16xf32>,
      %swap3A_47 = vector.shape_cast %swap3A_46 : vector<1x16xf32> to vector<16xf32>
      %swap3A_48 = vector.shape_cast %broadcast_in_dim3A_1 : vector<16xf32> to vector<1x16xf32>
      tpu.vector_store %arg9[%swap3A_44, %swap3A_45], %swap3A_48 {strides = array<i32>} : memref<17x128xf32, #tpu.memory_space<vmem>>, vector<1x16xf32>,
      %swap3A_49 = arith.index_cast %scan3A_34 : i32 to index
      %swap3A_50 = arith.constant 48 : index
      %swap3A_51 = tpu.vector_load %arg9[%swap3A_49, %swap3A_50] {strides = array<i32>} : memref<17x128xf32, #tpu.memory_space<vmem>>, vector<1x16xf32>,
      %swap3A_52 = vector.shape_cast %swap3A_51 : vector<1x16xf32> to vector<16xf32>
      %swap3A_53 = vector.shape_cast %broadcast_in_dim3A_1 : vector<16xf32> to vector<1x16xf32>
      tpu.vector_store %arg9[%swap3A_49, %swap3A_50], %swap3A_53 {strides = array<i32>} : memref<17x128xf32, #tpu.memory_space<vmem>>, vector<1x16xf32>,
      %swap3A_54 = arith.index_cast %scan3A_34 : i32 to index
      %swap3A_55 = arith.constant 64 : index
      %swap3A_56 = tpu.vector_load %arg9[%swap3A_54, %swap3A_55] {strides = array<i32>} : memref<17x128xf32, #tpu.memory_space<vmem>>, vector<1x16xf32>,
      %swap3A_57 = vector.shape_cast %swap3A_56 : vector<1x16xf32> to vector<16xf32>
      %swap3A_58 = vector.shape_cast %broadcast_in_dim3A_1 : vector<16xf32> to vector<1x16xf32>
      tpu.vector_store %arg9[%swap3A_54, %swap3A_55], %swap3A_58 {strides = array<i32>} : memref<17x128xf32, #tpu.memory_space<vmem>>, vector<1x16xf32>,
      %swap3A_59 = arith.index_cast %scan3A_34 : i32 to index
      %swap3A_60 = arith.constant 80 : index
      %swap3A_61 = tpu.vector_load %arg9[%swap3A_59, %swap3A_60] {strides = array<i32>} : memref<17x128xf32, #tpu.memory_space<vmem>>, vector<1x16xf32>,
      %swap3A_62 = vector.shape_cast %swap3A_61 : vector<1x16xf32> to vector<16xf32>
      %swap3A_63 = vector.shape_cast %broadcast_in_dim3A_1 : vector<16xf32> to vector<1x16xf32>
      tpu.vector_store %arg9[%swap3A_59, %swap3A_60], %swap3A_63 {strides = array<i32>} : memref<17x128xf32, #tpu.memory_space<vmem>>, vector<1x16xf32>,
      %swap3A_64 = arith.index_cast %scan3A_34 : i32 to index
      %swap3A_65 = arith.constant 96 : index
      %swap3A_66 = tpu.vector_load %arg9[%swap3A_64, %swap3A_65] {strides = array<i32>} : memref<17x128xf32, #tpu.memory_space<vmem>>, vector<1x16xf32>,
      %swap3A_67 = vector.shape_cast %swap3A_66 : vector<1x16xf32> to vector<16xf32>
      %swap3A_68 = vector.shape_cast %broadcast_in_dim3A_1 : vector<16xf32> to vector<1x16xf32>
      tpu.vector_store %arg9[%swap3A_64, %swap3A_65], %swap3A_68 {strides = array<i32>} : memref<17x128xf32, #tpu.memory_space<vmem>>, vector<1x16xf32>,
      %swap3A_69 = arith.index_cast %scan3A_34 : i32 to index
      %swap3A_70 = arith.constant 112 : index
      %swap3A_71 = tpu.vector_load %arg9[%swap3A_69, %swap3A_70] {strides = array<i32>} : memref<17x128xf32, #tpu.memory_space<vmem>>, vector<1x16xf32>,
      %swap3A_72 = vector.shape_cast %swap3A_71 : vector<1x16xf32> to vector<16xf32>
      %swap3A_73 = vector.shape_cast %broadcast_in_dim3A_1 : vector<16xf32> to vector<1x16xf32>
      tpu.vector_store %arg9[%swap3A_69, %swap3A_70], %swap3A_73 {strides = array<i32>} : memref<17x128xf32, #tpu.memory_space<vmem>>, vector<1x16xf32>,
    }
    %scan3A_6 = arith.constant 17 : i32
    %broadcast_in_dim3A_7 = arith.constant 1.000000e+00 : f32
    %broadcast_in_dim3A_8 = vector.broadcast %broadcast_in_dim3A_7 : f32 to vector<16xf32>
    %scan3A_9 = arith.constant 0 : i32
    %scan3A_10 = arith.constant 0 : i32
    %scan3A_11 = arith.constant 64 : i32
    %scan3A_12 = arith.addi %scan3A_10, %scan3A_11 : i32
    %scan3A_13 = arith.constant 1 : i32
    scf.for %scan3A_34 = %scan3A_10 to %scan3A_12 step %scan3A_13  : i32 {
      %swap3A = arith.index_cast %scan3A_34 : i32 to index
      %swap3A_35 = arith.constant 0 : index
      %swap3A_36 = tpu.vector_load %arg8[%swap3A, %swap3A_35] {strides = array<i32>} : memref<64x128xf32, #tpu.memory_space<vmem>>, vector<1x16xf32>,
      %swap3A_37 = vector.shape_cast %swap3A_36 : vector<1x16xf32> to vector<16xf32>
      %swap3A_38 = vector.shape_cast %broadcast_in_dim3A_8 : vector<16xf32> to vector<1x16xf32>
      tpu.vector_store %arg8[%swap3A, %swap3A_35], %swap3A_38 {strides = array<i32>} : memref<64x128xf32, #tpu.memory_space<vmem>>, vector<1x16xf32>,
      %swap3A_39 = arith.index_cast %scan3A_34 : i32 to index
      %swap3A_40 = arith.constant 16 : index
      %swap3A_41 = tpu.vector_load %arg8[%swap3A_39, %swap3A_40] {strides = array<i32>} : memref<64x128xf32, #tpu.memory_space<vmem>>, vector<1x16xf32>,
      %swap3A_42 = vector.shape_cast %swap3A_41 : vector<1x16xf32> to vector<16xf32>
      %swap3A_43 = vector.shape_cast %broadcast_in_dim3A_8 : vector<16xf32> to vector<1x16xf32>
      tpu.vector_store %arg8[%swap3A_39, %swap3A_40], %swap3A_43 {strides = array<i32>} : memref<64x128xf32, #tpu.memory_space<vmem>>, vector<1x16xf32>,
      %swap3A_44 = arith.index_cast %scan3A_34 : i32 to index
      %swap3A_45 = arith.constant 32 : index
      %swap3A_46 = tpu.vector_load %arg8[%swap3A_44, %swap3A_45] {strides = array<i32>} : memref<64x128xf32, #tpu.memory_space<vmem>>, vector<1x16xf32>,
      %swap3A_47 = vector.shape_cast %swap3A_46 : vector<1x16xf32> to vector<16xf32>
      %swap3A_48 = vector.shape_cast %broadcast_in_dim3A_8 : vector<16xf32> to vector<1x16xf32>
      tpu.vector_store %arg8[%swap3A_44, %swap3A_45], %swap3A_48 {strides = array<i32>} : memref<64x128xf32, #tpu.memory_space<vmem>>, vector<1x16xf32>,
      %swap3A_49 = arith.index_cast %scan3A_34 : i32 to index
      %swap3A_50 = arith.constant 48 : index
      %swap3A_51 = tpu.vector_load %arg8[%swap3A_49, %swap3A_50] {strides = array<i32>} : memref<64x128xf32, #tpu.memory_space<vmem>>, vector<1x16xf32>,
      %swap3A_52 = vector.shape_cast %swap3A_51 : vector<1x16xf32> to vector<16xf32>
      %swap3A_53 = vector.shape_cast %broadcast_in_dim3A_8 : vector<16xf32> to vector<1x16xf32>
      tpu.vector_store %arg8[%swap3A_49, %swap3A_50], %swap3A_53 {strides = array<i32>} : memref<64x128xf32, #tpu.memory_space<vmem>>, vector<1x16xf32>,
      %swap3A_54 = arith.index_cast %scan3A_34 : i32 to index
      %swap3A_55 = arith.constant 64 : index
      %swap3A_56 = tpu.vector_load %arg8[%swap3A_54, %swap3A_55] {strides = array<i32>} : memref<64x128xf32, #tpu.memory_space<vmem>>, vector<1x16xf32>,
      %swap3A_57 = vector.shape_cast %swap3A_56 : vector<1x16xf32> to vector<16xf32>
      %swap3A_58 = vector.shape_cast %broadcast_in_dim3A_8 : vector<16xf32> to vector<1x16xf32>
      tpu.vector_store %arg8[%swap3A_54, %swap3A_55], %swap3A_58 {strides = array<i32>} : memref<64x128xf32, #tpu.memory_space<vmem>>, vector<1x16xf32>,
      %swap3A_59 = arith.index_cast %scan3A_34 : i32 to index
      %swap3A_60 = arith.constant 80 : index
      %swap3A_61 = tpu.vector_load %arg8[%swap3A_59, %swap3A_60] {strides = array<i32>} : memref<64x128xf32, #tpu.memory_space<vmem>>, vector<1x16xf32>,
      %swap3A_62 = vector.shape_cast %swap3A_61 : vector<1x16xf32> to vector<16xf32>
      %swap3A_63 = vector.shape_cast %broadcast_in_dim3A_8 : vector<16xf32> to vector<1x16xf32>
      tpu.vector_store %arg8[%swap3A_59, %swap3A_60], %swap3A_63 {strides = array<i32>} : memref<64x128xf32, #tpu.memory_space<vmem>>, vector<1x16xf32>,
      %swap3A_64 = arith.index_cast %scan3A_34 : i32 to index
      %swap3A_65 = arith.constant 96 : index
      %swap3A_66 = tpu.vector_load %arg8[%swap3A_64, %swap3A_65] {strides = array<i32>} : memref<64x128xf32, #tpu.memory_space<vmem>>, vector<1x16xf32>,
      %swap3A_67 = vector.shape_cast %swap3A_66 : vector<1x16xf32> to vector<16xf32>
      %swap3A_68 = vector.shape_cast %broadcast_in_dim3A_8 : vector<16xf32> to vector<1x16xf32>
      tpu.vector_store %arg8[%swap3A_64, %swap3A_65], %swap3A_68 {strides = array<i32>} : memref<64x128xf32, #tpu.memory_space<vmem>>, vector<1x16xf32>,
      %swap3A_69 = arith.index_cast %scan3A_34 : i32 to index
      %swap3A_70 = arith.constant 112 : index
      %swap3A_71 = tpu.vector_load %arg8[%swap3A_69, %swap3A_70] {strides = array<i32>} : memref<64x128xf32, #tpu.memory_space<vmem>>, vector<1x16xf32>,
      %swap3A_72 = vector.shape_cast %swap3A_71 : vector<1x16xf32> to vector<16xf32>
      %swap3A_73 = vector.shape_cast %broadcast_in_dim3A_8 : vector<16xf32> to vector<1x16xf32>
      tpu.vector_store %arg8[%swap3A_69, %swap3A_70], %swap3A_73 {strides = array<i32>} : memref<64x128xf32, #tpu.memory_space<vmem>>, vector<1x16xf32>,
    }
    %scan3A_14 = arith.constant 64 : i32
    %mul3A_15 = arith.constant 17 : i32
    %mul3A_16 = arith.muli %arg1, %mul3A_15 : i32
    "tpu.region"() ({
      %run_scoped3A = tpu.sem_alloc : memref<!tpu.dma_semaphore, #tpu.memory_space<semaphore_mem>>
      %dma_start3A = arith.constant 0 : i32
      %dma_start3A_34 = tpu.memref_slice %arg10[%mul3A_16, %dma_start3A] : memref<272x128xf32, #tpu.memory_space<vmem_shared>> -> memref<17x128xf32, #tpu.memory_space<vmem_shared>>
      %dma_start3A_35 = arith.constant 0 : i32
      %dma_start3A_36 = tpu.memref_slice %arg10[%mul3A_16, %dma_start3A_35] : memref<272x128xf32, #tpu.memory_space<vmem_shared>> -> memref<17x128xf32, #tpu.memory_space<vmem_shared>>
      tpu.enqueue_dma source(%arg9 : memref<17x128xf32, #tpu.memory_space<vmem>>) target(%dma_start3A_36 : memref<17x128xf32, #tpu.memory_space<vmem_shared>>) target_semaphore(%run_scoped3A : memref<!tpu.dma_semaphore, #tpu.memory_space<semaphore_mem>>)
      %dma_wait3A = arith.constant 0 : i32
      %dma_wait3A_37 = tpu.memref_slice %arg10[%mul3A_16, %dma_wait3A] : memref<272x128xf32, #tpu.memory_space<vmem_shared>> -> memref<17x128xf32, #tpu.memory_space<vmem_shared>>
      %dma_wait3A_38 = arith.constant 0 : i32
      %dma_wait3A_39 = tpu.memref_slice %arg10[%mul3A_16, %dma_wait3A_38] : memref<272x128xf32, #tpu.memory_space<vmem_shared>> -> memref<17x128xf32, #tpu.memory_space<vmem_shared>>
      tpu.wait_dma2 semaphore(%run_scoped3A : memref<!tpu.dma_semaphore, #tpu.memory_space<semaphore_mem>>) src(%arg9 : memref<17x128xf32, #tpu.memory_space<vmem>>) dst(%dma_wait3A_39 : memref<17x128xf32, #tpu.memory_space<vmem_shared>>)
      tpu.yield
    }) : () -> ()
    %mul3A_17 = arith.constant 17 : i32
    %mul3A_18 = arith.muli %arg1, %mul3A_17 : i32
    "tpu.region"() ({
      %run_scoped3A = tpu.sem_alloc : memref<!tpu.dma_semaphore, #tpu.memory_space<semaphore_mem>>
      %dma_start3A = arith.constant 0 : i32
      %dma_start3A_34 = tpu.memref_slice %arg11[%mul3A_18, %dma_start3A] : memref<272x128xf32, #tpu.memory_space<vmem_shared>> -> memref<17x128xf32, #tpu.memory_space<vmem_shared>>
      %dma_start3A_35 = arith.constant 0 : i32
      %dma_start3A_36 = tpu.memref_slice %arg11[%mul3A_18, %dma_start3A_35] : memref<272x128xf32, #tpu.memory_space<vmem_shared>> -> memref<17x128xf32, #tpu.memory_space<vmem_shared>>
      tpu.enqueue_dma source(%arg9 : memref<17x128xf32, #tpu.memory_space<vmem>>) target(%dma_start3A_36 : memref<17x128xf32, #tpu.memory_space<vmem_shared>>) target_semaphore(%run_scoped3A : memref<!tpu.dma_semaphore, #tpu.memory_space<semaphore_mem>>)
      %dma_wait3A = arith.constant 0 : i32
      %dma_wait3A_37 = tpu.memref_slice %arg11[%mul3A_18, %dma_wait3A] : memref<272x128xf32, #tpu.memory_space<vmem_shared>> -> memref<17x128xf32, #tpu.memory_space<vmem_shared>>
      %dma_wait3A_38 = arith.constant 0 : i32
      %dma_wait3A_39 = tpu.memref_slice %arg11[%mul3A_18, %dma_wait3A_38] : memref<272x128xf32, #tpu.memory_space<vmem_shared>> -> memref<17x128xf32, #tpu.memory_space<vmem_shared>>
      tpu.wait_dma2 semaphore(%run_scoped3A : memref<!tpu.dma_semaphore, #tpu.memory_space<semaphore_mem>>) src(%arg9 : memref<17x128xf32, #tpu.memory_space<vmem>>) dst(%dma_wait3A_39 : memref<17x128xf32, #tpu.memory_space<vmem_shared>>)
      tpu.yield
    }) : () -> ()
    "tpu.region"() ({
      %run_scoped3A = tpu.sem_alloc : memref<!tpu.dma_semaphore, #tpu.memory_space<semaphore_mem>>
      %dma_start3A = arith.constant 0 : i32
      %dma_start3A_34 = arith.constant 0 : i32
      %dma_start3A_35 = tpu.memref_slice %arg3[%add3A, %dma_start3A, %dma_start3A_34] : memref<32x5x64xi32, #tpu.memory_space<hbm>> -> memref<1x5x64xi32, #tpu.memory_space<hbm>>
      %dma_start3A_36 = tpu.memref_squeeze %dma_start3A_35 : memref<1x5x64xi32, #tpu.memory_space<hbm>> -> memref<5x64xi32, #tpu.memory_space<hbm>>
      %dma_start3A_37 = arith.constant 0 : i32
      %dma_start3A_38 = arith.constant 0 : i32
      %dma_start3A_39 = tpu.memref_slice %arg3[%add3A, %dma_start3A_37, %dma_start3A_38] : memref<32x5x64xi32, #tpu.memory_space<hbm>> -> memref<1x5x64xi32, #tpu.memory_space<hbm>>
      %dma_start3A_40 = tpu.memref_squeeze %dma_start3A_39 : memref<1x5x64xi32, #tpu.memory_space<hbm>> -> memref<5x64xi32, #tpu.memory_space<hbm>>
      tpu.enqueue_dma source(%dma_start3A_40 : memref<5x64xi32, #tpu.memory_space<hbm>>) target(%arg6 : memref<5x64xi32, #tpu.memory_space<vmem>>) target_semaphore(%run_scoped3A : memref<!tpu.dma_semaphore, #tpu.memory_space<semaphore_mem>>)
      %dma_wait3A = arith.constant 0 : i32
      %dma_wait3A_41 = arith.constant 0 : i32
      %dma_wait3A_42 = tpu.memref_slice %arg3[%add3A, %dma_wait3A, %dma_wait3A_41] : memref<32x5x64xi32, #tpu.memory_space<hbm>> -> memref<1x5x64xi32, #tpu.memory_space<hbm>>
      %dma_wait3A_43 = tpu.memref_squeeze %dma_wait3A_42 : memref<1x5x64xi32, #tpu.memory_space<hbm>> -> memref<5x64xi32, #tpu.memory_space<hbm>>
      %dma_wait3A_44 = arith.constant 0 : i32
      %dma_wait3A_45 = arith.constant 0 : i32
      %dma_wait3A_46 = tpu.memref_slice %arg3[%add3A, %dma_wait3A_44, %dma_wait3A_45] : memref<32x5x64xi32, #tpu.memory_space<hbm>> -> memref<1x5x64xi32, #tpu.memory_space<hbm>>
      %dma_wait3A_47 = tpu.memref_squeeze %dma_wait3A_46 : memref<1x5x64xi32, #tpu.memory_space<hbm>> -> memref<5x64xi32, #tpu.memory_space<hbm>>
      tpu.wait_dma2 semaphore(%run_scoped3A : memref<!tpu.dma_semaphore, #tpu.memory_space<semaphore_mem>>) src(%dma_wait3A_47 : memref<5x64xi32, #tpu.memory_space<hbm>>) dst(%arg6 : memref<5x64xi32, #tpu.memory_space<vmem>>)
      tpu.yield
    }) : () -> ()
    %barrier3A = arith.constant 0 : index
    tpu.barrier barrier_id(%barrier3A)
    %scan3A_19 = arith.constant 0 : i32
    %scan3A_20 = arith.constant 0 : i32
    %scan3A_21 = arith.constant 5 : i32
    %scan3A_22 = arith.addi %scan3A_20, %scan3A_21 : i32
    %scan3A_23 = arith.constant 1 : i32
    scf.for %scan3A_34 = %scan3A_20 to %scan3A_22 step %scan3A_23  : i32 {
      %mul3A_35 = arith.constant 320 : i32
      %mul3A_36 = arith.muli %add3A, %mul3A_35 : i32
      %mul3A_37 = arith.constant 64 : i32
      %mul3A_38 = arith.muli %scan3A_34, %mul3A_37 : i32
      %add3A_39 = arith.addi %mul3A_36, %mul3A_38 : i32
      "tpu.region"() ({
        %run_scoped3A = tpu.sem_alloc : memref<!tpu.dma_semaphore, #tpu.memory_space<semaphore_mem>>
        %dma_start3A = arith.constant 0 : i32
        %dma_start3A_40 = tpu.memref_slice %arg2[%add3A_39, %dma_start3A] : memref<10240x128xf32, #tpu.memory_space<hbm>> -> memref<64x128xf32, #tpu.memory_space<hbm>>
        %dma_start3A_41 = arith.constant 0 : i32
        %dma_start3A_42 = tpu.memref_slice %arg2[%add3A_39, %dma_start3A_41] : memref<10240x128xf32, #tpu.memory_space<hbm>> -> memref<64x128xf32, #tpu.memory_space<hbm>>
        tpu.enqueue_dma source(%dma_start3A_42 : memref<64x128xf32, #tpu.memory_space<hbm>>) target(%arg7 : memref<64x128xf32, #tpu.memory_space<vmem>>) target_semaphore(%run_scoped3A : memref<!tpu.dma_semaphore, #tpu.memory_space<semaphore_mem>>)
        %dma_wait3A = arith.constant 0 : i32
        %dma_wait3A_43 = tpu.memref_slice %arg2[%add3A_39, %dma_wait3A] : memref<10240x128xf32, #tpu.memory_space<hbm>> -> memref<64x128xf32, #tpu.memory_space<hbm>>
        %dma_wait3A_44 = arith.constant 0 : i32
        %dma_wait3A_45 = tpu.memref_slice %arg2[%add3A_39, %dma_wait3A_44] : memref<10240x128xf32, #tpu.memory_space<hbm>> -> memref<64x128xf32, #tpu.memory_space<hbm>>
        tpu.wait_dma2 semaphore(%run_scoped3A : memref<!tpu.dma_semaphore, #tpu.memory_space<semaphore_mem>>) src(%dma_wait3A_45 : memref<64x128xf32, #tpu.memory_space<hbm>>) dst(%arg7 : memref<64x128xf32, #tpu.memory_space<vmem>>)
        tpu.yield
      }) : () -> ()
      "tpu.region"() ({
        %run_scoped3A = tpu.sem_alloc : memref<!tpu.dma_semaphore, #tpu.memory_space<semaphore_mem>>
        %dma_start3A = arith.constant 0 : i32
        %dma_start3A_40 = tpu.memref_slice %arg6[%scan3A_34, %dma_start3A] : memref<5x64xi32, #tpu.memory_space<vmem>> -> memref<1x64xi32, #tpu.memory_space<vmem>>
        %dma_start3A_41 = tpu.memref_squeeze %dma_start3A_40 : memref<1x64xi32, #tpu.memory_space<vmem>> -> memref<64xi32, #tpu.memory_space<vmem>>
        %dma_start3A_42 = arith.constant 0 : i32
        %dma_start3A_43 = arith.constant 0 : i32
        %dma_start3A_44 = tpu.memref_slice %arg10[%dma_start3A_42, %dma_start3A_43] : memref<272x128xf32, #tpu.memory_space<vmem_shared>> -> memref<272x128xf32, #tpu.memory_space<vmem_shared>>
        tpu.enqueue_indirect_dma source(%arg7 : memref<64x128xf32, #tpu.memory_space<vmem>>) target(%dma_start3A_44 : memref<272x128xf32, #tpu.memory_space<vmem_shared>>) offsets(%dma_start3A_41 : memref<64xi32, #tpu.memory_space<vmem>>) semaphore(%run_scoped3A : memref<!tpu.dma_semaphore, #tpu.memory_space<semaphore_mem>>) {add = true}
        %dma_wait3A = arith.constant 0 : i32
        %dma_wait3A_45 = tpu.memref_slice %arg6[%scan3A_34, %dma_wait3A] : memref<5x64xi32, #tpu.memory_space<vmem>> -> memref<1x64xi32, #tpu.memory_space<vmem>>
        %dma_wait3A_46 = tpu.memref_squeeze %dma_wait3A_45 : memref<1x64xi32, #tpu.memory_space<vmem>> -> memref<64xi32, #tpu.memory_space<vmem>>
        %dma_wait3A_47 = arith.constant 0 : i32
        %dma_wait3A_48 = arith.constant 0 : i32
        %dma_wait3A_49 = tpu.memref_slice %arg10[%dma_wait3A_47, %dma_wait3A_48] : memref<272x128xf32, #tpu.memory_space<vmem_shared>> -> memref<272x128xf32, #tpu.memory_space<vmem_shared>>
        tpu.wait_indirect_dma semaphore(%run_scoped3A : memref<!tpu.dma_semaphore, #tpu.memory_space<semaphore_mem>>) src(%arg7 : memref<64x128xf32, #tpu.memory_space<vmem>>) dst(%dma_wait3A_49 : memref<272x128xf32, #tpu.memory_space<vmem_shared>>)
        tpu.yield
      }) : () -> ()
      "tpu.region"() ({
        %run_scoped3A = tpu.sem_alloc : memref<!tpu.dma_semaphore, #tpu.memory_space<semaphore_mem>>
        %dma_start3A = arith.constant 0 : i32
        %dma_start3A_40 = tpu.memref_slice %arg6[%scan3A_34, %dma_start3A] : memref<5x64xi32, #tpu.memory_space<vmem>> -> memref<1x64xi32, #tpu.memory_space<vmem>>
        %dma_start3A_41 = tpu.memref_squeeze %dma_start3A_40 : memref<1x64xi32, #tpu.memory_space<vmem>> -> memref<64xi32, #tpu.memory_space<vmem>>
        %dma_start3A_42 = arith.constant 0 : i32
        %dma_start3A_43 = arith.constant 0 : i32
        %dma_start3A_44 = tpu.memref_slice %arg11[%dma_start3A_42, %dma_start3A_43] : memref<272x128xf32, #tpu.memory_space<vmem_shared>> -> memref<272x128xf32, #tpu.memory_space<vmem_shared>>
        tpu.enqueue_indirect_dma source(%arg8 : memref<64x128xf32, #tpu.memory_space<vmem>>) target(%dma_start3A_44 : memref<272x128xf32, #tpu.memory_space<vmem_shared>>) offsets(%dma_start3A_41 : memref<64xi32, #tpu.memory_space<vmem>>) semaphore(%run_scoped3A : memref<!tpu.dma_semaphore, #tpu.memory_space<semaphore_mem>>) {add = true}
        %dma_wait3A = arith.constant 0 : i32
        %dma_wait3A_45 = tpu.memref_slice %arg6[%scan3A_34, %dma_wait3A] : memref<5x64xi32, #tpu.memory_space<vmem>> -> memref<1x64xi32, #tpu.memory_space<vmem>>
        %dma_wait3A_46 = tpu.memref_squeeze %dma_wait3A_45 : memref<1x64xi32, #tpu.memory_space<vmem>> -> memref<64xi32, #tpu.memory_space<vmem>>
        %dma_wait3A_47 = arith.constant 0 : i32
        %dma_wait3A_48 = arith.constant 0 : i32
        %dma_wait3A_49 = tpu.memref_slice %arg11[%dma_wait3A_47, %dma_wait3A_48] : memref<272x128xf32, #tpu.memory_space<vmem_shared>> -> memref<272x128xf32, #tpu.memory_space<vmem_shared>>
        tpu.wait_indirect_dma semaphore(%run_scoped3A : memref<!tpu.dma_semaphore, #tpu.memory_space<semaphore_mem>>) src(%arg8 : memref<64x128xf32, #tpu.memory_space<vmem>>) dst(%dma_wait3A_49 : memref<272x128xf32, #tpu.memory_space<vmem_shared>>)
        tpu.yield
      }) : () -> ()
    }
    %scan3A_24 = arith.constant 5 : i32
    %barrier3A_25 = arith.constant 0 : index
    tpu.barrier barrier_id(%barrier3A_25)
    %mul3A_26 = arith.constant 16 : i32
    %mul3A_27 = arith.muli %arg1, %mul3A_26 : i32
    %mul3A_28 = arith.constant 16 : i32
    %mul3A_29 = arith.muli %arg1, %mul3A_28 : i32
    "tpu.region"() ({
      %run_scoped3A = tpu.sem_alloc : memref<!tpu.dma_semaphore, #tpu.memory_space<semaphore_mem>>
      %dma_start3A = arith.constant 0 : i32
      %dma_start3A_34 = tpu.memref_slice %arg4[%arg0, %mul3A_29, %dma_start3A] : memref<2x256x128xf32, #tpu.memory_space<hbm>> -> memref<1x16x128xf32, #tpu.memory_space<hbm>>
      %dma_start3A_35 = tpu.memref_squeeze %dma_start3A_34 : memref<1x16x128xf32, #tpu.memory_space<hbm>> -> memref<16x128xf32, #tpu.memory_space<hbm>>
      %dma_start3A_36 = arith.constant 0 : i32
      %dma_start3A_37 = tpu.memref_slice %arg10[%mul3A_27, %dma_start3A_36] : memref<272x128xf32, #tpu.memory_space<vmem_shared>> -> memref<16x128xf32, #tpu.memory_space<vmem_shared>>
      tpu.enqueue_dma source(%dma_start3A_37 : memref<16x128xf32, #tpu.memory_space<vmem_shared>>) target(%dma_start3A_35 : memref<16x128xf32, #tpu.memory_space<hbm>>) target_semaphore(%run_scoped3A : memref<!tpu.dma_semaphore, #tpu.memory_space<semaphore_mem>>)
      %dma_wait3A = arith.constant 0 : i32
      %dma_wait3A_38 = tpu.memref_slice %arg4[%arg0, %mul3A_29, %dma_wait3A] : memref<2x256x128xf32, #tpu.memory_space<hbm>> -> memref<1x16x128xf32, #tpu.memory_space<hbm>>
      %dma_wait3A_39 = tpu.memref_squeeze %dma_wait3A_38 : memref<1x16x128xf32, #tpu.memory_space<hbm>> -> memref<16x128xf32, #tpu.memory_space<hbm>>
      %dma_wait3A_40 = arith.constant 0 : i32
      %dma_wait3A_41 = tpu.memref_slice %arg10[%mul3A_27, %dma_wait3A_40] : memref<272x128xf32, #tpu.memory_space<vmem_shared>> -> memref<16x128xf32, #tpu.memory_space<vmem_shared>>
      tpu.wait_dma2 semaphore(%run_scoped3A : memref<!tpu.dma_semaphore, #tpu.memory_space<semaphore_mem>>) src(%dma_wait3A_41 : memref<16x128xf32, #tpu.memory_space<vmem_shared>>) dst(%dma_wait3A_39 : memref<16x128xf32, #tpu.memory_space<hbm>>)
      tpu.yield
    }) : () -> ()
    %mul3A_30 = arith.constant 16 : i32
    %mul3A_31 = arith.muli %arg1, %mul3A_30 : i32
    %mul3A_32 = arith.constant 16 : i32
    %mul3A_33 = arith.muli %arg1, %mul3A_32 : i32
    "tpu.region"() ({
      %run_scoped3A = tpu.sem_alloc : memref<!tpu.dma_semaphore, #tpu.memory_space<semaphore_mem>>
      %dma_start3A = arith.constant 0 : i32
      %dma_start3A_34 = tpu.memref_slice %arg5[%arg0, %mul3A_33, %dma_start3A] : memref<2x256x128xf32, #tpu.memory_space<hbm>> -> memref<1x16x128xf32, #tpu.memory_space<hbm>>
      %dma_start3A_35 = tpu.memref_squeeze %dma_start3A_34 : memref<1x16x128xf32, #tpu.memory_space<hbm>> -> memref<16x128xf32, #tpu.memory_space<hbm>>
      %dma_start3A_36 = arith.constant 0 : i32
      %dma_start3A_37 = tpu.memref_slice %arg11[%mul3A_31, %dma_start3A_36] : memref<272x128xf32, #tpu.memory_space<vmem_shared>> -> memref<16x128xf32, #tpu.memory_space<vmem_shared>>
      tpu.enqueue_dma source(%dma_start3A_37 : memref<16x128xf32, #tpu.memory_space<vmem_shared>>) target(%dma_start3A_35 : memref<16x128xf32, #tpu.memory_space<hbm>>) target_semaphore(%run_scoped3A : memref<!tpu.dma_semaphore, #tpu.memory_space<semaphore_mem>>)
      %dma_wait3A = arith.constant 0 : i32
      %dma_wait3A_38 = tpu.memref_slice %arg5[%arg0, %mul3A_33, %dma_wait3A] : memref<2x256x128xf32, #tpu.memory_space<hbm>> -> memref<1x16x128xf32, #tpu.memory_space<hbm>>
      %dma_wait3A_39 = tpu.memref_squeeze %dma_wait3A_38 : memref<1x16x128xf32, #tpu.memory_space<hbm>> -> memref<16x128xf32, #tpu.memory_space<hbm>>
      %dma_wait3A_40 = arith.constant 0 : i32
      %dma_wait3A_41 = tpu.memref_slice %arg11[%mul3A_31, %dma_wait3A_40] : memref<272x128xf32, #tpu.memory_space<vmem_shared>> -> memref<16x128xf32, #tpu.memory_space<vmem_shared>>
      tpu.wait_dma2 semaphore(%run_scoped3A : memref<!tpu.dma_semaphore, #tpu.memory_space<semaphore_mem>>) src(%dma_wait3A_41 : memref<16x128xf32, #tpu.memory_space<vmem_shared>>) dst(%dma_wait3A_39 : memref<16x128xf32, #tpu.memory_space<hbm>>)
      tpu.yield
    }) : () -> ()
    return
  }
}

module attributes {stable_mosaic.version = 14 : i64} {
  func.func @_gin_matmul_body(%arg0: i32, %arg1: memref<1024x128xf32, #tpu.memory_space<vmem>>, %arg2: memref<1024x128xf32, #tpu.memory_space<vmem>>, %arg3: memref<128x128xf32, #tpu.memory_space<vmem>>, %arg4: memref<1x128xf32, #tpu.memory_space<vmem>>, %arg5: memref<1024x128xf32, #tpu.memory_space<vmem>>) attributes {dimension_semantics = [#tpu.dimension_semantics<arbitrary>], iteration_bounds = array<i64: 10>, scalar_prefetch = 0 : i64, scratch_operands = 0 : i64, tpu.core_type = #tpu.core_type<tc>, window_params = [{transform_indices = @transform_0, window_bounds = array<i64: 1024, 128>}, {transform_indices = @transform_1, window_bounds = array<i64: 1024, 128>}, {pipeline_mode = #tpu.pipeline_mode<synchronous>, transform_indices = @transform_2, window_bounds = array<i64: 128, 128>}, {pipeline_mode = #tpu.pipeline_mode<synchronous>, transform_indices = @transform_3, window_bounds = array<i64: 1, 128>}, {transform_indices = @transform_4, window_bounds = array<i64: 1024, 128>}]} {
    %get3A = arith.constant 0 : index
    %get3A_0 = arith.constant 0 : index
    %get3A_1 = vector.load %arg1[%get3A, %get3A_0] : memref<1024x128xf32, #tpu.memory_space<vmem>>, vector<1024x128xf32>
    %get3A_2 = arith.constant 0 : index
    %get3A_3 = arith.constant 0 : index
    %get3A_4 = vector.load %arg2[%get3A_2, %get3A_3] : memref<1024x128xf32, #tpu.memory_space<vmem>>, vector<1024x128xf32>
    %add3A = arith.addf %get3A_1, %get3A_4 : vector<1024x128xf32>
    %get3A_5 = arith.constant 0 : index
    %get3A_6 = arith.constant 0 : index
    %get3A_7 = vector.load %arg3[%get3A_5, %get3A_6] : memref<128x128xf32, #tpu.memory_space<vmem>>, vector<128x128xf32>
    %dot_general3A = arith.constant dense<0.000000e+00> : vector<1024x128xf32>
    %dot_general3A_8 = tpu.matmul %add3A, %get3A_7, %dot_general3A {dimension_numbers = #tpu.dot_dimension_numbers<[1], [0], [0], [1], [0, 0, 1, 1], [], []>, transpose_lhs_hint = false} : vector<1024x128xf32>, vector<128x128xf32>, vector<1024x128xf32> -> vector<1024x128xf32>
    %get3A_9 = arith.constant 0 : index
    %get3A_10 = arith.constant 0 : index
    %get3A_11 = vector.load %arg4[%get3A_9, %get3A_10] : memref<1x128xf32, #tpu.memory_space<vmem>>, vector<1x128xf32>
    %add3A_12 = vector.broadcast %get3A_11 : vector<1x128xf32> to vector<1024x128xf32>
    %add3A_13 = arith.addf %dot_general3A_8, %add3A_12 : vector<1024x128xf32>
    %max3A = arith.constant 0.000000e+00 : f32
    %max3A_14 = vector.broadcast %max3A : f32 to vector<1024x128xf32>
    %max3A_15 = arith.maximumf %add3A_13, %max3A_14 : vector<1024x128xf32>
    %swap3A = arith.constant 0 : index
    %swap3A_16 = arith.constant 0 : index
    %swap3A_17 = vector.load %arg5[%swap3A, %swap3A_16] : memref<1024x128xf32, #tpu.memory_space<vmem>>, vector<1024x128xf32>
    tpu.vector_store %arg5[%swap3A, %swap3A_16], %max3A_15 {strides = array<i32>} : memref<1024x128xf32, #tpu.memory_space<vmem>>, vector<1024x128xf32>,
    return
  }
  func.func @transform_0(%arg0: i32) -> (i32, i32) {
    %c0_i32 = arith.constant 0 : i32
    %c0_i32_0 = arith.constant 0 : i32
    return %arg0, %c0_i32 : i32, i32
  }
  func.func @transform_1(%arg0: i32) -> (i32, i32) {
    %c0_i32 = arith.constant 0 : i32
    %c0_i32_0 = arith.constant 0 : i32
    return %arg0, %c0_i32 : i32, i32
  }
  func.func @transform_2(%arg0: i32) -> (i32, i32) {
    %c0_i32 = arith.constant 0 : i32
    %c0_i32_0 = arith.constant 0 : i32
    %c0_i32_1 = arith.constant 0 : i32
    return %c0_i32, %c0_i32_0 : i32, i32
  }
  func.func @transform_3(%arg0: i32) -> (i32, i32) {
    %c0_i32 = arith.constant 0 : i32
    %c0_i32_0 = arith.constant 0 : i32
    %c0_i32_1 = arith.constant 0 : i32
    return %c0_i32, %c0_i32_0 : i32, i32
  }
  func.func @transform_4(%arg0: i32) -> (i32, i32) {
    %c0_i32 = arith.constant 0 : i32
    %c0_i32_0 = arith.constant 0 : i32
    return %arg0, %c0_i32 : i32, i32
  }
}

module attributes {stable_mosaic.version = 14 : i64} {
  func.func @_head_body(%arg0: memref<256x128xf32, #tpu.memory_space<vmem>>, %arg1: memref<256x128xf32, #tpu.memory_space<vmem>>, %arg2: memref<256x128xf32, #tpu.memory_space<vmem>>, %arg3: memref<256x128xf32, #tpu.memory_space<vmem>>, %arg4: memref<128x256xf32, #tpu.memory_space<vmem>>, %arg5: memref<1x256xf32, #tpu.memory_space<vmem>>, %arg6: memref<1x256xf32, #tpu.memory_space<vmem>>, %arg7: memref<1x256xf32, #tpu.memory_space<vmem>>, %arg8: memref<256x128xf32, #tpu.memory_space<vmem>>, %arg9: memref<1x128xf32, #tpu.memory_space<vmem>>, %arg10: memref<1x128xf32, #tpu.memory_space<vmem>>, %arg11: memref<1x128xf32, #tpu.memory_space<vmem>>, %arg12: memref<1x128xf32, #tpu.memory_space<vmem>>, %arg13: memref<1x1xf32, #tpu.memory_space<vmem>>, %arg14: memref<256x1xf32, #tpu.memory_space<vmem>>) attributes {dimension_semantics = [], scalar_prefetch = 0 : i64, scratch_operands = 0 : i64, tpu.core_type = #tpu.core_type<tc>} {
    %get3A = arith.constant 0 : index
    %get3A_0 = arith.constant 0 : index
    %get3A_1 = vector.load %arg0[%get3A, %get3A_0] : memref<256x128xf32, #tpu.memory_space<vmem>>, vector<256x128xf32>
    %get3A_2 = arith.constant 0 : index
    %get3A_3 = arith.constant 0 : index
    %get3A_4 = vector.load %arg1[%get3A_2, %get3A_3] : memref<256x128xf32, #tpu.memory_space<vmem>>, vector<256x128xf32>
    %add3A = arith.addf %get3A_1, %get3A_4 : vector<256x128xf32>
    %get3A_5 = arith.constant 0 : index
    %get3A_6 = arith.constant 0 : index
    %get3A_7 = vector.load %arg2[%get3A_5, %get3A_6] : memref<256x128xf32, #tpu.memory_space<vmem>>, vector<256x128xf32>
    %get3A_8 = arith.constant 0 : index
    %get3A_9 = arith.constant 0 : index
    %get3A_10 = vector.load %arg3[%get3A_8, %get3A_9] : memref<256x128xf32, #tpu.memory_space<vmem>>, vector<256x128xf32>
    %add3A_11 = arith.addf %get3A_7, %get3A_10 : vector<256x128xf32>
    %max3A = arith.constant 1.000000e+00 : f32
    %max3A_12 = vector.broadcast %max3A : f32 to vector<256x128xf32>
    %max3A_13 = arith.maximumf %add3A_11, %max3A_12 : vector<256x128xf32>
    %div3A = arith.divf %add3A, %max3A_13 : vector<256x128xf32>
    %get3A_14 = arith.constant 0 : index
    %get3A_15 = arith.constant 0 : index
    %get3A_16 = vector.load %arg4[%get3A_14, %get3A_15] : memref<128x256xf32, #tpu.memory_space<vmem>>, vector<128x256xf32>
    %dot_general3A = arith.constant dense<0.000000e+00> : vector<256x256xf32>
    %dot_general3A_17 = tpu.matmul %div3A, %get3A_16, %dot_general3A {dimension_numbers = #tpu.dot_dimension_numbers<[1], [0], [0], [1], [0, 0, 1, 1], [], []>, transpose_lhs_hint = false} : vector<256x128xf32>, vector<128x256xf32>, vector<256x256xf32> -> vector<256x256xf32>
    %get3A_18 = arith.constant 0 : index
    %get3A_19 = arith.constant 0 : index
    %get3A_20 = vector.load %arg5[%get3A_18, %get3A_19] : memref<1x256xf32, #tpu.memory_space<vmem>>, vector<1x256xf32>
    %add3A_21 = vector.broadcast %get3A_20 : vector<1x256xf32> to vector<256x256xf32>
    %add3A_22 = arith.addf %dot_general3A_17, %add3A_21 : vector<256x256xf32>
    %reduce_sum3A = arith.constant dense<0.000000e+00> : vector<256xf32>
    %reduce_sum3A_23 = vector.multi_reduction <add>, %add3A_22, %reduce_sum3A [0] : vector<256x256xf32> to vector<256xf32>
    %broadcast_in_dim3A = vector.shape_cast %reduce_sum3A_23 : vector<256xf32> to vector<1x256xf32>
    %div3A_24 = arith.constant 2.560000e+02 : f32
    %div3A_25 = vector.broadcast %div3A_24 : f32 to vector<1x256xf32>
    %div3A_26 = arith.divf %broadcast_in_dim3A, %div3A_25 : vector<1x256xf32>
    %sub3A = vector.broadcast %div3A_26 : vector<1x256xf32> to vector<256x256xf32>
    %sub3A_27 = arith.subf %add3A_22, %sub3A : vector<256x256xf32>
    %integer_pow3A = arith.mulf %sub3A_27, %sub3A_27 : vector<256x256xf32>
    %reduce_sum3A_28 = arith.constant dense<0.000000e+00> : vector<256xf32>
    %reduce_sum3A_29 = vector.multi_reduction <add>, %integer_pow3A, %reduce_sum3A_28 [0] : vector<256x256xf32> to vector<256xf32>
    %broadcast_in_dim3A_30 = vector.shape_cast %reduce_sum3A_29 : vector<256xf32> to vector<1x256xf32>
    %div3A_31 = arith.constant 2.560000e+02 : f32
    %div3A_32 = vector.broadcast %div3A_31 : f32 to vector<1x256xf32>
    %div3A_33 = arith.divf %broadcast_in_dim3A_30, %div3A_32 : vector<1x256xf32>
    %sub3A_34 = vector.broadcast %div3A_26 : vector<1x256xf32> to vector<256x256xf32>
    %sub3A_35 = arith.subf %add3A_22, %sub3A_34 : vector<256x256xf32>
    %add3A_36 = arith.constant 9.99999974E-6 : f32
    %add3A_37 = vector.broadcast %add3A_36 : f32 to vector<1x256xf32>
    %add3A_38 = arith.addf %div3A_33, %add3A_37 : vector<1x256xf32>
    %sqrt3A = math.sqrt %add3A_38 : vector<1x256xf32>
    %div3A_39 = vector.broadcast %sqrt3A : vector<1x256xf32> to vector<256x256xf32>
    %div3A_40 = arith.divf %sub3A_35, %div3A_39 : vector<256x256xf32>
    %get3A_41 = arith.constant 0 : index
    %get3A_42 = arith.constant 0 : index
    %get3A_43 = vector.load %arg6[%get3A_41, %get3A_42] : memref<1x256xf32, #tpu.memory_space<vmem>>, vector<1x256xf32>
    %mul3A = vector.broadcast %get3A_43 : vector<1x256xf32> to vector<256x256xf32>
    %mul3A_44 = arith.mulf %div3A_40, %mul3A : vector<256x256xf32>
    %get3A_45 = arith.constant 0 : index
    %get3A_46 = arith.constant 0 : index
    %get3A_47 = vector.load %arg7[%get3A_45, %get3A_46] : memref<1x256xf32, #tpu.memory_space<vmem>>, vector<1x256xf32>
    %add3A_48 = vector.broadcast %get3A_47 : vector<1x256xf32> to vector<256x256xf32>
    %add3A_49 = arith.addf %mul3A_44, %add3A_48 : vector<256x256xf32>
    %gt3A = arith.constant 0.000000e+00 : f32
    %gt3A_50 = vector.broadcast %gt3A : f32 to vector<256x256xf32>
    %gt3A_51 = arith.cmpf ogt, %add3A_49, %gt3A_50 : vector<256x256xf32>
    %mul3A_52 = arith.constant 0.00999999977 : f32
    %mul3A_53 = vector.broadcast %mul3A_52 : f32 to vector<256x256xf32>
    %mul3A_54 = arith.mulf %mul3A_53, %add3A_49 : vector<256x256xf32>
    %select_n3A = arith.select %gt3A_51, %add3A_49, %mul3A_54 : vector<256x256xi1>, vector<256x256xf32>
    %get3A_55 = arith.constant 0 : index
    %get3A_56 = arith.constant 0 : index
    %get3A_57 = vector.load %arg8[%get3A_55, %get3A_56] : memref<256x128xf32, #tpu.memory_space<vmem>>, vector<256x128xf32>
    %dot_general3A_58 = arith.constant dense<0.000000e+00> : vector<256x128xf32>
    %dot_general3A_59 = tpu.matmul %select_n3A, %get3A_57, %dot_general3A_58 {dimension_numbers = #tpu.dot_dimension_numbers<[1], [0], [0], [1], [0, 0, 1, 1], [], []>, transpose_lhs_hint = false} : vector<256x256xf32>, vector<256x128xf32>, vector<256x128xf32> -> vector<256x128xf32>
    %get3A_60 = arith.constant 0 : index
    %get3A_61 = arith.constant 0 : index
    %get3A_62 = vector.load %arg9[%get3A_60, %get3A_61] : memref<1x128xf32, #tpu.memory_space<vmem>>, vector<1x128xf32>
    %add3A_63 = vector.broadcast %get3A_62 : vector<1x128xf32> to vector<256x128xf32>
    %add3A_64 = arith.addf %dot_general3A_59, %add3A_63 : vector<256x128xf32>
    %reduce_sum3A_65 = arith.constant dense<0.000000e+00> : vector<128xf32>
    %reduce_sum3A_66 = vector.multi_reduction <add>, %add3A_64, %reduce_sum3A_65 [0] : vector<256x128xf32> to vector<128xf32>
    %broadcast_in_dim3A_67 = vector.shape_cast %reduce_sum3A_66 : vector<128xf32> to vector<1x128xf32>
    %div3A_68 = arith.constant 2.560000e+02 : f32
    %div3A_69 = vector.broadcast %div3A_68 : f32 to vector<1x128xf32>
    %div3A_70 = arith.divf %broadcast_in_dim3A_67, %div3A_69 : vector<1x128xf32>
    %sub3A_71 = vector.broadcast %div3A_70 : vector<1x128xf32> to vector<256x128xf32>
    %sub3A_72 = arith.subf %add3A_64, %sub3A_71 : vector<256x128xf32>
    %integer_pow3A_73 = arith.mulf %sub3A_72, %sub3A_72 : vector<256x128xf32>
    %reduce_sum3A_74 = arith.constant dense<0.000000e+00> : vector<128xf32>
    %reduce_sum3A_75 = vector.multi_reduction <add>, %integer_pow3A_73, %reduce_sum3A_74 [0] : vector<256x128xf32> to vector<128xf32>
    %broadcast_in_dim3A_76 = vector.shape_cast %reduce_sum3A_75 : vector<128xf32> to vector<1x128xf32>
    %div3A_77 = arith.constant 2.560000e+02 : f32
    %div3A_78 = vector.broadcast %div3A_77 : f32 to vector<1x128xf32>
    %div3A_79 = arith.divf %broadcast_in_dim3A_76, %div3A_78 : vector<1x128xf32>
    %sub3A_80 = vector.broadcast %div3A_70 : vector<1x128xf32> to vector<256x128xf32>
    %sub3A_81 = arith.subf %add3A_64, %sub3A_80 : vector<256x128xf32>
    %add3A_82 = arith.constant 9.99999974E-6 : f32
    %add3A_83 = vector.broadcast %add3A_82 : f32 to vector<1x128xf32>
    %add3A_84 = arith.addf %div3A_79, %add3A_83 : vector<1x128xf32>
    %sqrt3A_85 = math.sqrt %add3A_84 : vector<1x128xf32>
    %div3A_86 = vector.broadcast %sqrt3A_85 : vector<1x128xf32> to vector<256x128xf32>
    %div3A_87 = arith.divf %sub3A_81, %div3A_86 : vector<256x128xf32>
    %get3A_88 = arith.constant 0 : index
    %get3A_89 = arith.constant 0 : index
    %get3A_90 = vector.load %arg10[%get3A_88, %get3A_89] : memref<1x128xf32, #tpu.memory_space<vmem>>, vector<1x128xf32>
    %mul3A_91 = vector.broadcast %get3A_90 : vector<1x128xf32> to vector<256x128xf32>
    %mul3A_92 = arith.mulf %div3A_87, %mul3A_91 : vector<256x128xf32>
    %get3A_93 = arith.constant 0 : index
    %get3A_94 = arith.constant 0 : index
    %get3A_95 = vector.load %arg11[%get3A_93, %get3A_94] : memref<1x128xf32, #tpu.memory_space<vmem>>, vector<1x128xf32>
    %add3A_96 = vector.broadcast %get3A_95 : vector<1x128xf32> to vector<256x128xf32>
    %add3A_97 = arith.addf %mul3A_92, %add3A_96 : vector<256x128xf32>
    %gt3A_98 = arith.constant 0.000000e+00 : f32
    %gt3A_99 = vector.broadcast %gt3A_98 : f32 to vector<256x128xf32>
    %gt3A_100 = arith.cmpf ogt, %add3A_97, %gt3A_99 : vector<256x128xf32>
    %mul3A_101 = arith.constant 0.00999999977 : f32
    %mul3A_102 = vector.broadcast %mul3A_101 : f32 to vector<256x128xf32>
    %mul3A_103 = arith.mulf %mul3A_102, %add3A_97 : vector<256x128xf32>
    %select_n3A_104 = arith.select %gt3A_100, %add3A_97, %mul3A_103 : vector<256x128xi1>, vector<256x128xf32>
    %get3A_105 = arith.constant 0 : index
    %get3A_106 = arith.constant 0 : index
    %get3A_107 = vector.load %arg12[%get3A_105, %get3A_106] : memref<1x128xf32, #tpu.memory_space<vmem>>, vector<1x128xf32>
    %mul3A_108 = vector.broadcast %get3A_107 : vector<1x128xf32> to vector<256x128xf32>
    %mul3A_109 = arith.mulf %select_n3A_104, %mul3A_108 : vector<256x128xf32>
    %reduce_sum3A_110 = arith.constant dense<0.000000e+00> : vector<256xf32>
    %reduce_sum3A_111 = vector.multi_reduction <add>, %mul3A_109, %reduce_sum3A_110 [1] : vector<256x128xf32> to vector<256xf32>
    %broadcast_in_dim3A_112 = vector.shape_cast %reduce_sum3A_111 : vector<256xf32> to vector<256x1xf32>
    %get3A_113 = arith.constant 0 : index
    %get3A_114 = arith.constant 0 : index
    %get3A_115 = vector.load %arg13[%get3A_113, %get3A_114] : memref<1x1xf32, #tpu.memory_space<vmem>>, vector<1x1xf32>
    %add3A_116 = vector.broadcast %get3A_115 : vector<1x1xf32> to vector<256x1xf32>
    %add3A_117 = arith.addf %broadcast_in_dim3A_112, %add3A_116 : vector<256x1xf32>
    %swap3A = arith.constant 0 : index
    %swap3A_118 = arith.constant 0 : index
    %swap3A_119 = vector.load %arg14[%swap3A, %swap3A_118] : memref<256x1xf32, #tpu.memory_space<vmem>>, vector<256x1xf32>
    tpu.vector_store %arg14[%swap3A, %swap3A_118], %add3A_117 {strides = array<i32>} : memref<256x1xf32, #tpu.memory_space<vmem>>, vector<256x1xf32>,
    return
  }
}

</mosaic_0001>

<sc_bundles>
// kernel: gather_offload_async_start.1
scs
__scs_entry_jumppad:
0x0: {  	(pc) =	sbr.rel $0x88, $3  }
0x1: {  	(tag) =	ssettag $0x0;
	lr =	simm.s32 $0x1  }
0x2: {  	[smem:$0x3F92] =	sst lr;
	_ =	strace $0xD0000000  }
0x3: {  	_ = 	snop  }
0x4: {  	_ = 	snop  }
0x5: {  	_ = 	snop  }
0x6: {  	_ = 	snop  }
0x7: {  	_ = 	snop  }
__scs_overlays_trampoline_lowered:
0x8: {  	[smem:$0x3FA1] =	sst s0  }
0x9: {  	[smem:$0x3FA2] =	sst s1  }
0xa: {  	[smem:$0x3FA3] =	sst s2  }
0xb: {  	[smem:$0x3FA4] =	sst s3  }
0xc: {  	[smem:$0x3FA5] =	sst s4  }
0xd: {  	[smem:$0x3FA6] =	sst s5  }
0xe: {  	[smem:$0x3FA7] =	sst s6  }
0xf: {  	[smem:$0x3FA8] =	sst s7  }
0x10: {  	[smem:$0x3FA9] =	sst s8  }
0x11: {  	[smem:$0x3FAA] =	sst s9;
	s0 =	simm.s32 @!p0 $0x0  }
0x12: {  	s1 =	sld [smem:$0x3F90];
	s0 =	simm.s32 @p0 $0x1  }
0x13: {  	[smem:$0x3FAB] =	sst s0;
	s0 =	simm.s32 @!p1 $0x0  }
0x14: {  	s2 =	sld [smem:$0x3F8F];
	s0 =	simm.s32 @p1 $0x1  }
0x15: {  	[smem:$0x3FAC] =	sst s0;
	s0 =	simm.s32 @!p2 $0x0  }
0x16: {  	s3 =	sld [smem:$0x3FDB];
	s0 =	simm.s32 @p2 $0x1  }
0x17: {  	s4 =	simm.s32 $0x1BF5;
	[smem:$0x3FAE] =	sst s0  }
0x18: {  	s0 =	sld [smem:$0x3F91];
	_ =	swait.ge [sflag:s4], $0x0  }
0x19: {  	s7 =	sld [smem:$0x3F92]  }
0x1a: {  	s8 =	sadd.s32 $0xFFFFE003, lr  }
0x1b: {  	s9 =	sadd.s32 $0xFFFFFEF7, lr;
	s5 =	simm.s32 $0xFFFFFFFF;
	p2 =	slt.u32 s8, $0xFFFFF086  }
0x1c: {  	p1 =	slt.u32 s9, $0xF7A;
	s5 =	simm.s32 @!p2 $0x0  }
0x1d: {  	s5 =	simm.s32 @p1 $0x1;
	p0 =	seq.s32 s7, s2  }
0x1e: {  	s7 =	smul.u32 @!p0 $0xF7A, s2;
	p2 =	seq.s32 @!p0 s5, $0x0  }
0x1f: {  	s9 =	smul.u32 $0xF7A, s1;
	s8 =	simm.s32 @!p0 $0x1BF5;
	p2 =	por !p2, p0  }
0x20: {  	[sflag:s8] =	ssyncset.s32 @!p0 $0xFFFFF086;
	s6 =	sadd.s32 @!p0 s3, s7;
	s7 =	simm.s32 @!p0 $0x108  }
0x21: {  	s3 =	sadd.s32 s3, s9;
	s6 =	sadd.s32 @!p0 $0x88, s6;
	s7 =	simm.s32 @p2 $0x1082  }
0x22: {  	[simem:s7], [sflag:s8] =	dma.local @!p0 [hbm:s6], $0xF7A  }
0x23: {  	s9 =	sor.u32 $0xD0000000, s2;
	s6 =	simm.s32 $0x108;
	_ =	swait.ge @!p0 [sflag:s8], $0x0  }
0x24: {  	s3 =	sadd.s32 $0x88, s3;
	s6 =	simm.s32 @!p1 $0x1082;
	[sflag:s4] =	ssyncset.s32 $0xFFFFF086  }
0x25: {  	[simem:s6], [sflag:s4] =	dma.local [hbm:s3], $0xF7A  }
0x26: {  	[smem:$0x3F92] =	sst s1;
	(tag) =	ssettag s2;
	_ =	strace s9  }
0x27: {  	s1 =	sld [smem:$0x3FA2]  }
0x28: {  	s2 =	sld [smem:$0x3FA3]  }
0x29: {  	s4 =	sld [smem:$0x3FA5]  }
0x2a: {  	p0 =	seq.s32 s5, $0x0;
	s5 =	sld [smem:$0x3FA6]  }
0x2b: {  	s6 =	sld [smem:$0x3FA7]  }
0x2c: {  	s7 =	sld [smem:$0x3FA8]  }
0x2d: {  	s3 =	simm.s32 $0x108;
	s8 =	sld [smem:$0x3FA9]  }
0x2e: {  	s3 =	simm.s32 @!p0 $0x1082;
	s9 =	sld [smem:$0x3FAA]  }
0x2f: {  	lr =	sadd.s32 s0, s3;
	s0 =	sld [smem:$0x3FA1]  }
0x30: {  	s3 =	sld [smem:$0x3FA4]  }
0x31: {  	[smem:$0x3FAD] =	sst s10  }
0x32: {  	s10 =	sld [smem:$0x3FAB];
	_ =	sdelay $0x3  }
0x33: {  	p0 =	seq.s32 s10, $0x1;
	s10 =	sld [smem:$0x3FAD];
	_ =	sdelay $0x3  }
0x34: {  	[smem:$0x3FAD] =	sst s10  }
0x35: {  	s10 =	sld [smem:$0x3FAC];
	_ =	sdelay $0x3  }
0x36: {  	p1 =	seq.s32 s10, $0x1;
	s10 =	sld [smem:$0x3FAD];
	_ =	sdelay $0x3  }
0x37: {  	[smem:$0x3FAD] =	sst s10  }
0x38: {  	s10 =	sld [smem:$0x3FAE]  }
0x39: {  	_ = 	snop;
	(pc) =	sbr.ind lr, $3  }
0x3a: {  	_ = 	snop  }
0x3b: {  	_ = 	snop  }
0x3c: {  	p2 =	seq.s32 s10, $0x1;
	s10 =	sld [smem:$0x3FAD]  }
0x3d: {  	_ =	shalt  }
0x3e: {  	_ =	shalt  }
0x3f: {  	_ =	shalt  }
0x40: {  	_ =	shalt  }
0x41: {  	_ =	shalt  }
0x42: {  	_ =	shalt  }
0x43: {  	_ =	shalt  }
0x44: {  	_ =	shalt  }
0x45: {  	_ =	shalt  }
0x46: {  	_ =	shalt  }
0x47: {  	_ =	shalt  }
0x48: {  	_ =	shalt  }
0x49: {  	_ =	shalt  }
0x4a: {  	_ =	shalt  }
0x4b: {  	_ =	shalt  }
0x4c: {  	_ =	shalt  }
0x4d: {  	_ =	shalt  }
0x4e: {  	_ =	shalt  }
0x4f: {  	_ =	shalt  }
0x50: {  	_ =	shalt  }
0x51: {  	_ =	shalt  }
0x52: {  	_ =	shalt  }
0x53: {  	_ =	shalt  }
0x54: {  	_ =	shalt  }
0x55: {  	_ =	shalt  }
0x56: {  	_ =	shalt  }
0x57: {  	_ =	shalt  }
0x58: {  	_ =	shalt  }
0x59: {  	_ =	shalt  }
0x5a: {  	_ =	shalt  }
0x5b: {  	_ =	shalt  }
0x5c: {  	_ =	shalt  }
0x5d: {  	_ =	shalt  }
0x5e: {  	_ =	shalt  }
0x5f: {  	_ =	shalt  }
0x60: {  	_ =	shalt  }
0x61: {  	_ =	shalt  }
0x62: {  	_ =	shalt  }
0x63: {  	_ =	shalt  }
0x64: {  	_ =	shalt  }
0x65: {  	_ =	shalt  }
0x66: {  	_ =	shalt  }
0x67: {  	_ =	shalt  }
0x68: {  	_ =	shalt  }
0x69: {  	_ =	shalt  }
0x6a: {  	_ =	shalt  }
0x6b: {  	_ =	shalt  }
0x6c: {  	_ =	shalt  }
0x6d: {  	_ =	shalt  }
0x6e: {  	_ =	shalt  }
0x6f: {  	_ =	shalt  }
0x70: {  	_ =	shalt  }
0x71: {  	_ =	shalt  }
0x72: {  	_ =	shalt  }
0x73: {  	_ =	shalt  }
0x74: {  	_ =	shalt  }
0x75: {  	_ =	shalt  }
0x76: {  	_ =	shalt  }
0x77: {  	_ =	shalt  }
0x78: {  	_ =	shalt  }
0x79: {  	_ =	shalt  }
0x7a: {  	_ =	shalt  }
0x7b: {  	_ =	shalt  }
0x7c: {  	_ =	shalt  }
0x7d: {  	_ =	shalt  }
0x7e: {  	_ =	shalt  }
0x7f: {  	_ =	shalt  }
0x80: {  	_ =	shalt  }
0x81: {  	_ =	shalt  }
0x82: {  	_ =	shalt  }
0x83: {  	_ =	shalt  }
0x84: {  	_ =	shalt  }
0x85: {  	_ =	shalt  }
0x86: {  	_ =	shalt  }
0x87: {  	_ =	shalt  }
.Lfunc_end0:
.L_simem_size_0:
called_computation.1_lowered:
.L_overlay_start_0:
0x88: {  	s2 =	sld [smem:$0x3FD9]  }
0x89: {  	s3 =	sld [smem:$0x3FFE];
	_ =	sdelay $0x1  }
0x8a: {  	s1 =	srdreg.scid  }
0x8b: {  	s0 =	sand.u32 $0x1, s1  }
0x8c: {  	s16 =	sshll.u32 s0, $0xA;
	s2 =	sadd.s32 s3, s2  }
0x8d: {  	s2 =	sadd.s32 s2, s16  }
0x8e: {  	[smem:$0x3FB9] =	sst s2  }
0x8f: {  	_ = 	snop  }
0x90: {  	(tm) =	ssettm $0x1  }
0x91: {  	s17 =	sld [smem:$0x3FFB];
	_ =	sdelay $0x3  }
0x92: {  	_ =	strace s17  }
0x93: {  	s2 =	sld [smem:$0x3FFC];
	_ =	sdelay $0x3  }
0x94: {  	_ =	strace s2  }
0x95: {  	s2 =	sld [smem:$0x3FFD];
	_ =	sdelay $0x3  }
0x96: {  	_ =	strace s2  }
0x97: {  	_ =	strace $0x8FFFFFFF  }
0x98: {  	s18 =	sld [smem:$0x3FDB];
	_ =	sdelay $0x1  }
0x99: {  	s19 =	simm.s32 $_scs_section_size  }
0x9a: {  	s4 =	simm.s32 $_size__tile_overlayer_lowered;
	s5 =	simm.s32 $_tile_overlayer_lowered  }
0x9b: {  	s22 =	simm.s32 $0x1BFF;
	s21 =	sshll.u32 s5, $0x1;
	s2 =	sadd.s32 s19, s18  }
0x9c: {  	s6 =	simm.s32 $0x0;
	s20 =	sshll.u32 s4, $0x1;
	s4 =	sadd.s32 s21, s2  }
0x9d: {  	[timem:s6], [sflag:s22] =	dma.local [hbm:s4], s20  }
0x9e: {  	_ =	swait.ge [sflag:s22], s20  }
0x9f: {  	s3 =	ssub.s32 $0x0, s20;
	[sflag:s22] =	ssyncset.done $0x0  }
0xa0: {  	[sflag:s22] =	ssyncadd.s32 s3;
	_ =	sdelay $0x1  }
0xa1: {  	s23 =	simm.s32 $0x1B8B  }
0xa2: {  	_ =	swait.ge [sflag:s23], $0x1  }
0xa3: {  	[sflag:s23] =	ssyncset.done $0x0  }
0xa4: {  	s25 =	simm.s32 $0x1B8E;
	s24 =	sld [smem:$0x3FFE];
	[sflag:s23] =	ssyncadd.s32 $0xFFFFFFFF  }
0xa5: {  	s26 =	simm.s32 $execute0_lowered;
	[smem:$0x3FD2] =	sst s25  }
0xa6: {  	s4 =	sshll.u32 s26, $0x1;
	_ =	strace $0x80000046;
	[dreg:$0x1] =	wrdreg $0xFFFFFFFF  }
0xa7: {  	s28 =	simm.s32 $_size_execute0_lowered;
	s2 =	sadd.s32 s2, s4;
	[dreg:$0x0] =	wrdreg $0x0  }
0xa8: {  	s4 =	sshll.u32 s28, $0x1;
	[dreg:$0x2] =	wrdreg s2  }
0xa9: {  	[dreg:$0x3] =	wrdreg s4  }
0xaa: {  	[dreg:$0x4] =	wrdreg $0xC0  }
0xab: {  	_ =	task [dreg:s6], $0x5FFFF  }
0xac: {  	[dreg:$0x1] =	wrdreg $0xFFFFFFFF  }
0xad: {  	[dreg:$0x0] =	wrdreg $0x60  }
0xae: {  	[dreg:$0x2] =	wrdreg s24  }
0xaf: {  	[dreg:$0x3] =	wrdreg $0x9  }
0xb0: {  	_ =	task.clear_ibuf [dreg:s6], $0x4FFFF;
	_ =	strace $0x90000046  }
0xb1: {  	s29 =	simm.s32 $0x9;
	_ =	strace $0x80000048  }
0xb2: {  	_ =	swait.ge [sflag:s29], $0x1  }
0xb3: {  	[sflag:s29] =	ssyncadd.s32 $0xFFFFFFFF  }
0xb4: {  	_ =	strace $0x90000048  }
0xb5: {  	_ =	sfence  }
0xb6: {  	s30 =	sld [smem:$0x0];
	_ =	sdelay $0x2  }
0xb7: {  	s31 =	sshll.u32 s1, $0xD;
	s1 =	sshrl.u32 s1, $0x2  }
0xb8: {  	s3 =	sand.u32 $0x4000, s31;
	s1 =	sadd.s32 s1, s30  }
0xb9: {  	s0 =	sor.u32 s3, s0;
	s1 =	sshll.u32 s1, $0x11  }
0xba: {  	s0 =	sor.u32 s1, s0  }
0xbb: {  	s0 =	sadd.s32 $0x8F2B, s0  }
0xbc: {  	[sflag:s0] =	ssyncadd.remote.s32 $0x1  }
0xbd: {  	_ =	sfence.sel $0xFFFF  }
0xbe: {  	[dreg:$0x0] =	wrdreg $0xFFFFFFFF;
	(pc) =	sbr.abs _section_cstart, $3  }
0xbf: {  	[dreg:$0x1] =	wrdreg $0xFFFFFFFF  }
0xc0: {  	_ =	task.clear_ibuf [dreg:s6], $0x2FFFF;
	_ =	strace $0x9FFFFFFF  }
0xc1: {  	(tm) =	ssettm $0x7FFFFFFF  }
tec
execute0_lowered:
.L_overlay_start_1:
0x0: {  	(tag) =	ssettag $0x1  }
0x1: {  	s8 =	rddreg [dreg:$0x0]  }
0x2: {  	s0 =	rddreg [dreg:$0x1];
	_ =	strace $0x80000047;
	s1 =	stileid.u32  }
0x3: {  	s3 =	srdreg.scid;
	s4 =	simm.s32 $0x1;
	s7 =	simm.s32 $0x1  }
0x4: {  	s9 =	simm.s32 $0x1;
	s10 =	simm.s32 $0x3;
	s13 =	simm.s32 $0x0  }
0x5: {  	s12 =	simm.s32 $0x0;
	s5 =	sand.u32 $0x1, s3;
	s6 =	sshll.u32 s1, $0x1  }
0x6: {  	s2 =	sadd.s32 $0xEC00, s8;
	s3 =	sadd.s32 $0x22800, s8;
	s5 =	sor.u32 s6, s5  }
.Ltmp0:
0x7: {  	[sflag:s4] =	ssyncpa.u1 $0x0;
	p0 =	slt.u32 s5, $0x9;
	(pc) =	sbr.rel .LBB2_1-.Ltmp0, $4  }
0x8: {  	s6 =	simm.s32 $0x2;
	s7 =	simm.s32 @!p0 $0x0;
	p0 =	sne.s32 s5, $0x8  }
0x9: {  	[sflag:s6] =	ssyncpa.u1 $0x0;
	s5 =	smul.u32 $0x1F40, s5;
	s9 =	simm.s32 @!p0 $0x0  }
0xa: {  	s8 =	sadd.s32 $0x2C600, s8;
	[sflag:s10] =	ssyncpa.u1 $0x0;
	s7 =	sadd.s32 s9, s7  }
0xb: {  	vm0 =	vmmov $0xffff;
	s10 =	simm.s32 $0x0;
	s11 =	smov.u32 s5;
	s9 =	sadd.s32 $0x1, s7  }
.LBB2_4:
0xc: {  	v2 =	vnsel vm1, $0x0, v2  }
0xd: {  	vm1 =	vgt.s32 v0, $0x0;
	v2 =	vmin.u32 v2, $0x4E1FF  }
0xe: {  	v0 =	vnsel vm1, $0x0, v0  }
0xf: {  	v0 =	vmin.u32 v0, $0x4E1FF  }
0x10: {  	[tilespmem:s18], [sflag:$0x1] =	stream.indirect_vreg.gather [hbm4b:s2+s10], $0x1, v1, vm0, $0x4038;
	[tilespmem:$0x7D00] =	vst v63  }
0x11: {  	(ifvalue) =	ssetifvalue $0x7FFFFFFF  }
0x12: {  	[tilespmem:s15], [sflag:$0x1] =	stream.indirect_vreg.gather [hbm4b:s2+s10], $0x1, v2, vm0, $0x4038;
	[tilespmem:$0x7D00] =	vst v63  }
0x13: {  	s29 =	sadd.s32 $0x10, s15;
	(ifvalue) =	ssetifvalue $0x7FFFFFFF  }
0x14: {  	[tilespmem:s29], [sflag:$0x1] =	stream.indirect_vreg.gather [hbm4b:s2+s10], $0x1, v0, vm0, $0x4038;
	[tilespmem:$0x7D00] =	vst v63  }
0x15: {  	_ =	swait.ge [sflag:s4], $0x1F40  }
0x16: {  	s30 =	sshrl.u32 s13, $0x3;
	[sflag:s4] =	ssyncset.done $0x0  }
0x17: {  	s31 =	sand.u32 $0x7, s13;
	s15 =	sadd.s32 s8, s30;
	[sflag:s4] =	ssyncadd.s32 $0xFFFFE0C0  }
0x18: {  	[hbm4b:s15+s31] =	stream.linear.scatter [tilespmem:s14], [sflag:$0x3], $0x1F40, $0x38;
	[tilespmem:$0x7D00] =	vst v63  }
.LBB2_5:
0x19: {  	s15 =	sadd.s32 $0x3E800, s11  }
0x1a: {  	p1 =	sgt.s32 s15, $0x4E1FF  }
0x1b: {  	s15 =	smov.u32 @p1 s5;
	p1 =	sne.s32 s12, s9  }
.Ltmp1:
0x1c: {  	p0 =	slt.u32 s12, $0x2;
	(pc) =	sbr.rel @!p1 .LBB2_6-.Ltmp1, $4  }
0x1d: {  	s14 =	simm.s32 @!p0 $0x3  }
0x1e: {  	_ =	swait.ge @!p0 [sflag:s14], $0x1F40  }
0x1f: {  	s16 =	sadd.s32 $0x1, s12;
	s13 =	smov.u32 s11;
	[sflag:s14] =	ssyncset.done @!p0 $0x0  }
0x20: {  	s12 =	smov.u32 s16;
	s11 =	smov.u32 s15;
	[sflag:s14] =	ssyncadd.s32 @!p0 $0xFFFFE0C0  }
.LBB2_1:
0x21: {  	p0 =	sge.u32 s12, s7  }
0x22: {  	s14 =	sxor.u32 @!p0 $0x1, s12  }
0x23: {  	s14 =	smul.u32 @!p0 $0x7D00, s14  }
0x24: {  	s31 =	sadd.s32 $0xFFFFFFFF, s12;
	s15 =	sshrl.u32 @!p0 s11, $0x3  }
0x25: {  	s16 =	sand.u32 @!p0 $0x7, s11;
	s15 =	sadd.s32 @!p0 s3, s15;
	s14 =	sshra.s32 @!p0 s14, $0x2  }
0x26: {  	[tilespmem:s14], [sflag:$0x2] =	stream.linear.gather @!p0 [hbm4b:s15+s16], $0x1F40, $0x38;
	[tilespmem:$0x7D00] =	vst v63  }
0x27: {  	p0 =	sge.u32 s31, s7  }
.Ltmp2:
0x28: {  	_ = 	snop;
	(pc) =	sbr.rel @p0 .LBB2_5-.Ltmp2, $1  }
0x29: {  	_ =	sdelay $0x3  }
0x2a: {  	s14 =	sand.u32 $0x1, s12  }
0x2b: {  	_ =	swait.ge [sflag:s6], $0x1F40;
	p0 =	seq.s32 s14, $0x1;
	s14 =	simm.s32 $0x1F40  }
0x2c: {  	[sflag:s6] =	ssyncset.done $0x0;
	s14 =	simm.s32 @!p0 $0x0  }
0x2d: {  	[sflag:s6] =	ssyncadd.s32 $0xFFFFE0C0;
	(ifvalue) =	ssetifvalue $0x7FFFFFFF;
	v0 =	vld.msk [tilespmem:s14+$0x0 ss:$0x1], $0xffff;
	_ =	sdelay $0x4  }
0x2e: {  	s15 =	sadd.s32 $0x10, s14;
	vm1 =	vgt.s32 v0, $0x0  }
0x2f: {  	v2 =	vld.msk [tilespmem:s15+$0x0 ss:$0x1], $0xffff;
	v1 =	vnsel vm1, $0x0, v0  }
0x30: {  	v1 =	vmin.u32 v1, $0x4E1FF;
	_ =	sdelay $0x2  }
0x31: {  	s17 =	simm.s32 $0x20;
	s14 =	sadd.s32 $0x3E80, s14;
	s16 =	sadd.s32 $0x10, s15  }
0x32: {  	s15 =	sadd.s32 $0x10, s14;
	s18 =	smov.u32 s14;
	v0 =	vld.msk [tilespmem:s16+$0x0 ss:$0x1], $0xffff;
	vm1 =	vgt.s32 v2, $0x0;
	(ifvalue) =	ssetifvalue $0x7FFFFFFF  }
.LBB2_3:
0x33: {  	[tilespmem:s18], [sflag:$0x1] =	stream.indirect_vreg.gather [hbm4b:s2+s10], $0x1, v1, vm0, $0x4038;
	[tilespmem:$0x7D00] =	vst v63  }
0x34: {  	s17 =	sadd.s32 $0x10, s17  }
0x35: {  	v2 =	vnsel vm1, $0x0, v2;
	p0 =	slt.u32 s17, $0x1F30  }
.Ltmp3:
0x36: {  	s18 =	smov.u32 s15;
	v1 =	vmin.u32 v2, $0x4E1FF;
	(pc) =	sbr.rel @p0 .LBB2_3-.Ltmp3, $3  }
0x37: {  	_ =	sdelay $0x1  }
0x38: {  	s16 =	sadd.s32 $0x10, s16  }
0x39: {  	vm1 =	vgt.s32 v0, $0x0;
	s15 =	sadd.s32 $0x10, s15;
	v2 =	vmov v0;
	(ifvalue) =	ssetifvalue $0x7FFFFFFF;
	v0 =	vld.msk [tilespmem:s16+$0x0 ss:$0x1], $0xffff  }
.Ltmp4:
0x3a: {  	_ = 	snop;
	(pc) =	sbr.rel .LBB2_4-.Ltmp4, $1  }
0x3b: {  	_ =	sdelay $0x3  }
.LBB2_6:
0x3c: {  	_ =	sfence.sel $0x180000  }
0x3d: {  	s2 =	simm.s32 $0x2;
	[bflag:$0x0] =	sbarrier.arrive $0xFFFF  }
0x3e: {  	s30 =	simm.s32 $0x3;
	[sflag:s2] =	ssyncpa.u1 $0x1  }
0x3f: {  	s31 =	simm.s32 $0x1;
	[sflag:s30] =	ssyncpa.u1 $0x1  }
0x40: {  	[sflag:s31] =	ssyncpa.u1 $0x1  }
0x41: {  	p0 =	sne.s32 s1, $0x0;
	_ =	strace $0x90000047  }
0x42: {  	s0 =	sadd.s32 @!p0 $0x100000, s0;
	[bflag:$0x2] =	sbarrier.arrive $0xFFFF  }
0x43: {  	[sflag:s0] =	ssyncadd.tile.s32 @!p0 $0x1;
	_ =	shalt  }
.Lfunc_end2:
_tile_overlayer_lowered:
.L_overlay_start_2:
0x44: {  	(tag) =	ssettag $0x2  }
0x45: {  	s0 =	rddreg [dreg:$0x0];
	s2 =	stileid.u32  }
0x46: {  	s1 =	rddreg [dreg:$0x1];
	p0 =	sne.s32 s2, $0x0  }
0x47: {  	s3 =	rddreg [dreg:$0x2];
	[bflag:$0x3] =	sbarrier.arrive $0xFFFF;
	s2 =	simm.s32 @!p0 $0x1C01  }
0x48: {  	[timem:s3], [sflag:s2] =	dma.local @!p0 [hbm:s0], s1  }
0x49: {  	s0 =	simm.s32 @!p0 $0x1  }
0x4a: {  	_ =	swait.ge @!p0 [sflag:s0], s1  }
0x4b: {  	s1 =	ssub.s32 @!p0 $0x0, s1;
	[sflag:s0] =	ssyncset.done @!p0 $0x0  }
0x4c: {  	[sflag:s0] =	ssyncadd.s32 @!p0 s1  }
0x4d: {  	[bflag:$0x3] =	sbarrier.arrive $0xFFFF  }
0x4e: {  	_ =	shalt  }

// kernel: gather_offload_async_start
scs
__scs_entry_jumppad:
0x0: {  	(pc) =	sbr.rel $0x88, $3  }
0x1: {  	(tag) =	ssettag $0x0;
	lr =	simm.s32 $0x1  }
0x2: {  	[smem:$0x3F92] =	sst lr;
	_ =	strace $0xD0000000  }
0x3: {  	_ = 	snop  }
0x4: {  	_ = 	snop  }
0x5: {  	_ = 	snop  }
0x6: {  	_ = 	snop  }
0x7: {  	_ = 	snop  }
__scs_overlays_trampoline_lowered:
0x8: {  	[smem:$0x3FA1] =	sst s0  }
0x9: {  	[smem:$0x3FA2] =	sst s1  }
0xa: {  	[smem:$0x3FA3] =	sst s2  }
0xb: {  	[smem:$0x3FA4] =	sst s3  }
0xc: {  	[smem:$0x3FA5] =	sst s4  }
0xd: {  	[smem:$0x3FA6] =	sst s5  }
0xe: {  	[smem:$0x3FA7] =	sst s6  }
0xf: {  	[smem:$0x3FA8] =	sst s7  }
0x10: {  	[smem:$0x3FA9] =	sst s8  }
0x11: {  	[smem:$0x3FAA] =	sst s9;
	s0 =	simm.s32 @!p0 $0x0  }
0x12: {  	s1 =	sld [smem:$0x3F90];
	s0 =	simm.s32 @p0 $0x1  }
0x13: {  	[smem:$0x3FAB] =	sst s0;
	s0 =	simm.s32 @!p1 $0x0  }
0x14: {  	s2 =	sld [smem:$0x3F8F];
	s0 =	simm.s32 @p1 $0x1  }
0x15: {  	[smem:$0x3FAC] =	sst s0;
	s0 =	simm.s32 @!p2 $0x0  }
0x16: {  	s3 =	sld [smem:$0x3FDB];
	s0 =	simm.s32 @p2 $0x1  }
0x17: {  	s4 =	simm.s32 $0x1BF5;
	[smem:$0x3FAE] =	sst s0  }
0x18: {  	s0 =	sld [smem:$0x3F91];
	_ =	swait.ge [sflag:s4], $0x0  }
0x19: {  	s7 =	sld [smem:$0x3F92]  }
0x1a: {  	s8 =	sadd.s32 $0xFFFFE003, lr  }
0x1b: {  	s9 =	sadd.s32 $0xFFFFFEF7, lr;
	s5 =	simm.s32 $0xFFFFFFFF;
	p2 =	slt.u32 s8, $0xFFFFF086  }
0x1c: {  	p1 =	slt.u32 s9, $0xF7A;
	s5 =	simm.s32 @!p2 $0x0  }
0x1d: {  	s5 =	simm.s32 @p1 $0x1;
	p0 =	seq.s32 s7, s2  }
0x1e: {  	s7 =	smul.u32 @!p0 $0xF7A, s2;
	p2 =	seq.s32 @!p0 s5, $0x0  }
0x1f: {  	s9 =	smul.u32 $0xF7A, s1;
	s8 =	simm.s32 @!p0 $0x1BF5;
	p2 =	por !p2, p0  }
0x20: {  	[sflag:s8] =	ssyncset.s32 @!p0 $0xFFFFF086;
	s6 =	sadd.s32 @!p0 s3, s7;
	s7 =	simm.s32 @!p0 $0x108  }
0x21: {  	s3 =	sadd.s32 s3, s9;
	s6 =	sadd.s32 @!p0 $0x88, s6;
	s7 =	simm.s32 @p2 $0x1082  }
0x22: {  	[simem:s7], [sflag:s8] =	dma.local @!p0 [hbm:s6], $0xF7A  }
0x23: {  	s9 =	sor.u32 $0xD0000000, s2;
	s6 =	simm.s32 $0x108;
	_ =	swait.ge @!p0 [sflag:s8], $0x0  }
0x24: {  	s3 =	sadd.s32 $0x88, s3;
	s6 =	simm.s32 @!p1 $0x1082;
	[sflag:s4] =	ssyncset.s32 $0xFFFFF086  }
0x25: {  	[simem:s6], [sflag:s4] =	dma.local [hbm:s3], $0xF7A  }
0x26: {  	[smem:$0x3F92] =	sst s1;
	(tag) =	ssettag s2;
	_ =	strace s9  }
0x27: {  	s1 =	sld [smem:$0x3FA2]  }
0x28: {  	s2 =	sld [smem:$0x3FA3]  }
0x29: {  	s4 =	sld [smem:$0x3FA5]  }
0x2a: {  	p0 =	seq.s32 s5, $0x0;
	s5 =	sld [smem:$0x3FA6]  }
0x2b: {  	s6 =	sld [smem:$0x3FA7]  }
0x2c: {  	s7 =	sld [smem:$0x3FA8]  }
0x2d: {  	s3 =	simm.s32 $0x108;
	s8 =	sld [smem:$0x3FA9]  }
0x2e: {  	s3 =	simm.s32 @!p0 $0x1082;
	s9 =	sld [smem:$0x3FAA]  }
0x2f: {  	lr =	sadd.s32 s0, s3;
	s0 =	sld [smem:$0x3FA1]  }
0x30: {  	s3 =	sld [smem:$0x3FA4]  }
0x31: {  	[smem:$0x3FAD] =	sst s10  }
0x32: {  	s10 =	sld [smem:$0x3FAB];
	_ =	sdelay $0x3  }
0x33: {  	p0 =	seq.s32 s10, $0x1;
	s10 =	sld [smem:$0x3FAD];
	_ =	sdelay $0x3  }
0x34: {  	[smem:$0x3FAD] =	sst s10  }
0x35: {  	s10 =	sld [smem:$0x3FAC];
	_ =	sdelay $0x3  }
0x36: {  	p1 =	seq.s32 s10, $0x1;
	s10 =	sld [smem:$0x3FAD];
	_ =	sdelay $0x3  }
0x37: {  	[smem:$0x3FAD] =	sst s10  }
0x38: {  	s10 =	sld [smem:$0x3FAE]  }
0x39: {  	_ = 	snop;
	(pc) =	sbr.ind lr, $3  }
0x3a: {  	_ = 	snop  }
0x3b: {  	_ = 	snop  }
0x3c: {  	p2 =	seq.s32 s10, $0x1;
	s10 =	sld [smem:$0x3FAD]  }
0x3d: {  	_ =	shalt  }
0x3e: {  	_ =	shalt  }
0x3f: {  	_ =	shalt  }
0x40: {  	_ =	shalt  }
0x41: {  	_ =	shalt  }
0x42: {  	_ =	shalt  }
0x43: {  	_ =	shalt  }
0x44: {  	_ =	shalt  }
0x45: {  	_ =	shalt  }
0x46: {  	_ =	shalt  }
0x47: {  	_ =	shalt  }
0x48: {  	_ =	shalt  }
0x49: {  	_ =	shalt  }
0x4a: {  	_ =	shalt  }
0x4b: {  	_ =	shalt  }
0x4c: {  	_ =	shalt  }
0x4d: {  	_ =	shalt  }
0x4e: {  	_ =	shalt  }
0x4f: {  	_ =	shalt  }
0x50: {  	_ =	shalt  }
0x51: {  	_ =	shalt  }
0x52: {  	_ =	shalt  }
0x53: {  	_ =	shalt  }
0x54: {  	_ =	shalt  }
0x55: {  	_ =	shalt  }
0x56: {  	_ =	shalt  }
0x57: {  	_ =	shalt  }
0x58: {  	_ =	shalt  }
0x59: {  	_ =	shalt  }
0x5a: {  	_ =	shalt  }
0x5b: {  	_ =	shalt  }
0x5c: {  	_ =	shalt  }
0x5d: {  	_ =	shalt  }
0x5e: {  	_ =	shalt  }
0x5f: {  	_ =	shalt  }
0x60: {  	_ =	shalt  }
0x61: {  	_ =	shalt  }
0x62: {  	_ =	shalt  }
0x63: {  	_ =	shalt  }
0x64: {  	_ =	shalt  }
0x65: {  	_ =	shalt  }
0x66: {  	_ =	shalt  }
0x67: {  	_ =	shalt  }
0x68: {  	_ =	shalt  }
0x69: {  	_ =	shalt  }
0x6a: {  	_ =	shalt  }
0x6b: {  	_ =	shalt  }
0x6c: {  	_ =	shalt  }
0x6d: {  	_ =	shalt  }
0x6e: {  	_ =	shalt  }
0x6f: {  	_ =	shalt  }
0x70: {  	_ =	shalt  }
0x71: {  	_ =	shalt  }
0x72: {  	_ =	shalt  }
0x73: {  	_ =	shalt  }
0x74: {  	_ =	shalt  }
0x75: {  	_ =	shalt  }
0x76: {  	_ =	shalt  }
0x77: {  	_ =	shalt  }
0x78: {  	_ =	shalt  }
0x79: {  	_ =	shalt  }
0x7a: {  	_ =	shalt  }
0x7b: {  	_ =	shalt  }
0x7c: {  	_ =	shalt  }
0x7d: {  	_ =	shalt  }
0x7e: {  	_ =	shalt  }
0x7f: {  	_ =	shalt  }
0x80: {  	_ =	shalt  }
0x81: {  	_ =	shalt  }
0x82: {  	_ =	shalt  }
0x83: {  	_ =	shalt  }
0x84: {  	_ =	shalt  }
0x85: {  	_ =	shalt  }
0x86: {  	_ =	shalt  }
0x87: {  	_ =	shalt  }
.Lfunc_end0:
.L_simem_size_0:
called_computation_lowered:
.L_overlay_start_0:
0x88: {  	s2 =	sld [smem:$0x3FD9]  }
0x89: {  	s3 =	sld [smem:$0x3FFE];
	_ =	sdelay $0x1  }
0x8a: {  	s1 =	srdreg.scid  }
0x8b: {  	s0 =	sand.u32 $0x1, s1  }
0x8c: {  	s16 =	sshll.u32 s0, $0xA;
	s2 =	sadd.s32 s3, s2  }
0x8d: {  	s2 =	sadd.s32 s2, s16  }
0x8e: {  	[smem:$0x3FB9] =	sst s2  }
0x8f: {  	_ = 	snop  }
0x90: {  	(tm) =	ssettm $0x1  }
0x91: {  	s17 =	sld [smem:$0x3FFB];
	_ =	sdelay $0x3  }
0x92: {  	_ =	strace s17  }
0x93: {  	s2 =	sld [smem:$0x3FFC];
	_ =	sdelay $0x3  }
0x94: {  	_ =	strace s2  }
0x95: {  	s2 =	sld [smem:$0x3FFD];
	_ =	sdelay $0x3  }
0x96: {  	_ =	strace s2  }
0x97: {  	_ =	strace $0x8FFFFFFF  }
0x98: {  	s18 =	sld [smem:$0x3FDB];
	_ =	sdelay $0x1  }
0x99: {  	s19 =	simm.s32 $_scs_section_size  }
0x9a: {  	s4 =	simm.s32 $_size__tile_overlayer_lowered;
	s5 =	simm.s32 $_tile_overlayer_lowered  }
0x9b: {  	s22 =	simm.s32 $0x1BFF;
	s21 =	sshll.u32 s5, $0x1;
	s2 =	sadd.s32 s19, s18  }
0x9c: {  	s6 =	simm.s32 $0x0;
	s20 =	sshll.u32 s4, $0x1;
	s4 =	sadd.s32 s21, s2  }
0x9d: {  	[timem:s6], [sflag:s22] =	dma.local [hbm:s4], s20  }
0x9e: {  	_ =	swait.ge [sflag:s22], s20  }
0x9f: {  	s3 =	ssub.s32 $0x0, s20;
	[sflag:s22] =	ssyncset.done $0x0  }
0xa0: {  	[sflag:s22] =	ssyncadd.s32 s3;
	_ =	sdelay $0x1  }
0xa1: {  	s23 =	simm.s32 $0x1B8B  }
0xa2: {  	_ =	swait.ge [sflag:s23], $0x1  }
0xa3: {  	[sflag:s23] =	ssyncset.done $0x0  }
0xa4: {  	s25 =	simm.s32 $0x1B8E;
	s24 =	sld [smem:$0x3FFE];
	[sflag:s23] =	ssyncadd.s32 $0xFFFFFFFF  }
0xa5: {  	s26 =	simm.s32 $execute0_lowered;
	[smem:$0x3FD2] =	sst s25  }
0xa6: {  	s4 =	sshll.u32 s26, $0x1;
	_ =	strace $0x80000049;
	[dreg:$0x1] =	wrdreg $0xFFFFFFFF  }
0xa7: {  	s28 =	simm.s32 $_size_execute0_lowered;
	s2 =	sadd.s32 s2, s4;
	[dreg:$0x0] =	wrdreg $0x0  }
0xa8: {  	s4 =	sshll.u32 s28, $0x1;
	[dreg:$0x2] =	wrdreg s2  }
0xa9: {  	[dreg:$0x3] =	wrdreg s4  }
0xaa: {  	[dreg:$0x4] =	wrdreg $0xC0  }
0xab: {  	_ =	task [dreg:s6], $0x5FFFF  }
0xac: {  	[dreg:$0x1] =	wrdreg $0xFFFFFFFF  }
0xad: {  	[dreg:$0x0] =	wrdreg $0x60  }
0xae: {  	[dreg:$0x2] =	wrdreg s24  }
0xaf: {  	[dreg:$0x3] =	wrdreg $0x9  }
0xb0: {  	_ =	task.clear_ibuf [dreg:s6], $0x4FFFF;
	_ =	strace $0x90000049  }
0xb1: {  	s29 =	simm.s32 $0x9;
	_ =	strace $0x8000004B  }
0xb2: {  	_ =	swait.ge [sflag:s29], $0x1  }
0xb3: {  	[sflag:s29] =	ssyncadd.s32 $0xFFFFFFFF  }
0xb4: {  	_ =	strace $0x9000004B  }
0xb5: {  	_ =	sfence  }
0xb6: {  	s30 =	sld [smem:$0x0];
	_ =	sdelay $0x2  }
0xb7: {  	s31 =	sshll.u32 s1, $0xD;
	s1 =	sshrl.u32 s1, $0x2  }
0xb8: {  	s3 =	sand.u32 $0x4000, s31;
	s1 =	sadd.s32 s1, s30  }
0xb9: {  	s0 =	sor.u32 s3, s0;
	s1 =	sshll.u32 s1, $0x11  }
0xba: {  	s0 =	sor.u32 s1, s0  }
0xbb: {  	s0 =	sadd.s32 $0x8F2B, s0  }
0xbc: {  	[sflag:s0] =	ssyncadd.remote.s32 $0x1  }
0xbd: {  	_ =	sfence.sel $0xFFFF  }
0xbe: {  	[dreg:$0x0] =	wrdreg $0xFFFFFFFF;
	(pc) =	sbr.abs _section_cstart, $3  }
0xbf: {  	[dreg:$0x1] =	wrdreg $0xFFFFFFFF  }
0xc0: {  	_ =	task.clear_ibuf [dreg:s6], $0x2FFFF;
	_ =	strace $0x9FFFFFFF  }
0xc1: {  	(tm) =	ssettm $0x7FFFFFFF  }
tec
execute0_lowered:
.L_overlay_start_1:
0x0: {  	(tag) =	ssettag $0x1  }
0x1: {  	s8 =	rddreg [dreg:$0x0]  }
0x2: {  	s0 =	rddreg [dreg:$0x1];
	_ =	strace $0x8000004A;
	s1 =	stileid.u32  }
0x3: {  	s3 =	srdreg.scid;
	s4 =	simm.s32 $0x1;
	s7 =	simm.s32 $0x1  }
0x4: {  	s9 =	simm.s32 $0x1;
	s10 =	simm.s32 $0x3;
	s13 =	simm.s32 $0x0  }
0x5: {  	s12 =	simm.s32 $0x0;
	s5 =	sand.u32 $0x1, s3;
	s6 =	sshll.u32 s1, $0x1  }
0x6: {  	s2 =	sadd.s32 $0x4E00, s8;
	s3 =	sadd.s32 $0x22800, s8;
	s5 =	sor.u32 s6, s5  }
.Ltmp0:
0x7: {  	[sflag:s4] =	ssyncpa.u1 $0x0;
	p0 =	slt.u32 s5, $0x9;
	(pc) =	sbr.rel .LBB2_1-.Ltmp0, $4  }
0x8: {  	s6 =	simm.s32 $0x2;
	s7 =	simm.s32 @!p0 $0x0;
	p0 =	sne.s32 s5, $0x8  }
0x9: {  	[sflag:s6] =	ssyncpa.u1 $0x0;
	s5 =	smul.u32 $0x1F40, s5;
	s9 =	simm.s32 @!p0 $0x0  }
0xa: {  	s8 =	sadd.s32 $0x11400, s8;
	[sflag:s10] =	ssyncpa.u1 $0x0;
	s7 =	sadd.s32 s9, s7  }
0xb: {  	vm0 =	vmmov $0xffff;
	s10 =	simm.s32 $0x0;
	s11 =	smov.u32 s5;
	s9 =	sadd.s32 $0x1, s7  }
.LBB2_4:
0xc: {  	v2 =	vnsel vm1, $0x0, v2  }
0xd: {  	vm1 =	vgt.s32 v0, $0x0;
	v2 =	vmin.u32 v2, $0x4E1FF  }
0xe: {  	v0 =	vnsel vm1, $0x0, v0  }
0xf: {  	v0 =	vmin.u32 v0, $0x4E1FF  }
0x10: {  	[tilespmem:s18], [sflag:$0x1] =	stream.indirect_vreg.gather [hbm4b:s2+s10], $0x1, v1, vm0, $0x4038;
	[tilespmem:$0x7D00] =	vst v63  }
0x11: {  	(ifvalue) =	ssetifvalue $0x7FFFFFFF  }
0x12: {  	[tilespmem:s15], [sflag:$0x1] =	stream.indirect_vreg.gather [hbm4b:s2+s10], $0x1, v2, vm0, $0x4038;
	[tilespmem:$0x7D00] =	vst v63  }
0x13: {  	s29 =	sadd.s32 $0x10, s15;
	(ifvalue) =	ssetifvalue $0x7FFFFFFF  }
0x14: {  	[tilespmem:s29], [sflag:$0x1] =	stream.indirect_vreg.gather [hbm4b:s2+s10], $0x1, v0, vm0, $0x4038;
	[tilespmem:$0x7D00] =	vst v63  }
0x15: {  	_ =	swait.ge [sflag:s4], $0x1F40  }
0x16: {  	s30 =	sshrl.u32 s13, $0x3;
	[sflag:s4] =	ssyncset.done $0x0  }
0x17: {  	s31 =	sand.u32 $0x7, s13;
	s15 =	sadd.s32 s8, s30;
	[sflag:s4] =	ssyncadd.s32 $0xFFFFE0C0  }
0x18: {  	[hbm4b:s15+s31] =	stream.linear.scatter [tilespmem:s14], [sflag:$0x3], $0x1F40, $0x38;
	[tilespmem:$0x7D00] =	vst v63  }
.LBB2_5:
0x19: {  	s15 =	sadd.s32 $0x3E800, s11  }
0x1a: {  	p1 =	sgt.s32 s15, $0x4E1FF  }
0x1b: {  	s15 =	smov.u32 @p1 s5;
	p1 =	sne.s32 s12, s9  }
.Ltmp1:
0x1c: {  	p0 =	slt.u32 s12, $0x2;
	(pc) =	sbr.rel @!p1 .LBB2_6-.Ltmp1, $4  }
0x1d: {  	s14 =	simm.s32 @!p0 $0x3  }
0x1e: {  	_ =	swait.ge @!p0 [sflag:s14], $0x1F40  }
0x1f: {  	s16 =	sadd.s32 $0x1, s12;
	s13 =	smov.u32 s11;
	[sflag:s14] =	ssyncset.done @!p0 $0x0  }
0x20: {  	s12 =	smov.u32 s16;
	s11 =	smov.u32 s15;
	[sflag:s14] =	ssyncadd.s32 @!p0 $0xFFFFE0C0  }
.LBB2_1:
0x21: {  	p0 =	sge.u32 s12, s7  }
0x22: {  	s14 =	sxor.u32 @!p0 $0x1, s12  }
0x23: {  	s14 =	smul.u32 @!p0 $0x7D00, s14  }
0x24: {  	s31 =	sadd.s32 $0xFFFFFFFF, s12;
	s15 =	sshrl.u32 @!p0 s11, $0x3  }
0x25: {  	s16 =	sand.u32 @!p0 $0x7, s11;
	s15 =	sadd.s32 @!p0 s3, s15;
	s14 =	sshra.s32 @!p0 s14, $0x2  }
0x26: {  	[tilespmem:s14], [sflag:$0x2] =	stream.linear.gather @!p0 [hbm4b:s15+s16], $0x1F40, $0x38;
	[tilespmem:$0x7D00] =	vst v63  }
0x27: {  	p0 =	sge.u32 s31, s7  }
.Ltmp2:
0x28: {  	_ = 	snop;
	(pc) =	sbr.rel @p0 .LBB2_5-.Ltmp2, $1  }
0x29: {  	_ =	sdelay $0x3  }
0x2a: {  	s14 =	sand.u32 $0x1, s12  }
0x2b: {  	_ =	swait.ge [sflag:s6], $0x1F40;
	p0 =	seq.s32 s14, $0x1;
	s14 =	simm.s32 $0x1F40  }
0x2c: {  	[sflag:s6] =	ssyncset.done $0x0;
	s14 =	simm.s32 @!p0 $0x0  }
0x2d: {  	[sflag:s6] =	ssyncadd.s32 $0xFFFFE0C0;
	(ifvalue) =	ssetifvalue $0x7FFFFFFF;
	v0 =	vld.msk [tilespmem:s14+$0x0 ss:$0x1], $0xffff;
	_ =	sdelay $0x4  }
0x2e: {  	s15 =	sadd.s32 $0x10, s14;
	vm1 =	vgt.s32 v0, $0x0  }
0x2f: {  	v2 =	vld.msk [tilespmem:s15+$0x0 ss:$0x1], $0xffff;
	v1 =	vnsel vm1, $0x0, v0  }
0x30: {  	v1 =	vmin.u32 v1, $0x4E1FF;
	_ =	sdelay $0x2  }
0x31: {  	s17 =	simm.s32 $0x20;
	s14 =	sadd.s32 $0x3E80, s14;
	s16 =	sadd.s32 $0x10, s15  }
0x32: {  	s15 =	sadd.s32 $0x10, s14;
	s18 =	smov.u32 s14;
	v0 =	vld.msk [tilespmem:s16+$0x0 ss:$0x1], $0xffff;
	vm1 =	vgt.s32 v2, $0x0;
	(ifvalue) =	ssetifvalue $0x7FFFFFFF  }
.LBB2_3:
0x33: {  	[tilespmem:s18], [sflag:$0x1] =	stream.indirect_vreg.gather [hbm4b:s2+s10], $0x1, v1, vm0, $0x4038;
	[tilespmem:$0x7D00] =	vst v63  }
0x34: {  	s17 =	sadd.s32 $0x10, s17  }
0x35: {  	v2 =	vnsel vm1, $0x0, v2;
	p0 =	slt.u32 s17, $0x1F30  }
.Ltmp3:
0x36: {  	s18 =	smov.u32 s15;
	v1 =	vmin.u32 v2, $0x4E1FF;
	(pc) =	sbr.rel @p0 .LBB2_3-.Ltmp3, $3  }
0x37: {  	_ =	sdelay $0x1  }
0x38: {  	s16 =	sadd.s32 $0x10, s16  }
0x39: {  	vm1 =	vgt.s32 v0, $0x0;
	s15 =	sadd.s32 $0x10, s15;
	v2 =	vmov v0;
	(ifvalue) =	ssetifvalue $0x7FFFFFFF;
	v0 =	vld.msk [tilespmem:s16+$0x0 ss:$0x1], $0xffff  }
.Ltmp4:
0x3a: {  	_ = 	snop;
	(pc) =	sbr.rel .LBB2_4-.Ltmp4, $1  }
0x3b: {  	_ =	sdelay $0x3  }
.LBB2_6:
0x3c: {  	_ =	sfence.sel $0x180000  }
0x3d: {  	s2 =	simm.s32 $0x2;
	[bflag:$0x0] =	sbarrier.arrive $0xFFFF  }
0x3e: {  	s30 =	simm.s32 $0x3;
	[sflag:s2] =	ssyncpa.u1 $0x1  }
0x3f: {  	s31 =	simm.s32 $0x1;
	[sflag:s30] =	ssyncpa.u1 $0x1  }
0x40: {  	[sflag:s31] =	ssyncpa.u1 $0x1  }
0x41: {  	p0 =	sne.s32 s1, $0x0;
	_ =	strace $0x9000004A  }
0x42: {  	s0 =	sadd.s32 @!p0 $0x100000, s0;
	[bflag:$0x2] =	sbarrier.arrive $0xFFFF  }
0x43: {  	[sflag:s0] =	ssyncadd.tile.s32 @!p0 $0x1;
	_ =	shalt  }
.Lfunc_end2:
_tile_overlayer_lowered:
.L_overlay_start_2:
0x44: {  	(tag) =	ssettag $0x2  }
0x45: {  	s0 =	rddreg [dreg:$0x0];
	s2 =	stileid.u32  }
0x46: {  	s1 =	rddreg [dreg:$0x1];
	p0 =	sne.s32 s2, $0x0  }
0x47: {  	s3 =	rddreg [dreg:$0x2];
	[bflag:$0x3] =	sbarrier.arrive $0xFFFF;
	s2 =	simm.s32 @!p0 $0x1C01  }
0x48: {  	[timem:s3], [sflag:s2] =	dma.local @!p0 [hbm:s0], s1  }
0x49: {  	s0 =	simm.s32 @!p0 $0x1  }
0x4a: {  	_ =	swait.ge @!p0 [sflag:s0], s1  }
0x4b: {  	s1 =	ssub.s32 @!p0 $0x0, s1;
	[sflag:s0] =	ssyncset.done @!p0 $0x0  }
0x4c: {  	[sflag:s0] =	ssyncadd.s32 @!p0 s1  }
0x4d: {  	[bflag:$0x3] =	sbarrier.arrive $0xFFFF  }
0x4e: {  	_ =	shalt  }

// kernel: kernel.10.cloned.1.call-start
scs
__scs_entry_jumppad:
0x0: {  	(pc) =	sbr.rel $0x88, $3  }
0x1: {  	(tag) =	ssettag $0x0;
	lr =	simm.s32 $0x1  }
0x2: {  	[smem:$0x3F92] =	sst lr;
	_ =	strace $0xD0000000  }
0x3: {  	_ = 	snop  }
0x4: {  	_ = 	snop  }
0x5: {  	_ = 	snop  }
0x6: {  	_ = 	snop  }
0x7: {  	_ = 	snop  }
__scs_overlays_trampoline_lowered:
0x8: {  	[smem:$0x3FA1] =	sst s0  }
0x9: {  	[smem:$0x3FA2] =	sst s1  }
0xa: {  	[smem:$0x3FA3] =	sst s2  }
0xb: {  	[smem:$0x3FA4] =	sst s3  }
0xc: {  	[smem:$0x3FA5] =	sst s4  }
0xd: {  	[smem:$0x3FA6] =	sst s5  }
0xe: {  	[smem:$0x3FA7] =	sst s6  }
0xf: {  	[smem:$0x3FA8] =	sst s7  }
0x10: {  	[smem:$0x3FA9] =	sst s8  }
0x11: {  	[smem:$0x3FAA] =	sst s9;
	s0 =	simm.s32 @!p0 $0x0  }
0x12: {  	s1 =	sld [smem:$0x3F90];
	s0 =	simm.s32 @p0 $0x1  }
0x13: {  	[smem:$0x3FAB] =	sst s0;
	s0 =	simm.s32 @!p1 $0x0  }
0x14: {  	s2 =	sld [smem:$0x3F8F];
	s0 =	simm.s32 @p1 $0x1  }
0x15: {  	[smem:$0x3FAC] =	sst s0;
	s0 =	simm.s32 @!p2 $0x0  }
0x16: {  	s3 =	sld [smem:$0x3FDB];
	s0 =	simm.s32 @p2 $0x1  }
0x17: {  	s4 =	simm.s32 $0x1BF5;
	[smem:$0x3FAE] =	sst s0  }
0x18: {  	s0 =	sld [smem:$0x3F91];
	_ =	swait.ge [sflag:s4], $0x0  }
0x19: {  	s7 =	sld [smem:$0x3F92]  }
0x1a: {  	s8 =	sadd.s32 $0xFFFFE003, lr  }
0x1b: {  	s9 =	sadd.s32 $0xFFFFFEF7, lr;
	s5 =	simm.s32 $0xFFFFFFFF;
	p2 =	slt.u32 s8, $0xFFFFF086  }
0x1c: {  	p1 =	slt.u32 s9, $0xF7A;
	s5 =	simm.s32 @!p2 $0x0  }
0x1d: {  	s5 =	simm.s32 @p1 $0x1;
	p0 =	seq.s32 s7, s2  }
0x1e: {  	s7 =	smul.u32 @!p0 $0xF7A, s2;
	p2 =	seq.s32 @!p0 s5, $0x0  }
0x1f: {  	s9 =	smul.u32 $0xF7A, s1;
	s8 =	simm.s32 @!p0 $0x1BF5;
	p2 =	por !p2, p0  }
0x20: {  	[sflag:s8] =	ssyncset.s32 @!p0 $0xFFFFF086;
	s6 =	sadd.s32 @!p0 s3, s7;
	s7 =	simm.s32 @!p0 $0x108  }
0x21: {  	s3 =	sadd.s32 s3, s9;
	s6 =	sadd.s32 @!p0 $0x88, s6;
	s7 =	simm.s32 @p2 $0x1082  }
0x22: {  	[simem:s7], [sflag:s8] =	dma.local @!p0 [hbm:s6], $0xF7A  }
0x23: {  	s9 =	sor.u32 $0xD0000000, s2;
	s6 =	simm.s32 $0x108;
	_ =	swait.ge @!p0 [sflag:s8], $0x0  }
0x24: {  	s3 =	sadd.s32 $0x88, s3;
	s6 =	simm.s32 @!p1 $0x1082;
	[sflag:s4] =	ssyncset.s32 $0xFFFFF086  }
0x25: {  	[simem:s6], [sflag:s4] =	dma.local [hbm:s3], $0xF7A  }
0x26: {  	[smem:$0x3F92] =	sst s1;
	(tag) =	ssettag s2;
	_ =	strace s9  }
0x27: {  	s1 =	sld [smem:$0x3FA2]  }
0x28: {  	s2 =	sld [smem:$0x3FA3]  }
0x29: {  	s4 =	sld [smem:$0x3FA5]  }
0x2a: {  	p0 =	seq.s32 s5, $0x0;
	s5 =	sld [smem:$0x3FA6]  }
0x2b: {  	s6 =	sld [smem:$0x3FA7]  }
0x2c: {  	s7 =	sld [smem:$0x3FA8]  }
0x2d: {  	s3 =	simm.s32 $0x108;
	s8 =	sld [smem:$0x3FA9]  }
0x2e: {  	s3 =	simm.s32 @!p0 $0x1082;
	s9 =	sld [smem:$0x3FAA]  }
0x2f: {  	lr =	sadd.s32 s0, s3;
	s0 =	sld [smem:$0x3FA1]  }
0x30: {  	s3 =	sld [smem:$0x3FA4]  }
0x31: {  	[smem:$0x3FAD] =	sst s10  }
0x32: {  	s10 =	sld [smem:$0x3FAB];
	_ =	sdelay $0x3  }
0x33: {  	p0 =	seq.s32 s10, $0x1;
	s10 =	sld [smem:$0x3FAD];
	_ =	sdelay $0x3  }
0x34: {  	[smem:$0x3FAD] =	sst s10  }
0x35: {  	s10 =	sld [smem:$0x3FAC];
	_ =	sdelay $0x3  }
0x36: {  	p1 =	seq.s32 s10, $0x1;
	s10 =	sld [smem:$0x3FAD];
	_ =	sdelay $0x3  }
0x37: {  	[smem:$0x3FAD] =	sst s10  }
0x38: {  	s10 =	sld [smem:$0x3FAE]  }
0x39: {  	_ = 	snop;
	(pc) =	sbr.ind lr, $3  }
0x3a: {  	_ = 	snop  }
0x3b: {  	_ = 	snop  }
0x3c: {  	p2 =	seq.s32 s10, $0x1;
	s10 =	sld [smem:$0x3FAD]  }
0x3d: {  	_ =	shalt  }
0x3e: {  	_ =	shalt  }
0x3f: {  	_ =	shalt  }
0x40: {  	_ =	shalt  }
0x41: {  	_ =	shalt  }
0x42: {  	_ =	shalt  }
0x43: {  	_ =	shalt  }
0x44: {  	_ =	shalt  }
0x45: {  	_ =	shalt  }
0x46: {  	_ =	shalt  }
0x47: {  	_ =	shalt  }
0x48: {  	_ =	shalt  }
0x49: {  	_ =	shalt  }
0x4a: {  	_ =	shalt  }
0x4b: {  	_ =	shalt  }
0x4c: {  	_ =	shalt  }
0x4d: {  	_ =	shalt  }
0x4e: {  	_ =	shalt  }
0x4f: {  	_ =	shalt  }
0x50: {  	_ =	shalt  }
0x51: {  	_ =	shalt  }
0x52: {  	_ =	shalt  }
0x53: {  	_ =	shalt  }
0x54: {  	_ =	shalt  }
0x55: {  	_ =	shalt  }
0x56: {  	_ =	shalt  }
0x57: {  	_ =	shalt  }
0x58: {  	_ =	shalt  }
0x59: {  	_ =	shalt  }
0x5a: {  	_ =	shalt  }
0x5b: {  	_ =	shalt  }
0x5c: {  	_ =	shalt  }
0x5d: {  	_ =	shalt  }
0x5e: {  	_ =	shalt  }
0x5f: {  	_ =	shalt  }
0x60: {  	_ =	shalt  }
0x61: {  	_ =	shalt  }
0x62: {  	_ =	shalt  }
0x63: {  	_ =	shalt  }
0x64: {  	_ =	shalt  }
0x65: {  	_ =	shalt  }
0x66: {  	_ =	shalt  }
0x67: {  	_ =	shalt  }
0x68: {  	_ =	shalt  }
0x69: {  	_ =	shalt  }
0x6a: {  	_ =	shalt  }
0x6b: {  	_ =	shalt  }
0x6c: {  	_ =	shalt  }
0x6d: {  	_ =	shalt  }
0x6e: {  	_ =	shalt  }
0x6f: {  	_ =	shalt  }
0x70: {  	_ =	shalt  }
0x71: {  	_ =	shalt  }
0x72: {  	_ =	shalt  }
0x73: {  	_ =	shalt  }
0x74: {  	_ =	shalt  }
0x75: {  	_ =	shalt  }
0x76: {  	_ =	shalt  }
0x77: {  	_ =	shalt  }
0x78: {  	_ =	shalt  }
0x79: {  	_ =	shalt  }
0x7a: {  	_ =	shalt  }
0x7b: {  	_ =	shalt  }
0x7c: {  	_ =	shalt  }
0x7d: {  	_ =	shalt  }
0x7e: {  	_ =	shalt  }
0x7f: {  	_ =	shalt  }
0x80: {  	_ =	shalt  }
0x81: {  	_ =	shalt  }
0x82: {  	_ =	shalt  }
0x83: {  	_ =	shalt  }
0x84: {  	_ =	shalt  }
0x85: {  	_ =	shalt  }
0x86: {  	_ =	shalt  }
0x87: {  	_ =	shalt  }
.Lfunc_end0:
.L_simem_size_0:
called_computation.2_lowered:
.L_overlay_start_0:
0x88: {  	s2 =	sld [smem:$0x3FD9]  }
0x89: {  	s3 =	sld [smem:$0x3FFE];
	_ =	sdelay $0x1  }
0x8a: {  	s1 =	srdreg.scid  }
0x8b: {  	s0 =	sand.u32 $0x1, s1  }
0x8c: {  	s17 =	sshll.u32 s0, $0xA;
	s2 =	sadd.s32 s3, s2  }
0x8d: {  	s2 =	sadd.s32 s2, s17  }
0x8e: {  	[smem:$0x3FB9] =	sst s2  }
0x8f: {  	_ = 	snop  }
0x90: {  	s2 =	sld [smem:$0x3FD0];
	(tm) =	ssettm $0x1  }
0x91: {  	s18 =	sld [smem:$0x3FFB];
	_ =	sdelay $0x3  }
0x92: {  	_ =	strace s18  }
0x93: {  	s3 =	sld [smem:$0x3FFC];
	_ =	sdelay $0x3  }
0x94: {  	_ =	strace s3  }
0x95: {  	s3 =	sld [smem:$0x3FFD];
	_ =	sdelay $0x3  }
0x96: {  	_ =	strace s3  }
0x97: {  	_ =	strace $0x8FFFFFFF  }
0x98: {  	s19 =	sld [smem:$0x3FDB];
	_ =	sdelay $0x1  }
0x99: {  	s4 =	simm.s32 $_scs_section_size  }
0x9a: {  	s5 =	simm.s32 $_size__tile_overlayer_lowered;
	s6 =	simm.s32 $_tile_overlayer_lowered  }
0x9b: {  	s22 =	simm.s32 $0x1BFF;
	s21 =	sshll.u32 s6, $0x1;
	s3 =	sadd.s32 s4, s19  }
0x9c: {  	s7 =	simm.s32 $0x0;
	s20 =	sshll.u32 s5, $0x1;
	s5 =	sadd.s32 s21, s3  }
0x9d: {  	[timem:s7], [sflag:s22] =	dma.local [hbm:s5], s20  }
0x9e: {  	_ =	swait.ge [sflag:s22], s20  }
0x9f: {  	s4 =	ssub.s32 $0x0, s20;
	[sflag:s22] =	ssyncset.done $0x0  }
0xa0: {  	[sflag:s22] =	ssyncadd.s32 s4;
	_ =	sdelay $0x1  }
0xa1: {  	s23 =	simm.s32 $0x1B8B  }
0xa2: {  	_ =	swait.ge [sflag:s23], $0x1  }
0xa3: {  	[sflag:s23] =	ssyncset.done $0x0  }
0xa4: {  	s25 =	simm.s32 $0x1B8E;
	s24 =	sld [smem:$0x3FFE];
	[sflag:s23] =	ssyncadd.s32 $0xFFFFFFFF  }
0xa5: {  	s26 =	simm.s32 $execute0_lowered;
	[smem:$0x3FD2] =	sst s25  }
0xa6: {  	s5 =	sshll.u32 s26, $0x1;
	_ =	strace $0x8000004C;
	[dreg:$0x1] =	wrdreg $0xFFFFFFFF  }
0xa7: {  	s28 =	simm.s32 $_size_execute0_lowered;
	s3 =	sadd.s32 s3, s5;
	[dreg:$0x0] =	wrdreg $0x0  }
0xa8: {  	s5 =	sshll.u32 s28, $0x1;
	[dreg:$0x2] =	wrdreg s3  }
0xa9: {  	[dreg:$0x3] =	wrdreg s5  }
0xaa: {  	[dreg:$0x4] =	wrdreg $0xC0  }
0xab: {  	_ =	task [dreg:s7], $0x5FFFF  }
0xac: {  	[dreg:$0x1] =	wrdreg $0xFFFFFFFF  }
0xad: {  	[dreg:$0x0] =	wrdreg $0x60  }
0xae: {  	[dreg:$0x2] =	wrdreg s24  }
0xaf: {  	[dreg:$0x3] =	wrdreg s2  }
0xb0: {  	[dreg:$0x4] =	wrdreg $0x9  }
0xb1: {  	_ =	task.clear_ibuf [dreg:s7], $0x5FFFF;
	_ =	strace $0x9000004C  }
0xb2: {  	s29 =	simm.s32 $0x9;
	_ =	strace $0x8000004E  }
0xb3: {  	_ =	swait.ge [sflag:s29], $0x1  }
0xb4: {  	[sflag:s29] =	ssyncadd.s32 $0xFFFFFFFF  }
0xb5: {  	_ =	strace $0x9000004E  }
0xb6: {  	_ =	sfence  }
0xb7: {  	s30 =	sld [smem:$0x0];
	_ =	sdelay $0x2  }
0xb8: {  	s31 =	sshll.u32 s1, $0xD;
	s1 =	sshrl.u32 s1, $0x2  }
0xb9: {  	s3 =	sand.u32 $0x4000, s31;
	s1 =	sadd.s32 s1, s30  }
0xba: {  	s0 =	sor.u32 s3, s0;
	s1 =	sshll.u32 s1, $0x11  }
0xbb: {  	s0 =	sor.u32 s1, s0  }
0xbc: {  	s0 =	sadd.s32 $0x8F2B, s0  }
0xbd: {  	[sflag:s0] =	ssyncadd.remote.s32 $0x1  }
0xbe: {  	_ =	sfence.sel $0xFFFF  }
0xbf: {  	[dreg:$0x0] =	wrdreg $0xFFFFFFFF;
	(pc) =	sbr.abs _section_cstart, $3  }
0xc0: {  	[dreg:$0x1] =	wrdreg $0xFFFFFFFF  }
0xc1: {  	_ =	task.clear_ibuf [dreg:s7], $0x2FFFF;
	_ =	strace $0x9FFFFFFF  }
0xc2: {  	(tm) =	ssettm $0x7FFFFFFF  }
0xc3: {  	_ =	shalt  }
tec
execute0_lowered:
.L_overlay_start_1:
0x0: {  	(tag) =	ssettag $0x1  }
0x1: {  	s8 =	rddreg [dreg:$0x0]  }
0x2: {  	s1 =	rddreg [dreg:$0x1];
	s2 =	srdreg.scid  }
0x3: {  	s0 =	rddreg [dreg:$0x2];
	s3 =	simm.s32 $0x0;
	s12 =	simm.s32 $0x2  }
0x4: {  	s13 =	simm.s32 $0x1;
	s14 =	simm.s32 $0x80;
	s15 =	simm.s32 $0x180  }
0x5: {  	s16 =	simm.s32 $0x4200;
	s17 =	simm.s32 $0x0;
	s6 =	sand.u32 $0x1, s2  }
0x6: {  	[smem:$0x7FF] =	sst s3;
	s2 =	stileid.u32;
	s4 =	sshll.u32 s6, $0x4  }
.Ltmp0:
0x7: {  	s5 =	sadd.s32 $0x36400, s8;
	s4 =	sor.u32 s2, s4;
	(pc) =	sbr.rel .LBB2_1-.Ltmp0, $4  }
0x8: {  	s7 =	sadd.s32 $0x2C600, s8;
	s10 =	ssub.s32 $0x2, s6;
	s9 =	smul.u32 $0x1400, s4  }
0x9: {  	_ =	strace $0x8000004D;
	s6 =	sadd.s32 $0x4A00, s8;
	s11 =	sshrl.u32 s10, $0x1  }
0xa: {  	s10 =	ssub.s32 s10, s11;
	s11 =	simm.s32 $0x4180;
	s9 =	sadd.s32 s9, s8  }
0xb: {  	v0 =	vimm.f32 $0.0e+00;
	s10 =	smax.u32 s10, $0x1;
	s8 =	smul.u32 $0x7FFEC0, s4;
	s9 =	sadd.s32 $0x5E400, s9  }
.LBB2_8:
0xc: {  	s17 =	sadd.s32 $0x1, s17  }
0xd: {  	p0 =	sne.s32 s17, s10  }
.Ltmp1:
0xe: {  	_ = 	snop;
	(pc) =	sbr.rel @!p0 .LBB2_9-.Ltmp1, $4  }
0xf: {  	[hbm4b:s9+s3] =	stream.linear.scatter [tilespmem:s16], [sflag:$0x2], $0xA000, $0x38;
	[tilespmem:$0xE200] =	vst v63  }
0x10: {  	_ =	swait.ge [sflag:s12], $0xA000  }
0x11: {  	[sflag:s12] =	ssyncset.done $0x0  }
0x12: {  	[sflag:s12] =	ssyncadd.s32 $0xFFFF6000  }
.LBB2_1:
0x13: {  	s18 =	simm.s32 $0x0;
	s19 =	simm.s32 $0x200  }
.LBB2_2:
0x14: {  	p0 =	sne.s32 s19, $0x27E00;
	[tilespmem:s18+$0x4270] =	vst v0  }
0x15: {  	[tilespmem:s18+$0x4200] =	vst v0  }
0x16: {  	[tilespmem:s18+$0x4210] =	vst v0  }
.Ltmp2:
0x17: {  	[tilespmem:s18+$0x4220] =	vst v0;
	(pc) =	sbr.rel @p0 .LBB2_2-.Ltmp2, $4  }
0x18: {  	[tilespmem:s18+$0x4230] =	vst v0  }
0x19: {  	[tilespmem:s18+$0x4240] =	vst v0  }
0x1a: {  	[tilespmem:s18+$0x4250] =	vst v0  }
0x1b: {  	[tilespmem:s18+$0x4260] =	vst v0;
	s18 =	sshra.s32 s19, $0x2;
	s19 =	sadd.s32 $0x200, s19  }
0x1c: {  	[tilespmem:s18+$0x4270] =	vst v0  }
0x1d: {  	[tilespmem:s18+$0x4200] =	vst v0  }
0x1e: {  	[tilespmem:s18+$0x4210] =	vst v0  }
0x1f: {  	[tilespmem:s18+$0x4220] =	vst v0  }
0x20: {  	[tilespmem:s18+$0x4230] =	vst v0  }
0x21: {  	[tilespmem:s18+$0x4240] =	vst v0  }
0x22: {  	[tilespmem:s18+$0x4250] =	vst v0  }
0x23: {  	[tilespmem:s18+$0x4260] =	vst v0  }
0x24: {  	[tilespmem:s11], [sflag:$0x2] =	stream.linear.gather [hbm4b:s1+s3], $0x80, $0x38;
	[tilespmem:$0xE200] =	vst v63  }
0x25: {  	_ =	swait.ge [sflag:s12], $0x80  }
0x26: {  	[sflag:s12] =	ssyncset.done $0x0  }
0x27: {  	[sflag:s12] =	ssyncadd.s32 $0xFFFFFF80  }
0x28: {  	v1 =	vld [tilespmem:s4+$0x4180]  }
0x29: {  	v2 =	vld [tilespmem:s4+$0x4181];
	_ =	sdelay $0x3  }
0x2a: {  	(v2sf) =	vpush v1, $0x0  }
0x2b: {  	(v2sf) =	vpush v2, $0x0;
	_ =	sdelay $0xd  }
0x2c: {  	s18 =	spop (v2sf)  }
0x2d: {  	s23 =	simm.s32 $0x1;
	s20 =	sshra.s32 s18, $0x1F;
	s19 =	spop (v2sf)  }
0x2e: {  	s21 =	sand.u32 $0x7F, s18;
	p0 =	slt.s32 s18, $0x1;
	s20 =	sshrl.u32 s20, $0x19  }
0x2f: {  	s22 =	sadd.s32 $0x7F, s19;
	p1 =	sne.s32 s21, $0x0;
	s20 =	sadd.s32 s20, s18  }
0x30: {  	s30 =	sand.u32 $0x7F, s22;
	p0 =	por !p0, !p1;
	p6 =	slt.s32 s22, $0x1  }
0x31: {  	s31 =	sshra.s32 s22, $0x1F;
	p2 =	sne.s32 s30, $0x0;
	s20 =	sshra.s32 s20, $0x7  }
0x32: {  	p0 =	por !p0, !p0;
	s21 =	sshrl.u32 s31, $0x19;
	p1 =	por !p6, !p2  }
0x33: {  	s21 =	sadd.s32 s21, s22;
	s22 =	simm.s32 $0x1;
	p1 =	por !p1, !p1  }
0x34: {  	s23 =	simm.s32 @!p0 $0x0;
	s21 =	sshra.s32 s21, $0x7;
	s22 =	simm.s32 @!p1 $0x0  }
0x35: {  	s20 =	ssub.s32 s20, s23;
	s21 =	ssub.s32 s21, s22  }
0x36: {  	p0 =	sle.s32 s21, s20  }
.Ltmp3:
0x37: {  	_ = 	snop;
	(pc) =	sbr.rel @p0 .LBB2_8-.Ltmp3, $1  }
0x38: {  	_ =	sdelay $0x3  }
0x39: {  	p0 =	sgt.s32 s20, s21  }
0x3a: {  	s22 =	sshll.u32 s20, $0x7;
	s21 =	smov.u32 @p0 s20  }
.LBB2_5:
0x3b: {  	s23 =	sshll.u32 s20, $0x4  }
0x3c: {  	s23 =	sand.u32 $0x1FFFFFF0, s23  }
0x3d: {  	s25 =	simm.s32 $0x0;
	s24 =	sadd.s32 s6, s23  }
0x3e: {  	[tilespmem:s25], [sflag:$0x2] =	stream.linear.gather [hbm4b:s24+s25], $0x80, $0x38;
	[tilespmem:$0xE200] =	vst v63  }
0x3f: {  	_ =	swait.ge [sflag:s12], $0x80  }
0x40: {  	[sflag:s12] =	ssyncset.done $0x0  }
0x41: {  	s23 =	sadd.s32 s7, s23;
	[sflag:s12] =	ssyncadd.s32 $0xFFFFFF80  }
0x42: {  	[tilespmem:s14], [sflag:$0x2] =	stream.linear.gather [hbm4b:s23+s25], $0x80, $0x38;
	[tilespmem:$0xE200] =	vst v63  }
0x43: {  	_ =	swait.ge [sflag:s12], $0x80  }
0x44: {  	[sflag:s12] =	ssyncset.done $0x0  }
0x45: {  	p0 =	slt.s32 s22, s18;
	[sflag:s12] =	ssyncadd.s32 $0xFFFFFF80  }
0x46: {  	[tilespmem:s15], [sflag:$0x1] =	stream.indirect.gather [hbm4b:s5+s14], $0x80, s25, s14, $0xb8;
	[tilespmem:$0xE200] =	vst v63  }
0x47: {  	p1 =	sge.s32 @!p0 s22, s19;
	_ =	swait.ge [sflag:s13], $0x4000  }
0x48: {  	p1 =	por p1, p0;
	[sflag:s13] =	ssyncset.done $0x0  }
0x49: {  	p0 =	por p1, p1;
	s23 =	simm.s32 @!p1 $0x0;
	[sflag:s13] =	ssyncadd.s32 $0xFFFFC000  }
0x4a: {  	v1 =	vld @!p0 [tilespmem:s23+$0x80];
	_ =	sdelay $0x4  }
0x4b: {  	(v2sf) =	vpush @!p0 v1, $0x0;
	_ =	sdelay $0xe  }
0x4c: {  	s23 =	spop @!p1 (v2sf)  }
0x4d: {  	s24 =	sadd.s32 @!p0 s8, s23  }
0x4e: {  	s23 =	simm.s32 $0x1C0;
	s24 =	sshll.u32 @!p0 s24, $0x9  }
0x4f: {  	v1 =	vld @!p0 [tilespmem:s23+$0xFFFFFFC0];
	s25 =	sshra.s32 @!p0 s24, $0x2  }
0x50: {  	v2 =	vld @!p0 [tilespmem:s25+$0x4200];
	_ =	sdelay $0x4  }
0x51: {  	v1 =	vadd.f32 @!p0 v1, v2;
	_ =	sdelay $0x1  }
0x52: {  	[tilespmem:s25+$0x4200] =	vst @!p0 v1;
	v1 =	vld @!p0 [tilespmem:s25+$0x4210]  }
0x53: {  	v2 =	vld @!p0 [tilespmem:s23+$0xFFFFFFD0];
	_ =	sdelay $0x4  }
0x54: {  	v1 =	vadd.f32 @!p0 v2, v1;
	_ =	sdelay $0x1  }
0x55: {  	[tilespmem:s25+$0x4210] =	vst @!p0 v1;
	v1 =	vld @!p0 [tilespmem:s25+$0x4220]  }
0x56: {  	v2 =	vld @!p0 [tilespmem:s23+$0xFFFFFFE0];
	_ =	sdelay $0x4  }
0x57: {  	v1 =	vadd.f32 @!p0 v2, v1;
	_ =	sdelay $0x1  }
0x58: {  	[tilespmem:s25+$0x4220] =	vst @!p0 v1;
	v1 =	vld @!p0 [tilespmem:s25+$0x4230]  }
0x59: {  	v2 =	vld @!p0 [tilespmem:s23+$0xFFFFFFF0];
	_ =	sdelay $0x4  }
0x5a: {  	v1 =	vadd.f32 @!p0 v2, v1;
	_ =	sdelay $0x1  }
0x5b: {  	[tilespmem:s25+$0x4230] =	vst @!p0 v1;
	v1 =	vld @!p0 [tilespmem:s25+$0x4240]  }
0x5c: {  	v2 =	vld @!p0 [tilespmem:s23+$0x0];
	_ =	sdelay $0x4  }
0x5d: {  	v1 =	vadd.f32 @!p0 v2, v1;
	_ =	sdelay $0x1  }
0x5e: {  	[tilespmem:s25+$0x4240] =	vst @!p0 v1;
	v1 =	vld @!p0 [tilespmem:s25+$0x4250]  }
0x5f: {  	v2 =	vld @!p0 [tilespmem:s23+$0x10];
	_ =	sdelay $0x4  }
0x60: {  	v1 =	vadd.f32 @!p0 v2, v1;
	_ =	sdelay $0x1  }
0x61: {  	[tilespmem:s25+$0x4250] =	vst @!p0 v1;
	v1 =	vld @!p0 [tilespmem:s25+$0x4260]  }
0x62: {  	v2 =	vld @!p0 [tilespmem:s23+$0x20];
	_ =	sdelay $0x4  }
0x63: {  	v1 =	vadd.f32 @!p0 v2, v1;
	_ =	sdelay $0x1  }
0x64: {  	[tilespmem:s25+$0x4260] =	vst @!p0 v1;
	v1 =	vld @!p0 [tilespmem:s25+$0x4270]  }
0x65: {  	v2 =	vld @!p0 [tilespmem:s23+$0x30];
	_ =	sdelay $0x1  }
0x66: {  	s24 =	sadd.s32 $0x1, s22  }
0x67: {  	p1 =	slt.s32 s24, s18  }
0x68: {  	p2 =	sge.s32 @!p1 s24, s19  }
0x69: {  	s28 =	simm.s32 $0x4;
	s26 =	simm.s32 $0x8;
	p2 =	por p2, p1;
	v1 =	vadd.f32 @!p0 v2, v1  }
.LBB2_6:
0x6a: {  	s29 =	sshra.s32 @!p2 s28, $0x2;
	s23 =	sadd.s32 $0x80, s23  }
0x6b: {  	[tilespmem:s25+$0x4270] =	vst @!p0 v1;
	s28 =	smov.u32 s26;
	s26 =	sadd.s32 $0x4, s26;
	p0 =	por p2, p2  }
0x6c: {  	p1 =	sne.s32 s26, $0x200;
	v1 =	vld @!p0 [tilespmem:s29+$0x80];
	_ =	sdelay $0x4  }
0x6d: {  	(v2sf) =	vpush @!p0 v1, $0x0;
	_ =	sdelay $0xe  }
0x6e: {  	s25 =	spop @!p2 (v2sf)  }
0x6f: {  	s25 =	sadd.s32 @!p0 s8, s25  }
0x70: {  	s25 =	sshll.u32 @!p0 s25, $0x9  }
0x71: {  	s25 =	sshra.s32 @!p0 s25, $0x2;
	v1 =	vld @!p0 [tilespmem:s23+$0xFFFFFFC0]  }
0x72: {  	v2 =	vld @!p0 [tilespmem:s25+$0x4200];
	_ =	sdelay $0x4  }
0x73: {  	v1 =	vadd.f32 @!p0 v1, v2;
	_ =	sdelay $0x1  }
0x74: {  	[tilespmem:s25+$0x4200] =	vst @!p0 v1;
	v1 =	vld @!p0 [tilespmem:s25+$0x4210]  }
0x75: {  	v2 =	vld @!p0 [tilespmem:s23+$0xFFFFFFD0];
	_ =	sdelay $0x4  }
0x76: {  	v1 =	vadd.f32 @!p0 v2, v1;
	_ =	sdelay $0x1  }
0x77: {  	[tilespmem:s25+$0x4210] =	vst @!p0 v1;
	v1 =	vld @!p0 [tilespmem:s25+$0x4220]  }
0x78: {  	v2 =	vld @!p0 [tilespmem:s23+$0xFFFFFFE0];
	_ =	sdelay $0x4  }
0x79: {  	v1 =	vadd.f32 @!p0 v2, v1;
	_ =	sdelay $0x1  }
0x7a: {  	[tilespmem:s25+$0x4220] =	vst @!p0 v1;
	v1 =	vld @!p0 [tilespmem:s25+$0x4230]  }
0x7b: {  	v2 =	vld @!p0 [tilespmem:s23+$0xFFFFFFF0];
	_ =	sdelay $0x4  }
0x7c: {  	v1 =	vadd.f32 @!p0 v2, v1;
	_ =	sdelay $0x1  }
0x7d: {  	[tilespmem:s25+$0x4230] =	vst @!p0 v1;
	v1 =	vld @!p0 [tilespmem:s25+$0x4240]  }
0x7e: {  	v2 =	vld @!p0 [tilespmem:s23+$0x0];
	_ =	sdelay $0x4  }
0x7f: {  	v1 =	vadd.f32 @!p0 v2, v1;
	_ =	sdelay $0x1  }
0x80: {  	[tilespmem:s25+$0x4240] =	vst @!p0 v1;
	v1 =	vld @!p0 [tilespmem:s25+$0x4250]  }
0x81: {  	v2 =	vld @!p0 [tilespmem:s23+$0x10];
	_ =	sdelay $0x4  }
0x82: {  	v1 =	vadd.f32 @!p0 v2, v1;
	_ =	sdelay $0x1  }
0x83: {  	[tilespmem:s25+$0x4250] =	vst @!p0 v1;
	v1 =	vld @!p0 [tilespmem:s25+$0x4260]  }
0x84: {  	v2 =	vld @!p0 [tilespmem:s23+$0x20];
	_ =	sdelay $0x4  }
0x85: {  	v1 =	vadd.f32 @!p0 v2, v1;
	_ =	sdelay $0x1  }
0x86: {  	[tilespmem:s25+$0x4260] =	vst @!p0 v1;
	v1 =	vld @!p0 [tilespmem:s25+$0x4270]  }
0x87: {  	v2 =	vld @!p0 [tilespmem:s23+$0x30];
	_ =	sdelay $0x1  }
.Ltmp4:
0x88: {  	(pc) =	sbr.rel @p1 .LBB2_6-.Ltmp4, $4  }
0x89: {  	s24 =	sadd.s32 $0x1, s24  }
0x8a: {  	p2 =	slt.s32 s24, s18  }
0x8b: {  	p3 =	sge.s32 @!p2 s24, s19;
	v1 =	vadd.f32 @!p0 v2, v1  }
0x8c: {  	p2 =	por p3, p2  }
0x8d: {  	s24 =	sshra.s32 @!p2 s28, $0x2;
	[tilespmem:s25+$0x4270] =	vst @!p0 v1;
	p0 =	por p2, p2  }
0x8e: {  	v1 =	vld @!p0 [tilespmem:s24+$0x80];
	_ =	sdelay $0x4  }
0x8f: {  	(v2sf) =	vpush @!p0 v1, $0x0;
	_ =	sdelay $0xe  }
0x90: {  	s24 =	spop @!p2 (v2sf)  }
0x91: {  	s24 =	sadd.s32 @!p0 s8, s24  }
0x92: {  	s23 =	sadd.s32 $0x80, s23;
	s24 =	sshll.u32 @!p0 s24, $0x9  }
0x93: {  	v1 =	vld @!p0 [tilespmem:s23+$0xFFFFFFC0];
	s24 =	sshra.s32 @!p0 s24, $0x2  }
0x94: {  	v2 =	vld @!p0 [tilespmem:s24+$0x4200];
	_ =	sdelay $0x4  }
0x95: {  	v1 =	vadd.f32 @!p0 v1, v2;
	_ =	sdelay $0x1  }
0x96: {  	[tilespmem:s24+$0x4200] =	vst @!p0 v1;
	v1 =	vld @!p0 [tilespmem:s24+$0x4210]  }
0x97: {  	v2 =	vld @!p0 [tilespmem:s23+$0xFFFFFFD0];
	_ =	sdelay $0x4  }
0x98: {  	v1 =	vadd.f32 @!p0 v2, v1;
	_ =	sdelay $0x1  }
0x99: {  	[tilespmem:s24+$0x4210] =	vst @!p0 v1;
	v1 =	vld @!p0 [tilespmem:s24+$0x4220]  }
0x9a: {  	v2 =	vld @!p0 [tilespmem:s23+$0xFFFFFFE0];
	_ =	sdelay $0x4  }
0x9b: {  	v1 =	vadd.f32 @!p0 v2, v1;
	_ =	sdelay $0x1  }
0x9c: {  	[tilespmem:s24+$0x4220] =	vst @!p0 v1;
	v1 =	vld @!p0 [tilespmem:s24+$0x4230]  }
0x9d: {  	v2 =	vld @!p0 [tilespmem:s23+$0xFFFFFFF0];
	_ =	sdelay $0x4  }
0x9e: {  	v1 =	vadd.f32 @!p0 v2, v1;
	_ =	sdelay $0x1  }
0x9f: {  	[tilespmem:s24+$0x4230] =	vst @!p0 v1;
	v1 =	vld @!p0 [tilespmem:s24+$0x4240]  }
0xa0: {  	v2 =	vld @!p0 [tilespmem:s23+$0x0];
	_ =	sdelay $0x4  }
0xa1: {  	v1 =	vadd.f32 @!p0 v2, v1;
	_ =	sdelay $0x1  }
0xa2: {  	[tilespmem:s24+$0x4240] =	vst @!p0 v1;
	v1 =	vld @!p0 [tilespmem:s24+$0x4250]  }
0xa3: {  	v2 =	vld @!p0 [tilespmem:s23+$0x10];
	_ =	sdelay $0x4  }
0xa4: {  	v1 =	vadd.f32 @!p0 v2, v1;
	_ =	sdelay $0x1  }
0xa5: {  	[tilespmem:s24+$0x4250] =	vst @!p0 v1;
	v1 =	vld @!p0 [tilespmem:s24+$0x4260]  }
0xa6: {  	v2 =	vld @!p0 [tilespmem:s23+$0x20];
	_ =	sdelay $0x4  }
0xa7: {  	v1 =	vadd.f32 @!p0 v2, v1;
	_ =	sdelay $0x1  }
0xa8: {  	[tilespmem:s24+$0x4260] =	vst @!p0 v1;
	v1 =	vld @!p0 [tilespmem:s24+$0x4270]  }
0xa9: {  	v2 =	vld @!p0 [tilespmem:s23+$0x30]  }
0xaa: {  	s20 =	sadd.s32 $0x1, s20  }
0xab: {  	p1 =	slt.s32 s20, s21  }
.Ltmp5:
0xac: {  	_ = 	snop;
	(pc) =	sbr.rel @p1 .LBB2_5-.Ltmp5, $4  }
.Ltmp6:
0xad: {  	_ = 	snop;
	(pc) =	sbr.rel @!p1 .LBB2_8-.Ltmp6, $4  }
0xae: {  	v1 =	vadd.f32 @!p0 v2, v1  }
0xaf: {  	_ = 	snop  }
0xb0: {  	s22 =	sadd.s32 $0x80, s22;
	[tilespmem:s24+$0x4270] =	vst @!p0 v1  }
0xb1: {  	_ = 	snop  }
.LBB2_9:
0xb2: {  	_ =	sfence.sel $0x180000  }
0xb3: {  	[bflag:$0x0] =	sbarrier.arrive $0xFFFF  }
0xb4: {  	p0 =	sne.s32 s2, $0x0;
	_ =	strace $0x9000004D  }
0xb5: {  	s0 =	sadd.s32 @!p0 $0x100000, s0;
	[bflag:$0x2] =	sbarrier.arrive $0xFFFF  }
0xb6: {  	[sflag:s0] =	ssyncadd.tile.s32 @!p0 $0x1;
	_ =	shalt  }
.Lfunc_end2:
_tile_overlayer_lowered:
.L_overlay_start_2:
0xb7: {  	(tag) =	ssettag $0x2  }
0xb8: {  	s0 =	rddreg [dreg:$0x0];
	s2 =	stileid.u32  }
0xb9: {  	s1 =	rddreg [dreg:$0x1];
	p0 =	sne.s32 s2, $0x0  }
0xba: {  	s3 =	rddreg [dreg:$0x2];
	[bflag:$0x3] =	sbarrier.arrive $0xFFFF;
	s2 =	simm.s32 @!p0 $0x1C02  }
0xbb: {  	[timem:s3], [sflag:s2] =	dma.local @!p0 [hbm:s0], s1  }
0xbc: {  	s0 =	simm.s32 @!p0 $0x2  }
0xbd: {  	_ =	swait.ge @!p0 [sflag:s0], s1  }
0xbe: {  	s1 =	ssub.s32 @!p0 $0x0, s1;
	[sflag:s0] =	ssyncset.done @!p0 $0x0  }
0xbf: {  	[sflag:s0] =	ssyncadd.s32 @!p0 s1  }
0xc0: {  	[bflag:$0x3] =	sbarrier.arrive $0xFFFF  }
0xc1: {  	_ =	shalt  }

// kernel: kernel.13.cloned.1.call-start
scs
__scs_entry_jumppad:
0x0: {  	(pc) =	sbr.rel $0x88, $3  }
0x1: {  	(tag) =	ssettag $0x0;
	lr =	simm.s32 $0x1  }
0x2: {  	[smem:$0x3F92] =	sst lr;
	_ =	strace $0xD0000000  }
0x3: {  	_ = 	snop  }
0x4: {  	_ = 	snop  }
0x5: {  	_ = 	snop  }
0x6: {  	_ = 	snop  }
0x7: {  	_ = 	snop  }
__scs_overlays_trampoline_lowered:
0x8: {  	[smem:$0x3FA1] =	sst s0  }
0x9: {  	[smem:$0x3FA2] =	sst s1  }
0xa: {  	[smem:$0x3FA3] =	sst s2  }
0xb: {  	[smem:$0x3FA4] =	sst s3  }
0xc: {  	[smem:$0x3FA5] =	sst s4  }
0xd: {  	[smem:$0x3FA6] =	sst s5  }
0xe: {  	[smem:$0x3FA7] =	sst s6  }
0xf: {  	[smem:$0x3FA8] =	sst s7  }
0x10: {  	[smem:$0x3FA9] =	sst s8  }
0x11: {  	[smem:$0x3FAA] =	sst s9;
	s0 =	simm.s32 @!p0 $0x0  }
0x12: {  	s1 =	sld [smem:$0x3F90];
	s0 =	simm.s32 @p0 $0x1  }
0x13: {  	[smem:$0x3FAB] =	sst s0;
	s0 =	simm.s32 @!p1 $0x0  }
0x14: {  	s2 =	sld [smem:$0x3F8F];
	s0 =	simm.s32 @p1 $0x1  }
0x15: {  	[smem:$0x3FAC] =	sst s0;
	s0 =	simm.s32 @!p2 $0x0  }
0x16: {  	s3 =	sld [smem:$0x3FDB];
	s0 =	simm.s32 @p2 $0x1  }
0x17: {  	s4 =	simm.s32 $0x1BF5;
	[smem:$0x3FAE] =	sst s0  }
0x18: {  	s0 =	sld [smem:$0x3F91];
	_ =	swait.ge [sflag:s4], $0x0  }
0x19: {  	s7 =	sld [smem:$0x3F92]  }
0x1a: {  	s8 =	sadd.s32 $0xFFFFE003, lr  }
0x1b: {  	s9 =	sadd.s32 $0xFFFFFEF7, lr;
	s5 =	simm.s32 $0xFFFFFFFF;
	p2 =	slt.u32 s8, $0xFFFFF086  }
0x1c: {  	p1 =	slt.u32 s9, $0xF7A;
	s5 =	simm.s32 @!p2 $0x0  }
0x1d: {  	s5 =	simm.s32 @p1 $0x1;
	p0 =	seq.s32 s7, s2  }
0x1e: {  	s7 =	smul.u32 @!p0 $0xF7A, s2;
	p2 =	seq.s32 @!p0 s5, $0x0  }
0x1f: {  	s9 =	smul.u32 $0xF7A, s1;
	s8 =	simm.s32 @!p0 $0x1BF5;
	p2 =	por !p2, p0  }
0x20: {  	[sflag:s8] =	ssyncset.s32 @!p0 $0xFFFFF086;
	s6 =	sadd.s32 @!p0 s3, s7;
	s7 =	simm.s32 @!p0 $0x108  }
0x21: {  	s3 =	sadd.s32 s3, s9;
	s6 =	sadd.s32 @!p0 $0x88, s6;
	s7 =	simm.s32 @p2 $0x1082  }
0x22: {  	[simem:s7], [sflag:s8] =	dma.local @!p0 [hbm:s6], $0xF7A  }
0x23: {  	s9 =	sor.u32 $0xD0000000, s2;
	s6 =	simm.s32 $0x108;
	_ =	swait.ge @!p0 [sflag:s8], $0x0  }
0x24: {  	s3 =	sadd.s32 $0x88, s3;
	s6 =	simm.s32 @!p1 $0x1082;
	[sflag:s4] =	ssyncset.s32 $0xFFFFF086  }
0x25: {  	[simem:s6], [sflag:s4] =	dma.local [hbm:s3], $0xF7A  }
0x26: {  	[smem:$0x3F92] =	sst s1;
	(tag) =	ssettag s2;
	_ =	strace s9  }
0x27: {  	s1 =	sld [smem:$0x3FA2]  }
0x28: {  	s2 =	sld [smem:$0x3FA3]  }
0x29: {  	s4 =	sld [smem:$0x3FA5]  }
0x2a: {  	p0 =	seq.s32 s5, $0x0;
	s5 =	sld [smem:$0x3FA6]  }
0x2b: {  	s6 =	sld [smem:$0x3FA7]  }
0x2c: {  	s7 =	sld [smem:$0x3FA8]  }
0x2d: {  	s3 =	simm.s32 $0x108;
	s8 =	sld [smem:$0x3FA9]  }
0x2e: {  	s3 =	simm.s32 @!p0 $0x1082;
	s9 =	sld [smem:$0x3FAA]  }
0x2f: {  	lr =	sadd.s32 s0, s3;
	s0 =	sld [smem:$0x3FA1]  }
0x30: {  	s3 =	sld [smem:$0x3FA4]  }
0x31: {  	[smem:$0x3FAD] =	sst s10  }
0x32: {  	s10 =	sld [smem:$0x3FAB];
	_ =	sdelay $0x3  }
0x33: {  	p0 =	seq.s32 s10, $0x1;
	s10 =	sld [smem:$0x3FAD];
	_ =	sdelay $0x3  }
0x34: {  	[smem:$0x3FAD] =	sst s10  }
0x35: {  	s10 =	sld [smem:$0x3FAC];
	_ =	sdelay $0x3  }
0x36: {  	p1 =	seq.s32 s10, $0x1;
	s10 =	sld [smem:$0x3FAD];
	_ =	sdelay $0x3  }
0x37: {  	[smem:$0x3FAD] =	sst s10  }
0x38: {  	s10 =	sld [smem:$0x3FAE]  }
0x39: {  	_ = 	snop;
	(pc) =	sbr.ind lr, $3  }
0x3a: {  	_ = 	snop  }
0x3b: {  	_ = 	snop  }
0x3c: {  	p2 =	seq.s32 s10, $0x1;
	s10 =	sld [smem:$0x3FAD]  }
0x3d: {  	_ =	shalt  }
0x3e: {  	_ =	shalt  }
0x3f: {  	_ =	shalt  }
0x40: {  	_ =	shalt  }
0x41: {  	_ =	shalt  }
0x42: {  	_ =	shalt  }
0x43: {  	_ =	shalt  }
0x44: {  	_ =	shalt  }
0x45: {  	_ =	shalt  }
0x46: {  	_ =	shalt  }
0x47: {  	_ =	shalt  }
0x48: {  	_ =	shalt  }
0x49: {  	_ =	shalt  }
0x4a: {  	_ =	shalt  }
0x4b: {  	_ =	shalt  }
0x4c: {  	_ =	shalt  }
0x4d: {  	_ =	shalt  }
0x4e: {  	_ =	shalt  }
0x4f: {  	_ =	shalt  }
0x50: {  	_ =	shalt  }
0x51: {  	_ =	shalt  }
0x52: {  	_ =	shalt  }
0x53: {  	_ =	shalt  }
0x54: {  	_ =	shalt  }
0x55: {  	_ =	shalt  }
0x56: {  	_ =	shalt  }
0x57: {  	_ =	shalt  }
0x58: {  	_ =	shalt  }
0x59: {  	_ =	shalt  }
0x5a: {  	_ =	shalt  }
0x5b: {  	_ =	shalt  }
0x5c: {  	_ =	shalt  }
0x5d: {  	_ =	shalt  }
0x5e: {  	_ =	shalt  }
0x5f: {  	_ =	shalt  }
0x60: {  	_ =	shalt  }
0x61: {  	_ =	shalt  }
0x62: {  	_ =	shalt  }
0x63: {  	_ =	shalt  }
0x64: {  	_ =	shalt  }
0x65: {  	_ =	shalt  }
0x66: {  	_ =	shalt  }
0x67: {  	_ =	shalt  }
0x68: {  	_ =	shalt  }
0x69: {  	_ =	shalt  }
0x6a: {  	_ =	shalt  }
0x6b: {  	_ =	shalt  }
0x6c: {  	_ =	shalt  }
0x6d: {  	_ =	shalt  }
0x6e: {  	_ =	shalt  }
0x6f: {  	_ =	shalt  }
0x70: {  	_ =	shalt  }
0x71: {  	_ =	shalt  }
0x72: {  	_ =	shalt  }
0x73: {  	_ =	shalt  }
0x74: {  	_ =	shalt  }
0x75: {  	_ =	shalt  }
0x76: {  	_ =	shalt  }
0x77: {  	_ =	shalt  }
0x78: {  	_ =	shalt  }
0x79: {  	_ =	shalt  }
0x7a: {  	_ =	shalt  }
0x7b: {  	_ =	shalt  }
0x7c: {  	_ =	shalt  }
0x7d: {  	_ =	shalt  }
0x7e: {  	_ =	shalt  }
0x7f: {  	_ =	shalt  }
0x80: {  	_ =	shalt  }
0x81: {  	_ =	shalt  }
0x82: {  	_ =	shalt  }
0x83: {  	_ =	shalt  }
0x84: {  	_ =	shalt  }
0x85: {  	_ =	shalt  }
0x86: {  	_ =	shalt  }
0x87: {  	_ =	shalt  }
.Lfunc_end0:
.L_simem_size_0:
called_computation.3_lowered:
.L_overlay_start_0:
0x88: {  	s2 =	sld [smem:$0x3FD9]  }
0x89: {  	s3 =	sld [smem:$0x3FFE];
	_ =	sdelay $0x1  }
0x8a: {  	s1 =	srdreg.scid  }
0x8b: {  	s0 =	sand.u32 $0x1, s1  }
0x8c: {  	s17 =	sshll.u32 s0, $0xA;
	s2 =	sadd.s32 s3, s2  }
0x8d: {  	s2 =	sadd.s32 s2, s17  }
0x8e: {  	[smem:$0x3FB9] =	sst s2  }
0x8f: {  	_ = 	snop  }
0x90: {  	s2 =	sld [smem:$0x3FD0];
	(tm) =	ssettm $0x1  }
0x91: {  	s18 =	sld [smem:$0x3FFB];
	_ =	sdelay $0x3  }
0x92: {  	_ =	strace s18  }
0x93: {  	s3 =	sld [smem:$0x3FFC];
	_ =	sdelay $0x3  }
0x94: {  	_ =	strace s3  }
0x95: {  	s3 =	sld [smem:$0x3FFD];
	_ =	sdelay $0x3  }
0x96: {  	_ =	strace s3  }
0x97: {  	_ =	strace $0x8FFFFFFF  }
0x98: {  	s19 =	sld [smem:$0x3FDB];
	_ =	sdelay $0x1  }
0x99: {  	s4 =	simm.s32 $_scs_section_size  }
0x9a: {  	s5 =	simm.s32 $_size__tile_overlayer_lowered;
	s6 =	simm.s32 $_tile_overlayer_lowered  }
0x9b: {  	s22 =	simm.s32 $0x1BFF;
	s21 =	sshll.u32 s6, $0x1;
	s3 =	sadd.s32 s4, s19  }
0x9c: {  	s7 =	simm.s32 $0x0;
	s20 =	sshll.u32 s5, $0x1;
	s5 =	sadd.s32 s21, s3  }
0x9d: {  	[timem:s7], [sflag:s22] =	dma.local [hbm:s5], s20  }
0x9e: {  	_ =	swait.ge [sflag:s22], s20  }
0x9f: {  	s4 =	ssub.s32 $0x0, s20;
	[sflag:s22] =	ssyncset.done $0x0  }
0xa0: {  	[sflag:s22] =	ssyncadd.s32 s4;
	_ =	sdelay $0x1  }
0xa1: {  	s23 =	simm.s32 $0x1B8B  }
0xa2: {  	_ =	swait.ge [sflag:s23], $0x1  }
0xa3: {  	[sflag:s23] =	ssyncset.done $0x0  }
0xa4: {  	s25 =	simm.s32 $0x1B8E;
	s24 =	sld [smem:$0x3FFE];
	[sflag:s23] =	ssyncadd.s32 $0xFFFFFFFF  }
0xa5: {  	s26 =	simm.s32 $execute0_lowered;
	[smem:$0x3FD2] =	sst s25  }
0xa6: {  	s5 =	sshll.u32 s26, $0x1;
	_ =	strace $0x8000004F;
	[dreg:$0x1] =	wrdreg $0xFFFFFFFF  }
0xa7: {  	s28 =	simm.s32 $_size_execute0_lowered;
	s3 =	sadd.s32 s3, s5;
	[dreg:$0x0] =	wrdreg $0x0  }
0xa8: {  	s5 =	sshll.u32 s28, $0x1;
	[dreg:$0x2] =	wrdreg s3  }
0xa9: {  	[dreg:$0x3] =	wrdreg s5  }
0xaa: {  	[dreg:$0x4] =	wrdreg $0xC0  }
0xab: {  	_ =	task [dreg:s7], $0x5FFFF  }
0xac: {  	[dreg:$0x1] =	wrdreg $0xFFFFFFFF  }
0xad: {  	[dreg:$0x0] =	wrdreg $0x60  }
0xae: {  	[dreg:$0x2] =	wrdreg s24  }
0xaf: {  	[dreg:$0x3] =	wrdreg s2  }
0xb0: {  	[dreg:$0x4] =	wrdreg $0x9  }
0xb1: {  	_ =	task.clear_ibuf [dreg:s7], $0x5FFFF;
	_ =	strace $0x9000004F  }
0xb2: {  	s29 =	simm.s32 $0x9;
	_ =	strace $0x80000051  }
0xb3: {  	_ =	swait.ge [sflag:s29], $0x1  }
0xb4: {  	[sflag:s29] =	ssyncadd.s32 $0xFFFFFFFF  }
0xb5: {  	_ =	strace $0x90000051  }
0xb6: {  	_ =	sfence  }
0xb7: {  	s30 =	sld [smem:$0x0];
	_ =	sdelay $0x2  }
0xb8: {  	s31 =	sshll.u32 s1, $0xD;
	s1 =	sshrl.u32 s1, $0x2  }
0xb9: {  	s3 =	sand.u32 $0x4000, s31;
	s1 =	sadd.s32 s1, s30  }
0xba: {  	s0 =	sor.u32 s3, s0;
	s1 =	sshll.u32 s1, $0x11  }
0xbb: {  	s0 =	sor.u32 s1, s0  }
0xbc: {  	s0 =	sadd.s32 $0x8F2B, s0  }
0xbd: {  	[sflag:s0] =	ssyncadd.remote.s32 $0x1  }
0xbe: {  	_ =	sfence.sel $0xFFFF  }
0xbf: {  	[dreg:$0x0] =	wrdreg $0xFFFFFFFF;
	(pc) =	sbr.abs _section_cstart, $3  }
0xc0: {  	[dreg:$0x1] =	wrdreg $0xFFFFFFFF  }
0xc1: {  	_ =	task.clear_ibuf [dreg:s7], $0x2FFFF;
	_ =	strace $0x9FFFFFFF  }
0xc2: {  	(tm) =	ssettm $0x7FFFFFFF  }
0xc3: {  	_ =	shalt  }
tec
execute0_lowered:
.L_overlay_start_1:
0x0: {  	(tag) =	ssettag $0x1  }
0x1: {  	s8 =	rddreg [dreg:$0x0]  }
0x2: {  	s1 =	rddreg [dreg:$0x1];
	s2 =	srdreg.scid  }
0x3: {  	s0 =	rddreg [dreg:$0x2];
	s3 =	simm.s32 $0x0;
	s12 =	simm.s32 $0x2  }
0x4: {  	s13 =	simm.s32 $0x1;
	s14 =	simm.s32 $0x80;
	s15 =	simm.s32 $0x180  }
0x5: {  	s16 =	simm.s32 $0x4200;
	s17 =	simm.s32 $0x0;
	s6 =	sand.u32 $0x1, s2  }
0x6: {  	[smem:$0x7FF] =	sst s3;
	s2 =	stileid.u32;
	s4 =	sshll.u32 s6, $0x4  }
.Ltmp0:
0x7: {  	s5 =	sadd.s32 $0x36400, s8;
	s4 =	sor.u32 s2, s4;
	(pc) =	sbr.rel .LBB2_1-.Ltmp0, $4  }
0x8: {  	s7 =	sadd.s32 $0x2C600, s8;
	s10 =	ssub.s32 $0x2, s6;
	s9 =	smul.u32 $0x1400, s4  }
0x9: {  	_ =	strace $0x80000050;
	s6 =	sadd.s32 $0x4A00, s8;
	s11 =	sshrl.u32 s10, $0x1  }
0xa: {  	s10 =	ssub.s32 s10, s11;
	s11 =	simm.s32 $0x4180;
	s9 =	sadd.s32 s9, s8  }
0xb: {  	v0 =	vimm.f32 $0.0e+00;
	s10 =	smax.u32 s10, $0x1;
	s8 =	smul.u32 $0x7FFEC0, s4;
	s9 =	sadd.s32 $0x5E400, s9  }
.LBB2_8:
0xc: {  	s17 =	sadd.s32 $0x1, s17  }
0xd: {  	p0 =	sne.s32 s17, s10  }
.Ltmp1:
0xe: {  	_ = 	snop;
	(pc) =	sbr.rel @!p0 .LBB2_9-.Ltmp1, $4  }
0xf: {  	[hbm4b:s9+s3] =	stream.linear.scatter [tilespmem:s16], [sflag:$0x2], $0xA000, $0x38;
	[tilespmem:$0xE200] =	vst v63  }
0x10: {  	_ =	swait.ge [sflag:s12], $0xA000  }
0x11: {  	[sflag:s12] =	ssyncset.done $0x0  }
0x12: {  	[sflag:s12] =	ssyncadd.s32 $0xFFFF6000  }
.LBB2_1:
0x13: {  	s18 =	simm.s32 $0x0;
	s19 =	simm.s32 $0x200  }
.LBB2_2:
0x14: {  	p0 =	sne.s32 s19, $0x27E00;
	[tilespmem:s18+$0x4270] =	vst v0  }
0x15: {  	[tilespmem:s18+$0x4200] =	vst v0  }
0x16: {  	[tilespmem:s18+$0x4210] =	vst v0  }
.Ltmp2:
0x17: {  	[tilespmem:s18+$0x4220] =	vst v0;
	(pc) =	sbr.rel @p0 .LBB2_2-.Ltmp2, $4  }
0x18: {  	[tilespmem:s18+$0x4230] =	vst v0  }
0x19: {  	[tilespmem:s18+$0x4240] =	vst v0  }
0x1a: {  	[tilespmem:s18+$0x4250] =	vst v0  }
0x1b: {  	[tilespmem:s18+$0x4260] =	vst v0;
	s18 =	sshra.s32 s19, $0x2;
	s19 =	sadd.s32 $0x200, s19  }
0x1c: {  	[tilespmem:s18+$0x4270] =	vst v0  }
0x1d: {  	[tilespmem:s18+$0x4200] =	vst v0  }
0x1e: {  	[tilespmem:s18+$0x4210] =	vst v0  }
0x1f: {  	[tilespmem:s18+$0x4220] =	vst v0  }
0x20: {  	[tilespmem:s18+$0x4230] =	vst v0  }
0x21: {  	[tilespmem:s18+$0x4240] =	vst v0  }
0x22: {  	[tilespmem:s18+$0x4250] =	vst v0  }
0x23: {  	[tilespmem:s18+$0x4260] =	vst v0  }
0x24: {  	[tilespmem:s11], [sflag:$0x2] =	stream.linear.gather [hbm4b:s1+s3], $0x80, $0x38;
	[tilespmem:$0xE200] =	vst v63  }
0x25: {  	_ =	swait.ge [sflag:s12], $0x80  }
0x26: {  	[sflag:s12] =	ssyncset.done $0x0  }
0x27: {  	[sflag:s12] =	ssyncadd.s32 $0xFFFFFF80  }
0x28: {  	v1 =	vld [tilespmem:s4+$0x4180]  }
0x29: {  	v2 =	vld [tilespmem:s4+$0x4181];
	_ =	sdelay $0x3  }
0x2a: {  	(v2sf) =	vpush v1, $0x0  }
0x2b: {  	(v2sf) =	vpush v2, $0x0;
	_ =	sdelay $0xd  }
0x2c: {  	s18 =	spop (v2sf)  }
0x2d: {  	s23 =	simm.s32 $0x1;
	s20 =	sshra.s32 s18, $0x1F;
	s19 =	spop (v2sf)  }
0x2e: {  	s21 =	sand.u32 $0x7F, s18;
	p0 =	slt.s32 s18, $0x1;
	s20 =	sshrl.u32 s20, $0x19  }
0x2f: {  	s22 =	sadd.s32 $0x7F, s19;
	p1 =	sne.s32 s21, $0x0;
	s20 =	sadd.s32 s20, s18  }
0x30: {  	s30 =	sand.u32 $0x7F, s22;
	p0 =	por !p0, !p1;
	p6 =	slt.s32 s22, $0x1  }
0x31: {  	s31 =	sshra.s32 s22, $0x1F;
	p2 =	sne.s32 s30, $0x0;
	s20 =	sshra.s32 s20, $0x7  }
0x32: {  	p0 =	por !p0, !p0;
	s21 =	sshrl.u32 s31, $0x19;
	p1 =	por !p6, !p2  }
0x33: {  	s21 =	sadd.s32 s21, s22;
	s22 =	simm.s32 $0x1;
	p1 =	por !p1, !p1  }
0x34: {  	s23 =	simm.s32 @!p0 $0x0;
	s21 =	sshra.s32 s21, $0x7;
	s22 =	simm.s32 @!p1 $0x0  }
0x35: {  	s20 =	ssub.s32 s20, s23;
	s21 =	ssub.s32 s21, s22  }
0x36: {  	p0 =	sle.s32 s21, s20  }
.Ltmp3:
0x37: {  	_ = 	snop;
	(pc) =	sbr.rel @p0 .LBB2_8-.Ltmp3, $1  }
0x38: {  	_ =	sdelay $0x3  }
0x39: {  	p0 =	sgt.s32 s20, s21  }
0x3a: {  	s22 =	sshll.u32 s20, $0x7;
	s21 =	smov.u32 @p0 s20  }
.LBB2_5:
0x3b: {  	s23 =	sshll.u32 s20, $0x4  }
0x3c: {  	s23 =	sand.u32 $0x1FFFFFF0, s23  }
0x3d: {  	s25 =	simm.s32 $0x0;
	s24 =	sadd.s32 s6, s23  }
0x3e: {  	[tilespmem:s25], [sflag:$0x2] =	stream.linear.gather [hbm4b:s24+s25], $0x80, $0x38;
	[tilespmem:$0xE200] =	vst v63  }
0x3f: {  	_ =	swait.ge [sflag:s12], $0x80  }
0x40: {  	[sflag:s12] =	ssyncset.done $0x0  }
0x41: {  	s23 =	sadd.s32 s7, s23;
	[sflag:s12] =	ssyncadd.s32 $0xFFFFFF80  }
0x42: {  	[tilespmem:s14], [sflag:$0x2] =	stream.linear.gather [hbm4b:s23+s25], $0x80, $0x38;
	[tilespmem:$0xE200] =	vst v63  }
0x43: {  	_ =	swait.ge [sflag:s12], $0x80  }
0x44: {  	[sflag:s12] =	ssyncset.done $0x0  }
0x45: {  	p0 =	slt.s32 s22, s18;
	[sflag:s12] =	ssyncadd.s32 $0xFFFFFF80  }
0x46: {  	[tilespmem:s15], [sflag:$0x1] =	stream.indirect.gather [hbm4b:s5+s14], $0x80, s25, s14, $0xb8;
	[tilespmem:$0xE200] =	vst v63  }
0x47: {  	p1 =	sge.s32 @!p0 s22, s19;
	_ =	swait.ge [sflag:s13], $0x4000  }
0x48: {  	p1 =	por p1, p0;
	[sflag:s13] =	ssyncset.done $0x0  }
0x49: {  	p0 =	por p1, p1;
	s23 =	simm.s32 @!p1 $0x0;
	[sflag:s13] =	ssyncadd.s32 $0xFFFFC000  }
0x4a: {  	v1 =	vld @!p0 [tilespmem:s23+$0x80];
	_ =	sdelay $0x4  }
0x4b: {  	(v2sf) =	vpush @!p0 v1, $0x0;
	_ =	sdelay $0xe  }
0x4c: {  	s23 =	spop @!p1 (v2sf)  }
0x4d: {  	s24 =	sadd.s32 @!p0 s8, s23  }
0x4e: {  	s23 =	simm.s32 $0x1C0;
	s24 =	sshll.u32 @!p0 s24, $0x9  }
0x4f: {  	v1 =	vld @!p0 [tilespmem:s23+$0xFFFFFFC0];
	s25 =	sshra.s32 @!p0 s24, $0x2  }
0x50: {  	v2 =	vld @!p0 [tilespmem:s25+$0x4200];
	_ =	sdelay $0x4  }
0x51: {  	v1 =	vadd.f32 @!p0 v1, v2;
	_ =	sdelay $0x1  }
0x52: {  	[tilespmem:s25+$0x4200] =	vst @!p0 v1;
	v1 =	vld @!p0 [tilespmem:s25+$0x4210]  }
0x53: {  	v2 =	vld @!p0 [tilespmem:s23+$0xFFFFFFD0];
	_ =	sdelay $0x4  }
0x54: {  	v1 =	vadd.f32 @!p0 v2, v1;
	_ =	sdelay $0x1  }
0x55: {  	[tilespmem:s25+$0x4210] =	vst @!p0 v1;
	v1 =	vld @!p0 [tilespmem:s25+$0x4220]  }
0x56: {  	v2 =	vld @!p0 [tilespmem:s23+$0xFFFFFFE0];
	_ =	sdelay $0x4  }
0x57: {  	v1 =	vadd.f32 @!p0 v2, v1;
	_ =	sdelay $0x1  }
0x58: {  	[tilespmem:s25+$0x4220] =	vst @!p0 v1;
	v1 =	vld @!p0 [tilespmem:s25+$0x4230]  }
0x59: {  	v2 =	vld @!p0 [tilespmem:s23+$0xFFFFFFF0];
	_ =	sdelay $0x4  }
0x5a: {  	v1 =	vadd.f32 @!p0 v2, v1;
	_ =	sdelay $0x1  }
0x5b: {  	[tilespmem:s25+$0x4230] =	vst @!p0 v1;
	v1 =	vld @!p0 [tilespmem:s25+$0x4240]  }
0x5c: {  	v2 =	vld @!p0 [tilespmem:s23+$0x0];
	_ =	sdelay $0x4  }
0x5d: {  	v1 =	vadd.f32 @!p0 v2, v1;
	_ =	sdelay $0x1  }
0x5e: {  	[tilespmem:s25+$0x4240] =	vst @!p0 v1;
	v1 =	vld @!p0 [tilespmem:s25+$0x4250]  }
0x5f: {  	v2 =	vld @!p0 [tilespmem:s23+$0x10];
	_ =	sdelay $0x4  }
0x60: {  	v1 =	vadd.f32 @!p0 v2, v1;
	_ =	sdelay $0x1  }
0x61: {  	[tilespmem:s25+$0x4250] =	vst @!p0 v1;
	v1 =	vld @!p0 [tilespmem:s25+$0x4260]  }
0x62: {  	v2 =	vld @!p0 [tilespmem:s23+$0x20];
	_ =	sdelay $0x4  }
0x63: {  	v1 =	vadd.f32 @!p0 v2, v1;
	_ =	sdelay $0x1  }
0x64: {  	[tilespmem:s25+$0x4260] =	vst @!p0 v1;
	v1 =	vld @!p0 [tilespmem:s25+$0x4270]  }
0x65: {  	v2 =	vld @!p0 [tilespmem:s23+$0x30];
	_ =	sdelay $0x1  }
0x66: {  	s24 =	sadd.s32 $0x1, s22  }
0x67: {  	p1 =	slt.s32 s24, s18  }
0x68: {  	p2 =	sge.s32 @!p1 s24, s19  }
0x69: {  	s28 =	simm.s32 $0x4;
	s26 =	simm.s32 $0x8;
	p2 =	por p2, p1;
	v1 =	vadd.f32 @!p0 v2, v1  }
.LBB2_6:
0x6a: {  	s29 =	sshra.s32 @!p2 s28, $0x2;
	s23 =	sadd.s32 $0x80, s23  }
0x6b: {  	[tilespmem:s25+$0x4270] =	vst @!p0 v1;
	s28 =	smov.u32 s26;
	s26 =	sadd.s32 $0x4, s26;
	p0 =	por p2, p2  }
0x6c: {  	p1 =	sne.s32 s26, $0x200;
	v1 =	vld @!p0 [tilespmem:s29+$0x80];
	_ =	sdelay $0x4  }
0x6d: {  	(v2sf) =	vpush @!p0 v1, $0x0;
	_ =	sdelay $0xe  }
0x6e: {  	s25 =	spop @!p2 (v2sf)  }
0x6f: {  	s25 =	sadd.s32 @!p0 s8, s25  }
0x70: {  	s25 =	sshll.u32 @!p0 s25, $0x9  }
0x71: {  	s25 =	sshra.s32 @!p0 s25, $0x2;
	v1 =	vld @!p0 [tilespmem:s23+$0xFFFFFFC0]  }
0x72: {  	v2 =	vld @!p0 [tilespmem:s25+$0x4200];
	_ =	sdelay $0x4  }
0x73: {  	v1 =	vadd.f32 @!p0 v1, v2;
	_ =	sdelay $0x1  }
0x74: {  	[tilespmem:s25+$0x4200] =	vst @!p0 v1;
	v1 =	vld @!p0 [tilespmem:s25+$0x4210]  }
0x75: {  	v2 =	vld @!p0 [tilespmem:s23+$0xFFFFFFD0];
	_ =	sdelay $0x4  }
0x76: {  	v1 =	vadd.f32 @!p0 v2, v1;
	_ =	sdelay $0x1  }
0x77: {  	[tilespmem:s25+$0x4210] =	vst @!p0 v1;
	v1 =	vld @!p0 [tilespmem:s25+$0x4220]  }
0x78: {  	v2 =	vld @!p0 [tilespmem:s23+$0xFFFFFFE0];
	_ =	sdelay $0x4  }
0x79: {  	v1 =	vadd.f32 @!p0 v2, v1;
	_ =	sdelay $0x1  }
0x7a: {  	[tilespmem:s25+$0x4220] =	vst @!p0 v1;
	v1 =	vld @!p0 [tilespmem:s25+$0x4230]  }
0x7b: {  	v2 =	vld @!p0 [tilespmem:s23+$0xFFFFFFF0];
	_ =	sdelay $0x4  }
0x7c: {  	v1 =	vadd.f32 @!p0 v2, v1;
	_ =	sdelay $0x1  }
0x7d: {  	[tilespmem:s25+$0x4230] =	vst @!p0 v1;
	v1 =	vld @!p0 [tilespmem:s25+$0x4240]  }
0x7e: {  	v2 =	vld @!p0 [tilespmem:s23+$0x0];
	_ =	sdelay $0x4  }
0x7f: {  	v1 =	vadd.f32 @!p0 v2, v1;
	_ =	sdelay $0x1  }
0x80: {  	[tilespmem:s25+$0x4240] =	vst @!p0 v1;
	v1 =	vld @!p0 [tilespmem:s25+$0x4250]  }
0x81: {  	v2 =	vld @!p0 [tilespmem:s23+$0x10];
	_ =	sdelay $0x4  }
0x82: {  	v1 =	vadd.f32 @!p0 v2, v1;
	_ =	sdelay $0x1  }
0x83: {  	[tilespmem:s25+$0x4250] =	vst @!p0 v1;
	v1 =	vld @!p0 [tilespmem:s25+$0x4260]  }
0x84: {  	v2 =	vld @!p0 [tilespmem:s23+$0x20];
	_ =	sdelay $0x4  }
0x85: {  	v1 =	vadd.f32 @!p0 v2, v1;
	_ =	sdelay $0x1  }
0x86: {  	[tilespmem:s25+$0x4260] =	vst @!p0 v1;
	v1 =	vld @!p0 [tilespmem:s25+$0x4270]  }
0x87: {  	v2 =	vld @!p0 [tilespmem:s23+$0x30];
	_ =	sdelay $0x1  }
.Ltmp4:
0x88: {  	(pc) =	sbr.rel @p1 .LBB2_6-.Ltmp4, $4  }
0x89: {  	s24 =	sadd.s32 $0x1, s24  }
0x8a: {  	p2 =	slt.s32 s24, s18  }
0x8b: {  	p3 =	sge.s32 @!p2 s24, s19;
	v1 =	vadd.f32 @!p0 v2, v1  }
0x8c: {  	p2 =	por p3, p2  }
0x8d: {  	s24 =	sshra.s32 @!p2 s28, $0x2;
	[tilespmem:s25+$0x4270] =	vst @!p0 v1;
	p0 =	por p2, p2  }
0x8e: {  	v1 =	vld @!p0 [tilespmem:s24+$0x80];
	_ =	sdelay $0x4  }
0x8f: {  	(v2sf) =	vpush @!p0 v1, $0x0;
	_ =	sdelay $0xe  }
0x90: {  	s24 =	spop @!p2 (v2sf)  }
0x91: {  	s24 =	sadd.s32 @!p0 s8, s24  }
0x92: {  	s23 =	sadd.s32 $0x80, s23;
	s24 =	sshll.u32 @!p0 s24, $0x9  }
0x93: {  	v1 =	vld @!p0 [tilespmem:s23+$0xFFFFFFC0];
	s24 =	sshra.s32 @!p0 s24, $0x2  }
0x94: {  	v2 =	vld @!p0 [tilespmem:s24+$0x4200];
	_ =	sdelay $0x4  }
0x95: {  	v1 =	vadd.f32 @!p0 v1, v2;
	_ =	sdelay $0x1  }
0x96: {  	[tilespmem:s24+$0x4200] =	vst @!p0 v1;
	v1 =	vld @!p0 [tilespmem:s24+$0x4210]  }
0x97: {  	v2 =	vld @!p0 [tilespmem:s23+$0xFFFFFFD0];
	_ =	sdelay $0x4  }
0x98: {  	v1 =	vadd.f32 @!p0 v2, v1;
	_ =	sdelay $0x1  }
0x99: {  	[tilespmem:s24+$0x4210] =	vst @!p0 v1;
	v1 =	vld @!p0 [tilespmem:s24+$0x4220]  }
0x9a: {  	v2 =	vld @!p0 [tilespmem:s23+$0xFFFFFFE0];
	_ =	sdelay $0x4  }
0x9b: {  	v1 =	vadd.f32 @!p0 v2, v1;
	_ =	sdelay $0x1  }
0x9c: {  	[tilespmem:s24+$0x4220] =	vst @!p0 v1;
	v1 =	vld @!p0 [tilespmem:s24+$0x4230]  }
0x9d: {  	v2 =	vld @!p0 [tilespmem:s23+$0xFFFFFFF0];
	_ =	sdelay $0x4  }
0x9e: {  	v1 =	vadd.f32 @!p0 v2, v1;
	_ =	sdelay $0x1  }
0x9f: {  	[tilespmem:s24+$0x4230] =	vst @!p0 v1;
	v1 =	vld @!p0 [tilespmem:s24+$0x4240]  }
0xa0: {  	v2 =	vld @!p0 [tilespmem:s23+$0x0];
	_ =	sdelay $0x4  }
0xa1: {  	v1 =	vadd.f32 @!p0 v2, v1;
	_ =	sdelay $0x1  }
0xa2: {  	[tilespmem:s24+$0x4240] =	vst @!p0 v1;
	v1 =	vld @!p0 [tilespmem:s24+$0x4250]  }
0xa3: {  	v2 =	vld @!p0 [tilespmem:s23+$0x10];
	_ =	sdelay $0x4  }
0xa4: {  	v1 =	vadd.f32 @!p0 v2, v1;
	_ =	sdelay $0x1  }
0xa5: {  	[tilespmem:s24+$0x4250] =	vst @!p0 v1;
	v1 =	vld @!p0 [tilespmem:s24+$0x4260]  }
0xa6: {  	v2 =	vld @!p0 [tilespmem:s23+$0x20];
	_ =	sdelay $0x4  }
0xa7: {  	v1 =	vadd.f32 @!p0 v2, v1;
	_ =	sdelay $0x1  }
0xa8: {  	[tilespmem:s24+$0x4260] =	vst @!p0 v1;
	v1 =	vld @!p0 [tilespmem:s24+$0x4270]  }
0xa9: {  	v2 =	vld @!p0 [tilespmem:s23+$0x30]  }
0xaa: {  	s20 =	sadd.s32 $0x1, s20  }
0xab: {  	p1 =	slt.s32 s20, s21  }
.Ltmp5:
0xac: {  	_ = 	snop;
	(pc) =	sbr.rel @p1 .LBB2_5-.Ltmp5, $4  }
.Ltmp6:
0xad: {  	_ = 	snop;
	(pc) =	sbr.rel @!p1 .LBB2_8-.Ltmp6, $4  }
0xae: {  	v1 =	vadd.f32 @!p0 v2, v1  }
0xaf: {  	_ = 	snop  }
0xb0: {  	s22 =	sadd.s32 $0x80, s22;
	[tilespmem:s24+$0x4270] =	vst @!p0 v1  }
0xb1: {  	_ = 	snop  }
.LBB2_9:
0xb2: {  	_ =	sfence.sel $0x180000  }
0xb3: {  	[bflag:$0x0] =	sbarrier.arrive $0xFFFF  }
0xb4: {  	p0 =	sne.s32 s2, $0x0;
	_ =	strace $0x90000050  }
0xb5: {  	s0 =	sadd.s32 @!p0 $0x100000, s0;
	[bflag:$0x2] =	sbarrier.arrive $0xFFFF  }
0xb6: {  	[sflag:s0] =	ssyncadd.tile.s32 @!p0 $0x1;
	_ =	shalt  }
.Lfunc_end2:
_tile_overlayer_lowered:
.L_overlay_start_2:
0xb7: {  	(tag) =	ssettag $0x2  }
0xb8: {  	s0 =	rddreg [dreg:$0x0];
	s2 =	stileid.u32  }
0xb9: {  	s1 =	rddreg [dreg:$0x1];
	p0 =	sne.s32 s2, $0x0  }
0xba: {  	s3 =	rddreg [dreg:$0x2];
	[bflag:$0x3] =	sbarrier.arrive $0xFFFF;
	s2 =	simm.s32 @!p0 $0x1C02  }
0xbb: {  	[timem:s3], [sflag:s2] =	dma.local @!p0 [hbm:s0], s1  }
0xbc: {  	s0 =	simm.s32 @!p0 $0x2  }
0xbd: {  	_ =	swait.ge @!p0 [sflag:s0], s1  }
0xbe: {  	s1 =	ssub.s32 @!p0 $0x0, s1;
	[sflag:s0] =	ssyncset.done @!p0 $0x0  }
0xbf: {  	[sflag:s0] =	ssyncadd.s32 @!p0 s1  }
0xc0: {  	[bflag:$0x3] =	sbarrier.arrive $0xFFFF  }
0xc1: {  	_ =	shalt  }

// kernel: kernel.16.cloned.1.call-start
scs
__scs_entry_jumppad:
0x0: {  	(pc) =	sbr.rel $0x88, $3  }
0x1: {  	(tag) =	ssettag $0x0;
	lr =	simm.s32 $0x1  }
0x2: {  	[smem:$0x3F92] =	sst lr;
	_ =	strace $0xD0000000  }
0x3: {  	_ = 	snop  }
0x4: {  	_ = 	snop  }
0x5: {  	_ = 	snop  }
0x6: {  	_ = 	snop  }
0x7: {  	_ = 	snop  }
__scs_overlays_trampoline_lowered:
0x8: {  	[smem:$0x3FA1] =	sst s0  }
0x9: {  	[smem:$0x3FA2] =	sst s1  }
0xa: {  	[smem:$0x3FA3] =	sst s2  }
0xb: {  	[smem:$0x3FA4] =	sst s3  }
0xc: {  	[smem:$0x3FA5] =	sst s4  }
0xd: {  	[smem:$0x3FA6] =	sst s5  }
0xe: {  	[smem:$0x3FA7] =	sst s6  }
0xf: {  	[smem:$0x3FA8] =	sst s7  }
0x10: {  	[smem:$0x3FA9] =	sst s8  }
0x11: {  	[smem:$0x3FAA] =	sst s9;
	s0 =	simm.s32 @!p0 $0x0  }
0x12: {  	s1 =	sld [smem:$0x3F90];
	s0 =	simm.s32 @p0 $0x1  }
0x13: {  	[smem:$0x3FAB] =	sst s0;
	s0 =	simm.s32 @!p1 $0x0  }
0x14: {  	s2 =	sld [smem:$0x3F8F];
	s0 =	simm.s32 @p1 $0x1  }
0x15: {  	[smem:$0x3FAC] =	sst s0;
	s0 =	simm.s32 @!p2 $0x0  }
0x16: {  	s3 =	sld [smem:$0x3FDB];
	s0 =	simm.s32 @p2 $0x1  }
0x17: {  	s4 =	simm.s32 $0x1BF5;
	[smem:$0x3FAE] =	sst s0  }
0x18: {  	s0 =	sld [smem:$0x3F91];
	_ =	swait.ge [sflag:s4], $0x0  }
0x19: {  	s7 =	sld [smem:$0x3F92]  }
0x1a: {  	s8 =	sadd.s32 $0xFFFFE003, lr  }
0x1b: {  	s9 =	sadd.s32 $0xFFFFFEF7, lr;
	s5 =	simm.s32 $0xFFFFFFFF;
	p2 =	slt.u32 s8, $0xFFFFF086  }
0x1c: {  	p1 =	slt.u32 s9, $0xF7A;
	s5 =	simm.s32 @!p2 $0x0  }
0x1d: {  	s5 =	simm.s32 @p1 $0x1;
	p0 =	seq.s32 s7, s2  }
0x1e: {  	s7 =	smul.u32 @!p0 $0xF7A, s2;
	p2 =	seq.s32 @!p0 s5, $0x0  }
0x1f: {  	s9 =	smul.u32 $0xF7A, s1;
	s8 =	simm.s32 @!p0 $0x1BF5;
	p2 =	por !p2, p0  }
0x20: {  	[sflag:s8] =	ssyncset.s32 @!p0 $0xFFFFF086;
	s6 =	sadd.s32 @!p0 s3, s7;
	s7 =	simm.s32 @!p0 $0x108  }
0x21: {  	s3 =	sadd.s32 s3, s9;
	s6 =	sadd.s32 @!p0 $0x88, s6;
	s7 =	simm.s32 @p2 $0x1082  }
0x22: {  	[simem:s7], [sflag:s8] =	dma.local @!p0 [hbm:s6], $0xF7A  }
0x23: {  	s9 =	sor.u32 $0xD0000000, s2;
	s6 =	simm.s32 $0x108;
	_ =	swait.ge @!p0 [sflag:s8], $0x0  }
0x24: {  	s3 =	sadd.s32 $0x88, s3;
	s6 =	simm.s32 @!p1 $0x1082;
	[sflag:s4] =	ssyncset.s32 $0xFFFFF086  }
0x25: {  	[simem:s6], [sflag:s4] =	dma.local [hbm:s3], $0xF7A  }
0x26: {  	[smem:$0x3F92] =	sst s1;
	(tag) =	ssettag s2;
	_ =	strace s9  }
0x27: {  	s1 =	sld [smem:$0x3FA2]  }
0x28: {  	s2 =	sld [smem:$0x3FA3]  }
0x29: {  	s4 =	sld [smem:$0x3FA5]  }
0x2a: {  	p0 =	seq.s32 s5, $0x0;
	s5 =	sld [smem:$0x3FA6]  }
0x2b: {  	s6 =	sld [smem:$0x3FA7]  }
0x2c: {  	s7 =	sld [smem:$0x3FA8]  }
0x2d: {  	s3 =	simm.s32 $0x108;
	s8 =	sld [smem:$0x3FA9]  }
0x2e: {  	s3 =	simm.s32 @!p0 $0x1082;
	s9 =	sld [smem:$0x3FAA]  }
0x2f: {  	lr =	sadd.s32 s0, s3;
	s0 =	sld [smem:$0x3FA1]  }
0x30: {  	s3 =	sld [smem:$0x3FA4]  }
0x31: {  	[smem:$0x3FAD] =	sst s10  }
0x32: {  	s10 =	sld [smem:$0x3FAB];
	_ =	sdelay $0x3  }
0x33: {  	p0 =	seq.s32 s10, $0x1;
	s10 =	sld [smem:$0x3FAD];
	_ =	sdelay $0x3  }
0x34: {  	[smem:$0x3FAD] =	sst s10  }
0x35: {  	s10 =	sld [smem:$0x3FAC];
	_ =	sdelay $0x3  }
0x36: {  	p1 =	seq.s32 s10, $0x1;
	s10 =	sld [smem:$0x3FAD];
	_ =	sdelay $0x3  }
0x37: {  	[smem:$0x3FAD] =	sst s10  }
0x38: {  	s10 =	sld [smem:$0x3FAE]  }
0x39: {  	_ = 	snop;
	(pc) =	sbr.ind lr, $3  }
0x3a: {  	_ = 	snop  }
0x3b: {  	_ = 	snop  }
0x3c: {  	p2 =	seq.s32 s10, $0x1;
	s10 =	sld [smem:$0x3FAD]  }
0x3d: {  	_ =	shalt  }
0x3e: {  	_ =	shalt  }
0x3f: {  	_ =	shalt  }
0x40: {  	_ =	shalt  }
0x41: {  	_ =	shalt  }
0x42: {  	_ =	shalt  }
0x43: {  	_ =	shalt  }
0x44: {  	_ =	shalt  }
0x45: {  	_ =	shalt  }
0x46: {  	_ =	shalt  }
0x47: {  	_ =	shalt  }
0x48: {  	_ =	shalt  }
0x49: {  	_ =	shalt  }
0x4a: {  	_ =	shalt  }
0x4b: {  	_ =	shalt  }
0x4c: {  	_ =	shalt  }
0x4d: {  	_ =	shalt  }
0x4e: {  	_ =	shalt  }
0x4f: {  	_ =	shalt  }
0x50: {  	_ =	shalt  }
0x51: {  	_ =	shalt  }
0x52: {  	_ =	shalt  }
0x53: {  	_ =	shalt  }
0x54: {  	_ =	shalt  }
0x55: {  	_ =	shalt  }
0x56: {  	_ =	shalt  }
0x57: {  	_ =	shalt  }
0x58: {  	_ =	shalt  }
0x59: {  	_ =	shalt  }
0x5a: {  	_ =	shalt  }
0x5b: {  	_ =	shalt  }
0x5c: {  	_ =	shalt  }
0x5d: {  	_ =	shalt  }
0x5e: {  	_ =	shalt  }
0x5f: {  	_ =	shalt  }
0x60: {  	_ =	shalt  }
0x61: {  	_ =	shalt  }
0x62: {  	_ =	shalt  }
0x63: {  	_ =	shalt  }
0x64: {  	_ =	shalt  }
0x65: {  	_ =	shalt  }
0x66: {  	_ =	shalt  }
0x67: {  	_ =	shalt  }
0x68: {  	_ =	shalt  }
0x69: {  	_ =	shalt  }
0x6a: {  	_ =	shalt  }
0x6b: {  	_ =	shalt  }
0x6c: {  	_ =	shalt  }
0x6d: {  	_ =	shalt  }
0x6e: {  	_ =	shalt  }
0x6f: {  	_ =	shalt  }
0x70: {  	_ =	shalt  }
0x71: {  	_ =	shalt  }
0x72: {  	_ =	shalt  }
0x73: {  	_ =	shalt  }
0x74: {  	_ =	shalt  }
0x75: {  	_ =	shalt  }
0x76: {  	_ =	shalt  }
0x77: {  	_ =	shalt  }
0x78: {  	_ =	shalt  }
0x79: {  	_ =	shalt  }
0x7a: {  	_ =	shalt  }
0x7b: {  	_ =	shalt  }
0x7c: {  	_ =	shalt  }
0x7d: {  	_ =	shalt  }
0x7e: {  	_ =	shalt  }
0x7f: {  	_ =	shalt  }
0x80: {  	_ =	shalt  }
0x81: {  	_ =	shalt  }
0x82: {  	_ =	shalt  }
0x83: {  	_ =	shalt  }
0x84: {  	_ =	shalt  }
0x85: {  	_ =	shalt  }
0x86: {  	_ =	shalt  }
0x87: {  	_ =	shalt  }
.Lfunc_end0:
.L_simem_size_0:
called_computation.4_lowered:
.L_overlay_start_0:
0x88: {  	s2 =	sld [smem:$0x3FD9]  }
0x89: {  	s3 =	sld [smem:$0x3FFE];
	_ =	sdelay $0x1  }
0x8a: {  	s1 =	srdreg.scid  }
0x8b: {  	s0 =	sand.u32 $0x1, s1  }
0x8c: {  	s17 =	sshll.u32 s0, $0xA;
	s2 =	sadd.s32 s3, s2  }
0x8d: {  	s2 =	sadd.s32 s2, s17  }
0x8e: {  	[smem:$0x3FB9] =	sst s2  }
0x8f: {  	_ = 	snop  }
0x90: {  	s2 =	sld [smem:$0x3FD0];
	(tm) =	ssettm $0x1  }
0x91: {  	s18 =	sld [smem:$0x3FFB];
	_ =	sdelay $0x3  }
0x92: {  	_ =	strace s18  }
0x93: {  	s3 =	sld [smem:$0x3FFC];
	_ =	sdelay $0x3  }
0x94: {  	_ =	strace s3  }
0x95: {  	s3 =	sld [smem:$0x3FFD];
	_ =	sdelay $0x3  }
0x96: {  	_ =	strace s3  }
0x97: {  	_ =	strace $0x8FFFFFFF  }
0x98: {  	s19 =	sld [smem:$0x3FDB];
	_ =	sdelay $0x1  }
0x99: {  	s4 =	simm.s32 $_scs_section_size  }
0x9a: {  	s5 =	simm.s32 $_size__tile_overlayer_lowered;
	s6 =	simm.s32 $_tile_overlayer_lowered  }
0x9b: {  	s22 =	simm.s32 $0x1BFF;
	s21 =	sshll.u32 s6, $0x1;
	s3 =	sadd.s32 s4, s19  }
0x9c: {  	s7 =	simm.s32 $0x0;
	s20 =	sshll.u32 s5, $0x1;
	s5 =	sadd.s32 s21, s3  }
0x9d: {  	[timem:s7], [sflag:s22] =	dma.local [hbm:s5], s20  }
0x9e: {  	_ =	swait.ge [sflag:s22], s20  }
0x9f: {  	s4 =	ssub.s32 $0x0, s20;
	[sflag:s22] =	ssyncset.done $0x0  }
0xa0: {  	[sflag:s22] =	ssyncadd.s32 s4;
	_ =	sdelay $0x1  }
0xa1: {  	s23 =	simm.s32 $0x1B8B  }
0xa2: {  	_ =	swait.ge [sflag:s23], $0x1  }
0xa3: {  	[sflag:s23] =	ssyncset.done $0x0  }
0xa4: {  	s25 =	simm.s32 $0x1B8E;
	s24 =	sld [smem:$0x3FFE];
	[sflag:s23] =	ssyncadd.s32 $0xFFFFFFFF  }
0xa5: {  	s26 =	simm.s32 $execute0_lowered;
	[smem:$0x3FD2] =	sst s25  }
0xa6: {  	s5 =	sshll.u32 s26, $0x1;
	_ =	strace $0x80000052;
	[dreg:$0x1] =	wrdreg $0xFFFFFFFF  }
0xa7: {  	s28 =	simm.s32 $_size_execute0_lowered;
	s3 =	sadd.s32 s3, s5;
	[dreg:$0x0] =	wrdreg $0x0  }
0xa8: {  	s5 =	sshll.u32 s28, $0x1;
	[dreg:$0x2] =	wrdreg s3  }
0xa9: {  	[dreg:$0x3] =	wrdreg s5  }
0xaa: {  	[dreg:$0x4] =	wrdreg $0xC0  }
0xab: {  	_ =	task [dreg:s7], $0x5FFFF  }
0xac: {  	[dreg:$0x1] =	wrdreg $0xFFFFFFFF  }
0xad: {  	[dreg:$0x0] =	wrdreg $0x60  }
0xae: {  	[dreg:$0x2] =	wrdreg s24  }
0xaf: {  	[dreg:$0x3] =	wrdreg s2  }
0xb0: {  	[dreg:$0x4] =	wrdreg $0x9  }
0xb1: {  	_ =	task.clear_ibuf [dreg:s7], $0x5FFFF;
	_ =	strace $0x90000052  }
0xb2: {  	s29 =	simm.s32 $0x9;
	_ =	strace $0x80000054  }
0xb3: {  	_ =	swait.ge [sflag:s29], $0x1  }
0xb4: {  	[sflag:s29] =	ssyncadd.s32 $0xFFFFFFFF  }
0xb5: {  	_ =	strace $0x90000054  }
0xb6: {  	_ =	sfence  }
0xb7: {  	s30 =	sld [smem:$0x0];
	_ =	sdelay $0x2  }
0xb8: {  	s31 =	sshll.u32 s1, $0xD;
	s1 =	sshrl.u32 s1, $0x2  }
0xb9: {  	s3 =	sand.u32 $0x4000, s31;
	s1 =	sadd.s32 s1, s30  }
0xba: {  	s0 =	sor.u32 s3, s0;
	s1 =	sshll.u32 s1, $0x11  }
0xbb: {  	s0 =	sor.u32 s1, s0  }
0xbc: {  	s0 =	sadd.s32 $0x8F2B, s0  }
0xbd: {  	[sflag:s0] =	ssyncadd.remote.s32 $0x1  }
0xbe: {  	_ =	sfence.sel $0xFFFF  }
0xbf: {  	[dreg:$0x0] =	wrdreg $0xFFFFFFFF;
	(pc) =	sbr.abs _section_cstart, $3  }
0xc0: {  	[dreg:$0x1] =	wrdreg $0xFFFFFFFF  }
0xc1: {  	_ =	task.clear_ibuf [dreg:s7], $0x2FFFF;
	_ =	strace $0x9FFFFFFF  }
0xc2: {  	(tm) =	ssettm $0x7FFFFFFF  }
0xc3: {  	_ =	shalt  }
tec
execute0_lowered:
.L_overlay_start_1:
0x0: {  	(tag) =	ssettag $0x1  }
0x1: {  	s8 =	rddreg [dreg:$0x0]  }
0x2: {  	s1 =	rddreg [dreg:$0x1];
	s2 =	srdreg.scid  }
0x3: {  	s0 =	rddreg [dreg:$0x2];
	s3 =	simm.s32 $0x0;
	s12 =	simm.s32 $0x2  }
0x4: {  	s13 =	simm.s32 $0x1;
	s14 =	simm.s32 $0x80;
	s15 =	simm.s32 $0x180  }
0x5: {  	s16 =	simm.s32 $0x4200;
	s17 =	simm.s32 $0x0;
	s6 =	sand.u32 $0x1, s2  }
0x6: {  	[smem:$0x7FF] =	sst s3;
	s2 =	stileid.u32;
	s4 =	sshll.u32 s6, $0x4  }
.Ltmp0:
0x7: {  	s5 =	sadd.s32 $0x36400, s8;
	s4 =	sor.u32 s2, s4;
	(pc) =	sbr.rel .LBB2_1-.Ltmp0, $4  }
0x8: {  	s7 =	sadd.s32 $0x2C600, s8;
	s10 =	ssub.s32 $0x2, s6;
	s9 =	smul.u32 $0x1400, s4  }
0x9: {  	_ =	strace $0x80000053;
	s6 =	sadd.s32 $0x4A00, s8;
	s11 =	sshrl.u32 s10, $0x1  }
0xa: {  	s10 =	ssub.s32 s10, s11;
	s11 =	simm.s32 $0x4180;
	s9 =	sadd.s32 s9, s8  }
0xb: {  	v0 =	vimm.f32 $0.0e+00;
	s10 =	smax.u32 s10, $0x1;
	s8 =	smul.u32 $0x7FFEC0, s4;
	s9 =	sadd.s32 $0x5E400, s9  }
.LBB2_8:
0xc: {  	s17 =	sadd.s32 $0x1, s17  }
0xd: {  	p0 =	sne.s32 s17, s10  }
.Ltmp1:
0xe: {  	_ = 	snop;
	(pc) =	sbr.rel @!p0 .LBB2_9-.Ltmp1, $4  }
0xf: {  	[hbm4b:s9+s3] =	stream.linear.scatter [tilespmem:s16], [sflag:$0x2], $0xA000, $0x38;
	[tilespmem:$0xE200] =	vst v63  }
0x10: {  	_ =	swait.ge [sflag:s12], $0xA000  }
0x11: {  	[sflag:s12] =	ssyncset.done $0x0  }
0x12: {  	[sflag:s12] =	ssyncadd.s32 $0xFFFF6000  }
.LBB2_1:
0x13: {  	s18 =	simm.s32 $0x0;
	s19 =	simm.s32 $0x200  }
.LBB2_2:
0x14: {  	p0 =	sne.s32 s19, $0x27E00;
	[tilespmem:s18+$0x4270] =	vst v0  }
0x15: {  	[tilespmem:s18+$0x4200] =	vst v0  }
0x16: {  	[tilespmem:s18+$0x4210] =	vst v0  }
.Ltmp2:
0x17: {  	[tilespmem:s18+$0x4220] =	vst v0;
	(pc) =	sbr.rel @p0 .LBB2_2-.Ltmp2, $4  }
0x18: {  	[tilespmem:s18+$0x4230] =	vst v0  }
0x19: {  	[tilespmem:s18+$0x4240] =	vst v0  }
0x1a: {  	[tilespmem:s18+$0x4250] =	vst v0  }
0x1b: {  	[tilespmem:s18+$0x4260] =	vst v0;
	s18 =	sshra.s32 s19, $0x2;
	s19 =	sadd.s32 $0x200, s19  }
0x1c: {  	[tilespmem:s18+$0x4270] =	vst v0  }
0x1d: {  	[tilespmem:s18+$0x4200] =	vst v0  }
0x1e: {  	[tilespmem:s18+$0x4210] =	vst v0  }
0x1f: {  	[tilespmem:s18+$0x4220] =	vst v0  }
0x20: {  	[tilespmem:s18+$0x4230] =	vst v0  }
0x21: {  	[tilespmem:s18+$0x4240] =	vst v0  }
0x22: {  	[tilespmem:s18+$0x4250] =	vst v0  }
0x23: {  	[tilespmem:s18+$0x4260] =	vst v0  }
0x24: {  	[tilespmem:s11], [sflag:$0x2] =	stream.linear.gather [hbm4b:s1+s3], $0x80, $0x38;
	[tilespmem:$0xE200] =	vst v63  }
0x25: {  	_ =	swait.ge [sflag:s12], $0x80  }
0x26: {  	[sflag:s12] =	ssyncset.done $0x0  }
0x27: {  	[sflag:s12] =	ssyncadd.s32 $0xFFFFFF80  }
0x28: {  	v1 =	vld [tilespmem:s4+$0x4180]  }
0x29: {  	v2 =	vld [tilespmem:s4+$0x4181];
	_ =	sdelay $0x3  }
0x2a: {  	(v2sf) =	vpush v1, $0x0  }
0x2b: {  	(v2sf) =	vpush v2, $0x0;
	_ =	sdelay $0xd  }
0x2c: {  	s18 =	spop (v2sf)  }
0x2d: {  	s23 =	simm.s32 $0x1;
	s20 =	sshra.s32 s18, $0x1F;
	s19 =	spop (v2sf)  }
0x2e: {  	s21 =	sand.u32 $0x7F, s18;
	p0 =	slt.s32 s18, $0x1;
	s20 =	sshrl.u32 s20, $0x19  }
0x2f: {  	s22 =	sadd.s32 $0x7F, s19;
	p1 =	sne.s32 s21, $0x0;
	s20 =	sadd.s32 s20, s18  }
0x30: {  	s30 =	sand.u32 $0x7F, s22;
	p0 =	por !p0, !p1;
	p6 =	slt.s32 s22, $0x1  }
0x31: {  	s31 =	sshra.s32 s22, $0x1F;
	p2 =	sne.s32 s30, $0x0;
	s20 =	sshra.s32 s20, $0x7  }
0x32: {  	p0 =	por !p0, !p0;
	s21 =	sshrl.u32 s31, $0x19;
	p1 =	por !p6, !p2  }
0x33: {  	s21 =	sadd.s32 s21, s22;
	s22 =	simm.s32 $0x1;
	p1 =	por !p1, !p1  }
0x34: {  	s23 =	simm.s32 @!p0 $0x0;
	s21 =	sshra.s32 s21, $0x7;
	s22 =	simm.s32 @!p1 $0x0  }
0x35: {  	s20 =	ssub.s32 s20, s23;
	s21 =	ssub.s32 s21, s22  }
0x36: {  	p0 =	sle.s32 s21, s20  }
.Ltmp3:
0x37: {  	_ = 	snop;
	(pc) =	sbr.rel @p0 .LBB2_8-.Ltmp3, $1  }
0x38: {  	_ =	sdelay $0x3  }
0x39: {  	p0 =	sgt.s32 s20, s21  }
0x3a: {  	s22 =	sshll.u32 s20, $0x7;
	s21 =	smov.u32 @p0 s20  }
.LBB2_5:
0x3b: {  	s23 =	sshll.u32 s20, $0x4  }
0x3c: {  	s23 =	sand.u32 $0x1FFFFFF0, s23  }
0x3d: {  	s25 =	simm.s32 $0x0;
	s24 =	sadd.s32 s6, s23  }
0x3e: {  	[tilespmem:s25], [sflag:$0x2] =	stream.linear.gather [hbm4b:s24+s25], $0x80, $0x38;
	[tilespmem:$0xE200] =	vst v63  }
0x3f: {  	_ =	swait.ge [sflag:s12], $0x80  }
0x40: {  	[sflag:s12] =	ssyncset.done $0x0  }
0x41: {  	s23 =	sadd.s32 s7, s23;
	[sflag:s12] =	ssyncadd.s32 $0xFFFFFF80  }
0x42: {  	[tilespmem:s14], [sflag:$0x2] =	stream.linear.gather [hbm4b:s23+s25], $0x80, $0x38;
	[tilespmem:$0xE200] =	vst v63  }
0x43: {  	_ =	swait.ge [sflag:s12], $0x80  }
0x44: {  	[sflag:s12] =	ssyncset.done $0x0  }
0x45: {  	p0 =	slt.s32 s22, s18;
	[sflag:s12] =	ssyncadd.s32 $0xFFFFFF80  }
0x46: {  	[tilespmem:s15], [sflag:$0x1] =	stream.indirect.gather [hbm4b:s5+s14], $0x80, s25, s14, $0xb8;
	[tilespmem:$0xE200] =	vst v63  }
0x47: {  	p1 =	sge.s32 @!p0 s22, s19;
	_ =	swait.ge [sflag:s13], $0x4000  }
0x48: {  	p1 =	por p1, p0;
	[sflag:s13] =	ssyncset.done $0x0  }
0x49: {  	p0 =	por p1, p1;
	s23 =	simm.s32 @!p1 $0x0;
	[sflag:s13] =	ssyncadd.s32 $0xFFFFC000  }
0x4a: {  	v1 =	vld @!p0 [tilespmem:s23+$0x80];
	_ =	sdelay $0x4  }
0x4b: {  	(v2sf) =	vpush @!p0 v1, $0x0;
	_ =	sdelay $0xe  }
0x4c: {  	s23 =	spop @!p1 (v2sf)  }
0x4d: {  	s24 =	sadd.s32 @!p0 s8, s23  }
0x4e: {  	s23 =	simm.s32 $0x1C0;
	s24 =	sshll.u32 @!p0 s24, $0x9  }
0x4f: {  	v1 =	vld @!p0 [tilespmem:s23+$0xFFFFFFC0];
	s25 =	sshra.s32 @!p0 s24, $0x2  }
0x50: {  	v2 =	vld @!p0 [tilespmem:s25+$0x4200];
	_ =	sdelay $0x4  }
0x51: {  	v1 =	vadd.f32 @!p0 v1, v2;
	_ =	sdelay $0x1  }
0x52: {  	[tilespmem:s25+$0x4200] =	vst @!p0 v1;
	v1 =	vld @!p0 [tilespmem:s25+$0x4210]  }
0x53: {  	v2 =	vld @!p0 [tilespmem:s23+$0xFFFFFFD0];
	_ =	sdelay $0x4  }
0x54: {  	v1 =	vadd.f32 @!p0 v2, v1;
	_ =	sdelay $0x1  }
0x55: {  	[tilespmem:s25+$0x4210] =	vst @!p0 v1;
	v1 =	vld @!p0 [tilespmem:s25+$0x4220]  }
0x56: {  	v2 =	vld @!p0 [tilespmem:s23+$0xFFFFFFE0];
	_ =	sdelay $0x4  }
0x57: {  	v1 =	vadd.f32 @!p0 v2, v1;
	_ =	sdelay $0x1  }
0x58: {  	[tilespmem:s25+$0x4220] =	vst @!p0 v1;
	v1 =	vld @!p0 [tilespmem:s25+$0x4230]  }
0x59: {  	v2 =	vld @!p0 [tilespmem:s23+$0xFFFFFFF0];
	_ =	sdelay $0x4  }
0x5a: {  	v1 =	vadd.f32 @!p0 v2, v1;
	_ =	sdelay $0x1  }
0x5b: {  	[tilespmem:s25+$0x4230] =	vst @!p0 v1;
	v1 =	vld @!p0 [tilespmem:s25+$0x4240]  }
0x5c: {  	v2 =	vld @!p0 [tilespmem:s23+$0x0];
	_ =	sdelay $0x4  }
0x5d: {  	v1 =	vadd.f32 @!p0 v2, v1;
	_ =	sdelay $0x1  }
0x5e: {  	[tilespmem:s25+$0x4240] =	vst @!p0 v1;
	v1 =	vld @!p0 [tilespmem:s25+$0x4250]  }
0x5f: {  	v2 =	vld @!p0 [tilespmem:s23+$0x10];
	_ =	sdelay $0x4  }
0x60: {  	v1 =	vadd.f32 @!p0 v2, v1;
	_ =	sdelay $0x1  }
0x61: {  	[tilespmem:s25+$0x4250] =	vst @!p0 v1;
	v1 =	vld @!p0 [tilespmem:s25+$0x4260]  }
0x62: {  	v2 =	vld @!p0 [tilespmem:s23+$0x20];
	_ =	sdelay $0x4  }
0x63: {  	v1 =	vadd.f32 @!p0 v2, v1;
	_ =	sdelay $0x1  }
0x64: {  	[tilespmem:s25+$0x4260] =	vst @!p0 v1;
	v1 =	vld @!p0 [tilespmem:s25+$0x4270]  }
0x65: {  	v2 =	vld @!p0 [tilespmem:s23+$0x30];
	_ =	sdelay $0x1  }
0x66: {  	s24 =	sadd.s32 $0x1, s22  }
0x67: {  	p1 =	slt.s32 s24, s18  }
0x68: {  	p2 =	sge.s32 @!p1 s24, s19  }
0x69: {  	s28 =	simm.s32 $0x4;
	s26 =	simm.s32 $0x8;
	p2 =	por p2, p1;
	v1 =	vadd.f32 @!p0 v2, v1  }
.LBB2_6:
0x6a: {  	s29 =	sshra.s32 @!p2 s28, $0x2;
	s23 =	sadd.s32 $0x80, s23  }
0x6b: {  	[tilespmem:s25+$0x4270] =	vst @!p0 v1;
	s28 =	smov.u32 s26;
	s26 =	sadd.s32 $0x4, s26;
	p0 =	por p2, p2  }
0x6c: {  	p1 =	sne.s32 s26, $0x200;
	v1 =	vld @!p0 [tilespmem:s29+$0x80];
	_ =	sdelay $0x4  }
0x6d: {  	(v2sf) =	vpush @!p0 v1, $0x0;
	_ =	sdelay $0xe  }
0x6e: {  	s25 =	spop @!p2 (v2sf)  }
0x6f: {  	s25 =	sadd.s32 @!p0 s8, s25  }
0x70: {  	s25 =	sshll.u32 @!p0 s25, $0x9  }
0x71: {  	s25 =	sshra.s32 @!p0 s25, $0x2;
	v1 =	vld @!p0 [tilespmem:s23+$0xFFFFFFC0]  }
0x72: {  	v2 =	vld @!p0 [tilespmem:s25+$0x4200];
	_ =	sdelay $0x4  }
0x73: {  	v1 =	vadd.f32 @!p0 v1, v2;
	_ =	sdelay $0x1  }
0x74: {  	[tilespmem:s25+$0x4200] =	vst @!p0 v1;
	v1 =	vld @!p0 [tilespmem:s25+$0x4210]  }
0x75: {  	v2 =	vld @!p0 [tilespmem:s23+$0xFFFFFFD0];
	_ =	sdelay $0x4  }
0x76: {  	v1 =	vadd.f32 @!p0 v2, v1;
	_ =	sdelay $0x1  }
0x77: {  	[tilespmem:s25+$0x4210] =	vst @!p0 v1;
	v1 =	vld @!p0 [tilespmem:s25+$0x4220]  }
0x78: {  	v2 =	vld @!p0 [tilespmem:s23+$0xFFFFFFE0];
	_ =	sdelay $0x4  }
0x79: {  	v1 =	vadd.f32 @!p0 v2, v1;
	_ =	sdelay $0x1  }
0x7a: {  	[tilespmem:s25+$0x4220] =	vst @!p0 v1;
	v1 =	vld @!p0 [tilespmem:s25+$0x4230]  }
0x7b: {  	v2 =	vld @!p0 [tilespmem:s23+$0xFFFFFFF0];
	_ =	sdelay $0x4  }
0x7c: {  	v1 =	vadd.f32 @!p0 v2, v1;
	_ =	sdelay $0x1  }
0x7d: {  	[tilespmem:s25+$0x4230] =	vst @!p0 v1;
	v1 =	vld @!p0 [tilespmem:s25+$0x4240]  }
0x7e: {  	v2 =	vld @!p0 [tilespmem:s23+$0x0];
	_ =	sdelay $0x4  }
0x7f: {  	v1 =	vadd.f32 @!p0 v2, v1;
	_ =	sdelay $0x1  }
0x80: {  	[tilespmem:s25+$0x4240] =	vst @!p0 v1;
	v1 =	vld @!p0 [tilespmem:s25+$0x4250]  }
0x81: {  	v2 =	vld @!p0 [tilespmem:s23+$0x10];
	_ =	sdelay $0x4  }
0x82: {  	v1 =	vadd.f32 @!p0 v2, v1;
	_ =	sdelay $0x1  }
0x83: {  	[tilespmem:s25+$0x4250] =	vst @!p0 v1;
	v1 =	vld @!p0 [tilespmem:s25+$0x4260]  }
0x84: {  	v2 =	vld @!p0 [tilespmem:s23+$0x20];
	_ =	sdelay $0x4  }
0x85: {  	v1 =	vadd.f32 @!p0 v2, v1;
	_ =	sdelay $0x1  }
0x86: {  	[tilespmem:s25+$0x4260] =	vst @!p0 v1;
	v1 =	vld @!p0 [tilespmem:s25+$0x4270]  }
0x87: {  	v2 =	vld @!p0 [tilespmem:s23+$0x30];
	_ =	sdelay $0x1  }
.Ltmp4:
0x88: {  	(pc) =	sbr.rel @p1 .LBB2_6-.Ltmp4, $4  }
0x89: {  	s24 =	sadd.s32 $0x1, s24  }
0x8a: {  	p2 =	slt.s32 s24, s18  }
0x8b: {  	p3 =	sge.s32 @!p2 s24, s19;
	v1 =	vadd.f32 @!p0 v2, v1  }
0x8c: {  	p2 =	por p3, p2  }
0x8d: {  	s24 =	sshra.s32 @!p2 s28, $0x2;
	[tilespmem:s25+$0x4270] =	vst @!p0 v1;
	p0 =	por p2, p2  }
0x8e: {  	v1 =	vld @!p0 [tilespmem:s24+$0x80];
	_ =	sdelay $0x4  }
0x8f: {  	(v2sf) =	vpush @!p0 v1, $0x0;
	_ =	sdelay $0xe  }
0x90: {  	s24 =	spop @!p2 (v2sf)  }
0x91: {  	s24 =	sadd.s32 @!p0 s8, s24  }
0x92: {  	s23 =	sadd.s32 $0x80, s23;
	s24 =	sshll.u32 @!p0 s24, $0x9  }
0x93: {  	v1 =	vld @!p0 [tilespmem:s23+$0xFFFFFFC0];
	s24 =	sshra.s32 @!p0 s24, $0x2  }
0x94: {  	v2 =	vld @!p0 [tilespmem:s24+$0x4200];
	_ =	sdelay $0x4  }
0x95: {  	v1 =	vadd.f32 @!p0 v1, v2;
	_ =	sdelay $0x1  }
0x96: {  	[tilespmem:s24+$0x4200] =	vst @!p0 v1;
	v1 =	vld @!p0 [tilespmem:s24+$0x4210]  }
0x97: {  	v2 =	vld @!p0 [tilespmem:s23+$0xFFFFFFD0];
	_ =	sdelay $0x4  }
0x98: {  	v1 =	vadd.f32 @!p0 v2, v1;
	_ =	sdelay $0x1  }
0x99: {  	[tilespmem:s24+$0x4210] =	vst @!p0 v1;
	v1 =	vld @!p0 [tilespmem:s24+$0x4220]  }
0x9a: {  	v2 =	vld @!p0 [tilespmem:s23+$0xFFFFFFE0];
	_ =	sdelay $0x4  }
0x9b: {  	v1 =	vadd.f32 @!p0 v2, v1;
	_ =	sdelay $0x1  }
0x9c: {  	[tilespmem:s24+$0x4220] =	vst @!p0 v1;
	v1 =	vld @!p0 [tilespmem:s24+$0x4230]  }
0x9d: {  	v2 =	vld @!p0 [tilespmem:s23+$0xFFFFFFF0];
	_ =	sdelay $0x4  }
0x9e: {  	v1 =	vadd.f32 @!p0 v2, v1;
	_ =	sdelay $0x1  }
0x9f: {  	[tilespmem:s24+$0x4230] =	vst @!p0 v1;
	v1 =	vld @!p0 [tilespmem:s24+$0x4240]  }
0xa0: {  	v2 =	vld @!p0 [tilespmem:s23+$0x0];
	_ =	sdelay $0x4  }
0xa1: {  	v1 =	vadd.f32 @!p0 v2, v1;
	_ =	sdelay $0x1  }
0xa2: {  	[tilespmem:s24+$0x4240] =	vst @!p0 v1;
	v1 =	vld @!p0 [tilespmem:s24+$0x4250]  }
0xa3: {  	v2 =	vld @!p0 [tilespmem:s23+$0x10];
	_ =	sdelay $0x4  }
0xa4: {  	v1 =	vadd.f32 @!p0 v2, v1;
	_ =	sdelay $0x1  }
0xa5: {  	[tilespmem:s24+$0x4250] =	vst @!p0 v1;
	v1 =	vld @!p0 [tilespmem:s24+$0x4260]  }
0xa6: {  	v2 =	vld @!p0 [tilespmem:s23+$0x20];
	_ =	sdelay $0x4  }
0xa7: {  	v1 =	vadd.f32 @!p0 v2, v1;
	_ =	sdelay $0x1  }
0xa8: {  	[tilespmem:s24+$0x4260] =	vst @!p0 v1;
	v1 =	vld @!p0 [tilespmem:s24+$0x4270]  }
0xa9: {  	v2 =	vld @!p0 [tilespmem:s23+$0x30]  }
0xaa: {  	s20 =	sadd.s32 $0x1, s20  }
0xab: {  	p1 =	slt.s32 s20, s21  }
.Ltmp5:
0xac: {  	_ = 	snop;
	(pc) =	sbr.rel @p1 .LBB2_5-.Ltmp5, $4  }
.Ltmp6:
0xad: {  	_ = 	snop;
	(pc) =	sbr.rel @!p1 .LBB2_8-.Ltmp6, $4  }
0xae: {  	v1 =	vadd.f32 @!p0 v2, v1  }
0xaf: {  	_ = 	snop  }
0xb0: {  	s22 =	sadd.s32 $0x80, s22;
	[tilespmem:s24+$0x4270] =	vst @!p0 v1  }
0xb1: {  	_ = 	snop  }
.LBB2_9:
0xb2: {  	_ =	sfence.sel $0x180000  }
0xb3: {  	[bflag:$0x0] =	sbarrier.arrive $0xFFFF  }
0xb4: {  	p0 =	sne.s32 s2, $0x0;
	_ =	strace $0x90000053  }
0xb5: {  	s0 =	sadd.s32 @!p0 $0x100000, s0;
	[bflag:$0x2] =	sbarrier.arrive $0xFFFF  }
0xb6: {  	[sflag:s0] =	ssyncadd.tile.s32 @!p0 $0x1;
	_ =	shalt  }
.Lfunc_end2:
_tile_overlayer_lowered:
.L_overlay_start_2:
0xb7: {  	(tag) =	ssettag $0x2  }
0xb8: {  	s0 =	rddreg [dreg:$0x0];
	s2 =	stileid.u32  }
0xb9: {  	s1 =	rddreg [dreg:$0x1];
	p0 =	sne.s32 s2, $0x0  }
0xba: {  	s3 =	rddreg [dreg:$0x2];
	[bflag:$0x3] =	sbarrier.arrive $0xFFFF;
	s2 =	simm.s32 @!p0 $0x1C02  }
0xbb: {  	[timem:s3], [sflag:s2] =	dma.local @!p0 [hbm:s0], s1  }
0xbc: {  	s0 =	simm.s32 @!p0 $0x2  }
0xbd: {  	_ =	swait.ge @!p0 [sflag:s0], s1  }
0xbe: {  	s1 =	ssub.s32 @!p0 $0x0, s1;
	[sflag:s0] =	ssyncset.done @!p0 $0x0  }
0xbf: {  	[sflag:s0] =	ssyncadd.s32 @!p0 s1  }
0xc0: {  	[bflag:$0x3] =	sbarrier.arrive $0xFFFF  }
0xc1: {  	_ =	shalt  }

// kernel: kernel.19.cloned.1.call-start
scs
__scs_entry_jumppad:
0x0: {  	(pc) =	sbr.rel $0x88, $3  }
0x1: {  	(tag) =	ssettag $0x0;
	lr =	simm.s32 $0x1  }
0x2: {  	[smem:$0x3F92] =	sst lr;
	_ =	strace $0xD0000000  }
0x3: {  	_ = 	snop  }
0x4: {  	_ = 	snop  }
0x5: {  	_ = 	snop  }
0x6: {  	_ = 	snop  }
0x7: {  	_ = 	snop  }
__scs_overlays_trampoline_lowered:
0x8: {  	[smem:$0x3FA1] =	sst s0  }
0x9: {  	[smem:$0x3FA2] =	sst s1  }
0xa: {  	[smem:$0x3FA3] =	sst s2  }
0xb: {  	[smem:$0x3FA4] =	sst s3  }
0xc: {  	[smem:$0x3FA5] =	sst s4  }
0xd: {  	[smem:$0x3FA6] =	sst s5  }
0xe: {  	[smem:$0x3FA7] =	sst s6  }
0xf: {  	[smem:$0x3FA8] =	sst s7  }
0x10: {  	[smem:$0x3FA9] =	sst s8  }
0x11: {  	[smem:$0x3FAA] =	sst s9;
	s0 =	simm.s32 @!p0 $0x0  }
0x12: {  	s1 =	sld [smem:$0x3F90];
	s0 =	simm.s32 @p0 $0x1  }
0x13: {  	[smem:$0x3FAB] =	sst s0;
	s0 =	simm.s32 @!p1 $0x0  }
0x14: {  	s2 =	sld [smem:$0x3F8F];
	s0 =	simm.s32 @p1 $0x1  }
0x15: {  	[smem:$0x3FAC] =	sst s0;
	s0 =	simm.s32 @!p2 $0x0  }
0x16: {  	s3 =	sld [smem:$0x3FDB];
	s0 =	simm.s32 @p2 $0x1  }
0x17: {  	s4 =	simm.s32 $0x1BF5;
	[smem:$0x3FAE] =	sst s0  }
0x18: {  	s0 =	sld [smem:$0x3F91];
	_ =	swait.ge [sflag:s4], $0x0  }
0x19: {  	s7 =	sld [smem:$0x3F92]  }
0x1a: {  	s8 =	sadd.s32 $0xFFFFE003, lr  }
0x1b: {  	s9 =	sadd.s32 $0xFFFFFEF7, lr;
	s5 =	simm.s32 $0xFFFFFFFF;
	p2 =	slt.u32 s8, $0xFFFFF086  }
0x1c: {  	p1 =	slt.u32 s9, $0xF7A;
	s5 =	simm.s32 @!p2 $0x0  }
0x1d: {  	s5 =	simm.s32 @p1 $0x1;
	p0 =	seq.s32 s7, s2  }
0x1e: {  	s7 =	smul.u32 @!p0 $0xF7A, s2;
	p2 =	seq.s32 @!p0 s5, $0x0  }
0x1f: {  	s9 =	smul.u32 $0xF7A, s1;
	s8 =	simm.s32 @!p0 $0x1BF5;
	p2 =	por !p2, p0  }
0x20: {  	[sflag:s8] =	ssyncset.s32 @!p0 $0xFFFFF086;
	s6 =	sadd.s32 @!p0 s3, s7;
	s7 =	simm.s32 @!p0 $0x108  }
0x21: {  	s3 =	sadd.s32 s3, s9;
	s6 =	sadd.s32 @!p0 $0x88, s6;
	s7 =	simm.s32 @p2 $0x1082  }
0x22: {  	[simem:s7], [sflag:s8] =	dma.local @!p0 [hbm:s6], $0xF7A  }
0x23: {  	s9 =	sor.u32 $0xD0000000, s2;
	s6 =	simm.s32 $0x108;
	_ =	swait.ge @!p0 [sflag:s8], $0x0  }
0x24: {  	s3 =	sadd.s32 $0x88, s3;
	s6 =	simm.s32 @!p1 $0x1082;
	[sflag:s4] =	ssyncset.s32 $0xFFFFF086  }
0x25: {  	[simem:s6], [sflag:s4] =	dma.local [hbm:s3], $0xF7A  }
0x26: {  	[smem:$0x3F92] =	sst s1;
	(tag) =	ssettag s2;
	_ =	strace s9  }
0x27: {  	s1 =	sld [smem:$0x3FA2]  }
0x28: {  	s2 =	sld [smem:$0x3FA3]  }
0x29: {  	s4 =	sld [smem:$0x3FA5]  }
0x2a: {  	p0 =	seq.s32 s5, $0x0;
	s5 =	sld [smem:$0x3FA6]  }
0x2b: {  	s6 =	sld [smem:$0x3FA7]  }
0x2c: {  	s7 =	sld [smem:$0x3FA8]  }
0x2d: {  	s3 =	simm.s32 $0x108;
	s8 =	sld [smem:$0x3FA9]  }
0x2e: {  	s3 =	simm.s32 @!p0 $0x1082;
	s9 =	sld [smem:$0x3FAA]  }
0x2f: {  	lr =	sadd.s32 s0, s3;
	s0 =	sld [smem:$0x3FA1]  }
0x30: {  	s3 =	sld [smem:$0x3FA4]  }
0x31: {  	[smem:$0x3FAD] =	sst s10  }
0x32: {  	s10 =	sld [smem:$0x3FAB];
	_ =	sdelay $0x3  }
0x33: {  	p0 =	seq.s32 s10, $0x1;
	s10 =	sld [smem:$0x3FAD];
	_ =	sdelay $0x3  }
0x34: {  	[smem:$0x3FAD] =	sst s10  }
0x35: {  	s10 =	sld [smem:$0x3FAC];
	_ =	sdelay $0x3  }
0x36: {  	p1 =	seq.s32 s10, $0x1;
	s10 =	sld [smem:$0x3FAD];
	_ =	sdelay $0x3  }
0x37: {  	[smem:$0x3FAD] =	sst s10  }
0x38: {  	s10 =	sld [smem:$0x3FAE]  }
0x39: {  	_ = 	snop;
	(pc) =	sbr.ind lr, $3  }
0x3a: {  	_ = 	snop  }
0x3b: {  	_ = 	snop  }
0x3c: {  	p2 =	seq.s32 s10, $0x1;
	s10 =	sld [smem:$0x3FAD]  }
0x3d: {  	_ =	shalt  }
0x3e: {  	_ =	shalt  }
0x3f: {  	_ =	shalt  }
0x40: {  	_ =	shalt  }
0x41: {  	_ =	shalt  }
0x42: {  	_ =	shalt  }
0x43: {  	_ =	shalt  }
0x44: {  	_ =	shalt  }
0x45: {  	_ =	shalt  }
0x46: {  	_ =	shalt  }
0x47: {  	_ =	shalt  }
0x48: {  	_ =	shalt  }
0x49: {  	_ =	shalt  }
0x4a: {  	_ =	shalt  }
0x4b: {  	_ =	shalt  }
0x4c: {  	_ =	shalt  }
0x4d: {  	_ =	shalt  }
0x4e: {  	_ =	shalt  }
0x4f: {  	_ =	shalt  }
0x50: {  	_ =	shalt  }
0x51: {  	_ =	shalt  }
0x52: {  	_ =	shalt  }
0x53: {  	_ =	shalt  }
0x54: {  	_ =	shalt  }
0x55: {  	_ =	shalt  }
0x56: {  	_ =	shalt  }
0x57: {  	_ =	shalt  }
0x58: {  	_ =	shalt  }
0x59: {  	_ =	shalt  }
0x5a: {  	_ =	shalt  }
0x5b: {  	_ =	shalt  }
0x5c: {  	_ =	shalt  }
0x5d: {  	_ =	shalt  }
0x5e: {  	_ =	shalt  }
0x5f: {  	_ =	shalt  }
0x60: {  	_ =	shalt  }
0x61: {  	_ =	shalt  }
0x62: {  	_ =	shalt  }
0x63: {  	_ =	shalt  }
0x64: {  	_ =	shalt  }
0x65: {  	_ =	shalt  }
0x66: {  	_ =	shalt  }
0x67: {  	_ =	shalt  }
0x68: {  	_ =	shalt  }
0x69: {  	_ =	shalt  }
0x6a: {  	_ =	shalt  }
0x6b: {  	_ =	shalt  }
0x6c: {  	_ =	shalt  }
0x6d: {  	_ =	shalt  }
0x6e: {  	_ =	shalt  }
0x6f: {  	_ =	shalt  }
0x70: {  	_ =	shalt  }
0x71: {  	_ =	shalt  }
0x72: {  	_ =	shalt  }
0x73: {  	_ =	shalt  }
0x74: {  	_ =	shalt  }
0x75: {  	_ =	shalt  }
0x76: {  	_ =	shalt  }
0x77: {  	_ =	shalt  }
0x78: {  	_ =	shalt  }
0x79: {  	_ =	shalt  }
0x7a: {  	_ =	shalt  }
0x7b: {  	_ =	shalt  }
0x7c: {  	_ =	shalt  }
0x7d: {  	_ =	shalt  }
0x7e: {  	_ =	shalt  }
0x7f: {  	_ =	shalt  }
0x80: {  	_ =	shalt  }
0x81: {  	_ =	shalt  }
0x82: {  	_ =	shalt  }
0x83: {  	_ =	shalt  }
0x84: {  	_ =	shalt  }
0x85: {  	_ =	shalt  }
0x86: {  	_ =	shalt  }
0x87: {  	_ =	shalt  }
.Lfunc_end0:
.L_simem_size_0:
called_computation.5_lowered:
.L_overlay_start_0:
0x88: {  	s2 =	sld [smem:$0x3FD9]  }
0x89: {  	s3 =	sld [smem:$0x3FFE];
	_ =	sdelay $0x1  }
0x8a: {  	s1 =	srdreg.scid  }
0x8b: {  	s0 =	sand.u32 $0x1, s1  }
0x8c: {  	s16 =	sshll.u32 s0, $0xA;
	s2 =	sadd.s32 s3, s2  }
0x8d: {  	s2 =	sadd.s32 s2, s16  }
0x8e: {  	[smem:$0x3FB9] =	sst s2  }
0x8f: {  	_ = 	snop  }
0x90: {  	(tm) =	ssettm $0x1  }
0x91: {  	s17 =	sld [smem:$0x3FFB];
	_ =	sdelay $0x3  }
0x92: {  	_ =	strace s17  }
0x93: {  	s2 =	sld [smem:$0x3FFC];
	_ =	sdelay $0x3  }
0x94: {  	_ =	strace s2  }
0x95: {  	s2 =	sld [smem:$0x3FFD];
	_ =	sdelay $0x3  }
0x96: {  	_ =	strace s2  }
0x97: {  	_ =	strace $0x8FFFFFFF  }
0x98: {  	s18 =	sld [smem:$0x3FDB];
	_ =	sdelay $0x1  }
0x99: {  	s19 =	simm.s32 $_scs_section_size  }
0x9a: {  	s4 =	simm.s32 $_size__tile_overlayer_lowered;
	s5 =	simm.s32 $_tile_overlayer_lowered  }
0x9b: {  	s22 =	simm.s32 $0x1BFF;
	s21 =	sshll.u32 s5, $0x1;
	s2 =	sadd.s32 s19, s18  }
0x9c: {  	s6 =	simm.s32 $0x0;
	s20 =	sshll.u32 s4, $0x1;
	s4 =	sadd.s32 s21, s2  }
0x9d: {  	[timem:s6], [sflag:s22] =	dma.local [hbm:s4], s20  }
0x9e: {  	_ =	swait.ge [sflag:s22], s20  }
0x9f: {  	s3 =	ssub.s32 $0x0, s20;
	[sflag:s22] =	ssyncset.done $0x0  }
0xa0: {  	[sflag:s22] =	ssyncadd.s32 s3;
	_ =	sdelay $0x1  }
0xa1: {  	s23 =	simm.s32 $0x1B8B  }
0xa2: {  	_ =	swait.ge [sflag:s23], $0x1  }
0xa3: {  	[sflag:s23] =	ssyncset.done $0x0  }
0xa4: {  	s25 =	simm.s32 $0x1B8E;
	s24 =	sld [smem:$0x3FFE];
	[sflag:s23] =	ssyncadd.s32 $0xFFFFFFFF  }
0xa5: {  	s26 =	simm.s32 $execute0_lowered;
	[smem:$0x3FD2] =	sst s25  }
0xa6: {  	s4 =	sshll.u32 s26, $0x1;
	_ =	strace $0x80000055;
	[dreg:$0x1] =	wrdreg $0xFFFFFFFF  }
0xa7: {  	s28 =	simm.s32 $_size_execute0_lowered;
	s2 =	sadd.s32 s2, s4;
	[dreg:$0x0] =	wrdreg $0x0  }
0xa8: {  	s4 =	sshll.u32 s28, $0x1;
	[dreg:$0x2] =	wrdreg s2  }
0xa9: {  	[dreg:$0x3] =	wrdreg s4  }
0xaa: {  	[dreg:$0x4] =	wrdreg $0xC0  }
0xab: {  	_ =	task [dreg:s6], $0x5FFFF  }
0xac: {  	[dreg:$0x1] =	wrdreg $0xFFFFFFFF  }
0xad: {  	[dreg:$0x0] =	wrdreg $0x60  }
0xae: {  	[dreg:$0x2] =	wrdreg s24  }
0xaf: {  	[dreg:$0x3] =	wrdreg $0x50000  }
0xb0: {  	[dreg:$0x4] =	wrdreg $0x58800  }
0xb1: {  	[dreg:$0x5] =	wrdreg $0x9  }
0xb2: {  	_ =	task.clear_ibuf [dreg:s6], $0x6FFFF;
	_ =	strace $0x90000055  }
0xb3: {  	s29 =	simm.s32 $0x9;
	_ =	strace $0x80000057  }
0xb4: {  	_ =	swait.ge [sflag:s29], $0x1  }
0xb5: {  	[sflag:s29] =	ssyncadd.s32 $0xFFFFFFFF  }
0xb6: {  	_ =	strace $0x90000057  }
0xb7: {  	_ =	sfence  }
0xb8: {  	s30 =	sld [smem:$0x0];
	_ =	sdelay $0x2  }
0xb9: {  	s31 =	sshll.u32 s1, $0xD;
	s1 =	sshrl.u32 s1, $0x2  }
0xba: {  	s3 =	sand.u32 $0x4000, s31;
	s1 =	sadd.s32 s1, s30  }
0xbb: {  	s0 =	sor.u32 s3, s0;
	s1 =	sshll.u32 s1, $0x11  }
0xbc: {  	s0 =	sor.u32 s1, s0  }
0xbd: {  	s0 =	sadd.s32 $0x8F2B, s0  }
0xbe: {  	[sflag:s0] =	ssyncadd.remote.s32 $0x1  }
0xbf: {  	_ =	sfence.sel $0xFFFF  }
0xc0: {  	[dreg:$0x0] =	wrdreg $0xFFFFFFFF;
	(pc) =	sbr.abs _section_cstart, $3  }
0xc1: {  	[dreg:$0x1] =	wrdreg $0xFFFFFFFF  }
0xc2: {  	_ =	task.clear_ibuf [dreg:s6], $0x2FFFF;
	_ =	strace $0x9FFFFFFF  }
0xc3: {  	(tm) =	ssettm $0x7FFFFFFF  }
tec
execute0_lowered:
.L_overlay_start_1:
0x0: {  	(tag) =	ssettag $0x1  }
0x1: {  	s6 =	rddreg [dreg:$0x0]  }
0x2: {  	s0 =	srdreg.scid;
	s2 =	rddreg [dreg:$0x1]  }
0x3: {  	s3 =	rddreg [dreg:$0x2];
	s4 =	simm.s32 $0x0;
	s16 =	simm.s32 $0x4400  }
0x4: {  	s17 =	simm.s32 $0x1;
	s18 =	simm.s32 $0x400;
	s19 =	simm.s32 $0x40  }
0x5: {  	s20 =	simm.s32 $0x2400;
	s21 =	simm.s32 $0x80;
	s22 =	simm.s32 $0x100  }
0x6: {  	s23 =	simm.s32 $0x180;
	s26 =	simm.s32 $0x200;
	s28 =	simm.s32 $0x0  }
0x7: {  	s5 =	sand.u32 $0x1, s0;
	s0 =	stileid.u32;
	[smem:$0x7FF] =	sst s4  }
0x8: {  	s1 =	sshll.u32 s5, $0x4;
	s31 =	sshll.u32 s5, $0xF;
	s10 =	sshll.u32 s0, $0xB  }
0x9: {  	s5 =	ssub.s32 $0x2, s5;
	s9 =	smul.u32 $0x880, s0;
	s7 =	sor.u32 s0, s1  }
0xa: {  	s1 =	rddreg [dreg:$0x3];
	_ =	strace $0x80000056;
	s11 =	sshrl.u32 s5, $0x1  }
0xb: {  	s24 =	sadd.s32 s10, s2;
	s25 =	sadd.s32 s10, s3;
	s8 =	smul.u32 $0xA000, s7  }
0xc: {  	s7 =	sshll.u32 s7, $0x7;
	s11 =	ssub.s32 s5, s11;
	s5 =	sadd.s32 s9, s2  }
0xd: {  	s24 =	sshrl.u32 s24, $0x3;
	s25 =	sshrl.u32 s25, $0x3;
	s8 =	sshrl.u32 s8, $0x3  }
0xe: {  	s7 =	sadd.s32 s7, s6;
	s15 =	sadd.s32 s8, s6;
	s8 =	sor.u32 s10, s31  }
0xf: {  	s11 =	smax.u32 s11, $0x1;
	s7 =	sadd.s32 $0xE800, s7;
	s8 =	sshrl.u32 s8, $0x3  }
0x10: {  	s10 =	sadd.s32 $0xF800, s15;
	s13 =	sadd.s32 $0x10000, s15;
	s12 =	sadd.s32 s8, s6  }
0x11: {  	s14 =	sadd.s32 $0x10400, s15;
	s6 =	sadd.s32 s9, s3;
	s8 =	sadd.s32 $0x4A00, s12  }
0x12: {  	v0 =	vimm.f32 $0.0e+00;
	v1 =	vimm.f32 $1.000000000e+00;
	s9 =	sadd.s32 $0x6A00, s12;
	s12 =	sadd.s32 $0xFC00, s15;
	s15 =	sadd.s32 $0x10800, s15  }
.LBB2_1:
0x13: {  	s29 =	simm.s32 $0x0;
	s30 =	simm.s32 $0x200  }
.LBB2_2:
0x14: {  	p0 =	sne.s32 s30, $0x2000;
	[tilespmem:s29+$0x4470] =	vst v0  }
0x15: {  	[tilespmem:s29+$0x4400] =	vst v0  }
0x16: {  	[tilespmem:s29+$0x4410] =	vst v0  }
.Ltmp0:
0x17: {  	[tilespmem:s29+$0x4420] =	vst v0;
	(pc) =	sbr.rel @p0 .LBB2_2-.Ltmp0, $4  }
0x18: {  	[tilespmem:s29+$0x4430] =	vst v0  }
0x19: {  	[tilespmem:s29+$0x4440] =	vst v0  }
0x1a: {  	[tilespmem:s29+$0x4450] =	vst v0  }
0x1b: {  	[tilespmem:s29+$0x4460] =	vst v0;
	s29 =	sshra.s32 s30, $0x2;
	s30 =	sadd.s32 $0x200, s30  }
0x1c: {  	[tilespmem:s29+$0x4470] =	vst v0  }
0x1d: {  	[tilespmem:s29+$0x4400] =	vst v0  }
0x1e: {  	[tilespmem:s29+$0x4410] =	vst v0  }
0x1f: {  	[tilespmem:s29+$0x4420] =	vst v0  }
0x20: {  	[tilespmem:s29+$0x4430] =	vst v0  }
0x21: {  	[tilespmem:s29+$0x4440] =	vst v0  }
0x22: {  	[tilespmem:s29+$0x4450] =	vst v0  }
0x23: {  	[tilespmem:s29+$0x4460] =	vst v0;
	s29 =	simm.s32 $0x0;
	s30 =	simm.s32 $0x200  }
.LBB2_4:
0x24: {  	p0 =	sne.s32 s30, $0x7E00;
	[tilespmem:s29+$0x2470] =	vst v1  }
0x25: {  	[tilespmem:s29+$0x2400] =	vst v1  }
0x26: {  	[tilespmem:s29+$0x2410] =	vst v1  }
.Ltmp1:
0x27: {  	[tilespmem:s29+$0x2420] =	vst v1;
	(pc) =	sbr.rel @p0 .LBB2_4-.Ltmp1, $4  }
0x28: {  	[tilespmem:s29+$0x2430] =	vst v1  }
0x29: {  	[tilespmem:s29+$0x2440] =	vst v1  }
0x2a: {  	[tilespmem:s29+$0x2450] =	vst v1  }
0x2b: {  	[tilespmem:s29+$0x2460] =	vst v1;
	s29 =	sshra.s32 s30, $0x2;
	s30 =	sadd.s32 $0x200, s30  }
0x2c: {  	[tilespmem:s29+$0x2470] =	vst v1  }
0x2d: {  	[tilespmem:s29+$0x2400] =	vst v1  }
0x2e: {  	[tilespmem:s29+$0x2410] =	vst v1  }
0x2f: {  	[tilespmem:s29+$0x2420] =	vst v1  }
0x30: {  	[tilespmem:s29+$0x2430] =	vst v1  }
0x31: {  	[tilespmem:s29+$0x2440] =	vst v1  }
0x32: {  	[tilespmem:s29+$0x2450] =	vst v1  }
0x33: {  	[tilespmem:s29+$0x2460] =	vst v1  }
0x34: {  	[spmem:s5] =	stream.linear.scatter [tilespmem:s16], [sflag:$0x1], $0x880, $0x38;
	[tilespmem:$0x6100] =	vst v63  }
0x35: {  	_ =	swait.ge [sflag:s17], $0x880  }
0x36: {  	[sflag:s17] =	ssyncset.done $0x0  }
0x37: {  	[sflag:s17] =	ssyncadd.s32 $0xFFFFF780  }
0x38: {  	[spmem:s6] =	stream.linear.scatter [tilespmem:s16], [sflag:$0x1], $0x880, $0x38;
	[tilespmem:$0x6100] =	vst v63  }
0x39: {  	_ =	swait.ge [sflag:s17], $0x880  }
0x3a: {  	[sflag:s17] =	ssyncset.done $0x0  }
0x3b: {  	[sflag:s17] =	ssyncadd.s32 $0xFFFFF780  }
0x3c: {  	[tilespmem:s4], [sflag:$0x1] =	stream.linear.gather [hbm4b:s7+s4], $0x280, $0x38;
	[tilespmem:$0x6100] =	vst v63  }
0x3d: {  	_ =	swait.ge [sflag:s17], $0x280  }
0x3e: {  	[sflag:s17] =	ssyncset.done $0x0  }
0x3f: {  	[sflag:s17] =	ssyncadd.s32 $0xFFFFFD80  }
0x40: {  	[bflag:$0x0] =	sbarrier.arrive $0xFFFF  }
0x41: {  	[tilespmem:s18], [sflag:$0x1] =	stream.linear.gather [hbm4b:s10+s4], $0x2000, $0x38;
	[tilespmem:$0x6100] =	vst v63  }
0x42: {  	_ =	swait.ge [sflag:s17], $0x2000  }
0x43: {  	[sflag:s17] =	ssyncset.done $0x0  }
0x44: {  	[sflag:s17] =	ssyncadd.s32 $0xFFFFE000  }
0x45: {  	[spmem:s2] =	stream.indirect.scatter.add.f32 [tilespmem:s18], [sflag:$0x1], $0x80, s4, s19, $0xb8;
	[tilespmem:$0x6100] =	vst v63  }
0x46: {  	_ =	swait.ge [sflag:s17], $0x2000  }
0x47: {  	[sflag:s17] =	ssyncset.done $0x0  }
0x48: {  	[sflag:s17] =	ssyncadd.s32 $0xFFFFE000  }
0x49: {  	[spmem:s3] =	stream.indirect.scatter.add.f32 [tilespmem:s20], [sflag:$0x1], $0x80, s4, s19, $0xb8;
	[tilespmem:$0x6100] =	vst v63  }
0x4a: {  	_ =	swait.ge [sflag:s17], $0x2000  }
0x4b: {  	[sflag:s17] =	ssyncset.done $0x0  }
0x4c: {  	[sflag:s17] =	ssyncadd.s32 $0xFFFFE000  }
0x4d: {  	[tilespmem:s18], [sflag:$0x1] =	stream.linear.gather [hbm4b:s12+s4], $0x2000, $0x38;
	[tilespmem:$0x6100] =	vst v63  }
0x4e: {  	_ =	swait.ge [sflag:s17], $0x2000  }
0x4f: {  	[sflag:s17] =	ssyncset.done $0x0  }
0x50: {  	[sflag:s17] =	ssyncadd.s32 $0xFFFFE000  }
0x51: {  	[spmem:s2] =	stream.indirect.scatter.add.f32 [tilespmem:s18], [sflag:$0x1], $0x80, s21, s19, $0xb8;
	[tilespmem:$0x6100] =	vst v63  }
0x52: {  	_ =	swait.ge [sflag:s17], $0x2000  }
0x53: {  	[sflag:s17] =	ssyncset.done $0x0  }
0x54: {  	[sflag:s17] =	ssyncadd.s32 $0xFFFFE000  }
0x55: {  	[spmem:s3] =	stream.indirect.scatter.add.f32 [tilespmem:s20], [sflag:$0x1], $0x80, s21, s19, $0xb8;
	[tilespmem:$0x6100] =	vst v63  }
0x56: {  	_ =	swait.ge [sflag:s17], $0x2000  }
0x57: {  	[sflag:s17] =	ssyncset.done $0x0  }
0x58: {  	[sflag:s17] =	ssyncadd.s32 $0xFFFFE000  }
0x59: {  	[tilespmem:s18], [sflag:$0x1] =	stream.linear.gather [hbm4b:s13+s4], $0x2000, $0x38;
	[tilespmem:$0x6100] =	vst v63  }
0x5a: {  	_ =	swait.ge [sflag:s17], $0x2000  }
0x5b: {  	[sflag:s17] =	ssyncset.done $0x0  }
0x5c: {  	[sflag:s17] =	ssyncadd.s32 $0xFFFFE000  }
0x5d: {  	[spmem:s2] =	stream.indirect.scatter.add.f32 [tilespmem:s18], [sflag:$0x1], $0x80, s22, s19, $0xb8;
	[tilespmem:$0x6100] =	vst v63  }
0x5e: {  	_ =	swait.ge [sflag:s17], $0x2000  }
0x5f: {  	[sflag:s17] =	ssyncset.done $0x0  }
0x60: {  	[sflag:s17] =	ssyncadd.s32 $0xFFFFE000  }
0x61: {  	[spmem:s3] =	stream.indirect.scatter.add.f32 [tilespmem:s20], [sflag:$0x1], $0x80, s22, s19, $0xb8;
	[tilespmem:$0x6100] =	vst v63  }
0x62: {  	_ =	swait.ge [sflag:s17], $0x2000  }
0x63: {  	[sflag:s17] =	ssyncset.done $0x0  }
0x64: {  	[sflag:s17] =	ssyncadd.s32 $0xFFFFE000  }
0x65: {  	[tilespmem:s18], [sflag:$0x1] =	stream.linear.gather [hbm4b:s14+s4], $0x2000, $0x38;
	[tilespmem:$0x6100] =	vst v63  }
0x66: {  	_ =	swait.ge [sflag:s17], $0x2000  }
0x67: {  	[sflag:s17] =	ssyncset.done $0x0  }
0x68: {  	[sflag:s17] =	ssyncadd.s32 $0xFFFFE000  }
0x69: {  	[spmem:s2] =	stream.indirect.scatter.add.f32 [tilespmem:s18], [sflag:$0x1], $0x80, s23, s19, $0xb8;
	[tilespmem:$0x6100] =	vst v63  }
0x6a: {  	_ =	swait.ge [sflag:s17], $0x2000  }
0x6b: {  	[sflag:s17] =	ssyncset.done $0x0  }
0x6c: {  	[sflag:s17] =	ssyncadd.s32 $0xFFFFE000  }
0x6d: {  	[spmem:s3] =	stream.indirect.scatter.add.f32 [tilespmem:s20], [sflag:$0x1], $0x80, s23, s19, $0xb8;
	[tilespmem:$0x6100] =	vst v63  }
0x6e: {  	_ =	swait.ge [sflag:s17], $0x2000  }
0x6f: {  	[sflag:s17] =	ssyncset.done $0x0  }
0x70: {  	[sflag:s17] =	ssyncadd.s32 $0xFFFFE000  }
0x71: {  	[tilespmem:s18], [sflag:$0x1] =	stream.linear.gather [hbm4b:s15+s4], $0x2000, $0x38;
	[tilespmem:$0x6100] =	vst v63  }
0x72: {  	_ =	swait.ge [sflag:s17], $0x2000  }
0x73: {  	[sflag:s17] =	ssyncset.done $0x0  }
0x74: {  	[sflag:s17] =	ssyncadd.s32 $0xFFFFE000  }
0x75: {  	[spmem:s2] =	stream.indirect.scatter.add.f32 [tilespmem:s18], [sflag:$0x1], $0x80, s26, s19, $0xb8;
	[tilespmem:$0x6100] =	vst v63  }
0x76: {  	_ =	swait.ge [sflag:s17], $0x2000  }
0x77: {  	[sflag:s17] =	ssyncset.done $0x0  }
0x78: {  	[sflag:s17] =	ssyncadd.s32 $0xFFFFE000  }
0x79: {  	[spmem:s3] =	stream.indirect.scatter.add.f32 [tilespmem:s20], [sflag:$0x1], $0x80, s26, s19, $0xb8;
	[tilespmem:$0x6100] =	vst v63  }
0x7a: {  	_ =	swait.ge [sflag:s17], $0x2000  }
0x7b: {  	[sflag:s17] =	ssyncset.done $0x0  }
0x7c: {  	s31 =	sshll.u32 s0, $0x6;
	[sflag:s17] =	ssyncadd.s32 $0xFFFFE000  }
0x7d: {  	s29 =	sor.u32 $0x1C01, s31;
	[bflag:$0x0] =	sbarrier.arrive $0xFFFF  }
0x7e: {  	[hbm:s8], [sflag:s29] =	dma.local [spmem:s24], $0x100  }
0x7f: {  	s28 =	sadd.s32 $0x1, s28;
	_ =	swait.ge [sflag:s17], $0x100  }
0x80: {  	p0 =	sne.s32 s28, s11;
	[sflag:s17] =	ssyncset.done $0x0  }
.Ltmp2:
0x81: {  	[sflag:s17] =	ssyncadd.s32 $0xFFFFFF00;
	(pc) =	sbr.rel @p0 .LBB2_1-.Ltmp2, $4  }
0x82: {  	[hbm:s9], [sflag:s29] =	dma.local [spmem:s25], $0x100  }
0x83: {  	_ =	swait.ge [sflag:s17], $0x100  }
0x84: {  	[sflag:s17] =	ssyncset.done $0x0  }
0x85: {  	[sflag:s17] =	ssyncadd.s32 $0xFFFFFF00  }
0x86: {  	_ =	sfence.sel $0x180000  }
0x87: {  	[bflag:$0x0] =	sbarrier.arrive $0xFFFF  }
0x88: {  	p0 =	sne.s32 s0, $0x0;
	_ =	strace $0x90000056  }
0x89: {  	s0 =	sadd.s32 @!p0 $0x100000, s1;
	[bflag:$0x2] =	sbarrier.arrive $0xFFFF  }
0x8a: {  	[sflag:s0] =	ssyncadd.tile.s32 @!p0 $0x1;
	_ =	shalt  }
.Lfunc_end2:
_tile_overlayer_lowered:
.L_overlay_start_2:
0x8b: {  	(tag) =	ssettag $0x2  }
0x8c: {  	s0 =	rddreg [dreg:$0x0];
	s2 =	stileid.u32  }
0x8d: {  	s1 =	rddreg [dreg:$0x1];
	p0 =	sne.s32 s2, $0x0  }
0x8e: {  	s3 =	rddreg [dreg:$0x2];
	[bflag:$0x3] =	sbarrier.arrive $0xFFFF;
	s2 =	simm.s32 @!p0 $0x1C01  }
0x8f: {  	[timem:s3], [sflag:s2] =	dma.local @!p0 [hbm:s0], s1  }
0x90: {  	s0 =	simm.s32 @!p0 $0x1  }
0x91: {  	_ =	swait.ge @!p0 [sflag:s0], s1  }
0x92: {  	s1 =	ssub.s32 @!p0 $0x0, s1;
	[sflag:s0] =	ssyncset.done @!p0 $0x0  }
0x93: {  	[sflag:s0] =	ssyncadd.s32 @!p0 s1  }
0x94: {  	[bflag:$0x3] =	sbarrier.arrive $0xFFFF  }
0x95: {  	_ =	shalt  }

</sc_bundles>
